<compile_context>
chip_gen: v7x
topology: tpu7x:2x2x1
jax: 0.10.2.dev20260603
libtpu: 0.0.44.dev20260713+nightly
codegen_flags: <defaults>
</compile_context>

<pallas_src>
import functools

import jax
import jax.numpy as jnp
from jax import lax
from jax.experimental import pallas as pl
from jax.experimental.pallas import tpu as pltpu
from jax.experimental.pallas import tpu_sc as plsc

_LANES = 16
_POS_PER_CHUNK = 16


def kernel(x, pe_table):
    B, S, D = x.shape

    info = plsc.get_sparse_core_info()
    NC, NS = info.num_cores, info.num_subcores
    NW = NC * NS
    pos_per_w = S // NW
    P = _POS_PER_CHUNK
    n_chunks = pos_per_w // P

    @functools.partial(
        pl.kernel,
        mesh=plsc.VectorSubcoreMesh(core_axis_name="c", subcore_axis_name="s"),
        out_type=jax.ShapeDtypeStruct((B, S, D), jnp.float32),
        scratch_types=[
            pltpu.VMEM((B, P, D), jnp.float32),
            pltpu.VMEM((B, P, D), jnp.float32),
            pltpu.VMEM((P, D), jnp.float32),
            pltpu.VMEM((P, D), jnp.float32),
            pltpu.SemaphoreType.DMA,
            pltpu.SemaphoreType.DMA,
            pltpu.SemaphoreType.DMA,
            pltpu.SemaphoreType.DMA,
            pltpu.SemaphoreType.DMA,
            pltpu.SemaphoreType.DMA,
        ],
    )
    def sc_add(x_hbm, pe_hbm, out_hbm, xa, xb, pea, peb,
               sem_xa, sem_xb, sem_pea, sem_peb, sem_oa, sem_ob):
        wid = lax.axis_index("s") * NC + lax.axis_index("c")
        base_pos = wid * pos_per_w

        xbufs = (xa, xb)
        pebufs = (pea, peb)
        xsems = (sem_xa, sem_xb)
        pesems = (sem_pea, sem_peb)
        osems = (sem_oa, sem_ob)

        handles = {}

        def pos0(ci):
            return base_pos + ci * P

        handles[("x", 0)] = pltpu.async_copy(
            x_hbm.at[:, pl.ds(pos0(0), P), :], xbufs[0], xsems[0])
        handles[("pe", 0)] = pltpu.async_copy(
            pe_hbm.at[pl.ds(pos0(0), P), :], pebufs[0], pesems[0])

        for ci in range(n_chunks):
            xi = ci % 2

            if ci + 1 < n_chunks:
                ni = (ci + 1) % 2
                if ("o", ci - 1) in handles:
                    handles[("o", ci - 1)].wait()
                handles[("x", ci + 1)] = pltpu.async_copy(
                    x_hbm.at[:, pl.ds(pos0(ci + 1), P), :],
                    xbufs[ni], xsems[ni])
                handles[("pe", ci + 1)] = pltpu.async_copy(
                    pe_hbm.at[pl.ds(pos0(ci + 1), P), :],
                    pebufs[ni], pesems[ni])

            handles[("x", ci)].wait()
            handles[("pe", ci)].wait()

            xbuf = xbufs[xi]
            pebuf = pebufs[xi]

            def row_body(r, carry):
                @plsc.parallel_loop(0, D, step=_LANES, unroll=8)
                def slice_body(c):
                    sl = pl.ds(c, _LANES)
                    pv = pebuf[r, sl]
                    for b in range(B):
                        xbuf[b, r, sl] = xbuf[b, r, sl] + pv

                return carry

            lax.fori_loop(0, P, row_body, 0)

            handles[("o", ci)] = pltpu.async_copy(
                xbuf, out_hbm.at[:, pl.ds(pos0(ci), P), :], osems[xi])

        handles[("o", n_chunks - 2)].wait()
        handles[("o", n_chunks - 1)].wait()

    out = sc_add(x, pe_table)
    return out

# --- scband reference (transcript-rebuilt; emitter-appended) ---
"""Pipeline reference for scband-learnable-positional-encoding-51848845197560 (READ-ONLY COPY).

The authoritative reference and input builder live on the scoring server;
editing this copy changes nothing except your own understanding.
"""

import jax, jax.numpy as jnp
import numpy as np

B, S, D = 4, 8192, 768
MAX_LEN = 8192

def setup_inputs(seed: int = 0) -> dict:
    key = jax.random.key(seed)
    k_x, k_pe = jax.random.split(key)
    x = jax.random.normal(k_x, (B, S, D), dtype=jnp.float32)
    pe_table = jax.random.normal(k_pe, (MAX_LEN, D), dtype=jnp.float32) * 0.02
    return {"x": x, "pe_table": pe_table}

def reference(x, pe_table):
    # positions 0..S-1, gathered from learnable table, broadcast over batch
    positions = jnp.arange(x.shape[1])
    pos_emb = jnp.take(pe_table, positions, axis=0)  # [S, D]
    out = x + pos_emb[None, :, :]
    # dropout p=0.0 -> identity
    return out

if __name__ == "__main__":
    import jax
    _d = setup_inputs()
    print(jax.jit(kernel)(*tuple(_d.values())))

</pallas_src>

<mosaic_0001>
#map = affine_map<(d0, d1) -> (0, 0, 0)>
#map1 = affine_map<(d0, d1) -> (0, 0)>
module attributes {stable_mosaic.version = 14 : i64} {
  func.func @sc_add(%arg0: i32, %arg1: i32, %arg2: memref<4x8192x768xf32, #tpu.memory_space<hbm>>, %arg3: memref<8192x768xf32, #tpu.memory_space<hbm>>, %arg4: memref<4x8192x768xf32, #tpu.memory_space<hbm>>, %arg5: memref<4x16x768xf32, #tpu.memory_space<vmem>>, %arg6: memref<4x16x768xf32, #tpu.memory_space<vmem>>, %arg7: memref<16x768xf32, #tpu.memory_space<vmem>>, %arg8: memref<16x768xf32, #tpu.memory_space<vmem>>, %arg9: memref<!tpu.dma_semaphore, #tpu.memory_space<semaphore_mem>>, %arg10: memref<!tpu.dma_semaphore, #tpu.memory_space<semaphore_mem>>, %arg11: memref<!tpu.dma_semaphore, #tpu.memory_space<semaphore_mem>>, %arg12: memref<!tpu.dma_semaphore, #tpu.memory_space<semaphore_mem>>, %arg13: memref<!tpu.dma_semaphore, #tpu.memory_space<semaphore_mem>>, %arg14: memref<!tpu.dma_semaphore, #tpu.memory_space<semaphore_mem>>) attributes {dimension_semantics = [#tpu.dimension_semantics<core_parallel>, #tpu.dimension_semantics<subcore_parallel>], iteration_bounds = array<i64: 2, 16>, scalar_prefetch = 0 : i64, scratch_operands = 10 : i64, tpu.core_type = #tpu.core_type<sc_vector_subcore>, window_params = [{transform_indices = #map}, {transform_indices = #map1}, {transform_indices = #map}]} {
    %mul3A = arith.constant 2 : i32
    %mul3A_0 = arith.muli %arg1, %mul3A : i32
    %add3A = arith.addi %mul3A_0, %arg0 : i32
    %mul3A_1 = arith.constant 256 : i32
    %mul3A_2 = arith.muli %add3A, %mul3A_1 : i32
    %add3A_3 = arith.constant 0 : i32
    %add3A_4 = arith.addi %mul3A_2, %add3A_3 : i32
    %dma_start3A = arith.constant 0 : i32
    %dma_start3A_5 = arith.constant 0 : i32
    %dma_start3A_6 = tpu.memref_slice %arg2[%dma_start3A, %add3A_4, %dma_start3A_5] : memref<4x8192x768xf32, #tpu.memory_space<hbm>> -> memref<4x16x768xf32, #tpu.memory_space<hbm>>
    %dma_start3A_7 = arith.constant 0 : i32
    %dma_start3A_8 = arith.constant 0 : i32
    %dma_start3A_9 = tpu.memref_slice %arg2[%dma_start3A_7, %add3A_4, %dma_start3A_8] : memref<4x8192x768xf32, #tpu.memory_space<hbm>> -> memref<4x16x768xf32, #tpu.memory_space<hbm>>
    tpu.enqueue_dma source(%dma_start3A_9 : memref<4x16x768xf32, #tpu.memory_space<hbm>>) target(%arg5 : memref<4x16x768xf32, #tpu.memory_space<vmem>>) target_semaphore(%arg9 : memref<!tpu.dma_semaphore, #tpu.memory_space<semaphore_mem>>)
    %add3A_10 = arith.constant 0 : i32
    %add3A_11 = arith.addi %mul3A_2, %add3A_10 : i32
    %dma_start3A_12 = arith.constant 0 : i32
    %dma_start3A_13 = tpu.memref_slice %arg3[%add3A_11, %dma_start3A_12] : memref<8192x768xf32, #tpu.memory_space<hbm>> -> memref<16x768xf32, #tpu.memory_space<hbm>>
    %dma_start3A_14 = arith.constant 0 : i32
    %dma_start3A_15 = tpu.memref_slice %arg3[%add3A_11, %dma_start3A_14] : memref<8192x768xf32, #tpu.memory_space<hbm>> -> memref<16x768xf32, #tpu.memory_space<hbm>>
    tpu.enqueue_dma source(%dma_start3A_15 : memref<16x768xf32, #tpu.memory_space<hbm>>) target(%arg7 : memref<16x768xf32, #tpu.memory_space<vmem>>) target_semaphore(%arg11 : memref<!tpu.dma_semaphore, #tpu.memory_space<semaphore_mem>>)
    %add3A_16 = arith.constant 16 : i32
    %add3A_17 = arith.addi %mul3A_2, %add3A_16 : i32
    %dma_start3A_18 = arith.constant 0 : i32
    %dma_start3A_19 = arith.constant 0 : i32
    %dma_start3A_20 = tpu.memref_slice %arg2[%dma_start3A_18, %add3A_17, %dma_start3A_19] : memref<4x8192x768xf32, #tpu.memory_space<hbm>> -> memref<4x16x768xf32, #tpu.memory_space<hbm>>
    %dma_start3A_21 = arith.constant 0 : i32
    %dma_start3A_22 = arith.constant 0 : i32
    %dma_start3A_23 = tpu.memref_slice %arg2[%dma_start3A_21, %add3A_17, %dma_start3A_22] : memref<4x8192x768xf32, #tpu.memory_space<hbm>> -> memref<4x16x768xf32, #tpu.memory_space<hbm>>
    tpu.enqueue_dma source(%dma_start3A_23 : memref<4x16x768xf32, #tpu.memory_space<hbm>>) target(%arg6 : memref<4x16x768xf32, #tpu.memory_space<vmem>>) target_semaphore(%arg10 : memref<!tpu.dma_semaphore, #tpu.memory_space<semaphore_mem>>)
    %add3A_24 = arith.constant 16 : i32
    %add3A_25 = arith.addi %mul3A_2, %add3A_24 : i32
    %dma_start3A_26 = arith.constant 0 : i32
    %dma_start3A_27 = tpu.memref_slice %arg3[%add3A_25, %dma_start3A_26] : memref<8192x768xf32, #tpu.memory_space<hbm>> -> memref<16x768xf32, #tpu.memory_space<hbm>>
    %dma_start3A_28 = arith.constant 0 : i32
    %dma_start3A_29 = tpu.memref_slice %arg3[%add3A_25, %dma_start3A_28] : memref<8192x768xf32, #tpu.memory_space<hbm>> -> memref<16x768xf32, #tpu.memory_space<hbm>>
    tpu.enqueue_dma source(%dma_start3A_29 : memref<16x768xf32, #tpu.memory_space<hbm>>) target(%arg8 : memref<16x768xf32, #tpu.memory_space<vmem>>) target_semaphore(%arg12 : memref<!tpu.dma_semaphore, #tpu.memory_space<semaphore_mem>>)
    %dma_wait3A = arith.constant 0 : i32
    %dma_wait3A_30 = arith.constant 0 : i32
    %dma_wait3A_31 = tpu.memref_slice %arg2[%dma_wait3A, %add3A_4, %dma_wait3A_30] : memref<4x8192x768xf32, #tpu.memory_space<hbm>> -> memref<4x16x768xf32, #tpu.memory_space<hbm>>
    %dma_wait3A_32 = arith.constant 0 : i32
    %dma_wait3A_33 = arith.constant 0 : i32
    %dma_wait3A_34 = tpu.memref_slice %arg2[%dma_wait3A_32, %add3A_4, %dma_wait3A_33] : memref<4x8192x768xf32, #tpu.memory_space<hbm>> -> memref<4x16x768xf32, #tpu.memory_space<hbm>>
    tpu.wait_dma2 semaphore(%arg9 : memref<!tpu.dma_semaphore, #tpu.memory_space<semaphore_mem>>) src(%dma_wait3A_34 : memref<4x16x768xf32, #tpu.memory_space<hbm>>) dst(%arg5 : memref<4x16x768xf32, #tpu.memory_space<vmem>>)
    %dma_wait3A_35 = arith.constant 0 : i32
    %dma_wait3A_36 = tpu.memref_slice %arg3[%add3A_11, %dma_wait3A_35] : memref<8192x768xf32, #tpu.memory_space<hbm>> -> memref<16x768xf32, #tpu.memory_space<hbm>>
    %dma_wait3A_37 = arith.constant 0 : i32
    %dma_wait3A_38 = tpu.memref_slice %arg3[%add3A_11, %dma_wait3A_37] : memref<8192x768xf32, #tpu.memory_space<hbm>> -> memref<16x768xf32, #tpu.memory_space<hbm>>
    tpu.wait_dma2 semaphore(%arg11 : memref<!tpu.dma_semaphore, #tpu.memory_space<semaphore_mem>>) src(%dma_wait3A_38 : memref<16x768xf32, #tpu.memory_space<hbm>>) dst(%arg7 : memref<16x768xf32, #tpu.memory_space<vmem>>)
    %scan3A = arith.constant 0 : i32
    %scan3A_39 = arith.constant 0 : i32
    %scan3A_40 = arith.constant 16 : i32
    %scan3A_41 = arith.addi %scan3A_39, %scan3A_40 : i32
    %scan3A_42 = arith.constant 1 : i32
    scf.for %scan3A_704 = %scan3A_39 to %scan3A_41 step %scan3A_42  : i32 {
      %parallel_loop3A = arith.constant 0 : i32
      %parallel_loop3A_705 = arith.constant 768 : i32
      %parallel_loop3A_706 = arith.constant 16 : i32
      scf.for %parallel_loop3A_707 = %parallel_loop3A to %parallel_loop3A_705 step %parallel_loop3A_706  : i32 {
        %parallel_loop3A_708 = arith.index_cast %scan3A_704 : i32 to index
        %parallel_loop3A_709 = arith.index_cast %parallel_loop3A_707 : i32 to index
        %parallel_loop3A_710 = tpu.vector_load %arg7[%parallel_loop3A_708, %parallel_loop3A_709] {strides = array<i32>} : memref<16x768xf32, #tpu.memory_space<vmem>>, vector<1x16xf32>,
        %parallel_loop3A_711 = vector.shape_cast %parallel_loop3A_710 : vector<1x16xf32> to vector<16xf32>
        %parallel_loop3A_712 = arith.constant 0 : i32
        %parallel_loop3A_713 = arith.index_cast %parallel_loop3A_712 : i32 to index
        %parallel_loop3A_714 = arith.index_cast %scan3A_704 : i32 to index
        %parallel_loop3A_715 = arith.index_cast %parallel_loop3A_707 : i32 to index
        %parallel_loop3A_716 = tpu.vector_load %arg5[%parallel_loop3A_713, %parallel_loop3A_714, %parallel_loop3A_715] {strides = array<i32>} : memref<4x16x768xf32, #tpu.memory_space<vmem>>, vector<1x1x16xf32>,
        %parallel_loop3A_717 = vector.shape_cast %parallel_loop3A_716 : vector<1x1x16xf32> to vector<16xf32>
        %parallel_loop3A_718 = arith.addf %parallel_loop3A_717, %parallel_loop3A_711 : vector<16xf32>
        %parallel_loop3A_719 = arith.constant 0 : i32
        %parallel_loop3A_720 = arith.index_cast %parallel_loop3A_719 : i32 to index
        %parallel_loop3A_721 = arith.index_cast %scan3A_704 : i32 to index
        %parallel_loop3A_722 = arith.index_cast %parallel_loop3A_707 : i32 to index
        %parallel_loop3A_723 = tpu.vector_load %arg5[%parallel_loop3A_720, %parallel_loop3A_721, %parallel_loop3A_722] {strides = array<i32>} : memref<4x16x768xf32, #tpu.memory_space<vmem>>, vector<1x1x16xf32>,
        %parallel_loop3A_724 = vector.shape_cast %parallel_loop3A_723 : vector<1x1x16xf32> to vector<16xf32>
        %parallel_loop3A_725 = vector.shape_cast %parallel_loop3A_718 : vector<16xf32> to vector<1x1x16xf32>
        tpu.vector_store %arg5[%parallel_loop3A_720, %parallel_loop3A_721, %parallel_loop3A_722], %parallel_loop3A_725 {strides = array<i32>} : memref<4x16x768xf32, #tpu.memory_space<vmem>>, vector<1x1x16xf32>,
        %parallel_loop3A_726 = arith.constant 1 : i32
        %parallel_loop3A_727 = arith.index_cast %parallel_loop3A_726 : i32 to index
        %parallel_loop3A_728 = arith.index_cast %scan3A_704 : i32 to index
        %parallel_loop3A_729 = arith.index_cast %parallel_loop3A_707 : i32 to index
        %parallel_loop3A_730 = tpu.vector_load %arg5[%parallel_loop3A_727, %parallel_loop3A_728, %parallel_loop3A_729] {strides = array<i32>} : memref<4x16x768xf32, #tpu.memory_space<vmem>>, vector<1x1x16xf32>,
        %parallel_loop3A_731 = vector.shape_cast %parallel_loop3A_730 : vector<1x1x16xf32> to vector<16xf32>
        %parallel_loop3A_732 = arith.addf %parallel_loop3A_731, %parallel_loop3A_711 : vector<16xf32>
        %parallel_loop3A_733 = arith.constant 1 : i32
        %parallel_loop3A_734 = arith.index_cast %parallel_loop3A_733 : i32 to index
        %parallel_loop3A_735 = arith.index_cast %scan3A_704 : i32 to index
        %parallel_loop3A_736 = arith.index_cast %parallel_loop3A_707 : i32 to index
        %parallel_loop3A_737 = tpu.vector_load %arg5[%parallel_loop3A_734, %parallel_loop3A_735, %parallel_loop3A_736] {strides = array<i32>} : memref<4x16x768xf32, #tpu.memory_space<vmem>>, vector<1x1x16xf32>,
        %parallel_loop3A_738 = vector.shape_cast %parallel_loop3A_737 : vector<1x1x16xf32> to vector<16xf32>
        %parallel_loop3A_739 = vector.shape_cast %parallel_loop3A_732 : vector<16xf32> to vector<1x1x16xf32>
        tpu.vector_store %arg5[%parallel_loop3A_734, %parallel_loop3A_735, %parallel_loop3A_736], %parallel_loop3A_739 {strides = array<i32>} : memref<4x16x768xf32, #tpu.memory_space<vmem>>, vector<1x1x16xf32>,
        %parallel_loop3A_740 = arith.constant 2 : i32
        %parallel_loop3A_741 = arith.index_cast %parallel_loop3A_740 : i32 to index
        %parallel_loop3A_742 = arith.index_cast %scan3A_704 : i32 to index
        %parallel_loop3A_743 = arith.index_cast %parallel_loop3A_707 : i32 to index
        %parallel_loop3A_744 = tpu.vector_load %arg5[%parallel_loop3A_741, %parallel_loop3A_742, %parallel_loop3A_743] {strides = array<i32>} : memref<4x16x768xf32, #tpu.memory_space<vmem>>, vector<1x1x16xf32>,
        %parallel_loop3A_745 = vector.shape_cast %parallel_loop3A_744 : vector<1x1x16xf32> to vector<16xf32>
        %parallel_loop3A_746 = arith.addf %parallel_loop3A_745, %parallel_loop3A_711 : vector<16xf32>
        %parallel_loop3A_747 = arith.constant 2 : i32
        %parallel_loop3A_748 = arith.index_cast %parallel_loop3A_747 : i32 to index
        %parallel_loop3A_749 = arith.index_cast %scan3A_704 : i32 to index
        %parallel_loop3A_750 = arith.index_cast %parallel_loop3A_707 : i32 to index
        %parallel_loop3A_751 = tpu.vector_load %arg5[%parallel_loop3A_748, %parallel_loop3A_749, %parallel_loop3A_750] {strides = array<i32>} : memref<4x16x768xf32, #tpu.memory_space<vmem>>, vector<1x1x16xf32>,
        %parallel_loop3A_752 = vector.shape_cast %parallel_loop3A_751 : vector<1x1x16xf32> to vector<16xf32>
        %parallel_loop3A_753 = vector.shape_cast %parallel_loop3A_746 : vector<16xf32> to vector<1x1x16xf32>
        tpu.vector_store %arg5[%parallel_loop3A_748, %parallel_loop3A_749, %parallel_loop3A_750], %parallel_loop3A_753 {strides = array<i32>} : memref<4x16x768xf32, #tpu.memory_space<vmem>>, vector<1x1x16xf32>,
        %parallel_loop3A_754 = arith.constant 3 : i32
        %parallel_loop3A_755 = arith.index_cast %parallel_loop3A_754 : i32 to index
        %parallel_loop3A_756 = arith.index_cast %scan3A_704 : i32 to index
        %parallel_loop3A_757 = arith.index_cast %parallel_loop3A_707 : i32 to index
        %parallel_loop3A_758 = tpu.vector_load %arg5[%parallel_loop3A_755, %parallel_loop3A_756, %parallel_loop3A_757] {strides = array<i32>} : memref<4x16x768xf32, #tpu.memory_space<vmem>>, vector<1x1x16xf32>,
        %parallel_loop3A_759 = vector.shape_cast %parallel_loop3A_758 : vector<1x1x16xf32> to vector<16xf32>
        %parallel_loop3A_760 = arith.addf %parallel_loop3A_759, %parallel_loop3A_711 : vector<16xf32>
        %parallel_loop3A_761 = arith.constant 3 : i32
        %parallel_loop3A_762 = arith.index_cast %parallel_loop3A_761 : i32 to index
        %parallel_loop3A_763 = arith.index_cast %scan3A_704 : i32 to index
        %parallel_loop3A_764 = arith.index_cast %parallel_loop3A_707 : i32 to index
        %parallel_loop3A_765 = tpu.vector_load %arg5[%parallel_loop3A_762, %parallel_loop3A_763, %parallel_loop3A_764] {strides = array<i32>} : memref<4x16x768xf32, #tpu.memory_space<vmem>>, vector<1x1x16xf32>,
        %parallel_loop3A_766 = vector.shape_cast %parallel_loop3A_765 : vector<1x1x16xf32> to vector<16xf32>
        %parallel_loop3A_767 = vector.shape_cast %parallel_loop3A_760 : vector<16xf32> to vector<1x1x16xf32>
        tpu.vector_store %arg5[%parallel_loop3A_762, %parallel_loop3A_763, %parallel_loop3A_764], %parallel_loop3A_767 {strides = array<i32>} : memref<4x16x768xf32, #tpu.memory_space<vmem>>, vector<1x1x16xf32>,
      } {sc.loop_unroll_factor = 8 : i64, sc.parallel_access}
    }
    %scan3A_43 = arith.constant 16 : i32
    %add3A_44 = arith.constant 0 : i32
    %add3A_45 = arith.addi %mul3A_2, %add3A_44 : i32
    %dma_start3A_46 = arith.constant 0 : i32
    %dma_start3A_47 = arith.constant 0 : i32
    %dma_start3A_48 = tpu.memref_slice %arg4[%dma_start3A_46, %add3A_45, %dma_start3A_47] : memref<4x8192x768xf32, #tpu.memory_space<hbm>> -> memref<4x16x768xf32, #tpu.memory_space<hbm>>
    %dma_start3A_49 = arith.constant 0 : i32
    %dma_start3A_50 = arith.constant 0 : i32
    %dma_start3A_51 = tpu.memref_slice %arg4[%dma_start3A_49, %add3A_45, %dma_start3A_50] : memref<4x8192x768xf32, #tpu.memory_space<hbm>> -> memref<4x16x768xf32, #tpu.memory_space<hbm>>
    tpu.enqueue_dma source(%arg5 : memref<4x16x768xf32, #tpu.memory_space<vmem>>) target(%dma_start3A_51 : memref<4x16x768xf32, #tpu.memory_space<hbm>>) target_semaphore(%arg13 : memref<!tpu.dma_semaphore, #tpu.memory_space<semaphore_mem>>)
    %dma_wait3A_52 = arith.constant 0 : i32
    %dma_wait3A_53 = arith.constant 0 : i32
    %dma_wait3A_54 = tpu.memref_slice %arg4[%dma_wait3A_52, %add3A_45, %dma_wait3A_53] : memref<4x8192x768xf32, #tpu.memory_space<hbm>> -> memref<4x16x768xf32, #tpu.memory_space<hbm>>
    %dma_wait3A_55 = arith.constant 0 : i32
    %dma_wait3A_56 = arith.constant 0 : i32
    %dma_wait3A_57 = tpu.memref_slice %arg4[%dma_wait3A_55, %add3A_45, %dma_wait3A_56] : memref<4x8192x768xf32, #tpu.memory_space<hbm>> -> memref<4x16x768xf32, #tpu.memory_space<hbm>>
    tpu.wait_dma2 semaphore(%arg13 : memref<!tpu.dma_semaphore, #tpu.memory_space<semaphore_mem>>) src(%arg5 : memref<4x16x768xf32, #tpu.memory_space<vmem>>) dst(%dma_wait3A_57 : memref<4x16x768xf32, #tpu.memory_space<hbm>>)
    %add3A_58 = arith.constant 32 : i32
    %add3A_59 = arith.addi %mul3A_2, %add3A_58 : i32
    %dma_start3A_60 = arith.constant 0 : i32
    %dma_start3A_61 = arith.constant 0 : i32
    %dma_start3A_62 = tpu.memref_slice %arg2[%dma_start3A_60, %add3A_59, %dma_start3A_61] : memref<4x8192x768xf32, #tpu.memory_space<hbm>> -> memref<4x16x768xf32, #tpu.memory_space<hbm>>
    %dma_start3A_63 = arith.constant 0 : i32
    %dma_start3A_64 = arith.constant 0 : i32
    %dma_start3A_65 = tpu.memref_slice %arg2[%dma_start3A_63, %add3A_59, %dma_start3A_64] : memref<4x8192x768xf32, #tpu.memory_space<hbm>> -> memref<4x16x768xf32, #tpu.memory_space<hbm>>
    tpu.enqueue_dma source(%dma_start3A_65 : memref<4x16x768xf32, #tpu.memory_space<hbm>>) target(%arg5 : memref<4x16x768xf32, #tpu.memory_space<vmem>>) target_semaphore(%arg9 : memref<!tpu.dma_semaphore, #tpu.memory_space<semaphore_mem>>)
    %add3A_66 = arith.constant 32 : i32
    %add3A_67 = arith.addi %mul3A_2, %add3A_66 : i32
    %dma_start3A_68 = arith.constant 0 : i32
    %dma_start3A_69 = tpu.memref_slice %arg3[%add3A_67, %dma_start3A_68] : memref<8192x768xf32, #tpu.memory_space<hbm>> -> memref<16x768xf32, #tpu.memory_space<hbm>>
    %dma_start3A_70 = arith.constant 0 : i32
    %dma_start3A_71 = tpu.memref_slice %arg3[%add3A_67, %dma_start3A_70] : memref<8192x768xf32, #tpu.memory_space<hbm>> -> memref<16x768xf32, #tpu.memory_space<hbm>>
    tpu.enqueue_dma source(%dma_start3A_71 : memref<16x768xf32, #tpu.memory_space<hbm>>) target(%arg7 : memref<16x768xf32, #tpu.memory_space<vmem>>) target_semaphore(%arg11 : memref<!tpu.dma_semaphore, #tpu.memory_space<semaphore_mem>>)
    %dma_wait3A_72 = arith.constant 0 : i32
    %dma_wait3A_73 = arith.constant 0 : i32
    %dma_wait3A_74 = tpu.memref_slice %arg2[%dma_wait3A_72, %add3A_17, %dma_wait3A_73] : memref<4x8192x768xf32, #tpu.memory_space<hbm>> -> memref<4x16x768xf32, #tpu.memory_space<hbm>>
    %dma_wait3A_75 = arith.constant 0 : i32
    %dma_wait3A_76 = arith.constant 0 : i32
    %dma_wait3A_77 = tpu.memref_slice %arg2[%dma_wait3A_75, %add3A_17, %dma_wait3A_76] : memref<4x8192x768xf32, #tpu.memory_space<hbm>> -> memref<4x16x768xf32, #tpu.memory_space<hbm>>
    tpu.wait_dma2 semaphore(%arg10 : memref<!tpu.dma_semaphore, #tpu.memory_space<semaphore_mem>>) src(%dma_wait3A_77 : memref<4x16x768xf32, #tpu.memory_space<hbm>>) dst(%arg6 : memref<4x16x768xf32, #tpu.memory_space<vmem>>)
    %dma_wait3A_78 = arith.constant 0 : i32
    %dma_wait3A_79 = tpu.memref_slice %arg3[%add3A_25, %dma_wait3A_78] : memref<8192x768xf32, #tpu.memory_space<hbm>> -> memref<16x768xf32, #tpu.memory_space<hbm>>
    %dma_wait3A_80 = arith.constant 0 : i32
    %dma_wait3A_81 = tpu.memref_slice %arg3[%add3A_25, %dma_wait3A_80] : memref<8192x768xf32, #tpu.memory_space<hbm>> -> memref<16x768xf32, #tpu.memory_space<hbm>>
    tpu.wait_dma2 semaphore(%arg12 : memref<!tpu.dma_semaphore, #tpu.memory_space<semaphore_mem>>) src(%dma_wait3A_81 : memref<16x768xf32, #tpu.memory_space<hbm>>) dst(%arg8 : memref<16x768xf32, #tpu.memory_space<vmem>>)
    %scan3A_82 = arith.constant 0 : i32
    %scan3A_83 = arith.constant 0 : i32
    %scan3A_84 = arith.constant 16 : i32
    %scan3A_85 = arith.addi %scan3A_83, %scan3A_84 : i32
    %scan3A_86 = arith.constant 1 : i32
    scf.for %scan3A_704 = %scan3A_83 to %scan3A_85 step %scan3A_86  : i32 {
      %parallel_loop3A = arith.constant 0 : i32
      %parallel_loop3A_705 = arith.constant 768 : i32
      %parallel_loop3A_706 = arith.constant 16 : i32
      scf.for %parallel_loop3A_707 = %parallel_loop3A to %parallel_loop3A_705 step %parallel_loop3A_706  : i32 {
        %parallel_loop3A_708 = arith.index_cast %scan3A_704 : i32 to index
        %parallel_loop3A_709 = arith.index_cast %parallel_loop3A_707 : i32 to index
        %parallel_loop3A_710 = tpu.vector_load %arg8[%parallel_loop3A_708, %parallel_loop3A_709] {strides = array<i32>} : memref<16x768xf32, #tpu.memory_space<vmem>>, vector<1x16xf32>,
        %parallel_loop3A_711 = vector.shape_cast %parallel_loop3A_710 : vector<1x16xf32> to vector<16xf32>
        %parallel_loop3A_712 = arith.constant 0 : i32
        %parallel_loop3A_713 = arith.index_cast %parallel_loop3A_712 : i32 to index
        %parallel_loop3A_714 = arith.index_cast %scan3A_704 : i32 to index
        %parallel_loop3A_715 = arith.index_cast %parallel_loop3A_707 : i32 to index
        %parallel_loop3A_716 = tpu.vector_load %arg6[%parallel_loop3A_713, %parallel_loop3A_714, %parallel_loop3A_715] {strides = array<i32>} : memref<4x16x768xf32, #tpu.memory_space<vmem>>, vector<1x1x16xf32>,
        %parallel_loop3A_717 = vector.shape_cast %parallel_loop3A_716 : vector<1x1x16xf32> to vector<16xf32>
        %parallel_loop3A_718 = arith.addf %parallel_loop3A_717, %parallel_loop3A_711 : vector<16xf32>
        %parallel_loop3A_719 = arith.constant 0 : i32
        %parallel_loop3A_720 = arith.index_cast %parallel_loop3A_719 : i32 to index
        %parallel_loop3A_721 = arith.index_cast %scan3A_704 : i32 to index
        %parallel_loop3A_722 = arith.index_cast %parallel_loop3A_707 : i32 to index
        %parallel_loop3A_723 = tpu.vector_load %arg6[%parallel_loop3A_720, %parallel_loop3A_721, %parallel_loop3A_722] {strides = array<i32>} : memref<4x16x768xf32, #tpu.memory_space<vmem>>, vector<1x1x16xf32>,
        %parallel_loop3A_724 = vector.shape_cast %parallel_loop3A_723 : vector<1x1x16xf32> to vector<16xf32>
        %parallel_loop3A_725 = vector.shape_cast %parallel_loop3A_718 : vector<16xf32> to vector<1x1x16xf32>
        tpu.vector_store %arg6[%parallel_loop3A_720, %parallel_loop3A_721, %parallel_loop3A_722], %parallel_loop3A_725 {strides = array<i32>} : memref<4x16x768xf32, #tpu.memory_space<vmem>>, vector<1x1x16xf32>,
        %parallel_loop3A_726 = arith.constant 1 : i32
        %parallel_loop3A_727 = arith.index_cast %parallel_loop3A_726 : i32 to index
        %parallel_loop3A_728 = arith.index_cast %scan3A_704 : i32 to index
        %parallel_loop3A_729 = arith.index_cast %parallel_loop3A_707 : i32 to index
        %parallel_loop3A_730 = tpu.vector_load %arg6[%parallel_loop3A_727, %parallel_loop3A_728, %parallel_loop3A_729] {strides = array<i32>} : memref<4x16x768xf32, #tpu.memory_space<vmem>>, vector<1x1x16xf32>,
        %parallel_loop3A_731 = vector.shape_cast %parallel_loop3A_730 : vector<1x1x16xf32> to vector<16xf32>
        %parallel_loop3A_732 = arith.addf %parallel_loop3A_731, %parallel_loop3A_711 : vector<16xf32>
        %parallel_loop3A_733 = arith.constant 1 : i32
        %parallel_loop3A_734 = arith.index_cast %parallel_loop3A_733 : i32 to index
        %parallel_loop3A_735 = arith.index_cast %scan3A_704 : i32 to index
        %parallel_loop3A_736 = arith.index_cast %parallel_loop3A_707 : i32 to index
        %parallel_loop3A_737 = tpu.vector_load %arg6[%parallel_loop3A_734, %parallel_loop3A_735, %parallel_loop3A_736] {strides = array<i32>} : memref<4x16x768xf32, #tpu.memory_space<vmem>>, vector<1x1x16xf32>,
        %parallel_loop3A_738 = vector.shape_cast %parallel_loop3A_737 : vector<1x1x16xf32> to vector<16xf32>
        %parallel_loop3A_739 = vector.shape_cast %parallel_loop3A_732 : vector<16xf32> to vector<1x1x16xf32>
        tpu.vector_store %arg6[%parallel_loop3A_734, %parallel_loop3A_735, %parallel_loop3A_736], %parallel_loop3A_739 {strides = array<i32>} : memref<4x16x768xf32, #tpu.memory_space<vmem>>, vector<1x1x16xf32>,
        %parallel_loop3A_740 = arith.constant 2 : i32
        %parallel_loop3A_741 = arith.index_cast %parallel_loop3A_740 : i32 to index
        %parallel_loop3A_742 = arith.index_cast %scan3A_704 : i32 to index
        %parallel_loop3A_743 = arith.index_cast %parallel_loop3A_707 : i32 to index
        %parallel_loop3A_744 = tpu.vector_load %arg6[%parallel_loop3A_741, %parallel_loop3A_742, %parallel_loop3A_743] {strides = array<i32>} : memref<4x16x768xf32, #tpu.memory_space<vmem>>, vector<1x1x16xf32>,
        %parallel_loop3A_745 = vector.shape_cast %parallel_loop3A_744 : vector<1x1x16xf32> to vector<16xf32>
        %parallel_loop3A_746 = arith.addf %parallel_loop3A_745, %parallel_loop3A_711 : vector<16xf32>
        %parallel_loop3A_747 = arith.constant 2 : i32
        %parallel_loop3A_748 = arith.index_cast %parallel_loop3A_747 : i32 to index
        %parallel_loop3A_749 = arith.index_cast %scan3A_704 : i32 to index
        %parallel_loop3A_750 = arith.index_cast %parallel_loop3A_707 : i32 to index
        %parallel_loop3A_751 = tpu.vector_load %arg6[%parallel_loop3A_748, %parallel_loop3A_749, %parallel_loop3A_750] {strides = array<i32>} : memref<4x16x768xf32, #tpu.memory_space<vmem>>, vector<1x1x16xf32>,
        %parallel_loop3A_752 = vector.shape_cast %parallel_loop3A_751 : vector<1x1x16xf32> to vector<16xf32>
        %parallel_loop3A_753 = vector.shape_cast %parallel_loop3A_746 : vector<16xf32> to vector<1x1x16xf32>
        tpu.vector_store %arg6[%parallel_loop3A_748, %parallel_loop3A_749, %parallel_loop3A_750], %parallel_loop3A_753 {strides = array<i32>} : memref<4x16x768xf32, #tpu.memory_space<vmem>>, vector<1x1x16xf32>,
        %parallel_loop3A_754 = arith.constant 3 : i32
        %parallel_loop3A_755 = arith.index_cast %parallel_loop3A_754 : i32 to index
        %parallel_loop3A_756 = arith.index_cast %scan3A_704 : i32 to index
        %parallel_loop3A_757 = arith.index_cast %parallel_loop3A_707 : i32 to index
        %parallel_loop3A_758 = tpu.vector_load %arg6[%parallel_loop3A_755, %parallel_loop3A_756, %parallel_loop3A_757] {strides = array<i32>} : memref<4x16x768xf32, #tpu.memory_space<vmem>>, vector<1x1x16xf32>,
        %parallel_loop3A_759 = vector.shape_cast %parallel_loop3A_758 : vector<1x1x16xf32> to vector<16xf32>
        %parallel_loop3A_760 = arith.addf %parallel_loop3A_759, %parallel_loop3A_711 : vector<16xf32>
        %parallel_loop3A_761 = arith.constant 3 : i32
        %parallel_loop3A_762 = arith.index_cast %parallel_loop3A_761 : i32 to index
        %parallel_loop3A_763 = arith.index_cast %scan3A_704 : i32 to index
        %parallel_loop3A_764 = arith.index_cast %parallel_loop3A_707 : i32 to index
        %parallel_loop3A_765 = tpu.vector_load %arg6[%parallel_loop3A_762, %parallel_loop3A_763, %parallel_loop3A_764] {strides = array<i32>} : memref<4x16x768xf32, #tpu.memory_space<vmem>>, vector<1x1x16xf32>,
        %parallel_loop3A_766 = vector.shape_cast %parallel_loop3A_765 : vector<1x1x16xf32> to vector<16xf32>
        %parallel_loop3A_767 = vector.shape_cast %parallel_loop3A_760 : vector<16xf32> to vector<1x1x16xf32>
        tpu.vector_store %arg6[%parallel_loop3A_762, %parallel_loop3A_763, %parallel_loop3A_764], %parallel_loop3A_767 {strides = array<i32>} : memref<4x16x768xf32, #tpu.memory_space<vmem>>, vector<1x1x16xf32>,
      } {sc.loop_unroll_factor = 8 : i64, sc.parallel_access}
    }
    %scan3A_87 = arith.constant 16 : i32
    %add3A_88 = arith.constant 16 : i32
    %add3A_89 = arith.addi %mul3A_2, %add3A_88 : i32
    %dma_start3A_90 = arith.constant 0 : i32
    %dma_start3A_91 = arith.constant 0 : i32
    %dma_start3A_92 = tpu.memref_slice %arg4[%dma_start3A_90, %add3A_89, %dma_start3A_91] : memref<4x8192x768xf32, #tpu.memory_space<hbm>> -> memref<4x16x768xf32, #tpu.memory_space<hbm>>
    %dma_start3A_93 = arith.constant 0 : i32
    %dma_start3A_94 = arith.constant 0 : i32
    %dma_start3A_95 = tpu.memref_slice %arg4[%dma_start3A_93, %add3A_89, %dma_start3A_94] : memref<4x8192x768xf32, #tpu.memory_space<hbm>> -> memref<4x16x768xf32, #tpu.memory_space<hbm>>
    tpu.enqueue_dma source(%arg6 : memref<4x16x768xf32, #tpu.memory_space<vmem>>) target(%dma_start3A_95 : memref<4x16x768xf32, #tpu.memory_space<hbm>>) target_semaphore(%arg14 : memref<!tpu.dma_semaphore, #tpu.memory_space<semaphore_mem>>)
    %dma_wait3A_96 = arith.constant 0 : i32
    %dma_wait3A_97 = arith.constant 0 : i32
    %dma_wait3A_98 = tpu.memref_slice %arg4[%dma_wait3A_96, %add3A_89, %dma_wait3A_97] : memref<4x8192x768xf32, #tpu.memory_space<hbm>> -> memref<4x16x768xf32, #tpu.memory_space<hbm>>
    %dma_wait3A_99 = arith.constant 0 : i32
    %dma_wait3A_100 = arith.constant 0 : i32
    %dma_wait3A_101 = tpu.memref_slice %arg4[%dma_wait3A_99, %add3A_89, %dma_wait3A_100] : memref<4x8192x768xf32, #tpu.memory_space<hbm>> -> memref<4x16x768xf32, #tpu.memory_space<hbm>>
    tpu.wait_dma2 semaphore(%arg14 : memref<!tpu.dma_semaphore, #tpu.memory_space<semaphore_mem>>) src(%arg6 : memref<4x16x768xf32, #tpu.memory_space<vmem>>) dst(%dma_wait3A_101 : memref<4x16x768xf32, #tpu.memory_space<hbm>>)
    %add3A_102 = arith.constant 48 : i32
    %add3A_103 = arith.addi %mul3A_2, %add3A_102 : i32
    %dma_start3A_104 = arith.constant 0 : i32
    %dma_start3A_105 = arith.constant 0 : i32
    %dma_start3A_106 = tpu.memref_slice %arg2[%dma_start3A_104, %add3A_103, %dma_start3A_105] : memref<4x8192x768xf32, #tpu.memory_space<hbm>> -> memref<4x16x768xf32, #tpu.memory_space<hbm>>
    %dma_start3A_107 = arith.constant 0 : i32
    %dma_start3A_108 = arith.constant 0 : i32
    %dma_start3A_109 = tpu.memref_slice %arg2[%dma_start3A_107, %add3A_103, %dma_start3A_108] : memref<4x8192x768xf32, #tpu.memory_space<hbm>> -> memref<4x16x768xf32, #tpu.memory_space<hbm>>
    tpu.enqueue_dma source(%dma_start3A_109 : memref<4x16x768xf32, #tpu.memory_space<hbm>>) target(%arg6 : memref<4x16x768xf32, #tpu.memory_space<vmem>>) target_semaphore(%arg10 : memref<!tpu.dma_semaphore, #tpu.memory_space<semaphore_mem>>)
    %add3A_110 = arith.constant 48 : i32
    %add3A_111 = arith.addi %mul3A_2, %add3A_110 : i32
    %dma_start3A_112 = arith.constant 0 : i32
    %dma_start3A_113 = tpu.memref_slice %arg3[%add3A_111, %dma_start3A_112] : memref<8192x768xf32, #tpu.memory_space<hbm>> -> memref<16x768xf32, #tpu.memory_space<hbm>>
    %dma_start3A_114 = arith.constant 0 : i32
    %dma_start3A_115 = tpu.memref_slice %arg3[%add3A_111, %dma_start3A_114] : memref<8192x768xf32, #tpu.memory_space<hbm>> -> memref<16x768xf32, #tpu.memory_space<hbm>>
    tpu.enqueue_dma source(%dma_start3A_115 : memref<16x768xf32, #tpu.memory_space<hbm>>) target(%arg8 : memref<16x768xf32, #tpu.memory_space<vmem>>) target_semaphore(%arg12 : memref<!tpu.dma_semaphore, #tpu.memory_space<semaphore_mem>>)
    %dma_wait3A_116 = arith.constant 0 : i32
    %dma_wait3A_117 = arith.constant 0 : i32
    %dma_wait3A_118 = tpu.memref_slice %arg2[%dma_wait3A_116, %add3A_59, %dma_wait3A_117] : memref<4x8192x768xf32, #tpu.memory_space<hbm>> -> memref<4x16x768xf32, #tpu.memory_space<hbm>>
    %dma_wait3A_119 = arith.constant 0 : i32
    %dma_wait3A_120 = arith.constant 0 : i32
    %dma_wait3A_121 = tpu.memref_slice %arg2[%dma_wait3A_119, %add3A_59, %dma_wait3A_120] : memref<4x8192x768xf32, #tpu.memory_space<hbm>> -> memref<4x16x768xf32, #tpu.memory_space<hbm>>
    tpu.wait_dma2 semaphore(%arg9 : memref<!tpu.dma_semaphore, #tpu.memory_space<semaphore_mem>>) src(%dma_wait3A_121 : memref<4x16x768xf32, #tpu.memory_space<hbm>>) dst(%arg5 : memref<4x16x768xf32, #tpu.memory_space<vmem>>)
    %dma_wait3A_122 = arith.constant 0 : i32
    %dma_wait3A_123 = tpu.memref_slice %arg3[%add3A_67, %dma_wait3A_122] : memref<8192x768xf32, #tpu.memory_space<hbm>> -> memref<16x768xf32, #tpu.memory_space<hbm>>
    %dma_wait3A_124 = arith.constant 0 : i32
    %dma_wait3A_125 = tpu.memref_slice %arg3[%add3A_67, %dma_wait3A_124] : memref<8192x768xf32, #tpu.memory_space<hbm>> -> memref<16x768xf32, #tpu.memory_space<hbm>>
    tpu.wait_dma2 semaphore(%arg11 : memref<!tpu.dma_semaphore, #tpu.memory_space<semaphore_mem>>) src(%dma_wait3A_125 : memref<16x768xf32, #tpu.memory_space<hbm>>) dst(%arg7 : memref<16x768xf32, #tpu.memory_space<vmem>>)
    %scan3A_126 = arith.constant 0 : i32
    %scan3A_127 = arith.constant 0 : i32
    %scan3A_128 = arith.constant 16 : i32
    %scan3A_129 = arith.addi %scan3A_127, %scan3A_128 : i32
    %scan3A_130 = arith.constant 1 : i32
    scf.for %scan3A_704 = %scan3A_127 to %scan3A_129 step %scan3A_130  : i32 {
      %parallel_loop3A = arith.constant 0 : i32
      %parallel_loop3A_705 = arith.constant 768 : i32
      %parallel_loop3A_706 = arith.constant 16 : i32
      scf.for %parallel_loop3A_707 = %parallel_loop3A to %parallel_loop3A_705 step %parallel_loop3A_706  : i32 {
        %parallel_loop3A_708 = arith.index_cast %scan3A_704 : i32 to index
        %parallel_loop3A_709 = arith.index_cast %parallel_loop3A_707 : i32 to index
        %parallel_loop3A_710 = tpu.vector_load %arg7[%parallel_loop3A_708, %parallel_loop3A_709] {strides = array<i32>} : memref<16x768xf32, #tpu.memory_space<vmem>>, vector<1x16xf32>,
        %parallel_loop3A_711 = vector.shape_cast %parallel_loop3A_710 : vector<1x16xf32> to vector<16xf32>
        %parallel_loop3A_712 = arith.constant 0 : i32
        %parallel_loop3A_713 = arith.index_cast %parallel_loop3A_712 : i32 to index
        %parallel_loop3A_714 = arith.index_cast %scan3A_704 : i32 to index
        %parallel_loop3A_715 = arith.index_cast %parallel_loop3A_707 : i32 to index
        %parallel_loop3A_716 = tpu.vector_load %arg5[%parallel_loop3A_713, %parallel_loop3A_714, %parallel_loop3A_715] {strides = array<i32>} : memref<4x16x768xf32, #tpu.memory_space<vmem>>, vector<1x1x16xf32>,
        %parallel_loop3A_717 = vector.shape_cast %parallel_loop3A_716 : vector<1x1x16xf32> to vector<16xf32>
        %parallel_loop3A_718 = arith.addf %parallel_loop3A_717, %parallel_loop3A_711 : vector<16xf32>
        %parallel_loop3A_719 = arith.constant 0 : i32
        %parallel_loop3A_720 = arith.index_cast %parallel_loop3A_719 : i32 to index
        %parallel_loop3A_721 = arith.index_cast %scan3A_704 : i32 to index
        %parallel_loop3A_722 = arith.index_cast %parallel_loop3A_707 : i32 to index
        %parallel_loop3A_723 = tpu.vector_load %arg5[%parallel_loop3A_720, %parallel_loop3A_721, %parallel_loop3A_722] {strides = array<i32>} : memref<4x16x768xf32, #tpu.memory_space<vmem>>, vector<1x1x16xf32>,
        %parallel_loop3A_724 = vector.shape_cast %parallel_loop3A_723 : vector<1x1x16xf32> to vector<16xf32>
        %parallel_loop3A_725 = vector.shape_cast %parallel_loop3A_718 : vector<16xf32> to vector<1x1x16xf32>
        tpu.vector_store %arg5[%parallel_loop3A_720, %parallel_loop3A_721, %parallel_loop3A_722], %parallel_loop3A_725 {strides = array<i32>} : memref<4x16x768xf32, #tpu.memory_space<vmem>>, vector<1x1x16xf32>,
        %parallel_loop3A_726 = arith.constant 1 : i32
        %parallel_loop3A_727 = arith.index_cast %parallel_loop3A_726 : i32 to index
        %parallel_loop3A_728 = arith.index_cast %scan3A_704 : i32 to index
        %parallel_loop3A_729 = arith.index_cast %parallel_loop3A_707 : i32 to index
        %parallel_loop3A_730 = tpu.vector_load %arg5[%parallel_loop3A_727, %parallel_loop3A_728, %parallel_loop3A_729] {strides = array<i32>} : memref<4x16x768xf32, #tpu.memory_space<vmem>>, vector<1x1x16xf32>,
        %parallel_loop3A_731 = vector.shape_cast %parallel_loop3A_730 : vector<1x1x16xf32> to vector<16xf32>
        %parallel_loop3A_732 = arith.addf %parallel_loop3A_731, %parallel_loop3A_711 : vector<16xf32>
        %parallel_loop3A_733 = arith.constant 1 : i32
        %parallel_loop3A_734 = arith.index_cast %parallel_loop3A_733 : i32 to index
        %parallel_loop3A_735 = arith.index_cast %scan3A_704 : i32 to index
        %parallel_loop3A_736 = arith.index_cast %parallel_loop3A_707 : i32 to index
        %parallel_loop3A_737 = tpu.vector_load %arg5[%parallel_loop3A_734, %parallel_loop3A_735, %parallel_loop3A_736] {strides = array<i32>} : memref<4x16x768xf32, #tpu.memory_space<vmem>>, vector<1x1x16xf32>,
        %parallel_loop3A_738 = vector.shape_cast %parallel_loop3A_737 : vector<1x1x16xf32> to vector<16xf32>
        %parallel_loop3A_739 = vector.shape_cast %parallel_loop3A_732 : vector<16xf32> to vector<1x1x16xf32>
        tpu.vector_store %arg5[%parallel_loop3A_734, %parallel_loop3A_735, %parallel_loop3A_736], %parallel_loop3A_739 {strides = array<i32>} : memref<4x16x768xf32, #tpu.memory_space<vmem>>, vector<1x1x16xf32>,
        %parallel_loop3A_740 = arith.constant 2 : i32
        %parallel_loop3A_741 = arith.index_cast %parallel_loop3A_740 : i32 to index
        %parallel_loop3A_742 = arith.index_cast %scan3A_704 : i32 to index
        %parallel_loop3A_743 = arith.index_cast %parallel_loop3A_707 : i32 to index
        %parallel_loop3A_744 = tpu.vector_load %arg5[%parallel_loop3A_741, %parallel_loop3A_742, %parallel_loop3A_743] {strides = array<i32>} : memref<4x16x768xf32, #tpu.memory_space<vmem>>, vector<1x1x16xf32>,
        %parallel_loop3A_745 = vector.shape_cast %parallel_loop3A_744 : vector<1x1x16xf32> to vector<16xf32>
        %parallel_loop3A_746 = arith.addf %parallel_loop3A_745, %parallel_loop3A_711 : vector<16xf32>
        %parallel_loop3A_747 = arith.constant 2 : i32
        %parallel_loop3A_748 = arith.index_cast %parallel_loop3A_747 : i32 to index
        %parallel_loop3A_749 = arith.index_cast %scan3A_704 : i32 to index
        %parallel_loop3A_750 = arith.index_cast %parallel_loop3A_707 : i32 to index
        %parallel_loop3A_751 = tpu.vector_load %arg5[%parallel_loop3A_748, %parallel_loop3A_749, %parallel_loop3A_750] {strides = array<i32>} : memref<4x16x768xf32, #tpu.memory_space<vmem>>, vector<1x1x16xf32>,
        %parallel_loop3A_752 = vector.shape_cast %parallel_loop3A_751 : vector<1x1x16xf32> to vector<16xf32>
        %parallel_loop3A_753 = vector.shape_cast %parallel_loop3A_746 : vector<16xf32> to vector<1x1x16xf32>
        tpu.vector_store %arg5[%parallel_loop3A_748, %parallel_loop3A_749, %parallel_loop3A_750], %parallel_loop3A_753 {strides = array<i32>} : memref<4x16x768xf32, #tpu.memory_space<vmem>>, vector<1x1x16xf32>,
        %parallel_loop3A_754 = arith.constant 3 : i32
        %parallel_loop3A_755 = arith.index_cast %parallel_loop3A_754 : i32 to index
        %parallel_loop3A_756 = arith.index_cast %scan3A_704 : i32 to index
        %parallel_loop3A_757 = arith.index_cast %parallel_loop3A_707 : i32 to index
        %parallel_loop3A_758 = tpu.vector_load %arg5[%parallel_loop3A_755, %parallel_loop3A_756, %parallel_loop3A_757] {strides = array<i32>} : memref<4x16x768xf32, #tpu.memory_space<vmem>>, vector<1x1x16xf32>,
        %parallel_loop3A_759 = vector.shape_cast %parallel_loop3A_758 : vector<1x1x16xf32> to vector<16xf32>
        %parallel_loop3A_760 = arith.addf %parallel_loop3A_759, %parallel_loop3A_711 : vector<16xf32>
        %parallel_loop3A_761 = arith.constant 3 : i32
        %parallel_loop3A_762 = arith.index_cast %parallel_loop3A_761 : i32 to index
        %parallel_loop3A_763 = arith.index_cast %scan3A_704 : i32 to index
        %parallel_loop3A_764 = arith.index_cast %parallel_loop3A_707 : i32 to index
        %parallel_loop3A_765 = tpu.vector_load %arg5[%parallel_loop3A_762, %parallel_loop3A_763, %parallel_loop3A_764] {strides = array<i32>} : memref<4x16x768xf32, #tpu.memory_space<vmem>>, vector<1x1x16xf32>,
        %parallel_loop3A_766 = vector.shape_cast %parallel_loop3A_765 : vector<1x1x16xf32> to vector<16xf32>
        %parallel_loop3A_767 = vector.shape_cast %parallel_loop3A_760 : vector<16xf32> to vector<1x1x16xf32>
        tpu.vector_store %arg5[%parallel_loop3A_762, %parallel_loop3A_763, %parallel_loop3A_764], %parallel_loop3A_767 {strides = array<i32>} : memref<4x16x768xf32, #tpu.memory_space<vmem>>, vector<1x1x16xf32>,
      } {sc.loop_unroll_factor = 8 : i64, sc.parallel_access}
    }
    %scan3A_131 = arith.constant 16 : i32
    %add3A_132 = arith.constant 32 : i32
    %add3A_133 = arith.addi %mul3A_2, %add3A_132 : i32
    %dma_start3A_134 = arith.constant 0 : i32
    %dma_start3A_135 = arith.constant 0 : i32
    %dma_start3A_136 = tpu.memref_slice %arg4[%dma_start3A_134, %add3A_133, %dma_start3A_135] : memref<4x8192x768xf32, #tpu.memory_space<hbm>> -> memref<4x16x768xf32, #tpu.memory_space<hbm>>
    %dma_start3A_137 = arith.constant 0 : i32
    %dma_start3A_138 = arith.constant 0 : i32
    %dma_start3A_139 = tpu.memref_slice %arg4[%dma_start3A_137, %add3A_133, %dma_start3A_138] : memref<4x8192x768xf32, #tpu.memory_space<hbm>> -> memref<4x16x768xf32, #tpu.memory_space<hbm>>
    tpu.enqueue_dma source(%arg5 : memref<4x16x768xf32, #tpu.memory_space<vmem>>) target(%dma_start3A_139 : memref<4x16x768xf32, #tpu.memory_space<hbm>>) target_semaphore(%arg13 : memref<!tpu.dma_semaphore, #tpu.memory_space<semaphore_mem>>)
    %dma_wait3A_140 = arith.constant 0 : i32
    %dma_wait3A_141 = arith.constant 0 : i32
    %dma_wait3A_142 = tpu.memref_slice %arg4[%dma_wait3A_140, %add3A_133, %dma_wait3A_141] : memref<4x8192x768xf32, #tpu.memory_space<hbm>> -> memref<4x16x768xf32, #tpu.memory_space<hbm>>
    %dma_wait3A_143 = arith.constant 0 : i32
    %dma_wait3A_144 = arith.constant 0 : i32
    %dma_wait3A_145 = tpu.memref_slice %arg4[%dma_wait3A_143, %add3A_133, %dma_wait3A_144] : memref<4x8192x768xf32, #tpu.memory_space<hbm>> -> memref<4x16x768xf32, #tpu.memory_space<hbm>>
    tpu.wait_dma2 semaphore(%arg13 : memref<!tpu.dma_semaphore, #tpu.memory_space<semaphore_mem>>) src(%arg5 : memref<4x16x768xf32, #tpu.memory_space<vmem>>) dst(%dma_wait3A_145 : memref<4x16x768xf32, #tpu.memory_space<hbm>>)
    %add3A_146 = arith.constant 64 : i32
    %add3A_147 = arith.addi %mul3A_2, %add3A_146 : i32
    %dma_start3A_148 = arith.constant 0 : i32
    %dma_start3A_149 = arith.constant 0 : i32
    %dma_start3A_150 = tpu.memref_slice %arg2[%dma_start3A_148, %add3A_147, %dma_start3A_149] : memref<4x8192x768xf32, #tpu.memory_space<hbm>> -> memref<4x16x768xf32, #tpu.memory_space<hbm>>
    %dma_start3A_151 = arith.constant 0 : i32
    %dma_start3A_152 = arith.constant 0 : i32
    %dma_start3A_153 = tpu.memref_slice %arg2[%dma_start3A_151, %add3A_147, %dma_start3A_152] : memref<4x8192x768xf32, #tpu.memory_space<hbm>> -> memref<4x16x768xf32, #tpu.memory_space<hbm>>
    tpu.enqueue_dma source(%dma_start3A_153 : memref<4x16x768xf32, #tpu.memory_space<hbm>>) target(%arg5 : memref<4x16x768xf32, #tpu.memory_space<vmem>>) target_semaphore(%arg9 : memref<!tpu.dma_semaphore, #tpu.memory_space<semaphore_mem>>)
    %add3A_154 = arith.constant 64 : i32
    %add3A_155 = arith.addi %mul3A_2, %add3A_154 : i32
    %dma_start3A_156 = arith.constant 0 : i32
    %dma_start3A_157 = tpu.memref_slice %arg3[%add3A_155, %dma_start3A_156] : memref<8192x768xf32, #tpu.memory_space<hbm>> -> memref<16x768xf32, #tpu.memory_space<hbm>>
    %dma_start3A_158 = arith.constant 0 : i32
    %dma_start3A_159 = tpu.memref_slice %arg3[%add3A_155, %dma_start3A_158] : memref<8192x768xf32, #tpu.memory_space<hbm>> -> memref<16x768xf32, #tpu.memory_space<hbm>>
    tpu.enqueue_dma source(%dma_start3A_159 : memref<16x768xf32, #tpu.memory_space<hbm>>) target(%arg7 : memref<16x768xf32, #tpu.memory_space<vmem>>) target_semaphore(%arg11 : memref<!tpu.dma_semaphore, #tpu.memory_space<semaphore_mem>>)
    %dma_wait3A_160 = arith.constant 0 : i32
    %dma_wait3A_161 = arith.constant 0 : i32
    %dma_wait3A_162 = tpu.memref_slice %arg2[%dma_wait3A_160, %add3A_103, %dma_wait3A_161] : memref<4x8192x768xf32, #tpu.memory_space<hbm>> -> memref<4x16x768xf32, #tpu.memory_space<hbm>>
    %dma_wait3A_163 = arith.constant 0 : i32
    %dma_wait3A_164 = arith.constant 0 : i32
    %dma_wait3A_165 = tpu.memref_slice %arg2[%dma_wait3A_163, %add3A_103, %dma_wait3A_164] : memref<4x8192x768xf32, #tpu.memory_space<hbm>> -> memref<4x16x768xf32, #tpu.memory_space<hbm>>
    tpu.wait_dma2 semaphore(%arg10 : memref<!tpu.dma_semaphore, #tpu.memory_space<semaphore_mem>>) src(%dma_wait3A_165 : memref<4x16x768xf32, #tpu.memory_space<hbm>>) dst(%arg6 : memref<4x16x768xf32, #tpu.memory_space<vmem>>)
    %dma_wait3A_166 = arith.constant 0 : i32
    %dma_wait3A_167 = tpu.memref_slice %arg3[%add3A_111, %dma_wait3A_166] : memref<8192x768xf32, #tpu.memory_space<hbm>> -> memref<16x768xf32, #tpu.memory_space<hbm>>
    %dma_wait3A_168 = arith.constant 0 : i32
    %dma_wait3A_169 = tpu.memref_slice %arg3[%add3A_111, %dma_wait3A_168] : memref<8192x768xf32, #tpu.memory_space<hbm>> -> memref<16x768xf32, #tpu.memory_space<hbm>>
    tpu.wait_dma2 semaphore(%arg12 : memref<!tpu.dma_semaphore, #tpu.memory_space<semaphore_mem>>) src(%dma_wait3A_169 : memref<16x768xf32, #tpu.memory_space<hbm>>) dst(%arg8 : memref<16x768xf32, #tpu.memory_space<vmem>>)
    %scan3A_170 = arith.constant 0 : i32
    %scan3A_171 = arith.constant 0 : i32
    %scan3A_172 = arith.constant 16 : i32
    %scan3A_173 = arith.addi %scan3A_171, %scan3A_172 : i32
    %scan3A_174 = arith.constant 1 : i32
    scf.for %scan3A_704 = %scan3A_171 to %scan3A_173 step %scan3A_174  : i32 {
      %parallel_loop3A = arith.constant 0 : i32
      %parallel_loop3A_705 = arith.constant 768 : i32
      %parallel_loop3A_706 = arith.constant 16 : i32
      scf.for %parallel_loop3A_707 = %parallel_loop3A to %parallel_loop3A_705 step %parallel_loop3A_706  : i32 {
        %parallel_loop3A_708 = arith.index_cast %scan3A_704 : i32 to index
        %parallel_loop3A_709 = arith.index_cast %parallel_loop3A_707 : i32 to index
        %parallel_loop3A_710 = tpu.vector_load %arg8[%parallel_loop3A_708, %parallel_loop3A_709] {strides = array<i32>} : memref<16x768xf32, #tpu.memory_space<vmem>>, vector<1x16xf32>,
        %parallel_loop3A_711 = vector.shape_cast %parallel_loop3A_710 : vector<1x16xf32> to vector<16xf32>
        %parallel_loop3A_712 = arith.constant 0 : i32
        %parallel_loop3A_713 = arith.index_cast %parallel_loop3A_712 : i32 to index
        %parallel_loop3A_714 = arith.index_cast %scan3A_704 : i32 to index
        %parallel_loop3A_715 = arith.index_cast %parallel_loop3A_707 : i32 to index
        %parallel_loop3A_716 = tpu.vector_load %arg6[%parallel_loop3A_713, %parallel_loop3A_714, %parallel_loop3A_715] {strides = array<i32>} : memref<4x16x768xf32, #tpu.memory_space<vmem>>, vector<1x1x16xf32>,
        %parallel_loop3A_717 = vector.shape_cast %parallel_loop3A_716 : vector<1x1x16xf32> to vector<16xf32>
        %parallel_loop3A_718 = arith.addf %parallel_loop3A_717, %parallel_loop3A_711 : vector<16xf32>
        %parallel_loop3A_719 = arith.constant 0 : i32
        %parallel_loop3A_720 = arith.index_cast %parallel_loop3A_719 : i32 to index
        %parallel_loop3A_721 = arith.index_cast %scan3A_704 : i32 to index
        %parallel_loop3A_722 = arith.index_cast %parallel_loop3A_707 : i32 to index
        %parallel_loop3A_723 = tpu.vector_load %arg6[%parallel_loop3A_720, %parallel_loop3A_721, %parallel_loop3A_722] {strides = array<i32>} : memref<4x16x768xf32, #tpu.memory_space<vmem>>, vector<1x1x16xf32>,
        %parallel_loop3A_724 = vector.shape_cast %parallel_loop3A_723 : vector<1x1x16xf32> to vector<16xf32>
        %parallel_loop3A_725 = vector.shape_cast %parallel_loop3A_718 : vector<16xf32> to vector<1x1x16xf32>
        tpu.vector_store %arg6[%parallel_loop3A_720, %parallel_loop3A_721, %parallel_loop3A_722], %parallel_loop3A_725 {strides = array<i32>} : memref<4x16x768xf32, #tpu.memory_space<vmem>>, vector<1x1x16xf32>,
        %parallel_loop3A_726 = arith.constant 1 : i32
        %parallel_loop3A_727 = arith.index_cast %parallel_loop3A_726 : i32 to index
        %parallel_loop3A_728 = arith.index_cast %scan3A_704 : i32 to index
        %parallel_loop3A_729 = arith.index_cast %parallel_loop3A_707 : i32 to index
        %parallel_loop3A_730 = tpu.vector_load %arg6[%parallel_loop3A_727, %parallel_loop3A_728, %parallel_loop3A_729] {strides = array<i32>} : memref<4x16x768xf32, #tpu.memory_space<vmem>>, vector<1x1x16xf32>,
        %parallel_loop3A_731 = vector.shape_cast %parallel_loop3A_730 : vector<1x1x16xf32> to vector<16xf32>
        %parallel_loop3A_732 = arith.addf %parallel_loop3A_731, %parallel_loop3A_711 : vector<16xf32>
        %parallel_loop3A_733 = arith.constant 1 : i32
        %parallel_loop3A_734 = arith.index_cast %parallel_loop3A_733 : i32 to index
        %parallel_loop3A_735 = arith.index_cast %scan3A_704 : i32 to index
        %parallel_loop3A_736 = arith.index_cast %parallel_loop3A_707 : i32 to index
        %parallel_loop3A_737 = tpu.vector_load %arg6[%parallel_loop3A_734, %parallel_loop3A_735, %parallel_loop3A_736] {strides = array<i32>} : memref<4x16x768xf32, #tpu.memory_space<vmem>>, vector<1x1x16xf32>,
        %parallel_loop3A_738 = vector.shape_cast %parallel_loop3A_737 : vector<1x1x16xf32> to vector<16xf32>
        %parallel_loop3A_739 = vector.shape_cast %parallel_loop3A_732 : vector<16xf32> to vector<1x1x16xf32>
        tpu.vector_store %arg6[%parallel_loop3A_734, %parallel_loop3A_735, %parallel_loop3A_736], %parallel_loop3A_739 {strides = array<i32>} : memref<4x16x768xf32, #tpu.memory_space<vmem>>, vector<1x1x16xf32>,
        %parallel_loop3A_740 = arith.constant 2 : i32
        %parallel_loop3A_741 = arith.index_cast %parallel_loop3A_740 : i32 to index
        %parallel_loop3A_742 = arith.index_cast %scan3A_704 : i32 to index
        %parallel_loop3A_743 = arith.index_cast %parallel_loop3A_707 : i32 to index
        %parallel_loop3A_744 = tpu.vector_load %arg6[%parallel_loop3A_741, %parallel_loop3A_742, %parallel_loop3A_743] {strides = array<i32>} : memref<4x16x768xf32, #tpu.memory_space<vmem>>, vector<1x1x16xf32>,
        %parallel_loop3A_745 = vector.shape_cast %parallel_loop3A_744 : vector<1x1x16xf32> to vector<16xf32>
        %parallel_loop3A_746 = arith.addf %parallel_loop3A_745, %parallel_loop3A_711 : vector<16xf32>
        %parallel_loop3A_747 = arith.constant 2 : i32
        %parallel_loop3A_748 = arith.index_cast %parallel_loop3A_747 : i32 to index
        %parallel_loop3A_749 = arith.index_cast %scan3A_704 : i32 to index
        %parallel_loop3A_750 = arith.index_cast %parallel_loop3A_707 : i32 to index
        %parallel_loop3A_751 = tpu.vector_load %arg6[%parallel_loop3A_748, %parallel_loop3A_749, %parallel_loop3A_750] {strides = array<i32>} : memref<4x16x768xf32, #tpu.memory_space<vmem>>, vector<1x1x16xf32>,
        %parallel_loop3A_752 = vector.shape_cast %parallel_loop3A_751 : vector<1x1x16xf32> to vector<16xf32>
        %parallel_loop3A_753 = vector.shape_cast %parallel_loop3A_746 : vector<16xf32> to vector<1x1x16xf32>
        tpu.vector_store %arg6[%parallel_loop3A_748, %parallel_loop3A_749, %parallel_loop3A_750], %parallel_loop3A_753 {strides = array<i32>} : memref<4x16x768xf32, #tpu.memory_space<vmem>>, vector<1x1x16xf32>,
        %parallel_loop3A_754 = arith.constant 3 : i32
        %parallel_loop3A_755 = arith.index_cast %parallel_loop3A_754 : i32 to index
        %parallel_loop3A_756 = arith.index_cast %scan3A_704 : i32 to index
        %parallel_loop3A_757 = arith.index_cast %parallel_loop3A_707 : i32 to index
        %parallel_loop3A_758 = tpu.vector_load %arg6[%parallel_loop3A_755, %parallel_loop3A_756, %parallel_loop3A_757] {strides = array<i32>} : memref<4x16x768xf32, #tpu.memory_space<vmem>>, vector<1x1x16xf32>,
        %parallel_loop3A_759 = vector.shape_cast %parallel_loop3A_758 : vector<1x1x16xf32> to vector<16xf32>
        %parallel_loop3A_760 = arith.addf %parallel_loop3A_759, %parallel_loop3A_711 : vector<16xf32>
        %parallel_loop3A_761 = arith.constant 3 : i32
        %parallel_loop3A_762 = arith.index_cast %parallel_loop3A_761 : i32 to index
        %parallel_loop3A_763 = arith.index_cast %scan3A_704 : i32 to index
        %parallel_loop3A_764 = arith.index_cast %parallel_loop3A_707 : i32 to index
        %parallel_loop3A_765 = tpu.vector_load %arg6[%parallel_loop3A_762, %parallel_loop3A_763, %parallel_loop3A_764] {strides = array<i32>} : memref<4x16x768xf32, #tpu.memory_space<vmem>>, vector<1x1x16xf32>,
        %parallel_loop3A_766 = vector.shape_cast %parallel_loop3A_765 : vector<1x1x16xf32> to vector<16xf32>
        %parallel_loop3A_767 = vector.shape_cast %parallel_loop3A_760 : vector<16xf32> to vector<1x1x16xf32>
        tpu.vector_store %arg6[%parallel_loop3A_762, %parallel_loop3A_763, %parallel_loop3A_764], %parallel_loop3A_767 {strides = array<i32>} : memref<4x16x768xf32, #tpu.memory_space<vmem>>, vector<1x1x16xf32>,
      } {sc.loop_unroll_factor = 8 : i64, sc.parallel_access}
    }
    %scan3A_175 = arith.constant 16 : i32
    %add3A_176 = arith.constant 48 : i32
    %add3A_177 = arith.addi %mul3A_2, %add3A_176 : i32
    %dma_start3A_178 = arith.constant 0 : i32
    %dma_start3A_179 = arith.constant 0 : i32
    %dma_start3A_180 = tpu.memref_slice %arg4[%dma_start3A_178, %add3A_177, %dma_start3A_179] : memref<4x8192x768xf32, #tpu.memory_space<hbm>> -> memref<4x16x768xf32, #tpu.memory_space<hbm>>
    %dma_start3A_181 = arith.constant 0 : i32
    %dma_start3A_182 = arith.constant 0 : i32
    %dma_start3A_183 = tpu.memref_slice %arg4[%dma_start3A_181, %add3A_177, %dma_start3A_182] : memref<4x8192x768xf32, #tpu.memory_space<hbm>> -> memref<4x16x768xf32, #tpu.memory_space<hbm>>
    tpu.enqueue_dma source(%arg6 : memref<4x16x768xf32, #tpu.memory_space<vmem>>) target(%dma_start3A_183 : memref<4x16x768xf32, #tpu.memory_space<hbm>>) target_semaphore(%arg14 : memref<!tpu.dma_semaphore, #tpu.memory_space<semaphore_mem>>)
    %dma_wait3A_184 = arith.constant 0 : i32
    %dma_wait3A_185 = arith.constant 0 : i32
    %dma_wait3A_186 = tpu.memref_slice %arg4[%dma_wait3A_184, %add3A_177, %dma_wait3A_185] : memref<4x8192x768xf32, #tpu.memory_space<hbm>> -> memref<4x16x768xf32, #tpu.memory_space<hbm>>
    %dma_wait3A_187 = arith.constant 0 : i32
    %dma_wait3A_188 = arith.constant 0 : i32
    %dma_wait3A_189 = tpu.memref_slice %arg4[%dma_wait3A_187, %add3A_177, %dma_wait3A_188] : memref<4x8192x768xf32, #tpu.memory_space<hbm>> -> memref<4x16x768xf32, #tpu.memory_space<hbm>>
    tpu.wait_dma2 semaphore(%arg14 : memref<!tpu.dma_semaphore, #tpu.memory_space<semaphore_mem>>) src(%arg6 : memref<4x16x768xf32, #tpu.memory_space<vmem>>) dst(%dma_wait3A_189 : memref<4x16x768xf32, #tpu.memory_space<hbm>>)
    %add3A_190 = arith.constant 80 : i32
    %add3A_191 = arith.addi %mul3A_2, %add3A_190 : i32
    %dma_start3A_192 = arith.constant 0 : i32
    %dma_start3A_193 = arith.constant 0 : i32
    %dma_start3A_194 = tpu.memref_slice %arg2[%dma_start3A_192, %add3A_191, %dma_start3A_193] : memref<4x8192x768xf32, #tpu.memory_space<hbm>> -> memref<4x16x768xf32, #tpu.memory_space<hbm>>
    %dma_start3A_195 = arith.constant 0 : i32
    %dma_start3A_196 = arith.constant 0 : i32
    %dma_start3A_197 = tpu.memref_slice %arg2[%dma_start3A_195, %add3A_191, %dma_start3A_196] : memref<4x8192x768xf32, #tpu.memory_space<hbm>> -> memref<4x16x768xf32, #tpu.memory_space<hbm>>
    tpu.enqueue_dma source(%dma_start3A_197 : memref<4x16x768xf32, #tpu.memory_space<hbm>>) target(%arg6 : memref<4x16x768xf32, #tpu.memory_space<vmem>>) target_semaphore(%arg10 : memref<!tpu.dma_semaphore, #tpu.memory_space<semaphore_mem>>)
    %add3A_198 = arith.constant 80 : i32
    %add3A_199 = arith.addi %mul3A_2, %add3A_198 : i32
    %dma_start3A_200 = arith.constant 0 : i32
    %dma_start3A_201 = tpu.memref_slice %arg3[%add3A_199, %dma_start3A_200] : memref<8192x768xf32, #tpu.memory_space<hbm>> -> memref<16x768xf32, #tpu.memory_space<hbm>>
    %dma_start3A_202 = arith.constant 0 : i32
    %dma_start3A_203 = tpu.memref_slice %arg3[%add3A_199, %dma_start3A_202] : memref<8192x768xf32, #tpu.memory_space<hbm>> -> memref<16x768xf32, #tpu.memory_space<hbm>>
    tpu.enqueue_dma source(%dma_start3A_203 : memref<16x768xf32, #tpu.memory_space<hbm>>) target(%arg8 : memref<16x768xf32, #tpu.memory_space<vmem>>) target_semaphore(%arg12 : memref<!tpu.dma_semaphore, #tpu.memory_space<semaphore_mem>>)
    %dma_wait3A_204 = arith.constant 0 : i32
    %dma_wait3A_205 = arith.constant 0 : i32
    %dma_wait3A_206 = tpu.memref_slice %arg2[%dma_wait3A_204, %add3A_147, %dma_wait3A_205] : memref<4x8192x768xf32, #tpu.memory_space<hbm>> -> memref<4x16x768xf32, #tpu.memory_space<hbm>>
    %dma_wait3A_207 = arith.constant 0 : i32
    %dma_wait3A_208 = arith.constant 0 : i32
    %dma_wait3A_209 = tpu.memref_slice %arg2[%dma_wait3A_207, %add3A_147, %dma_wait3A_208] : memref<4x8192x768xf32, #tpu.memory_space<hbm>> -> memref<4x16x768xf32, #tpu.memory_space<hbm>>
    tpu.wait_dma2 semaphore(%arg9 : memref<!tpu.dma_semaphore, #tpu.memory_space<semaphore_mem>>) src(%dma_wait3A_209 : memref<4x16x768xf32, #tpu.memory_space<hbm>>) dst(%arg5 : memref<4x16x768xf32, #tpu.memory_space<vmem>>)
    %dma_wait3A_210 = arith.constant 0 : i32
    %dma_wait3A_211 = tpu.memref_slice %arg3[%add3A_155, %dma_wait3A_210] : memref<8192x768xf32, #tpu.memory_space<hbm>> -> memref<16x768xf32, #tpu.memory_space<hbm>>
    %dma_wait3A_212 = arith.constant 0 : i32
    %dma_wait3A_213 = tpu.memref_slice %arg3[%add3A_155, %dma_wait3A_212] : memref<8192x768xf32, #tpu.memory_space<hbm>> -> memref<16x768xf32, #tpu.memory_space<hbm>>
    tpu.wait_dma2 semaphore(%arg11 : memref<!tpu.dma_semaphore, #tpu.memory_space<semaphore_mem>>) src(%dma_wait3A_213 : memref<16x768xf32, #tpu.memory_space<hbm>>) dst(%arg7 : memref<16x768xf32, #tpu.memory_space<vmem>>)
    %scan3A_214 = arith.constant 0 : i32
    %scan3A_215 = arith.constant 0 : i32
    %scan3A_216 = arith.constant 16 : i32
    %scan3A_217 = arith.addi %scan3A_215, %scan3A_216 : i32
    %scan3A_218 = arith.constant 1 : i32
    scf.for %scan3A_704 = %scan3A_215 to %scan3A_217 step %scan3A_218  : i32 {
      %parallel_loop3A = arith.constant 0 : i32
      %parallel_loop3A_705 = arith.constant 768 : i32
      %parallel_loop3A_706 = arith.constant 16 : i32
      scf.for %parallel_loop3A_707 = %parallel_loop3A to %parallel_loop3A_705 step %parallel_loop3A_706  : i32 {
        %parallel_loop3A_708 = arith.index_cast %scan3A_704 : i32 to index
        %parallel_loop3A_709 = arith.index_cast %parallel_loop3A_707 : i32 to index
        %parallel_loop3A_710 = tpu.vector_load %arg7[%parallel_loop3A_708, %parallel_loop3A_709] {strides = array<i32>} : memref<16x768xf32, #tpu.memory_space<vmem>>, vector<1x16xf32>,
        %parallel_loop3A_711 = vector.shape_cast %parallel_loop3A_710 : vector<1x16xf32> to vector<16xf32>
        %parallel_loop3A_712 = arith.constant 0 : i32
        %parallel_loop3A_713 = arith.index_cast %parallel_loop3A_712 : i32 to index
        %parallel_loop3A_714 = arith.index_cast %scan3A_704 : i32 to index
        %parallel_loop3A_715 = arith.index_cast %parallel_loop3A_707 : i32 to index
        %parallel_loop3A_716 = tpu.vector_load %arg5[%parallel_loop3A_713, %parallel_loop3A_714, %parallel_loop3A_715] {strides = array<i32>} : memref<4x16x768xf32, #tpu.memory_space<vmem>>, vector<1x1x16xf32>,
        %parallel_loop3A_717 = vector.shape_cast %parallel_loop3A_716 : vector<1x1x16xf32> to vector<16xf32>
        %parallel_loop3A_718 = arith.addf %parallel_loop3A_717, %parallel_loop3A_711 : vector<16xf32>
        %parallel_loop3A_719 = arith.constant 0 : i32
        %parallel_loop3A_720 = arith.index_cast %parallel_loop3A_719 : i32 to index
        %parallel_loop3A_721 = arith.index_cast %scan3A_704 : i32 to index
        %parallel_loop3A_722 = arith.index_cast %parallel_loop3A_707 : i32 to index
        %parallel_loop3A_723 = tpu.vector_load %arg5[%parallel_loop3A_720, %parallel_loop3A_721, %parallel_loop3A_722] {strides = array<i32>} : memref<4x16x768xf32, #tpu.memory_space<vmem>>, vector<1x1x16xf32>,
        %parallel_loop3A_724 = vector.shape_cast %parallel_loop3A_723 : vector<1x1x16xf32> to vector<16xf32>
        %parallel_loop3A_725 = vector.shape_cast %parallel_loop3A_718 : vector<16xf32> to vector<1x1x16xf32>
        tpu.vector_store %arg5[%parallel_loop3A_720, %parallel_loop3A_721, %parallel_loop3A_722], %parallel_loop3A_725 {strides = array<i32>} : memref<4x16x768xf32, #tpu.memory_space<vmem>>, vector<1x1x16xf32>,
        %parallel_loop3A_726 = arith.constant 1 : i32
        %parallel_loop3A_727 = arith.index_cast %parallel_loop3A_726 : i32 to index
        %parallel_loop3A_728 = arith.index_cast %scan3A_704 : i32 to index
        %parallel_loop3A_729 = arith.index_cast %parallel_loop3A_707 : i32 to index
        %parallel_loop3A_730 = tpu.vector_load %arg5[%parallel_loop3A_727, %parallel_loop3A_728, %parallel_loop3A_729] {strides = array<i32>} : memref<4x16x768xf32, #tpu.memory_space<vmem>>, vector<1x1x16xf32>,
        %parallel_loop3A_731 = vector.shape_cast %parallel_loop3A_730 : vector<1x1x16xf32> to vector<16xf32>
        %parallel_loop3A_732 = arith.addf %parallel_loop3A_731, %parallel_loop3A_711 : vector<16xf32>
        %parallel_loop3A_733 = arith.constant 1 : i32
        %parallel_loop3A_734 = arith.index_cast %parallel_loop3A_733 : i32 to index
        %parallel_loop3A_735 = arith.index_cast %scan3A_704 : i32 to index
        %parallel_loop3A_736 = arith.index_cast %parallel_loop3A_707 : i32 to index
        %parallel_loop3A_737 = tpu.vector_load %arg5[%parallel_loop3A_734, %parallel_loop3A_735, %parallel_loop3A_736] {strides = array<i32>} : memref<4x16x768xf32, #tpu.memory_space<vmem>>, vector<1x1x16xf32>,
        %parallel_loop3A_738 = vector.shape_cast %parallel_loop3A_737 : vector<1x1x16xf32> to vector<16xf32>
        %parallel_loop3A_739 = vector.shape_cast %parallel_loop3A_732 : vector<16xf32> to vector<1x1x16xf32>
        tpu.vector_store %arg5[%parallel_loop3A_734, %parallel_loop3A_735, %parallel_loop3A_736], %parallel_loop3A_739 {strides = array<i32>} : memref<4x16x768xf32, #tpu.memory_space<vmem>>, vector<1x1x16xf32>,
        %parallel_loop3A_740 = arith.constant 2 : i32
        %parallel_loop3A_741 = arith.index_cast %parallel_loop3A_740 : i32 to index
        %parallel_loop3A_742 = arith.index_cast %scan3A_704 : i32 to index
        %parallel_loop3A_743 = arith.index_cast %parallel_loop3A_707 : i32 to index
        %parallel_loop3A_744 = tpu.vector_load %arg5[%parallel_loop3A_741, %parallel_loop3A_742, %parallel_loop3A_743] {strides = array<i32>} : memref<4x16x768xf32, #tpu.memory_space<vmem>>, vector<1x1x16xf32>,
        %parallel_loop3A_745 = vector.shape_cast %parallel_loop3A_744 : vector<1x1x16xf32> to vector<16xf32>
        %parallel_loop3A_746 = arith.addf %parallel_loop3A_745, %parallel_loop3A_711 : vector<16xf32>
        %parallel_loop3A_747 = arith.constant 2 : i32
        %parallel_loop3A_748 = arith.index_cast %parallel_loop3A_747 : i32 to index
        %parallel_loop3A_749 = arith.index_cast %scan3A_704 : i32 to index
        %parallel_loop3A_750 = arith.index_cast %parallel_loop3A_707 : i32 to index
        %parallel_loop3A_751 = tpu.vector_load %arg5[%parallel_loop3A_748, %parallel_loop3A_749, %parallel_loop3A_750] {strides = array<i32>} : memref<4x16x768xf32, #tpu.memory_space<vmem>>, vector<1x1x16xf32>,
        %parallel_loop3A_752 = vector.shape_cast %parallel_loop3A_751 : vector<1x1x16xf32> to vector<16xf32>
        %parallel_loop3A_753 = vector.shape_cast %parallel_loop3A_746 : vector<16xf32> to vector<1x1x16xf32>
        tpu.vector_store %arg5[%parallel_loop3A_748, %parallel_loop3A_749, %parallel_loop3A_750], %parallel_loop3A_753 {strides = array<i32>} : memref<4x16x768xf32, #tpu.memory_space<vmem>>, vector<1x1x16xf32>,
        %parallel_loop3A_754 = arith.constant 3 : i32
        %parallel_loop3A_755 = arith.index_cast %parallel_loop3A_754 : i32 to index
        %parallel_loop3A_756 = arith.index_cast %scan3A_704 : i32 to index
        %parallel_loop3A_757 = arith.index_cast %parallel_loop3A_707 : i32 to index
        %parallel_loop3A_758 = tpu.vector_load %arg5[%parallel_loop3A_755, %parallel_loop3A_756, %parallel_loop3A_757] {strides = array<i32>} : memref<4x16x768xf32, #tpu.memory_space<vmem>>, vector<1x1x16xf32>,
        %parallel_loop3A_759 = vector.shape_cast %parallel_loop3A_758 : vector<1x1x16xf32> to vector<16xf32>
        %parallel_loop3A_760 = arith.addf %parallel_loop3A_759, %parallel_loop3A_711 : vector<16xf32>
        %parallel_loop3A_761 = arith.constant 3 : i32
        %parallel_loop3A_762 = arith.index_cast %parallel_loop3A_761 : i32 to index
        %parallel_loop3A_763 = arith.index_cast %scan3A_704 : i32 to index
        %parallel_loop3A_764 = arith.index_cast %parallel_loop3A_707 : i32 to index
        %parallel_loop3A_765 = tpu.vector_load %arg5[%parallel_loop3A_762, %parallel_loop3A_763, %parallel_loop3A_764] {strides = array<i32>} : memref<4x16x768xf32, #tpu.memory_space<vmem>>, vector<1x1x16xf32>,
        %parallel_loop3A_766 = vector.shape_cast %parallel_loop3A_765 : vector<1x1x16xf32> to vector<16xf32>
        %parallel_loop3A_767 = vector.shape_cast %parallel_loop3A_760 : vector<16xf32> to vector<1x1x16xf32>
        tpu.vector_store %arg5[%parallel_loop3A_762, %parallel_loop3A_763, %parallel_loop3A_764], %parallel_loop3A_767 {strides = array<i32>} : memref<4x16x768xf32, #tpu.memory_space<vmem>>, vector<1x1x16xf32>,
      } {sc.loop_unroll_factor = 8 : i64, sc.parallel_access}
    }
    %scan3A_219 = arith.constant 16 : i32
    %add3A_220 = arith.constant 64 : i32
    %add3A_221 = arith.addi %mul3A_2, %add3A_220 : i32
    %dma_start3A_222 = arith.constant 0 : i32
    %dma_start3A_223 = arith.constant 0 : i32
    %dma_start3A_224 = tpu.memref_slice %arg4[%dma_start3A_222, %add3A_221, %dma_start3A_223] : memref<4x8192x768xf32, #tpu.memory_space<hbm>> -> memref<4x16x768xf32, #tpu.memory_space<hbm>>
    %dma_start3A_225 = arith.constant 0 : i32
    %dma_start3A_226 = arith.constant 0 : i32
    %dma_start3A_227 = tpu.memref_slice %arg4[%dma_start3A_225, %add3A_221, %dma_start3A_226] : memref<4x8192x768xf32, #tpu.memory_space<hbm>> -> memref<4x16x768xf32, #tpu.memory_space<hbm>>
    tpu.enqueue_dma source(%arg5 : memref<4x16x768xf32, #tpu.memory_space<vmem>>) target(%dma_start3A_227 : memref<4x16x768xf32, #tpu.memory_space<hbm>>) target_semaphore(%arg13 : memref<!tpu.dma_semaphore, #tpu.memory_space<semaphore_mem>>)
    %dma_wait3A_228 = arith.constant 0 : i32
    %dma_wait3A_229 = arith.constant 0 : i32
    %dma_wait3A_230 = tpu.memref_slice %arg4[%dma_wait3A_228, %add3A_221, %dma_wait3A_229] : memref<4x8192x768xf32, #tpu.memory_space<hbm>> -> memref<4x16x768xf32, #tpu.memory_space<hbm>>
    %dma_wait3A_231 = arith.constant 0 : i32
    %dma_wait3A_232 = arith.constant 0 : i32
    %dma_wait3A_233 = tpu.memref_slice %arg4[%dma_wait3A_231, %add3A_221, %dma_wait3A_232] : memref<4x8192x768xf32, #tpu.memory_space<hbm>> -> memref<4x16x768xf32, #tpu.memory_space<hbm>>
    tpu.wait_dma2 semaphore(%arg13 : memref<!tpu.dma_semaphore, #tpu.memory_space<semaphore_mem>>) src(%arg5 : memref<4x16x768xf32, #tpu.memory_space<vmem>>) dst(%dma_wait3A_233 : memref<4x16x768xf32, #tpu.memory_space<hbm>>)
    %add3A_234 = arith.constant 96 : i32
    %add3A_235 = arith.addi %mul3A_2, %add3A_234 : i32
    %dma_start3A_236 = arith.constant 0 : i32
    %dma_start3A_237 = arith.constant 0 : i32
    %dma_start3A_238 = tpu.memref_slice %arg2[%dma_start3A_236, %add3A_235, %dma_start3A_237] : memref<4x8192x768xf32, #tpu.memory_space<hbm>> -> memref<4x16x768xf32, #tpu.memory_space<hbm>>
    %dma_start3A_239 = arith.constant 0 : i32
    %dma_start3A_240 = arith.constant 0 : i32
    %dma_start3A_241 = tpu.memref_slice %arg2[%dma_start3A_239, %add3A_235, %dma_start3A_240] : memref<4x8192x768xf32, #tpu.memory_space<hbm>> -> memref<4x16x768xf32, #tpu.memory_space<hbm>>
    tpu.enqueue_dma source(%dma_start3A_241 : memref<4x16x768xf32, #tpu.memory_space<hbm>>) target(%arg5 : memref<4x16x768xf32, #tpu.memory_space<vmem>>) target_semaphore(%arg9 : memref<!tpu.dma_semaphore, #tpu.memory_space<semaphore_mem>>)
    %add3A_242 = arith.constant 96 : i32
    %add3A_243 = arith.addi %mul3A_2, %add3A_242 : i32
    %dma_start3A_244 = arith.constant 0 : i32
    %dma_start3A_245 = tpu.memref_slice %arg3[%add3A_243, %dma_start3A_244] : memref<8192x768xf32, #tpu.memory_space<hbm>> -> memref<16x768xf32, #tpu.memory_space<hbm>>
    %dma_start3A_246 = arith.constant 0 : i32
    %dma_start3A_247 = tpu.memref_slice %arg3[%add3A_243, %dma_start3A_246] : memref<8192x768xf32, #tpu.memory_space<hbm>> -> memref<16x768xf32, #tpu.memory_space<hbm>>
    tpu.enqueue_dma source(%dma_start3A_247 : memref<16x768xf32, #tpu.memory_space<hbm>>) target(%arg7 : memref<16x768xf32, #tpu.memory_space<vmem>>) target_semaphore(%arg11 : memref<!tpu.dma_semaphore, #tpu.memory_space<semaphore_mem>>)
    %dma_wait3A_248 = arith.constant 0 : i32
    %dma_wait3A_249 = arith.constant 0 : i32
    %dma_wait3A_250 = tpu.memref_slice %arg2[%dma_wait3A_248, %add3A_191, %dma_wait3A_249] : memref<4x8192x768xf32, #tpu.memory_space<hbm>> -> memref<4x16x768xf32, #tpu.memory_space<hbm>>
    %dma_wait3A_251 = arith.constant 0 : i32
    %dma_wait3A_252 = arith.constant 0 : i32
    %dma_wait3A_253 = tpu.memref_slice %arg2[%dma_wait3A_251, %add3A_191, %dma_wait3A_252] : memref<4x8192x768xf32, #tpu.memory_space<hbm>> -> memref<4x16x768xf32, #tpu.memory_space<hbm>>
    tpu.wait_dma2 semaphore(%arg10 : memref<!tpu.dma_semaphore, #tpu.memory_space<semaphore_mem>>) src(%dma_wait3A_253 : memref<4x16x768xf32, #tpu.memory_space<hbm>>) dst(%arg6 : memref<4x16x768xf32, #tpu.memory_space<vmem>>)
    %dma_wait3A_254 = arith.constant 0 : i32
    %dma_wait3A_255 = tpu.memref_slice %arg3[%add3A_199, %dma_wait3A_254] : memref<8192x768xf32, #tpu.memory_space<hbm>> -> memref<16x768xf32, #tpu.memory_space<hbm>>
    %dma_wait3A_256 = arith.constant 0 : i32
    %dma_wait3A_257 = tpu.memref_slice %arg3[%add3A_199, %dma_wait3A_256] : memref<8192x768xf32, #tpu.memory_space<hbm>> -> memref<16x768xf32, #tpu.memory_space<hbm>>
    tpu.wait_dma2 semaphore(%arg12 : memref<!tpu.dma_semaphore, #tpu.memory_space<semaphore_mem>>) src(%dma_wait3A_257 : memref<16x768xf32, #tpu.memory_space<hbm>>) dst(%arg8 : memref<16x768xf32, #tpu.memory_space<vmem>>)
    %scan3A_258 = arith.constant 0 : i32
    %scan3A_259 = arith.constant 0 : i32
    %scan3A_260 = arith.constant 16 : i32
    %scan3A_261 = arith.addi %scan3A_259, %scan3A_260 : i32
    %scan3A_262 = arith.constant 1 : i32
    scf.for %scan3A_704 = %scan3A_259 to %scan3A_261 step %scan3A_262  : i32 {
      %parallel_loop3A = arith.constant 0 : i32
      %parallel_loop3A_705 = arith.constant 768 : i32
      %parallel_loop3A_706 = arith.constant 16 : i32
      scf.for %parallel_loop3A_707 = %parallel_loop3A to %parallel_loop3A_705 step %parallel_loop3A_706  : i32 {
        %parallel_loop3A_708 = arith.index_cast %scan3A_704 : i32 to index
        %parallel_loop3A_709 = arith.index_cast %parallel_loop3A_707 : i32 to index
        %parallel_loop3A_710 = tpu.vector_load %arg8[%parallel_loop3A_708, %parallel_loop3A_709] {strides = array<i32>} : memref<16x768xf32, #tpu.memory_space<vmem>>, vector<1x16xf32>,
        %parallel_loop3A_711 = vector.shape_cast %parallel_loop3A_710 : vector<1x16xf32> to vector<16xf32>
        %parallel_loop3A_712 = arith.constant 0 : i32
        %parallel_loop3A_713 = arith.index_cast %parallel_loop3A_712 : i32 to index
        %parallel_loop3A_714 = arith.index_cast %scan3A_704 : i32 to index
        %parallel_loop3A_715 = arith.index_cast %parallel_loop3A_707 : i32 to index
        %parallel_loop3A_716 = tpu.vector_load %arg6[%parallel_loop3A_713, %parallel_loop3A_714, %parallel_loop3A_715] {strides = array<i32>} : memref<4x16x768xf32, #tpu.memory_space<vmem>>, vector<1x1x16xf32>,
        %parallel_loop3A_717 = vector.shape_cast %parallel_loop3A_716 : vector<1x1x16xf32> to vector<16xf32>
        %parallel_loop3A_718 = arith.addf %parallel_loop3A_717, %parallel_loop3A_711 : vector<16xf32>
        %parallel_loop3A_719 = arith.constant 0 : i32
        %parallel_loop3A_720 = arith.index_cast %parallel_loop3A_719 : i32 to index
        %parallel_loop3A_721 = arith.index_cast %scan3A_704 : i32 to index
        %parallel_loop3A_722 = arith.index_cast %parallel_loop3A_707 : i32 to index
        %parallel_loop3A_723 = tpu.vector_load %arg6[%parallel_loop3A_720, %parallel_loop3A_721, %parallel_loop3A_722] {strides = array<i32>} : memref<4x16x768xf32, #tpu.memory_space<vmem>>, vector<1x1x16xf32>,
        %parallel_loop3A_724 = vector.shape_cast %parallel_loop3A_723 : vector<1x1x16xf32> to vector<16xf32>
        %parallel_loop3A_725 = vector.shape_cast %parallel_loop3A_718 : vector<16xf32> to vector<1x1x16xf32>
        tpu.vector_store %arg6[%parallel_loop3A_720, %parallel_loop3A_721, %parallel_loop3A_722], %parallel_loop3A_725 {strides = array<i32>} : memref<4x16x768xf32, #tpu.memory_space<vmem>>, vector<1x1x16xf32>,
        %parallel_loop3A_726 = arith.constant 1 : i32
        %parallel_loop3A_727 = arith.index_cast %parallel_loop3A_726 : i32 to index
        %parallel_loop3A_728 = arith.index_cast %scan3A_704 : i32 to index
        %parallel_loop3A_729 = arith.index_cast %parallel_loop3A_707 : i32 to index
        %parallel_loop3A_730 = tpu.vector_load %arg6[%parallel_loop3A_727, %parallel_loop3A_728, %parallel_loop3A_729] {strides = array<i32>} : memref<4x16x768xf32, #tpu.memory_space<vmem>>, vector<1x1x16xf32>,
        %parallel_loop3A_731 = vector.shape_cast %parallel_loop3A_730 : vector<1x1x16xf32> to vector<16xf32>
        %parallel_loop3A_732 = arith.addf %parallel_loop3A_731, %parallel_loop3A_711 : vector<16xf32>
        %parallel_loop3A_733 = arith.constant 1 : i32
        %parallel_loop3A_734 = arith.index_cast %parallel_loop3A_733 : i32 to index
        %parallel_loop3A_735 = arith.index_cast %scan3A_704 : i32 to index
        %parallel_loop3A_736 = arith.index_cast %parallel_loop3A_707 : i32 to index
        %parallel_loop3A_737 = tpu.vector_load %arg6[%parallel_loop3A_734, %parallel_loop3A_735, %parallel_loop3A_736] {strides = array<i32>} : memref<4x16x768xf32, #tpu.memory_space<vmem>>, vector<1x1x16xf32>,
        %parallel_loop3A_738 = vector.shape_cast %parallel_loop3A_737 : vector<1x1x16xf32> to vector<16xf32>
        %parallel_loop3A_739 = vector.shape_cast %parallel_loop3A_732 : vector<16xf32> to vector<1x1x16xf32>
        tpu.vector_store %arg6[%parallel_loop3A_734, %parallel_loop3A_735, %parallel_loop3A_736], %parallel_loop3A_739 {strides = array<i32>} : memref<4x16x768xf32, #tpu.memory_space<vmem>>, vector<1x1x16xf32>,
        %parallel_loop3A_740 = arith.constant 2 : i32
        %parallel_loop3A_741 = arith.index_cast %parallel_loop3A_740 : i32 to index
        %parallel_loop3A_742 = arith.index_cast %scan3A_704 : i32 to index
        %parallel_loop3A_743 = arith.index_cast %parallel_loop3A_707 : i32 to index
        %parallel_loop3A_744 = tpu.vector_load %arg6[%parallel_loop3A_741, %parallel_loop3A_742, %parallel_loop3A_743] {strides = array<i32>} : memref<4x16x768xf32, #tpu.memory_space<vmem>>, vector<1x1x16xf32>,
        %parallel_loop3A_745 = vector.shape_cast %parallel_loop3A_744 : vector<1x1x16xf32> to vector<16xf32>
        %parallel_loop3A_746 = arith.addf %parallel_loop3A_745, %parallel_loop3A_711 : vector<16xf32>
        %parallel_loop3A_747 = arith.constant 2 : i32
        %parallel_loop3A_748 = arith.index_cast %parallel_loop3A_747 : i32 to index
        %parallel_loop3A_749 = arith.index_cast %scan3A_704 : i32 to index
        %parallel_loop3A_750 = arith.index_cast %parallel_loop3A_707 : i32 to index
        %parallel_loop3A_751 = tpu.vector_load %arg6[%parallel_loop3A_748, %parallel_loop3A_749, %parallel_loop3A_750] {strides = array<i32>} : memref<4x16x768xf32, #tpu.memory_space<vmem>>, vector<1x1x16xf32>,
        %parallel_loop3A_752 = vector.shape_cast %parallel_loop3A_751 : vector<1x1x16xf32> to vector<16xf32>
        %parallel_loop3A_753 = vector.shape_cast %parallel_loop3A_746 : vector<16xf32> to vector<1x1x16xf32>
        tpu.vector_store %arg6[%parallel_loop3A_748, %parallel_loop3A_749, %parallel_loop3A_750], %parallel_loop3A_753 {strides = array<i32>} : memref<4x16x768xf32, #tpu.memory_space<vmem>>, vector<1x1x16xf32>,
        %parallel_loop3A_754 = arith.constant 3 : i32
        %parallel_loop3A_755 = arith.index_cast %parallel_loop3A_754 : i32 to index
        %parallel_loop3A_756 = arith.index_cast %scan3A_704 : i32 to index
        %parallel_loop3A_757 = arith.index_cast %parallel_loop3A_707 : i32 to index
        %parallel_loop3A_758 = tpu.vector_load %arg6[%parallel_loop3A_755, %parallel_loop3A_756, %parallel_loop3A_757] {strides = array<i32>} : memref<4x16x768xf32, #tpu.memory_space<vmem>>, vector<1x1x16xf32>,
        %parallel_loop3A_759 = vector.shape_cast %parallel_loop3A_758 : vector<1x1x16xf32> to vector<16xf32>
        %parallel_loop3A_760 = arith.addf %parallel_loop3A_759, %parallel_loop3A_711 : vector<16xf32>
        %parallel_loop3A_761 = arith.constant 3 : i32
        %parallel_loop3A_762 = arith.index_cast %parallel_loop3A_761 : i32 to index
        %parallel_loop3A_763 = arith.index_cast %scan3A_704 : i32 to index
        %parallel_loop3A_764 = arith.index_cast %parallel_loop3A_707 : i32 to index
        %parallel_loop3A_765 = tpu.vector_load %arg6[%parallel_loop3A_762, %parallel_loop3A_763, %parallel_loop3A_764] {strides = array<i32>} : memref<4x16x768xf32, #tpu.memory_space<vmem>>, vector<1x1x16xf32>,
        %parallel_loop3A_766 = vector.shape_cast %parallel_loop3A_765 : vector<1x1x16xf32> to vector<16xf32>
        %parallel_loop3A_767 = vector.shape_cast %parallel_loop3A_760 : vector<16xf32> to vector<1x1x16xf32>
        tpu.vector_store %arg6[%parallel_loop3A_762, %parallel_loop3A_763, %parallel_loop3A_764], %parallel_loop3A_767 {strides = array<i32>} : memref<4x16x768xf32, #tpu.memory_space<vmem>>, vector<1x1x16xf32>,
      } {sc.loop_unroll_factor = 8 : i64, sc.parallel_access}
    }
    %scan3A_263 = arith.constant 16 : i32
    %add3A_264 = arith.constant 80 : i32
    %add3A_265 = arith.addi %mul3A_2, %add3A_264 : i32
    %dma_start3A_266 = arith.constant 0 : i32
    %dma_start3A_267 = arith.constant 0 : i32
    %dma_start3A_268 = tpu.memref_slice %arg4[%dma_start3A_266, %add3A_265, %dma_start3A_267] : memref<4x8192x768xf32, #tpu.memory_space<hbm>> -> memref<4x16x768xf32, #tpu.memory_space<hbm>>
    %dma_start3A_269 = arith.constant 0 : i32
    %dma_start3A_270 = arith.constant 0 : i32
    %dma_start3A_271 = tpu.memref_slice %arg4[%dma_start3A_269, %add3A_265, %dma_start3A_270] : memref<4x8192x768xf32, #tpu.memory_space<hbm>> -> memref<4x16x768xf32, #tpu.memory_space<hbm>>
    tpu.enqueue_dma source(%arg6 : memref<4x16x768xf32, #tpu.memory_space<vmem>>) target(%dma_start3A_271 : memref<4x16x768xf32, #tpu.memory_space<hbm>>) target_semaphore(%arg14 : memref<!tpu.dma_semaphore, #tpu.memory_space<semaphore_mem>>)
    %dma_wait3A_272 = arith.constant 0 : i32
    %dma_wait3A_273 = arith.constant 0 : i32
    %dma_wait3A_274 = tpu.memref_slice %arg4[%dma_wait3A_272, %add3A_265, %dma_wait3A_273] : memref<4x8192x768xf32, #tpu.memory_space<hbm>> -> memref<4x16x768xf32, #tpu.memory_space<hbm>>
    %dma_wait3A_275 = arith.constant 0 : i32
    %dma_wait3A_276 = arith.constant 0 : i32
    %dma_wait3A_277 = tpu.memref_slice %arg4[%dma_wait3A_275, %add3A_265, %dma_wait3A_276] : memref<4x8192x768xf32, #tpu.memory_space<hbm>> -> memref<4x16x768xf32, #tpu.memory_space<hbm>>
    tpu.wait_dma2 semaphore(%arg14 : memref<!tpu.dma_semaphore, #tpu.memory_space<semaphore_mem>>) src(%arg6 : memref<4x16x768xf32, #tpu.memory_space<vmem>>) dst(%dma_wait3A_277 : memref<4x16x768xf32, #tpu.memory_space<hbm>>)
    %add3A_278 = arith.constant 112 : i32
    %add3A_279 = arith.addi %mul3A_2, %add3A_278 : i32
    %dma_start3A_280 = arith.constant 0 : i32
    %dma_start3A_281 = arith.constant 0 : i32
    %dma_start3A_282 = tpu.memref_slice %arg2[%dma_start3A_280, %add3A_279, %dma_start3A_281] : memref<4x8192x768xf32, #tpu.memory_space<hbm>> -> memref<4x16x768xf32, #tpu.memory_space<hbm>>
    %dma_start3A_283 = arith.constant 0 : i32
    %dma_start3A_284 = arith.constant 0 : i32
    %dma_start3A_285 = tpu.memref_slice %arg2[%dma_start3A_283, %add3A_279, %dma_start3A_284] : memref<4x8192x768xf32, #tpu.memory_space<hbm>> -> memref<4x16x768xf32, #tpu.memory_space<hbm>>
    tpu.enqueue_dma source(%dma_start3A_285 : memref<4x16x768xf32, #tpu.memory_space<hbm>>) target(%arg6 : memref<4x16x768xf32, #tpu.memory_space<vmem>>) target_semaphore(%arg10 : memref<!tpu.dma_semaphore, #tpu.memory_space<semaphore_mem>>)
    %add3A_286 = arith.constant 112 : i32
    %add3A_287 = arith.addi %mul3A_2, %add3A_286 : i32
    %dma_start3A_288 = arith.constant 0 : i32
    %dma_start3A_289 = tpu.memref_slice %arg3[%add3A_287, %dma_start3A_288] : memref<8192x768xf32, #tpu.memory_space<hbm>> -> memref<16x768xf32, #tpu.memory_space<hbm>>
    %dma_start3A_290 = arith.constant 0 : i32
    %dma_start3A_291 = tpu.memref_slice %arg3[%add3A_287, %dma_start3A_290] : memref<8192x768xf32, #tpu.memory_space<hbm>> -> memref<16x768xf32, #tpu.memory_space<hbm>>
    tpu.enqueue_dma source(%dma_start3A_291 : memref<16x768xf32, #tpu.memory_space<hbm>>) target(%arg8 : memref<16x768xf32, #tpu.memory_space<vmem>>) target_semaphore(%arg12 : memref<!tpu.dma_semaphore, #tpu.memory_space<semaphore_mem>>)
    %dma_wait3A_292 = arith.constant 0 : i32
    %dma_wait3A_293 = arith.constant 0 : i32
    %dma_wait3A_294 = tpu.memref_slice %arg2[%dma_wait3A_292, %add3A_235, %dma_wait3A_293] : memref<4x8192x768xf32, #tpu.memory_space<hbm>> -> memref<4x16x768xf32, #tpu.memory_space<hbm>>
    %dma_wait3A_295 = arith.constant 0 : i32
    %dma_wait3A_296 = arith.constant 0 : i32
    %dma_wait3A_297 = tpu.memref_slice %arg2[%dma_wait3A_295, %add3A_235, %dma_wait3A_296] : memref<4x8192x768xf32, #tpu.memory_space<hbm>> -> memref<4x16x768xf32, #tpu.memory_space<hbm>>
    tpu.wait_dma2 semaphore(%arg9 : memref<!tpu.dma_semaphore, #tpu.memory_space<semaphore_mem>>) src(%dma_wait3A_297 : memref<4x16x768xf32, #tpu.memory_space<hbm>>) dst(%arg5 : memref<4x16x768xf32, #tpu.memory_space<vmem>>)
    %dma_wait3A_298 = arith.constant 0 : i32
    %dma_wait3A_299 = tpu.memref_slice %arg3[%add3A_243, %dma_wait3A_298] : memref<8192x768xf32, #tpu.memory_space<hbm>> -> memref<16x768xf32, #tpu.memory_space<hbm>>
    %dma_wait3A_300 = arith.constant 0 : i32
    %dma_wait3A_301 = tpu.memref_slice %arg3[%add3A_243, %dma_wait3A_300] : memref<8192x768xf32, #tpu.memory_space<hbm>> -> memref<16x768xf32, #tpu.memory_space<hbm>>
    tpu.wait_dma2 semaphore(%arg11 : memref<!tpu.dma_semaphore, #tpu.memory_space<semaphore_mem>>) src(%dma_wait3A_301 : memref<16x768xf32, #tpu.memory_space<hbm>>) dst(%arg7 : memref<16x768xf32, #tpu.memory_space<vmem>>)
    %scan3A_302 = arith.constant 0 : i32
    %scan3A_303 = arith.constant 0 : i32
    %scan3A_304 = arith.constant 16 : i32
    %scan3A_305 = arith.addi %scan3A_303, %scan3A_304 : i32
    %scan3A_306 = arith.constant 1 : i32
    scf.for %scan3A_704 = %scan3A_303 to %scan3A_305 step %scan3A_306  : i32 {
      %parallel_loop3A = arith.constant 0 : i32
      %parallel_loop3A_705 = arith.constant 768 : i32
      %parallel_loop3A_706 = arith.constant 16 : i32
      scf.for %parallel_loop3A_707 = %parallel_loop3A to %parallel_loop3A_705 step %parallel_loop3A_706  : i32 {
        %parallel_loop3A_708 = arith.index_cast %scan3A_704 : i32 to index
        %parallel_loop3A_709 = arith.index_cast %parallel_loop3A_707 : i32 to index
        %parallel_loop3A_710 = tpu.vector_load %arg7[%parallel_loop3A_708, %parallel_loop3A_709] {strides = array<i32>} : memref<16x768xf32, #tpu.memory_space<vmem>>, vector<1x16xf32>,
        %parallel_loop3A_711 = vector.shape_cast %parallel_loop3A_710 : vector<1x16xf32> to vector<16xf32>
        %parallel_loop3A_712 = arith.constant 0 : i32
        %parallel_loop3A_713 = arith.index_cast %parallel_loop3A_712 : i32 to index
        %parallel_loop3A_714 = arith.index_cast %scan3A_704 : i32 to index
        %parallel_loop3A_715 = arith.index_cast %parallel_loop3A_707 : i32 to index
        %parallel_loop3A_716 = tpu.vector_load %arg5[%parallel_loop3A_713, %parallel_loop3A_714, %parallel_loop3A_715] {strides = array<i32>} : memref<4x16x768xf32, #tpu.memory_space<vmem>>, vector<1x1x16xf32>,
        %parallel_loop3A_717 = vector.shape_cast %parallel_loop3A_716 : vector<1x1x16xf32> to vector<16xf32>
        %parallel_loop3A_718 = arith.addf %parallel_loop3A_717, %parallel_loop3A_711 : vector<16xf32>
        %parallel_loop3A_719 = arith.constant 0 : i32
        %parallel_loop3A_720 = arith.index_cast %parallel_loop3A_719 : i32 to index
        %parallel_loop3A_721 = arith.index_cast %scan3A_704 : i32 to index
        %parallel_loop3A_722 = arith.index_cast %parallel_loop3A_707 : i32 to index
        %parallel_loop3A_723 = tpu.vector_load %arg5[%parallel_loop3A_720, %parallel_loop3A_721, %parallel_loop3A_722] {strides = array<i32>} : memref<4x16x768xf32, #tpu.memory_space<vmem>>, vector<1x1x16xf32>,
        %parallel_loop3A_724 = vector.shape_cast %parallel_loop3A_723 : vector<1x1x16xf32> to vector<16xf32>
        %parallel_loop3A_725 = vector.shape_cast %parallel_loop3A_718 : vector<16xf32> to vector<1x1x16xf32>
        tpu.vector_store %arg5[%parallel_loop3A_720, %parallel_loop3A_721, %parallel_loop3A_722], %parallel_loop3A_725 {strides = array<i32>} : memref<4x16x768xf32, #tpu.memory_space<vmem>>, vector<1x1x16xf32>,
        %parallel_loop3A_726 = arith.constant 1 : i32
        %parallel_loop3A_727 = arith.index_cast %parallel_loop3A_726 : i32 to index
        %parallel_loop3A_728 = arith.index_cast %scan3A_704 : i32 to index
        %parallel_loop3A_729 = arith.index_cast %parallel_loop3A_707 : i32 to index
        %parallel_loop3A_730 = tpu.vector_load %arg5[%parallel_loop3A_727, %parallel_loop3A_728, %parallel_loop3A_729] {strides = array<i32>} : memref<4x16x768xf32, #tpu.memory_space<vmem>>, vector<1x1x16xf32>,
        %parallel_loop3A_731 = vector.shape_cast %parallel_loop3A_730 : vector<1x1x16xf32> to vector<16xf32>
        %parallel_loop3A_732 = arith.addf %parallel_loop3A_731, %parallel_loop3A_711 : vector<16xf32>
        %parallel_loop3A_733 = arith.constant 1 : i32
        %parallel_loop3A_734 = arith.index_cast %parallel_loop3A_733 : i32 to index
        %parallel_loop3A_735 = arith.index_cast %scan3A_704 : i32 to index
        %parallel_loop3A_736 = arith.index_cast %parallel_loop3A_707 : i32 to index
        %parallel_loop3A_737 = tpu.vector_load %arg5[%parallel_loop3A_734, %parallel_loop3A_735, %parallel_loop3A_736] {strides = array<i32>} : memref<4x16x768xf32, #tpu.memory_space<vmem>>, vector<1x1x16xf32>,
        %parallel_loop3A_738 = vector.shape_cast %parallel_loop3A_737 : vector<1x1x16xf32> to vector<16xf32>
        %parallel_loop3A_739 = vector.shape_cast %parallel_loop3A_732 : vector<16xf32> to vector<1x1x16xf32>
        tpu.vector_store %arg5[%parallel_loop3A_734, %parallel_loop3A_735, %parallel_loop3A_736], %parallel_loop3A_739 {strides = array<i32>} : memref<4x16x768xf32, #tpu.memory_space<vmem>>, vector<1x1x16xf32>,
        %parallel_loop3A_740 = arith.constant 2 : i32
        %parallel_loop3A_741 = arith.index_cast %parallel_loop3A_740 : i32 to index
        %parallel_loop3A_742 = arith.index_cast %scan3A_704 : i32 to index
        %parallel_loop3A_743 = arith.index_cast %parallel_loop3A_707 : i32 to index
        %parallel_loop3A_744 = tpu.vector_load %arg5[%parallel_loop3A_741, %parallel_loop3A_742, %parallel_loop3A_743] {strides = array<i32>} : memref<4x16x768xf32, #tpu.memory_space<vmem>>, vector<1x1x16xf32>,
        %parallel_loop3A_745 = vector.shape_cast %parallel_loop3A_744 : vector<1x1x16xf32> to vector<16xf32>
        %parallel_loop3A_746 = arith.addf %parallel_loop3A_745, %parallel_loop3A_711 : vector<16xf32>
        %parallel_loop3A_747 = arith.constant 2 : i32
        %parallel_loop3A_748 = arith.index_cast %parallel_loop3A_747 : i32 to index
        %parallel_loop3A_749 = arith.index_cast %scan3A_704 : i32 to index
        %parallel_loop3A_750 = arith.index_cast %parallel_loop3A_707 : i32 to index
        %parallel_loop3A_751 = tpu.vector_load %arg5[%parallel_loop3A_748, %parallel_loop3A_749, %parallel_loop3A_750] {strides = array<i32>} : memref<4x16x768xf32, #tpu.memory_space<vmem>>, vector<1x1x16xf32>,
        %parallel_loop3A_752 = vector.shape_cast %parallel_loop3A_751 : vector<1x1x16xf32> to vector<16xf32>
        %parallel_loop3A_753 = vector.shape_cast %parallel_loop3A_746 : vector<16xf32> to vector<1x1x16xf32>
        tpu.vector_store %arg5[%parallel_loop3A_748, %parallel_loop3A_749, %parallel_loop3A_750], %parallel_loop3A_753 {strides = array<i32>} : memref<4x16x768xf32, #tpu.memory_space<vmem>>, vector<1x1x16xf32>,
        %parallel_loop3A_754 = arith.constant 3 : i32
        %parallel_loop3A_755 = arith.index_cast %parallel_loop3A_754 : i32 to index
        %parallel_loop3A_756 = arith.index_cast %scan3A_704 : i32 to index
        %parallel_loop3A_757 = arith.index_cast %parallel_loop3A_707 : i32 to index
        %parallel_loop3A_758 = tpu.vector_load %arg5[%parallel_loop3A_755, %parallel_loop3A_756, %parallel_loop3A_757] {strides = array<i32>} : memref<4x16x768xf32, #tpu.memory_space<vmem>>, vector<1x1x16xf32>,
        %parallel_loop3A_759 = vector.shape_cast %parallel_loop3A_758 : vector<1x1x16xf32> to vector<16xf32>
        %parallel_loop3A_760 = arith.addf %parallel_loop3A_759, %parallel_loop3A_711 : vector<16xf32>
        %parallel_loop3A_761 = arith.constant 3 : i32
        %parallel_loop3A_762 = arith.index_cast %parallel_loop3A_761 : i32 to index
        %parallel_loop3A_763 = arith.index_cast %scan3A_704 : i32 to index
        %parallel_loop3A_764 = arith.index_cast %parallel_loop3A_707 : i32 to index
        %parallel_loop3A_765 = tpu.vector_load %arg5[%parallel_loop3A_762, %parallel_loop3A_763, %parallel_loop3A_764] {strides = array<i32>} : memref<4x16x768xf32, #tpu.memory_space<vmem>>, vector<1x1x16xf32>,
        %parallel_loop3A_766 = vector.shape_cast %parallel_loop3A_765 : vector<1x1x16xf32> to vector<16xf32>
        %parallel_loop3A_767 = vector.shape_cast %parallel_loop3A_760 : vector<16xf32> to vector<1x1x16xf32>
        tpu.vector_store %arg5[%parallel_loop3A_762, %parallel_loop3A_763, %parallel_loop3A_764], %parallel_loop3A_767 {strides = array<i32>} : memref<4x16x768xf32, #tpu.memory_space<vmem>>, vector<1x1x16xf32>,
      } {sc.loop_unroll_factor = 8 : i64, sc.parallel_access}
    }
    %scan3A_307 = arith.constant 16 : i32
    %add3A_308 = arith.constant 96 : i32
    %add3A_309 = arith.addi %mul3A_2, %add3A_308 : i32
    %dma_start3A_310 = arith.constant 0 : i32
    %dma_start3A_311 = arith.constant 0 : i32
    %dma_start3A_312 = tpu.memref_slice %arg4[%dma_start3A_310, %add3A_309, %dma_start3A_311] : memref<4x8192x768xf32, #tpu.memory_space<hbm>> -> memref<4x16x768xf32, #tpu.memory_space<hbm>>
    %dma_start3A_313 = arith.constant 0 : i32
    %dma_start3A_314 = arith.constant 0 : i32
    %dma_start3A_315 = tpu.memref_slice %arg4[%dma_start3A_313, %add3A_309, %dma_start3A_314] : memref<4x8192x768xf32, #tpu.memory_space<hbm>> -> memref<4x16x768xf32, #tpu.memory_space<hbm>>
    tpu.enqueue_dma source(%arg5 : memref<4x16x768xf32, #tpu.memory_space<vmem>>) target(%dma_start3A_315 : memref<4x16x768xf32, #tpu.memory_space<hbm>>) target_semaphore(%arg13 : memref<!tpu.dma_semaphore, #tpu.memory_space<semaphore_mem>>)
    %dma_wait3A_316 = arith.constant 0 : i32
    %dma_wait3A_317 = arith.constant 0 : i32
    %dma_wait3A_318 = tpu.memref_slice %arg4[%dma_wait3A_316, %add3A_309, %dma_wait3A_317] : memref<4x8192x768xf32, #tpu.memory_space<hbm>> -> memref<4x16x768xf32, #tpu.memory_space<hbm>>
    %dma_wait3A_319 = arith.constant 0 : i32
    %dma_wait3A_320 = arith.constant 0 : i32
    %dma_wait3A_321 = tpu.memref_slice %arg4[%dma_wait3A_319, %add3A_309, %dma_wait3A_320] : memref<4x8192x768xf32, #tpu.memory_space<hbm>> -> memref<4x16x768xf32, #tpu.memory_space<hbm>>
    tpu.wait_dma2 semaphore(%arg13 : memref<!tpu.dma_semaphore, #tpu.memory_space<semaphore_mem>>) src(%arg5 : memref<4x16x768xf32, #tpu.memory_space<vmem>>) dst(%dma_wait3A_321 : memref<4x16x768xf32, #tpu.memory_space<hbm>>)
    %add3A_322 = arith.constant 128 : i32
    %add3A_323 = arith.addi %mul3A_2, %add3A_322 : i32
    %dma_start3A_324 = arith.constant 0 : i32
    %dma_start3A_325 = arith.constant 0 : i32
    %dma_start3A_326 = tpu.memref_slice %arg2[%dma_start3A_324, %add3A_323, %dma_start3A_325] : memref<4x8192x768xf32, #tpu.memory_space<hbm>> -> memref<4x16x768xf32, #tpu.memory_space<hbm>>
    %dma_start3A_327 = arith.constant 0 : i32
    %dma_start3A_328 = arith.constant 0 : i32
    %dma_start3A_329 = tpu.memref_slice %arg2[%dma_start3A_327, %add3A_323, %dma_start3A_328] : memref<4x8192x768xf32, #tpu.memory_space<hbm>> -> memref<4x16x768xf32, #tpu.memory_space<hbm>>
    tpu.enqueue_dma source(%dma_start3A_329 : memref<4x16x768xf32, #tpu.memory_space<hbm>>) target(%arg5 : memref<4x16x768xf32, #tpu.memory_space<vmem>>) target_semaphore(%arg9 : memref<!tpu.dma_semaphore, #tpu.memory_space<semaphore_mem>>)
    %add3A_330 = arith.constant 128 : i32
    %add3A_331 = arith.addi %mul3A_2, %add3A_330 : i32
    %dma_start3A_332 = arith.constant 0 : i32
    %dma_start3A_333 = tpu.memref_slice %arg3[%add3A_331, %dma_start3A_332] : memref<8192x768xf32, #tpu.memory_space<hbm>> -> memref<16x768xf32, #tpu.memory_space<hbm>>
    %dma_start3A_334 = arith.constant 0 : i32
    %dma_start3A_335 = tpu.memref_slice %arg3[%add3A_331, %dma_start3A_334] : memref<8192x768xf32, #tpu.memory_space<hbm>> -> memref<16x768xf32, #tpu.memory_space<hbm>>
    tpu.enqueue_dma source(%dma_start3A_335 : memref<16x768xf32, #tpu.memory_space<hbm>>) target(%arg7 : memref<16x768xf32, #tpu.memory_space<vmem>>) target_semaphore(%arg11 : memref<!tpu.dma_semaphore, #tpu.memory_space<semaphore_mem>>)
    %dma_wait3A_336 = arith.constant 0 : i32
    %dma_wait3A_337 = arith.constant 0 : i32
    %dma_wait3A_338 = tpu.memref_slice %arg2[%dma_wait3A_336, %add3A_279, %dma_wait3A_337] : memref<4x8192x768xf32, #tpu.memory_space<hbm>> -> memref<4x16x768xf32, #tpu.memory_space<hbm>>
    %dma_wait3A_339 = arith.constant 0 : i32
    %dma_wait3A_340 = arith.constant 0 : i32
    %dma_wait3A_341 = tpu.memref_slice %arg2[%dma_wait3A_339, %add3A_279, %dma_wait3A_340] : memref<4x8192x768xf32, #tpu.memory_space<hbm>> -> memref<4x16x768xf32, #tpu.memory_space<hbm>>
    tpu.wait_dma2 semaphore(%arg10 : memref<!tpu.dma_semaphore, #tpu.memory_space<semaphore_mem>>) src(%dma_wait3A_341 : memref<4x16x768xf32, #tpu.memory_space<hbm>>) dst(%arg6 : memref<4x16x768xf32, #tpu.memory_space<vmem>>)
    %dma_wait3A_342 = arith.constant 0 : i32
    %dma_wait3A_343 = tpu.memref_slice %arg3[%add3A_287, %dma_wait3A_342] : memref<8192x768xf32, #tpu.memory_space<hbm>> -> memref<16x768xf32, #tpu.memory_space<hbm>>
    %dma_wait3A_344 = arith.constant 0 : i32
    %dma_wait3A_345 = tpu.memref_slice %arg3[%add3A_287, %dma_wait3A_344] : memref<8192x768xf32, #tpu.memory_space<hbm>> -> memref<16x768xf32, #tpu.memory_space<hbm>>
    tpu.wait_dma2 semaphore(%arg12 : memref<!tpu.dma_semaphore, #tpu.memory_space<semaphore_mem>>) src(%dma_wait3A_345 : memref<16x768xf32, #tpu.memory_space<hbm>>) dst(%arg8 : memref<16x768xf32, #tpu.memory_space<vmem>>)
    %scan3A_346 = arith.constant 0 : i32
    %scan3A_347 = arith.constant 0 : i32
    %scan3A_348 = arith.constant 16 : i32
    %scan3A_349 = arith.addi %scan3A_347, %scan3A_348 : i32
    %scan3A_350 = arith.constant 1 : i32
    scf.for %scan3A_704 = %scan3A_347 to %scan3A_349 step %scan3A_350  : i32 {
      %parallel_loop3A = arith.constant 0 : i32
      %parallel_loop3A_705 = arith.constant 768 : i32
      %parallel_loop3A_706 = arith.constant 16 : i32
      scf.for %parallel_loop3A_707 = %parallel_loop3A to %parallel_loop3A_705 step %parallel_loop3A_706  : i32 {
        %parallel_loop3A_708 = arith.index_cast %scan3A_704 : i32 to index
        %parallel_loop3A_709 = arith.index_cast %parallel_loop3A_707 : i32 to index
        %parallel_loop3A_710 = tpu.vector_load %arg8[%parallel_loop3A_708, %parallel_loop3A_709] {strides = array<i32>} : memref<16x768xf32, #tpu.memory_space<vmem>>, vector<1x16xf32>,
        %parallel_loop3A_711 = vector.shape_cast %parallel_loop3A_710 : vector<1x16xf32> to vector<16xf32>
        %parallel_loop3A_712 = arith.constant 0 : i32
        %parallel_loop3A_713 = arith.index_cast %parallel_loop3A_712 : i32 to index
        %parallel_loop3A_714 = arith.index_cast %scan3A_704 : i32 to index
        %parallel_loop3A_715 = arith.index_cast %parallel_loop3A_707 : i32 to index
        %parallel_loop3A_716 = tpu.vector_load %arg6[%parallel_loop3A_713, %parallel_loop3A_714, %parallel_loop3A_715] {strides = array<i32>} : memref<4x16x768xf32, #tpu.memory_space<vmem>>, vector<1x1x16xf32>,
        %parallel_loop3A_717 = vector.shape_cast %parallel_loop3A_716 : vector<1x1x16xf32> to vector<16xf32>
        %parallel_loop3A_718 = arith.addf %parallel_loop3A_717, %parallel_loop3A_711 : vector<16xf32>
        %parallel_loop3A_719 = arith.constant 0 : i32
        %parallel_loop3A_720 = arith.index_cast %parallel_loop3A_719 : i32 to index
        %parallel_loop3A_721 = arith.index_cast %scan3A_704 : i32 to index
        %parallel_loop3A_722 = arith.index_cast %parallel_loop3A_707 : i32 to index
        %parallel_loop3A_723 = tpu.vector_load %arg6[%parallel_loop3A_720, %parallel_loop3A_721, %parallel_loop3A_722] {strides = array<i32>} : memref<4x16x768xf32, #tpu.memory_space<vmem>>, vector<1x1x16xf32>,
        %parallel_loop3A_724 = vector.shape_cast %parallel_loop3A_723 : vector<1x1x16xf32> to vector<16xf32>
        %parallel_loop3A_725 = vector.shape_cast %parallel_loop3A_718 : vector<16xf32> to vector<1x1x16xf32>
        tpu.vector_store %arg6[%parallel_loop3A_720, %parallel_loop3A_721, %parallel_loop3A_722], %parallel_loop3A_725 {strides = array<i32>} : memref<4x16x768xf32, #tpu.memory_space<vmem>>, vector<1x1x16xf32>,
        %parallel_loop3A_726 = arith.constant 1 : i32
        %parallel_loop3A_727 = arith.index_cast %parallel_loop3A_726 : i32 to index
        %parallel_loop3A_728 = arith.index_cast %scan3A_704 : i32 to index
        %parallel_loop3A_729 = arith.index_cast %parallel_loop3A_707 : i32 to index
        %parallel_loop3A_730 = tpu.vector_load %arg6[%parallel_loop3A_727, %parallel_loop3A_728, %parallel_loop3A_729] {strides = array<i32>} : memref<4x16x768xf32, #tpu.memory_space<vmem>>, vector<1x1x16xf32>,
        %parallel_loop3A_731 = vector.shape_cast %parallel_loop3A_730 : vector<1x1x16xf32> to vector<16xf32>
        %parallel_loop3A_732 = arith.addf %parallel_loop3A_731, %parallel_loop3A_711 : vector<16xf32>
        %parallel_loop3A_733 = arith.constant 1 : i32
        %parallel_loop3A_734 = arith.index_cast %parallel_loop3A_733 : i32 to index
        %parallel_loop3A_735 = arith.index_cast %scan3A_704 : i32 to index
        %parallel_loop3A_736 = arith.index_cast %parallel_loop3A_707 : i32 to index
        %parallel_loop3A_737 = tpu.vector_load %arg6[%parallel_loop3A_734, %parallel_loop3A_735, %parallel_loop3A_736] {strides = array<i32>} : memref<4x16x768xf32, #tpu.memory_space<vmem>>, vector<1x1x16xf32>,
        %parallel_loop3A_738 = vector.shape_cast %parallel_loop3A_737 : vector<1x1x16xf32> to vector<16xf32>
        %parallel_loop3A_739 = vector.shape_cast %parallel_loop3A_732 : vector<16xf32> to vector<1x1x16xf32>
        tpu.vector_store %arg6[%parallel_loop3A_734, %parallel_loop3A_735, %parallel_loop3A_736], %parallel_loop3A_739 {strides = array<i32>} : memref<4x16x768xf32, #tpu.memory_space<vmem>>, vector<1x1x16xf32>,
        %parallel_loop3A_740 = arith.constant 2 : i32
        %parallel_loop3A_741 = arith.index_cast %parallel_loop3A_740 : i32 to index
        %parallel_loop3A_742 = arith.index_cast %scan3A_704 : i32 to index
        %parallel_loop3A_743 = arith.index_cast %parallel_loop3A_707 : i32 to index
        %parallel_loop3A_744 = tpu.vector_load %arg6[%parallel_loop3A_741, %parallel_loop3A_742, %parallel_loop3A_743] {strides = array<i32>} : memref<4x16x768xf32, #tpu.memory_space<vmem>>, vector<1x1x16xf32>,
        %parallel_loop3A_745 = vector.shape_cast %parallel_loop3A_744 : vector<1x1x16xf32> to vector<16xf32>
        %parallel_loop3A_746 = arith.addf %parallel_loop3A_745, %parallel_loop3A_711 : vector<16xf32>
        %parallel_loop3A_747 = arith.constant 2 : i32
        %parallel_loop3A_748 = arith.index_cast %parallel_loop3A_747 : i32 to index
        %parallel_loop3A_749 = arith.index_cast %scan3A_704 : i32 to index
        %parallel_loop3A_750 = arith.index_cast %parallel_loop3A_707 : i32 to index
        %parallel_loop3A_751 = tpu.vector_load %arg6[%parallel_loop3A_748, %parallel_loop3A_749, %parallel_loop3A_750] {strides = array<i32>} : memref<4x16x768xf32, #tpu.memory_space<vmem>>, vector<1x1x16xf32>,
        %parallel_loop3A_752 = vector.shape_cast %parallel_loop3A_751 : vector<1x1x16xf32> to vector<16xf32>
        %parallel_loop3A_753 = vector.shape_cast %parallel_loop3A_746 : vector<16xf32> to vector<1x1x16xf32>
        tpu.vector_store %arg6[%parallel_loop3A_748, %parallel_loop3A_749, %parallel_loop3A_750], %parallel_loop3A_753 {strides = array<i32>} : memref<4x16x768xf32, #tpu.memory_space<vmem>>, vector<1x1x16xf32>,
        %parallel_loop3A_754 = arith.constant 3 : i32
        %parallel_loop3A_755 = arith.index_cast %parallel_loop3A_754 : i32 to index
        %parallel_loop3A_756 = arith.index_cast %scan3A_704 : i32 to index
        %parallel_loop3A_757 = arith.index_cast %parallel_loop3A_707 : i32 to index
        %parallel_loop3A_758 = tpu.vector_load %arg6[%parallel_loop3A_755, %parallel_loop3A_756, %parallel_loop3A_757] {strides = array<i32>} : memref<4x16x768xf32, #tpu.memory_space<vmem>>, vector<1x1x16xf32>,
        %parallel_loop3A_759 = vector.shape_cast %parallel_loop3A_758 : vector<1x1x16xf32> to vector<16xf32>
        %parallel_loop3A_760 = arith.addf %parallel_loop3A_759, %parallel_loop3A_711 : vector<16xf32>
        %parallel_loop3A_761 = arith.constant 3 : i32
        %parallel_loop3A_762 = arith.index_cast %parallel_loop3A_761 : i32 to index
        %parallel_loop3A_763 = arith.index_cast %scan3A_704 : i32 to index
        %parallel_loop3A_764 = arith.index_cast %parallel_loop3A_707 : i32 to index
        %parallel_loop3A_765 = tpu.vector_load %arg6[%parallel_loop3A_762, %parallel_loop3A_763, %parallel_loop3A_764] {strides = array<i32>} : memref<4x16x768xf32, #tpu.memory_space<vmem>>, vector<1x1x16xf32>,
        %parallel_loop3A_766 = vector.shape_cast %parallel_loop3A_765 : vector<1x1x16xf32> to vector<16xf32>
        %parallel_loop3A_767 = vector.shape_cast %parallel_loop3A_760 : vector<16xf32> to vector<1x1x16xf32>
        tpu.vector_store %arg6[%parallel_loop3A_762, %parallel_loop3A_763, %parallel_loop3A_764], %parallel_loop3A_767 {strides = array<i32>} : memref<4x16x768xf32, #tpu.memory_space<vmem>>, vector<1x1x16xf32>,
      } {sc.loop_unroll_factor = 8 : i64, sc.parallel_access}
    }
    %scan3A_351 = arith.constant 16 : i32
    %add3A_352 = arith.constant 112 : i32
    %add3A_353 = arith.addi %mul3A_2, %add3A_352 : i32
    %dma_start3A_354 = arith.constant 0 : i32
    %dma_start3A_355 = arith.constant 0 : i32
    %dma_start3A_356 = tpu.memref_slice %arg4[%dma_start3A_354, %add3A_353, %dma_start3A_355] : memref<4x8192x768xf32, #tpu.memory_space<hbm>> -> memref<4x16x768xf32, #tpu.memory_space<hbm>>
    %dma_start3A_357 = arith.constant 0 : i32
    %dma_start3A_358 = arith.constant 0 : i32
    %dma_start3A_359 = tpu.memref_slice %arg4[%dma_start3A_357, %add3A_353, %dma_start3A_358] : memref<4x8192x768xf32, #tpu.memory_space<hbm>> -> memref<4x16x768xf32, #tpu.memory_space<hbm>>
    tpu.enqueue_dma source(%arg6 : memref<4x16x768xf32, #tpu.memory_space<vmem>>) target(%dma_start3A_359 : memref<4x16x768xf32, #tpu.memory_space<hbm>>) target_semaphore(%arg14 : memref<!tpu.dma_semaphore, #tpu.memory_space<semaphore_mem>>)
    %dma_wait3A_360 = arith.constant 0 : i32
    %dma_wait3A_361 = arith.constant 0 : i32
    %dma_wait3A_362 = tpu.memref_slice %arg4[%dma_wait3A_360, %add3A_353, %dma_wait3A_361] : memref<4x8192x768xf32, #tpu.memory_space<hbm>> -> memref<4x16x768xf32, #tpu.memory_space<hbm>>
    %dma_wait3A_363 = arith.constant 0 : i32
    %dma_wait3A_364 = arith.constant 0 : i32
    %dma_wait3A_365 = tpu.memref_slice %arg4[%dma_wait3A_363, %add3A_353, %dma_wait3A_364] : memref<4x8192x768xf32, #tpu.memory_space<hbm>> -> memref<4x16x768xf32, #tpu.memory_space<hbm>>
    tpu.wait_dma2 semaphore(%arg14 : memref<!tpu.dma_semaphore, #tpu.memory_space<semaphore_mem>>) src(%arg6 : memref<4x16x768xf32, #tpu.memory_space<vmem>>) dst(%dma_wait3A_365 : memref<4x16x768xf32, #tpu.memory_space<hbm>>)
    %add3A_366 = arith.constant 144 : i32
    %add3A_367 = arith.addi %mul3A_2, %add3A_366 : i32
    %dma_start3A_368 = arith.constant 0 : i32
    %dma_start3A_369 = arith.constant 0 : i32
    %dma_start3A_370 = tpu.memref_slice %arg2[%dma_start3A_368, %add3A_367, %dma_start3A_369] : memref<4x8192x768xf32, #tpu.memory_space<hbm>> -> memref<4x16x768xf32, #tpu.memory_space<hbm>>
    %dma_start3A_371 = arith.constant 0 : i32
    %dma_start3A_372 = arith.constant 0 : i32
    %dma_start3A_373 = tpu.memref_slice %arg2[%dma_start3A_371, %add3A_367, %dma_start3A_372] : memref<4x8192x768xf32, #tpu.memory_space<hbm>> -> memref<4x16x768xf32, #tpu.memory_space<hbm>>
    tpu.enqueue_dma source(%dma_start3A_373 : memref<4x16x768xf32, #tpu.memory_space<hbm>>) target(%arg6 : memref<4x16x768xf32, #tpu.memory_space<vmem>>) target_semaphore(%arg10 : memref<!tpu.dma_semaphore, #tpu.memory_space<semaphore_mem>>)
    %add3A_374 = arith.constant 144 : i32
    %add3A_375 = arith.addi %mul3A_2, %add3A_374 : i32
    %dma_start3A_376 = arith.constant 0 : i32
    %dma_start3A_377 = tpu.memref_slice %arg3[%add3A_375, %dma_start3A_376] : memref<8192x768xf32, #tpu.memory_space<hbm>> -> memref<16x768xf32, #tpu.memory_space<hbm>>
    %dma_start3A_378 = arith.constant 0 : i32
    %dma_start3A_379 = tpu.memref_slice %arg3[%add3A_375, %dma_start3A_378] : memref<8192x768xf32, #tpu.memory_space<hbm>> -> memref<16x768xf32, #tpu.memory_space<hbm>>
    tpu.enqueue_dma source(%dma_start3A_379 : memref<16x768xf32, #tpu.memory_space<hbm>>) target(%arg8 : memref<16x768xf32, #tpu.memory_space<vmem>>) target_semaphore(%arg12 : memref<!tpu.dma_semaphore, #tpu.memory_space<semaphore_mem>>)
    %dma_wait3A_380 = arith.constant 0 : i32
    %dma_wait3A_381 = arith.constant 0 : i32
    %dma_wait3A_382 = tpu.memref_slice %arg2[%dma_wait3A_380, %add3A_323, %dma_wait3A_381] : memref<4x8192x768xf32, #tpu.memory_space<hbm>> -> memref<4x16x768xf32, #tpu.memory_space<hbm>>
    %dma_wait3A_383 = arith.constant 0 : i32
    %dma_wait3A_384 = arith.constant 0 : i32
    %dma_wait3A_385 = tpu.memref_slice %arg2[%dma_wait3A_383, %add3A_323, %dma_wait3A_384] : memref<4x8192x768xf32, #tpu.memory_space<hbm>> -> memref<4x16x768xf32, #tpu.memory_space<hbm>>
    tpu.wait_dma2 semaphore(%arg9 : memref<!tpu.dma_semaphore, #tpu.memory_space<semaphore_mem>>) src(%dma_wait3A_385 : memref<4x16x768xf32, #tpu.memory_space<hbm>>) dst(%arg5 : memref<4x16x768xf32, #tpu.memory_space<vmem>>)
    %dma_wait3A_386 = arith.constant 0 : i32
    %dma_wait3A_387 = tpu.memref_slice %arg3[%add3A_331, %dma_wait3A_386] : memref<8192x768xf32, #tpu.memory_space<hbm>> -> memref<16x768xf32, #tpu.memory_space<hbm>>
    %dma_wait3A_388 = arith.constant 0 : i32
    %dma_wait3A_389 = tpu.memref_slice %arg3[%add3A_331, %dma_wait3A_388] : memref<8192x768xf32, #tpu.memory_space<hbm>> -> memref<16x768xf32, #tpu.memory_space<hbm>>
    tpu.wait_dma2 semaphore(%arg11 : memref<!tpu.dma_semaphore, #tpu.memory_space<semaphore_mem>>) src(%dma_wait3A_389 : memref<16x768xf32, #tpu.memory_space<hbm>>) dst(%arg7 : memref<16x768xf32, #tpu.memory_space<vmem>>)
    %scan3A_390 = arith.constant 0 : i32
    %scan3A_391 = arith.constant 0 : i32
    %scan3A_392 = arith.constant 16 : i32
    %scan3A_393 = arith.addi %scan3A_391, %scan3A_392 : i32
    %scan3A_394 = arith.constant 1 : i32
    scf.for %scan3A_704 = %scan3A_391 to %scan3A_393 step %scan3A_394  : i32 {
      %parallel_loop3A = arith.constant 0 : i32
      %parallel_loop3A_705 = arith.constant 768 : i32
      %parallel_loop3A_706 = arith.constant 16 : i32
      scf.for %parallel_loop3A_707 = %parallel_loop3A to %parallel_loop3A_705 step %parallel_loop3A_706  : i32 {
        %parallel_loop3A_708 = arith.index_cast %scan3A_704 : i32 to index
        %parallel_loop3A_709 = arith.index_cast %parallel_loop3A_707 : i32 to index
        %parallel_loop3A_710 = tpu.vector_load %arg7[%parallel_loop3A_708, %parallel_loop3A_709] {strides = array<i32>} : memref<16x768xf32, #tpu.memory_space<vmem>>, vector<1x16xf32>,
        %parallel_loop3A_711 = vector.shape_cast %parallel_loop3A_710 : vector<1x16xf32> to vector<16xf32>
        %parallel_loop3A_712 = arith.constant 0 : i32
        %parallel_loop3A_713 = arith.index_cast %parallel_loop3A_712 : i32 to index
        %parallel_loop3A_714 = arith.index_cast %scan3A_704 : i32 to index
        %parallel_loop3A_715 = arith.index_cast %parallel_loop3A_707 : i32 to index
        %parallel_loop3A_716 = tpu.vector_load %arg5[%parallel_loop3A_713, %parallel_loop3A_714, %parallel_loop3A_715] {strides = array<i32>} : memref<4x16x768xf32, #tpu.memory_space<vmem>>, vector<1x1x16xf32>,
        %parallel_loop3A_717 = vector.shape_cast %parallel_loop3A_716 : vector<1x1x16xf32> to vector<16xf32>
        %parallel_loop3A_718 = arith.addf %parallel_loop3A_717, %parallel_loop3A_711 : vector<16xf32>
        %parallel_loop3A_719 = arith.constant 0 : i32
        %parallel_loop3A_720 = arith.index_cast %parallel_loop3A_719 : i32 to index
        %parallel_loop3A_721 = arith.index_cast %scan3A_704 : i32 to index
        %parallel_loop3A_722 = arith.index_cast %parallel_loop3A_707 : i32 to index
        %parallel_loop3A_723 = tpu.vector_load %arg5[%parallel_loop3A_720, %parallel_loop3A_721, %parallel_loop3A_722] {strides = array<i32>} : memref<4x16x768xf32, #tpu.memory_space<vmem>>, vector<1x1x16xf32>,
        %parallel_loop3A_724 = vector.shape_cast %parallel_loop3A_723 : vector<1x1x16xf32> to vector<16xf32>
        %parallel_loop3A_725 = vector.shape_cast %parallel_loop3A_718 : vector<16xf32> to vector<1x1x16xf32>
        tpu.vector_store %arg5[%parallel_loop3A_720, %parallel_loop3A_721, %parallel_loop3A_722], %parallel_loop3A_725 {strides = array<i32>} : memref<4x16x768xf32, #tpu.memory_space<vmem>>, vector<1x1x16xf32>,
        %parallel_loop3A_726 = arith.constant 1 : i32
        %parallel_loop3A_727 = arith.index_cast %parallel_loop3A_726 : i32 to index
        %parallel_loop3A_728 = arith.index_cast %scan3A_704 : i32 to index
        %parallel_loop3A_729 = arith.index_cast %parallel_loop3A_707 : i32 to index
        %parallel_loop3A_730 = tpu.vector_load %arg5[%parallel_loop3A_727, %parallel_loop3A_728, %parallel_loop3A_729] {strides = array<i32>} : memref<4x16x768xf32, #tpu.memory_space<vmem>>, vector<1x1x16xf32>,
        %parallel_loop3A_731 = vector.shape_cast %parallel_loop3A_730 : vector<1x1x16xf32> to vector<16xf32>
        %parallel_loop3A_732 = arith.addf %parallel_loop3A_731, %parallel_loop3A_711 : vector<16xf32>
        %parallel_loop3A_733 = arith.constant 1 : i32
        %parallel_loop3A_734 = arith.index_cast %parallel_loop3A_733 : i32 to index
        %parallel_loop3A_735 = arith.index_cast %scan3A_704 : i32 to index
        %parallel_loop3A_736 = arith.index_cast %parallel_loop3A_707 : i32 to index
        %parallel_loop3A_737 = tpu.vector_load %arg5[%parallel_loop3A_734, %parallel_loop3A_735, %parallel_loop3A_736] {strides = array<i32>} : memref<4x16x768xf32, #tpu.memory_space<vmem>>, vector<1x1x16xf32>,
        %parallel_loop3A_738 = vector.shape_cast %parallel_loop3A_737 : vector<1x1x16xf32> to vector<16xf32>
        %parallel_loop3A_739 = vector.shape_cast %parallel_loop3A_732 : vector<16xf32> to vector<1x1x16xf32>
        tpu.vector_store %arg5[%parallel_loop3A_734, %parallel_loop3A_735, %parallel_loop3A_736], %parallel_loop3A_739 {strides = array<i32>} : memref<4x16x768xf32, #tpu.memory_space<vmem>>, vector<1x1x16xf32>,
        %parallel_loop3A_740 = arith.constant 2 : i32
        %parallel_loop3A_741 = arith.index_cast %parallel_loop3A_740 : i32 to index
        %parallel_loop3A_742 = arith.index_cast %scan3A_704 : i32 to index
        %parallel_loop3A_743 = arith.index_cast %parallel_loop3A_707 : i32 to index
        %parallel_loop3A_744 = tpu.vector_load %arg5[%parallel_loop3A_741, %parallel_loop3A_742, %parallel_loop3A_743] {strides = array<i32>} : memref<4x16x768xf32, #tpu.memory_space<vmem>>, vector<1x1x16xf32>,
        %parallel_loop3A_745 = vector.shape_cast %parallel_loop3A_744 : vector<1x1x16xf32> to vector<16xf32>
        %parallel_loop3A_746 = arith.addf %parallel_loop3A_745, %parallel_loop3A_711 : vector<16xf32>
        %parallel_loop3A_747 = arith.constant 2 : i32
        %parallel_loop3A_748 = arith.index_cast %parallel_loop3A_747 : i32 to index
        %parallel_loop3A_749 = arith.index_cast %scan3A_704 : i32 to index
        %parallel_loop3A_750 = arith.index_cast %parallel_loop3A_707 : i32 to index
        %parallel_loop3A_751 = tpu.vector_load %arg5[%parallel_loop3A_748, %parallel_loop3A_749, %parallel_loop3A_750] {strides = array<i32>} : memref<4x16x768xf32, #tpu.memory_space<vmem>>, vector<1x1x16xf32>,
        %parallel_loop3A_752 = vector.shape_cast %parallel_loop3A_751 : vector<1x1x16xf32> to vector<16xf32>
        %parallel_loop3A_753 = vector.shape_cast %parallel_loop3A_746 : vector<16xf32> to vector<1x1x16xf32>
        tpu.vector_store %arg5[%parallel_loop3A_748, %parallel_loop3A_749, %parallel_loop3A_750], %parallel_loop3A_753 {strides = array<i32>} : memref<4x16x768xf32, #tpu.memory_space<vmem>>, vector<1x1x16xf32>,
        %parallel_loop3A_754 = arith.constant 3 : i32
        %parallel_loop3A_755 = arith.index_cast %parallel_loop3A_754 : i32 to index
        %parallel_loop3A_756 = arith.index_cast %scan3A_704 : i32 to index
        %parallel_loop3A_757 = arith.index_cast %parallel_loop3A_707 : i32 to index
        %parallel_loop3A_758 = tpu.vector_load %arg5[%parallel_loop3A_755, %parallel_loop3A_756, %parallel_loop3A_757] {strides = array<i32>} : memref<4x16x768xf32, #tpu.memory_space<vmem>>, vector<1x1x16xf32>,
        %parallel_loop3A_759 = vector.shape_cast %parallel_loop3A_758 : vector<1x1x16xf32> to vector<16xf32>
        %parallel_loop3A_760 = arith.addf %parallel_loop3A_759, %parallel_loop3A_711 : vector<16xf32>
        %parallel_loop3A_761 = arith.constant 3 : i32
        %parallel_loop3A_762 = arith.index_cast %parallel_loop3A_761 : i32 to index
        %parallel_loop3A_763 = arith.index_cast %scan3A_704 : i32 to index
        %parallel_loop3A_764 = arith.index_cast %parallel_loop3A_707 : i32 to index
        %parallel_loop3A_765 = tpu.vector_load %arg5[%parallel_loop3A_762, %parallel_loop3A_763, %parallel_loop3A_764] {strides = array<i32>} : memref<4x16x768xf32, #tpu.memory_space<vmem>>, vector<1x1x16xf32>,
        %parallel_loop3A_766 = vector.shape_cast %parallel_loop3A_765 : vector<1x1x16xf32> to vector<16xf32>
        %parallel_loop3A_767 = vector.shape_cast %parallel_loop3A_760 : vector<16xf32> to vector<1x1x16xf32>
        tpu.vector_store %arg5[%parallel_loop3A_762, %parallel_loop3A_763, %parallel_loop3A_764], %parallel_loop3A_767 {strides = array<i32>} : memref<4x16x768xf32, #tpu.memory_space<vmem>>, vector<1x1x16xf32>,
      } {sc.loop_unroll_factor = 8 : i64, sc.parallel_access}
    }
    %scan3A_395 = arith.constant 16 : i32
    %add3A_396 = arith.constant 128 : i32
    %add3A_397 = arith.addi %mul3A_2, %add3A_396 : i32
    %dma_start3A_398 = arith.constant 0 : i32
    %dma_start3A_399 = arith.constant 0 : i32
    %dma_start3A_400 = tpu.memref_slice %arg4[%dma_start3A_398, %add3A_397, %dma_start3A_399] : memref<4x8192x768xf32, #tpu.memory_space<hbm>> -> memref<4x16x768xf32, #tpu.memory_space<hbm>>
    %dma_start3A_401 = arith.constant 0 : i32
    %dma_start3A_402 = arith.constant 0 : i32
    %dma_start3A_403 = tpu.memref_slice %arg4[%dma_start3A_401, %add3A_397, %dma_start3A_402] : memref<4x8192x768xf32, #tpu.memory_space<hbm>> -> memref<4x16x768xf32, #tpu.memory_space<hbm>>
    tpu.enqueue_dma source(%arg5 : memref<4x16x768xf32, #tpu.memory_space<vmem>>) target(%dma_start3A_403 : memref<4x16x768xf32, #tpu.memory_space<hbm>>) target_semaphore(%arg13 : memref<!tpu.dma_semaphore, #tpu.memory_space<semaphore_mem>>)
    %dma_wait3A_404 = arith.constant 0 : i32
    %dma_wait3A_405 = arith.constant 0 : i32
    %dma_wait3A_406 = tpu.memref_slice %arg4[%dma_wait3A_404, %add3A_397, %dma_wait3A_405] : memref<4x8192x768xf32, #tpu.memory_space<hbm>> -> memref<4x16x768xf32, #tpu.memory_space<hbm>>
    %dma_wait3A_407 = arith.constant 0 : i32
    %dma_wait3A_408 = arith.constant 0 : i32
    %dma_wait3A_409 = tpu.memref_slice %arg4[%dma_wait3A_407, %add3A_397, %dma_wait3A_408] : memref<4x8192x768xf32, #tpu.memory_space<hbm>> -> memref<4x16x768xf32, #tpu.memory_space<hbm>>
    tpu.wait_dma2 semaphore(%arg13 : memref<!tpu.dma_semaphore, #tpu.memory_space<semaphore_mem>>) src(%arg5 : memref<4x16x768xf32, #tpu.memory_space<vmem>>) dst(%dma_wait3A_409 : memref<4x16x768xf32, #tpu.memory_space<hbm>>)
    %add3A_410 = arith.constant 160 : i32
    %add3A_411 = arith.addi %mul3A_2, %add3A_410 : i32
    %dma_start3A_412 = arith.constant 0 : i32
    %dma_start3A_413 = arith.constant 0 : i32
    %dma_start3A_414 = tpu.memref_slice %arg2[%dma_start3A_412, %add3A_411, %dma_start3A_413] : memref<4x8192x768xf32, #tpu.memory_space<hbm>> -> memref<4x16x768xf32, #tpu.memory_space<hbm>>
    %dma_start3A_415 = arith.constant 0 : i32
    %dma_start3A_416 = arith.constant 0 : i32
    %dma_start3A_417 = tpu.memref_slice %arg2[%dma_start3A_415, %add3A_411, %dma_start3A_416] : memref<4x8192x768xf32, #tpu.memory_space<hbm>> -> memref<4x16x768xf32, #tpu.memory_space<hbm>>
    tpu.enqueue_dma source(%dma_start3A_417 : memref<4x16x768xf32, #tpu.memory_space<hbm>>) target(%arg5 : memref<4x16x768xf32, #tpu.memory_space<vmem>>) target_semaphore(%arg9 : memref<!tpu.dma_semaphore, #tpu.memory_space<semaphore_mem>>)
    %add3A_418 = arith.constant 160 : i32
    %add3A_419 = arith.addi %mul3A_2, %add3A_418 : i32
    %dma_start3A_420 = arith.constant 0 : i32
    %dma_start3A_421 = tpu.memref_slice %arg3[%add3A_419, %dma_start3A_420] : memref<8192x768xf32, #tpu.memory_space<hbm>> -> memref<16x768xf32, #tpu.memory_space<hbm>>
    %dma_start3A_422 = arith.constant 0 : i32
    %dma_start3A_423 = tpu.memref_slice %arg3[%add3A_419, %dma_start3A_422] : memref<8192x768xf32, #tpu.memory_space<hbm>> -> memref<16x768xf32, #tpu.memory_space<hbm>>
    tpu.enqueue_dma source(%dma_start3A_423 : memref<16x768xf32, #tpu.memory_space<hbm>>) target(%arg7 : memref<16x768xf32, #tpu.memory_space<vmem>>) target_semaphore(%arg11 : memref<!tpu.dma_semaphore, #tpu.memory_space<semaphore_mem>>)
    %dma_wait3A_424 = arith.constant 0 : i32
    %dma_wait3A_425 = arith.constant 0 : i32
    %dma_wait3A_426 = tpu.memref_slice %arg2[%dma_wait3A_424, %add3A_367, %dma_wait3A_425] : memref<4x8192x768xf32, #tpu.memory_space<hbm>> -> memref<4x16x768xf32, #tpu.memory_space<hbm>>
    %dma_wait3A_427 = arith.constant 0 : i32
    %dma_wait3A_428 = arith.constant 0 : i32
    %dma_wait3A_429 = tpu.memref_slice %arg2[%dma_wait3A_427, %add3A_367, %dma_wait3A_428] : memref<4x8192x768xf32, #tpu.memory_space<hbm>> -> memref<4x16x768xf32, #tpu.memory_space<hbm>>
    tpu.wait_dma2 semaphore(%arg10 : memref<!tpu.dma_semaphore, #tpu.memory_space<semaphore_mem>>) src(%dma_wait3A_429 : memref<4x16x768xf32, #tpu.memory_space<hbm>>) dst(%arg6 : memref<4x16x768xf32, #tpu.memory_space<vmem>>)
    %dma_wait3A_430 = arith.constant 0 : i32
    %dma_wait3A_431 = tpu.memref_slice %arg3[%add3A_375, %dma_wait3A_430] : memref<8192x768xf32, #tpu.memory_space<hbm>> -> memref<16x768xf32, #tpu.memory_space<hbm>>
    %dma_wait3A_432 = arith.constant 0 : i32
    %dma_wait3A_433 = tpu.memref_slice %arg3[%add3A_375, %dma_wait3A_432] : memref<8192x768xf32, #tpu.memory_space<hbm>> -> memref<16x768xf32, #tpu.memory_space<hbm>>
    tpu.wait_dma2 semaphore(%arg12 : memref<!tpu.dma_semaphore, #tpu.memory_space<semaphore_mem>>) src(%dma_wait3A_433 : memref<16x768xf32, #tpu.memory_space<hbm>>) dst(%arg8 : memref<16x768xf32, #tpu.memory_space<vmem>>)
    %scan3A_434 = arith.constant 0 : i32
    %scan3A_435 = arith.constant 0 : i32
    %scan3A_436 = arith.constant 16 : i32
    %scan3A_437 = arith.addi %scan3A_435, %scan3A_436 : i32
    %scan3A_438 = arith.constant 1 : i32
    scf.for %scan3A_704 = %scan3A_435 to %scan3A_437 step %scan3A_438  : i32 {
      %parallel_loop3A = arith.constant 0 : i32
      %parallel_loop3A_705 = arith.constant 768 : i32
      %parallel_loop3A_706 = arith.constant 16 : i32
      scf.for %parallel_loop3A_707 = %parallel_loop3A to %parallel_loop3A_705 step %parallel_loop3A_706  : i32 {
        %parallel_loop3A_708 = arith.index_cast %scan3A_704 : i32 to index
        %parallel_loop3A_709 = arith.index_cast %parallel_loop3A_707 : i32 to index
        %parallel_loop3A_710 = tpu.vector_load %arg8[%parallel_loop3A_708, %parallel_loop3A_709] {strides = array<i32>} : memref<16x768xf32, #tpu.memory_space<vmem>>, vector<1x16xf32>,
        %parallel_loop3A_711 = vector.shape_cast %parallel_loop3A_710 : vector<1x16xf32> to vector<16xf32>
        %parallel_loop3A_712 = arith.constant 0 : i32
        %parallel_loop3A_713 = arith.index_cast %parallel_loop3A_712 : i32 to index
        %parallel_loop3A_714 = arith.index_cast %scan3A_704 : i32 to index
        %parallel_loop3A_715 = arith.index_cast %parallel_loop3A_707 : i32 to index
        %parallel_loop3A_716 = tpu.vector_load %arg6[%parallel_loop3A_713, %parallel_loop3A_714, %parallel_loop3A_715] {strides = array<i32>} : memref<4x16x768xf32, #tpu.memory_space<vmem>>, vector<1x1x16xf32>,
        %parallel_loop3A_717 = vector.shape_cast %parallel_loop3A_716 : vector<1x1x16xf32> to vector<16xf32>
        %parallel_loop3A_718 = arith.addf %parallel_loop3A_717, %parallel_loop3A_711 : vector<16xf32>
        %parallel_loop3A_719 = arith.constant 0 : i32
        %parallel_loop3A_720 = arith.index_cast %parallel_loop3A_719 : i32 to index
        %parallel_loop3A_721 = arith.index_cast %scan3A_704 : i32 to index
        %parallel_loop3A_722 = arith.index_cast %parallel_loop3A_707 : i32 to index
        %parallel_loop3A_723 = tpu.vector_load %arg6[%parallel_loop3A_720, %parallel_loop3A_721, %parallel_loop3A_722] {strides = array<i32>} : memref<4x16x768xf32, #tpu.memory_space<vmem>>, vector<1x1x16xf32>,
        %parallel_loop3A_724 = vector.shape_cast %parallel_loop3A_723 : vector<1x1x16xf32> to vector<16xf32>
        %parallel_loop3A_725 = vector.shape_cast %parallel_loop3A_718 : vector<16xf32> to vector<1x1x16xf32>
        tpu.vector_store %arg6[%parallel_loop3A_720, %parallel_loop3A_721, %parallel_loop3A_722], %parallel_loop3A_725 {strides = array<i32>} : memref<4x16x768xf32, #tpu.memory_space<vmem>>, vector<1x1x16xf32>,
        %parallel_loop3A_726 = arith.constant 1 : i32
        %parallel_loop3A_727 = arith.index_cast %parallel_loop3A_726 : i32 to index
        %parallel_loop3A_728 = arith.index_cast %scan3A_704 : i32 to index
        %parallel_loop3A_729 = arith.index_cast %parallel_loop3A_707 : i32 to index
        %parallel_loop3A_730 = tpu.vector_load %arg6[%parallel_loop3A_727, %parallel_loop3A_728, %parallel_loop3A_729] {strides = array<i32>} : memref<4x16x768xf32, #tpu.memory_space<vmem>>, vector<1x1x16xf32>,
        %parallel_loop3A_731 = vector.shape_cast %parallel_loop3A_730 : vector<1x1x16xf32> to vector<16xf32>
        %parallel_loop3A_732 = arith.addf %parallel_loop3A_731, %parallel_loop3A_711 : vector<16xf32>
        %parallel_loop3A_733 = arith.constant 1 : i32
        %parallel_loop3A_734 = arith.index_cast %parallel_loop3A_733 : i32 to index
        %parallel_loop3A_735 = arith.index_cast %scan3A_704 : i32 to index
        %parallel_loop3A_736 = arith.index_cast %parallel_loop3A_707 : i32 to index
        %parallel_loop3A_737 = tpu.vector_load %arg6[%parallel_loop3A_734, %parallel_loop3A_735, %parallel_loop3A_736] {strides = array<i32>} : memref<4x16x768xf32, #tpu.memory_space<vmem>>, vector<1x1x16xf32>,
        %parallel_loop3A_738 = vector.shape_cast %parallel_loop3A_737 : vector<1x1x16xf32> to vector<16xf32>
        %parallel_loop3A_739 = vector.shape_cast %parallel_loop3A_732 : vector<16xf32> to vector<1x1x16xf32>
        tpu.vector_store %arg6[%parallel_loop3A_734, %parallel_loop3A_735, %parallel_loop3A_736], %parallel_loop3A_739 {strides = array<i32>} : memref<4x16x768xf32, #tpu.memory_space<vmem>>, vector<1x1x16xf32>,
        %parallel_loop3A_740 = arith.constant 2 : i32
        %parallel_loop3A_741 = arith.index_cast %parallel_loop3A_740 : i32 to index
        %parallel_loop3A_742 = arith.index_cast %scan3A_704 : i32 to index
        %parallel_loop3A_743 = arith.index_cast %parallel_loop3A_707 : i32 to index
        %parallel_loop3A_744 = tpu.vector_load %arg6[%parallel_loop3A_741, %parallel_loop3A_742, %parallel_loop3A_743] {strides = array<i32>} : memref<4x16x768xf32, #tpu.memory_space<vmem>>, vector<1x1x16xf32>,
        %parallel_loop3A_745 = vector.shape_cast %parallel_loop3A_744 : vector<1x1x16xf32> to vector<16xf32>
        %parallel_loop3A_746 = arith.addf %parallel_loop3A_745, %parallel_loop3A_711 : vector<16xf32>
        %parallel_loop3A_747 = arith.constant 2 : i32
        %parallel_loop3A_748 = arith.index_cast %parallel_loop3A_747 : i32 to index
        %parallel_loop3A_749 = arith.index_cast %scan3A_704 : i32 to index
        %parallel_loop3A_750 = arith.index_cast %parallel_loop3A_707 : i32 to index
        %parallel_loop3A_751 = tpu.vector_load %arg6[%parallel_loop3A_748, %parallel_loop3A_749, %parallel_loop3A_750] {strides = array<i32>} : memref<4x16x768xf32, #tpu.memory_space<vmem>>, vector<1x1x16xf32>,
        %parallel_loop3A_752 = vector.shape_cast %parallel_loop3A_751 : vector<1x1x16xf32> to vector<16xf32>
        %parallel_loop3A_753 = vector.shape_cast %parallel_loop3A_746 : vector<16xf32> to vector<1x1x16xf32>
        tpu.vector_store %arg6[%parallel_loop3A_748, %parallel_loop3A_749, %parallel_loop3A_750], %parallel_loop3A_753 {strides = array<i32>} : memref<4x16x768xf32, #tpu.memory_space<vmem>>, vector<1x1x16xf32>,
        %parallel_loop3A_754 = arith.constant 3 : i32
        %parallel_loop3A_755 = arith.index_cast %parallel_loop3A_754 : i32 to index
        %parallel_loop3A_756 = arith.index_cast %scan3A_704 : i32 to index
        %parallel_loop3A_757 = arith.index_cast %parallel_loop3A_707 : i32 to index
        %parallel_loop3A_758 = tpu.vector_load %arg6[%parallel_loop3A_755, %parallel_loop3A_756, %parallel_loop3A_757] {strides = array<i32>} : memref<4x16x768xf32, #tpu.memory_space<vmem>>, vector<1x1x16xf32>,
        %parallel_loop3A_759 = vector.shape_cast %parallel_loop3A_758 : vector<1x1x16xf32> to vector<16xf32>
        %parallel_loop3A_760 = arith.addf %parallel_loop3A_759, %parallel_loop3A_711 : vector<16xf32>
        %parallel_loop3A_761 = arith.constant 3 : i32
        %parallel_loop3A_762 = arith.index_cast %parallel_loop3A_761 : i32 to index
        %parallel_loop3A_763 = arith.index_cast %scan3A_704 : i32 to index
        %parallel_loop3A_764 = arith.index_cast %parallel_loop3A_707 : i32 to index
        %parallel_loop3A_765 = tpu.vector_load %arg6[%parallel_loop3A_762, %parallel_loop3A_763, %parallel_loop3A_764] {strides = array<i32>} : memref<4x16x768xf32, #tpu.memory_space<vmem>>, vector<1x1x16xf32>,
        %parallel_loop3A_766 = vector.shape_cast %parallel_loop3A_765 : vector<1x1x16xf32> to vector<16xf32>
        %parallel_loop3A_767 = vector.shape_cast %parallel_loop3A_760 : vector<16xf32> to vector<1x1x16xf32>
        tpu.vector_store %arg6[%parallel_loop3A_762, %parallel_loop3A_763, %parallel_loop3A_764], %parallel_loop3A_767 {strides = array<i32>} : memref<4x16x768xf32, #tpu.memory_space<vmem>>, vector<1x1x16xf32>,
      } {sc.loop_unroll_factor = 8 : i64, sc.parallel_access}
    }
    %scan3A_439 = arith.constant 16 : i32
    %add3A_440 = arith.constant 144 : i32
    %add3A_441 = arith.addi %mul3A_2, %add3A_440 : i32
    %dma_start3A_442 = arith.constant 0 : i32
    %dma_start3A_443 = arith.constant 0 : i32
    %dma_start3A_444 = tpu.memref_slice %arg4[%dma_start3A_442, %add3A_441, %dma_start3A_443] : memref<4x8192x768xf32, #tpu.memory_space<hbm>> -> memref<4x16x768xf32, #tpu.memory_space<hbm>>
    %dma_start3A_445 = arith.constant 0 : i32
    %dma_start3A_446 = arith.constant 0 : i32
    %dma_start3A_447 = tpu.memref_slice %arg4[%dma_start3A_445, %add3A_441, %dma_start3A_446] : memref<4x8192x768xf32, #tpu.memory_space<hbm>> -> memref<4x16x768xf32, #tpu.memory_space<hbm>>
    tpu.enqueue_dma source(%arg6 : memref<4x16x768xf32, #tpu.memory_space<vmem>>) target(%dma_start3A_447 : memref<4x16x768xf32, #tpu.memory_space<hbm>>) target_semaphore(%arg14 : memref<!tpu.dma_semaphore, #tpu.memory_space<semaphore_mem>>)
    %dma_wait3A_448 = arith.constant 0 : i32
    %dma_wait3A_449 = arith.constant 0 : i32
    %dma_wait3A_450 = tpu.memref_slice %arg4[%dma_wait3A_448, %add3A_441, %dma_wait3A_449] : memref<4x8192x768xf32, #tpu.memory_space<hbm>> -> memref<4x16x768xf32, #tpu.memory_space<hbm>>
    %dma_wait3A_451 = arith.constant 0 : i32
    %dma_wait3A_452 = arith.constant 0 : i32
    %dma_wait3A_453 = tpu.memref_slice %arg4[%dma_wait3A_451, %add3A_441, %dma_wait3A_452] : memref<4x8192x768xf32, #tpu.memory_space<hbm>> -> memref<4x16x768xf32, #tpu.memory_space<hbm>>
    tpu.wait_dma2 semaphore(%arg14 : memref<!tpu.dma_semaphore, #tpu.memory_space<semaphore_mem>>) src(%arg6 : memref<4x16x768xf32, #tpu.memory_space<vmem>>) dst(%dma_wait3A_453 : memref<4x16x768xf32, #tpu.memory_space<hbm>>)
    %add3A_454 = arith.constant 176 : i32
    %add3A_455 = arith.addi %mul3A_2, %add3A_454 : i32
    %dma_start3A_456 = arith.constant 0 : i32
    %dma_start3A_457 = arith.constant 0 : i32
    %dma_start3A_458 = tpu.memref_slice %arg2[%dma_start3A_456, %add3A_455, %dma_start3A_457] : memref<4x8192x768xf32, #tpu.memory_space<hbm>> -> memref<4x16x768xf32, #tpu.memory_space<hbm>>
    %dma_start3A_459 = arith.constant 0 : i32
    %dma_start3A_460 = arith.constant 0 : i32
    %dma_start3A_461 = tpu.memref_slice %arg2[%dma_start3A_459, %add3A_455, %dma_start3A_460] : memref<4x8192x768xf32, #tpu.memory_space<hbm>> -> memref<4x16x768xf32, #tpu.memory_space<hbm>>
    tpu.enqueue_dma source(%dma_start3A_461 : memref<4x16x768xf32, #tpu.memory_space<hbm>>) target(%arg6 : memref<4x16x768xf32, #tpu.memory_space<vmem>>) target_semaphore(%arg10 : memref<!tpu.dma_semaphore, #tpu.memory_space<semaphore_mem>>)
    %add3A_462 = arith.constant 176 : i32
    %add3A_463 = arith.addi %mul3A_2, %add3A_462 : i32
    %dma_start3A_464 = arith.constant 0 : i32
    %dma_start3A_465 = tpu.memref_slice %arg3[%add3A_463, %dma_start3A_464] : memref<8192x768xf32, #tpu.memory_space<hbm>> -> memref<16x768xf32, #tpu.memory_space<hbm>>
    %dma_start3A_466 = arith.constant 0 : i32
    %dma_start3A_467 = tpu.memref_slice %arg3[%add3A_463, %dma_start3A_466] : memref<8192x768xf32, #tpu.memory_space<hbm>> -> memref<16x768xf32, #tpu.memory_space<hbm>>
    tpu.enqueue_dma source(%dma_start3A_467 : memref<16x768xf32, #tpu.memory_space<hbm>>) target(%arg8 : memref<16x768xf32, #tpu.memory_space<vmem>>) target_semaphore(%arg12 : memref<!tpu.dma_semaphore, #tpu.memory_space<semaphore_mem>>)
    %dma_wait3A_468 = arith.constant 0 : i32
    %dma_wait3A_469 = arith.constant 0 : i32
    %dma_wait3A_470 = tpu.memref_slice %arg2[%dma_wait3A_468, %add3A_411, %dma_wait3A_469] : memref<4x8192x768xf32, #tpu.memory_space<hbm>> -> memref<4x16x768xf32, #tpu.memory_space<hbm>>
    %dma_wait3A_471 = arith.constant 0 : i32
    %dma_wait3A_472 = arith.constant 0 : i32
    %dma_wait3A_473 = tpu.memref_slice %arg2[%dma_wait3A_471, %add3A_411, %dma_wait3A_472] : memref<4x8192x768xf32, #tpu.memory_space<hbm>> -> memref<4x16x768xf32, #tpu.memory_space<hbm>>
    tpu.wait_dma2 semaphore(%arg9 : memref<!tpu.dma_semaphore, #tpu.memory_space<semaphore_mem>>) src(%dma_wait3A_473 : memref<4x16x768xf32, #tpu.memory_space<hbm>>) dst(%arg5 : memref<4x16x768xf32, #tpu.memory_space<vmem>>)
    %dma_wait3A_474 = arith.constant 0 : i32
    %dma_wait3A_475 = tpu.memref_slice %arg3[%add3A_419, %dma_wait3A_474] : memref<8192x768xf32, #tpu.memory_space<hbm>> -> memref<16x768xf32, #tpu.memory_space<hbm>>
    %dma_wait3A_476 = arith.constant 0 : i32
    %dma_wait3A_477 = tpu.memref_slice %arg3[%add3A_419, %dma_wait3A_476] : memref<8192x768xf32, #tpu.memory_space<hbm>> -> memref<16x768xf32, #tpu.memory_space<hbm>>
    tpu.wait_dma2 semaphore(%arg11 : memref<!tpu.dma_semaphore, #tpu.memory_space<semaphore_mem>>) src(%dma_wait3A_477 : memref<16x768xf32, #tpu.memory_space<hbm>>) dst(%arg7 : memref<16x768xf32, #tpu.memory_space<vmem>>)
    %scan3A_478 = arith.constant 0 : i32
    %scan3A_479 = arith.constant 0 : i32
    %scan3A_480 = arith.constant 16 : i32
    %scan3A_481 = arith.addi %scan3A_479, %scan3A_480 : i32
    %scan3A_482 = arith.constant 1 : i32
    scf.for %scan3A_704 = %scan3A_479 to %scan3A_481 step %scan3A_482  : i32 {
      %parallel_loop3A = arith.constant 0 : i32
      %parallel_loop3A_705 = arith.constant 768 : i32
      %parallel_loop3A_706 = arith.constant 16 : i32
      scf.for %parallel_loop3A_707 = %parallel_loop3A to %parallel_loop3A_705 step %parallel_loop3A_706  : i32 {
        %parallel_loop3A_708 = arith.index_cast %scan3A_704 : i32 to index
        %parallel_loop3A_709 = arith.index_cast %parallel_loop3A_707 : i32 to index
        %parallel_loop3A_710 = tpu.vector_load %arg7[%parallel_loop3A_708, %parallel_loop3A_709] {strides = array<i32>} : memref<16x768xf32, #tpu.memory_space<vmem>>, vector<1x16xf32>,
        %parallel_loop3A_711 = vector.shape_cast %parallel_loop3A_710 : vector<1x16xf32> to vector<16xf32>
        %parallel_loop3A_712 = arith.constant 0 : i32
        %parallel_loop3A_713 = arith.index_cast %parallel_loop3A_712 : i32 to index
        %parallel_loop3A_714 = arith.index_cast %scan3A_704 : i32 to index
        %parallel_loop3A_715 = arith.index_cast %parallel_loop3A_707 : i32 to index
        %parallel_loop3A_716 = tpu.vector_load %arg5[%parallel_loop3A_713, %parallel_loop3A_714, %parallel_loop3A_715] {strides = array<i32>} : memref<4x16x768xf32, #tpu.memory_space<vmem>>, vector<1x1x16xf32>,
        %parallel_loop3A_717 = vector.shape_cast %parallel_loop3A_716 : vector<1x1x16xf32> to vector<16xf32>
        %parallel_loop3A_718 = arith.addf %parallel_loop3A_717, %parallel_loop3A_711 : vector<16xf32>
        %parallel_loop3A_719 = arith.constant 0 : i32
        %parallel_loop3A_720 = arith.index_cast %parallel_loop3A_719 : i32 to index
        %parallel_loop3A_721 = arith.index_cast %scan3A_704 : i32 to index
        %parallel_loop3A_722 = arith.index_cast %parallel_loop3A_707 : i32 to index
        %parallel_loop3A_723 = tpu.vector_load %arg5[%parallel_loop3A_720, %parallel_loop3A_721, %parallel_loop3A_722] {strides = array<i32>} : memref<4x16x768xf32, #tpu.memory_space<vmem>>, vector<1x1x16xf32>,
        %parallel_loop3A_724 = vector.shape_cast %parallel_loop3A_723 : vector<1x1x16xf32> to vector<16xf32>
        %parallel_loop3A_725 = vector.shape_cast %parallel_loop3A_718 : vector<16xf32> to vector<1x1x16xf32>
        tpu.vector_store %arg5[%parallel_loop3A_720, %parallel_loop3A_721, %parallel_loop3A_722], %parallel_loop3A_725 {strides = array<i32>} : memref<4x16x768xf32, #tpu.memory_space<vmem>>, vector<1x1x16xf32>,
        %parallel_loop3A_726 = arith.constant 1 : i32
        %parallel_loop3A_727 = arith.index_cast %parallel_loop3A_726 : i32 to index
        %parallel_loop3A_728 = arith.index_cast %scan3A_704 : i32 to index
        %parallel_loop3A_729 = arith.index_cast %parallel_loop3A_707 : i32 to index
        %parallel_loop3A_730 = tpu.vector_load %arg5[%parallel_loop3A_727, %parallel_loop3A_728, %parallel_loop3A_729] {strides = array<i32>} : memref<4x16x768xf32, #tpu.memory_space<vmem>>, vector<1x1x16xf32>,
        %parallel_loop3A_731 = vector.shape_cast %parallel_loop3A_730 : vector<1x1x16xf32> to vector<16xf32>
        %parallel_loop3A_732 = arith.addf %parallel_loop3A_731, %parallel_loop3A_711 : vector<16xf32>
        %parallel_loop3A_733 = arith.constant 1 : i32
        %parallel_loop3A_734 = arith.index_cast %parallel_loop3A_733 : i32 to index
        %parallel_loop3A_735 = arith.index_cast %scan3A_704 : i32 to index
        %parallel_loop3A_736 = arith.index_cast %parallel_loop3A_707 : i32 to index
        %parallel_loop3A_737 = tpu.vector_load %arg5[%parallel_loop3A_734, %parallel_loop3A_735, %parallel_loop3A_736] {strides = array<i32>} : memref<4x16x768xf32, #tpu.memory_space<vmem>>, vector<1x1x16xf32>,
        %parallel_loop3A_738 = vector.shape_cast %parallel_loop3A_737 : vector<1x1x16xf32> to vector<16xf32>
        %parallel_loop3A_739 = vector.shape_cast %parallel_loop3A_732 : vector<16xf32> to vector<1x1x16xf32>
        tpu.vector_store %arg5[%parallel_loop3A_734, %parallel_loop3A_735, %parallel_loop3A_736], %parallel_loop3A_739 {strides = array<i32>} : memref<4x16x768xf32, #tpu.memory_space<vmem>>, vector<1x1x16xf32>,
        %parallel_loop3A_740 = arith.constant 2 : i32
        %parallel_loop3A_741 = arith.index_cast %parallel_loop3A_740 : i32 to index
        %parallel_loop3A_742 = arith.index_cast %scan3A_704 : i32 to index
        %parallel_loop3A_743 = arith.index_cast %parallel_loop3A_707 : i32 to index
        %parallel_loop3A_744 = tpu.vector_load %arg5[%parallel_loop3A_741, %parallel_loop3A_742, %parallel_loop3A_743] {strides = array<i32>} : memref<4x16x768xf32, #tpu.memory_space<vmem>>, vector<1x1x16xf32>,
        %parallel_loop3A_745 = vector.shape_cast %parallel_loop3A_744 : vector<1x1x16xf32> to vector<16xf32>
        %parallel_loop3A_746 = arith.addf %parallel_loop3A_745, %parallel_loop3A_711 : vector<16xf32>
        %parallel_loop3A_747 = arith.constant 2 : i32
        %parallel_loop3A_748 = arith.index_cast %parallel_loop3A_747 : i32 to index
        %parallel_loop3A_749 = arith.index_cast %scan3A_704 : i32 to index
        %parallel_loop3A_750 = arith.index_cast %parallel_loop3A_707 : i32 to index
        %parallel_loop3A_751 = tpu.vector_load %arg5[%parallel_loop3A_748, %parallel_loop3A_749, %parallel_loop3A_750] {strides = array<i32>} : memref<4x16x768xf32, #tpu.memory_space<vmem>>, vector<1x1x16xf32>,
        %parallel_loop3A_752 = vector.shape_cast %parallel_loop3A_751 : vector<1x1x16xf32> to vector<16xf32>
        %parallel_loop3A_753 = vector.shape_cast %parallel_loop3A_746 : vector<16xf32> to vector<1x1x16xf32>
        tpu.vector_store %arg5[%parallel_loop3A_748, %parallel_loop3A_749, %parallel_loop3A_750], %parallel_loop3A_753 {strides = array<i32>} : memref<4x16x768xf32, #tpu.memory_space<vmem>>, vector<1x1x16xf32>,
        %parallel_loop3A_754 = arith.constant 3 : i32
        %parallel_loop3A_755 = arith.index_cast %parallel_loop3A_754 : i32 to index
        %parallel_loop3A_756 = arith.index_cast %scan3A_704 : i32 to index
        %parallel_loop3A_757 = arith.index_cast %parallel_loop3A_707 : i32 to index
        %parallel_loop3A_758 = tpu.vector_load %arg5[%parallel_loop3A_755, %parallel_loop3A_756, %parallel_loop3A_757] {strides = array<i32>} : memref<4x16x768xf32, #tpu.memory_space<vmem>>, vector<1x1x16xf32>,
        %parallel_loop3A_759 = vector.shape_cast %parallel_loop3A_758 : vector<1x1x16xf32> to vector<16xf32>
        %parallel_loop3A_760 = arith.addf %parallel_loop3A_759, %parallel_loop3A_711 : vector<16xf32>
        %parallel_loop3A_761 = arith.constant 3 : i32
        %parallel_loop3A_762 = arith.index_cast %parallel_loop3A_761 : i32 to index
        %parallel_loop3A_763 = arith.index_cast %scan3A_704 : i32 to index
        %parallel_loop3A_764 = arith.index_cast %parallel_loop3A_707 : i32 to index
        %parallel_loop3A_765 = tpu.vector_load %arg5[%parallel_loop3A_762, %parallel_loop3A_763, %parallel_loop3A_764] {strides = array<i32>} : memref<4x16x768xf32, #tpu.memory_space<vmem>>, vector<1x1x16xf32>,
        %parallel_loop3A_766 = vector.shape_cast %parallel_loop3A_765 : vector<1x1x16xf32> to vector<16xf32>
        %parallel_loop3A_767 = vector.shape_cast %parallel_loop3A_760 : vector<16xf32> to vector<1x1x16xf32>
        tpu.vector_store %arg5[%parallel_loop3A_762, %parallel_loop3A_763, %parallel_loop3A_764], %parallel_loop3A_767 {strides = array<i32>} : memref<4x16x768xf32, #tpu.memory_space<vmem>>, vector<1x1x16xf32>,
      } {sc.loop_unroll_factor = 8 : i64, sc.parallel_access}
    }
    %scan3A_483 = arith.constant 16 : i32
    %add3A_484 = arith.constant 160 : i32
    %add3A_485 = arith.addi %mul3A_2, %add3A_484 : i32
    %dma_start3A_486 = arith.constant 0 : i32
    %dma_start3A_487 = arith.constant 0 : i32
    %dma_start3A_488 = tpu.memref_slice %arg4[%dma_start3A_486, %add3A_485, %dma_start3A_487] : memref<4x8192x768xf32, #tpu.memory_space<hbm>> -> memref<4x16x768xf32, #tpu.memory_space<hbm>>
    %dma_start3A_489 = arith.constant 0 : i32
    %dma_start3A_490 = arith.constant 0 : i32
    %dma_start3A_491 = tpu.memref_slice %arg4[%dma_start3A_489, %add3A_485, %dma_start3A_490] : memref<4x8192x768xf32, #tpu.memory_space<hbm>> -> memref<4x16x768xf32, #tpu.memory_space<hbm>>
    tpu.enqueue_dma source(%arg5 : memref<4x16x768xf32, #tpu.memory_space<vmem>>) target(%dma_start3A_491 : memref<4x16x768xf32, #tpu.memory_space<hbm>>) target_semaphore(%arg13 : memref<!tpu.dma_semaphore, #tpu.memory_space<semaphore_mem>>)
    %dma_wait3A_492 = arith.constant 0 : i32
    %dma_wait3A_493 = arith.constant 0 : i32
    %dma_wait3A_494 = tpu.memref_slice %arg4[%dma_wait3A_492, %add3A_485, %dma_wait3A_493] : memref<4x8192x768xf32, #tpu.memory_space<hbm>> -> memref<4x16x768xf32, #tpu.memory_space<hbm>>
    %dma_wait3A_495 = arith.constant 0 : i32
    %dma_wait3A_496 = arith.constant 0 : i32
    %dma_wait3A_497 = tpu.memref_slice %arg4[%dma_wait3A_495, %add3A_485, %dma_wait3A_496] : memref<4x8192x768xf32, #tpu.memory_space<hbm>> -> memref<4x16x768xf32, #tpu.memory_space<hbm>>
    tpu.wait_dma2 semaphore(%arg13 : memref<!tpu.dma_semaphore, #tpu.memory_space<semaphore_mem>>) src(%arg5 : memref<4x16x768xf32, #tpu.memory_space<vmem>>) dst(%dma_wait3A_497 : memref<4x16x768xf32, #tpu.memory_space<hbm>>)
    %add3A_498 = arith.constant 192 : i32
    %add3A_499 = arith.addi %mul3A_2, %add3A_498 : i32
    %dma_start3A_500 = arith.constant 0 : i32
    %dma_start3A_501 = arith.constant 0 : i32
    %dma_start3A_502 = tpu.memref_slice %arg2[%dma_start3A_500, %add3A_499, %dma_start3A_501] : memref<4x8192x768xf32, #tpu.memory_space<hbm>> -> memref<4x16x768xf32, #tpu.memory_space<hbm>>
    %dma_start3A_503 = arith.constant 0 : i32
    %dma_start3A_504 = arith.constant 0 : i32
    %dma_start3A_505 = tpu.memref_slice %arg2[%dma_start3A_503, %add3A_499, %dma_start3A_504] : memref<4x8192x768xf32, #tpu.memory_space<hbm>> -> memref<4x16x768xf32, #tpu.memory_space<hbm>>
    tpu.enqueue_dma source(%dma_start3A_505 : memref<4x16x768xf32, #tpu.memory_space<hbm>>) target(%arg5 : memref<4x16x768xf32, #tpu.memory_space<vmem>>) target_semaphore(%arg9 : memref<!tpu.dma_semaphore, #tpu.memory_space<semaphore_mem>>)
    %add3A_506 = arith.constant 192 : i32
    %add3A_507 = arith.addi %mul3A_2, %add3A_506 : i32
    %dma_start3A_508 = arith.constant 0 : i32
    %dma_start3A_509 = tpu.memref_slice %arg3[%add3A_507, %dma_start3A_508] : memref<8192x768xf32, #tpu.memory_space<hbm>> -> memref<16x768xf32, #tpu.memory_space<hbm>>
    %dma_start3A_510 = arith.constant 0 : i32
    %dma_start3A_511 = tpu.memref_slice %arg3[%add3A_507, %dma_start3A_510] : memref<8192x768xf32, #tpu.memory_space<hbm>> -> memref<16x768xf32, #tpu.memory_space<hbm>>
    tpu.enqueue_dma source(%dma_start3A_511 : memref<16x768xf32, #tpu.memory_space<hbm>>) target(%arg7 : memref<16x768xf32, #tpu.memory_space<vmem>>) target_semaphore(%arg11 : memref<!tpu.dma_semaphore, #tpu.memory_space<semaphore_mem>>)
    %dma_wait3A_512 = arith.constant 0 : i32
    %dma_wait3A_513 = arith.constant 0 : i32
    %dma_wait3A_514 = tpu.memref_slice %arg2[%dma_wait3A_512, %add3A_455, %dma_wait3A_513] : memref<4x8192x768xf32, #tpu.memory_space<hbm>> -> memref<4x16x768xf32, #tpu.memory_space<hbm>>
    %dma_wait3A_515 = arith.constant 0 : i32
    %dma_wait3A_516 = arith.constant 0 : i32
    %dma_wait3A_517 = tpu.memref_slice %arg2[%dma_wait3A_515, %add3A_455, %dma_wait3A_516] : memref<4x8192x768xf32, #tpu.memory_space<hbm>> -> memref<4x16x768xf32, #tpu.memory_space<hbm>>
    tpu.wait_dma2 semaphore(%arg10 : memref<!tpu.dma_semaphore, #tpu.memory_space<semaphore_mem>>) src(%dma_wait3A_517 : memref<4x16x768xf32, #tpu.memory_space<hbm>>) dst(%arg6 : memref<4x16x768xf32, #tpu.memory_space<vmem>>)
    %dma_wait3A_518 = arith.constant 0 : i32
    %dma_wait3A_519 = tpu.memref_slice %arg3[%add3A_463, %dma_wait3A_518] : memref<8192x768xf32, #tpu.memory_space<hbm>> -> memref<16x768xf32, #tpu.memory_space<hbm>>
    %dma_wait3A_520 = arith.constant 0 : i32
    %dma_wait3A_521 = tpu.memref_slice %arg3[%add3A_463, %dma_wait3A_520] : memref<8192x768xf32, #tpu.memory_space<hbm>> -> memref<16x768xf32, #tpu.memory_space<hbm>>
    tpu.wait_dma2 semaphore(%arg12 : memref<!tpu.dma_semaphore, #tpu.memory_space<semaphore_mem>>) src(%dma_wait3A_521 : memref<16x768xf32, #tpu.memory_space<hbm>>) dst(%arg8 : memref<16x768xf32, #tpu.memory_space<vmem>>)
    %scan3A_522 = arith.constant 0 : i32
    %scan3A_523 = arith.constant 0 : i32
    %scan3A_524 = arith.constant 16 : i32
    %scan3A_525 = arith.addi %scan3A_523, %scan3A_524 : i32
    %scan3A_526 = arith.constant 1 : i32
    scf.for %scan3A_704 = %scan3A_523 to %scan3A_525 step %scan3A_526  : i32 {
      %parallel_loop3A = arith.constant 0 : i32
      %parallel_loop3A_705 = arith.constant 768 : i32
      %parallel_loop3A_706 = arith.constant 16 : i32
      scf.for %parallel_loop3A_707 = %parallel_loop3A to %parallel_loop3A_705 step %parallel_loop3A_706  : i32 {
        %parallel_loop3A_708 = arith.index_cast %scan3A_704 : i32 to index
        %parallel_loop3A_709 = arith.index_cast %parallel_loop3A_707 : i32 to index
        %parallel_loop3A_710 = tpu.vector_load %arg8[%parallel_loop3A_708, %parallel_loop3A_709] {strides = array<i32>} : memref<16x768xf32, #tpu.memory_space<vmem>>, vector<1x16xf32>,
        %parallel_loop3A_711 = vector.shape_cast %parallel_loop3A_710 : vector<1x16xf32> to vector<16xf32>
        %parallel_loop3A_712 = arith.constant 0 : i32
        %parallel_loop3A_713 = arith.index_cast %parallel_loop3A_712 : i32 to index
        %parallel_loop3A_714 = arith.index_cast %scan3A_704 : i32 to index
        %parallel_loop3A_715 = arith.index_cast %parallel_loop3A_707 : i32 to index
        %parallel_loop3A_716 = tpu.vector_load %arg6[%parallel_loop3A_713, %parallel_loop3A_714, %parallel_loop3A_715] {strides = array<i32>} : memref<4x16x768xf32, #tpu.memory_space<vmem>>, vector<1x1x16xf32>,
        %parallel_loop3A_717 = vector.shape_cast %parallel_loop3A_716 : vector<1x1x16xf32> to vector<16xf32>
        %parallel_loop3A_718 = arith.addf %parallel_loop3A_717, %parallel_loop3A_711 : vector<16xf32>
        %parallel_loop3A_719 = arith.constant 0 : i32
        %parallel_loop3A_720 = arith.index_cast %parallel_loop3A_719 : i32 to index
        %parallel_loop3A_721 = arith.index_cast %scan3A_704 : i32 to index
        %parallel_loop3A_722 = arith.index_cast %parallel_loop3A_707 : i32 to index
        %parallel_loop3A_723 = tpu.vector_load %arg6[%parallel_loop3A_720, %parallel_loop3A_721, %parallel_loop3A_722] {strides = array<i32>} : memref<4x16x768xf32, #tpu.memory_space<vmem>>, vector<1x1x16xf32>,
        %parallel_loop3A_724 = vector.shape_cast %parallel_loop3A_723 : vector<1x1x16xf32> to vector<16xf32>
        %parallel_loop3A_725 = vector.shape_cast %parallel_loop3A_718 : vector<16xf32> to vector<1x1x16xf32>
        tpu.vector_store %arg6[%parallel_loop3A_720, %parallel_loop3A_721, %parallel_loop3A_722], %parallel_loop3A_725 {strides = array<i32>} : memref<4x16x768xf32, #tpu.memory_space<vmem>>, vector<1x1x16xf32>,
        %parallel_loop3A_726 = arith.constant 1 : i32
        %parallel_loop3A_727 = arith.index_cast %parallel_loop3A_726 : i32 to index
        %parallel_loop3A_728 = arith.index_cast %scan3A_704 : i32 to index
        %parallel_loop3A_729 = arith.index_cast %parallel_loop3A_707 : i32 to index
        %parallel_loop3A_730 = tpu.vector_load %arg6[%parallel_loop3A_727, %parallel_loop3A_728, %parallel_loop3A_729] {strides = array<i32>} : memref<4x16x768xf32, #tpu.memory_space<vmem>>, vector<1x1x16xf32>,
        %parallel_loop3A_731 = vector.shape_cast %parallel_loop3A_730 : vector<1x1x16xf32> to vector<16xf32>
        %parallel_loop3A_732 = arith.addf %parallel_loop3A_731, %parallel_loop3A_711 : vector<16xf32>
        %parallel_loop3A_733 = arith.constant 1 : i32
        %parallel_loop3A_734 = arith.index_cast %parallel_loop3A_733 : i32 to index
        %parallel_loop3A_735 = arith.index_cast %scan3A_704 : i32 to index
        %parallel_loop3A_736 = arith.index_cast %parallel_loop3A_707 : i32 to index
        %parallel_loop3A_737 = tpu.vector_load %arg6[%parallel_loop3A_734, %parallel_loop3A_735, %parallel_loop3A_736] {strides = array<i32>} : memref<4x16x768xf32, #tpu.memory_space<vmem>>, vector<1x1x16xf32>,
        %parallel_loop3A_738 = vector.shape_cast %parallel_loop3A_737 : vector<1x1x16xf32> to vector<16xf32>
        %parallel_loop3A_739 = vector.shape_cast %parallel_loop3A_732 : vector<16xf32> to vector<1x1x16xf32>
        tpu.vector_store %arg6[%parallel_loop3A_734, %parallel_loop3A_735, %parallel_loop3A_736], %parallel_loop3A_739 {strides = array<i32>} : memref<4x16x768xf32, #tpu.memory_space<vmem>>, vector<1x1x16xf32>,
        %parallel_loop3A_740 = arith.constant 2 : i32
        %parallel_loop3A_741 = arith.index_cast %parallel_loop3A_740 : i32 to index
        %parallel_loop3A_742 = arith.index_cast %scan3A_704 : i32 to index
        %parallel_loop3A_743 = arith.index_cast %parallel_loop3A_707 : i32 to index
        %parallel_loop3A_744 = tpu.vector_load %arg6[%parallel_loop3A_741, %parallel_loop3A_742, %parallel_loop3A_743] {strides = array<i32>} : memref<4x16x768xf32, #tpu.memory_space<vmem>>, vector<1x1x16xf32>,
        %parallel_loop3A_745 = vector.shape_cast %parallel_loop3A_744 : vector<1x1x16xf32> to vector<16xf32>
        %parallel_loop3A_746 = arith.addf %parallel_loop3A_745, %parallel_loop3A_711 : vector<16xf32>
        %parallel_loop3A_747 = arith.constant 2 : i32
        %parallel_loop3A_748 = arith.index_cast %parallel_loop3A_747 : i32 to index
        %parallel_loop3A_749 = arith.index_cast %scan3A_704 : i32 to index
        %parallel_loop3A_750 = arith.index_cast %parallel_loop3A_707 : i32 to index
        %parallel_loop3A_751 = tpu.vector_load %arg6[%parallel_loop3A_748, %parallel_loop3A_749, %parallel_loop3A_750] {strides = array<i32>} : memref<4x16x768xf32, #tpu.memory_space<vmem>>, vector<1x1x16xf32>,
        %parallel_loop3A_752 = vector.shape_cast %parallel_loop3A_751 : vector<1x1x16xf32> to vector<16xf32>
        %parallel_loop3A_753 = vector.shape_cast %parallel_loop3A_746 : vector<16xf32> to vector<1x1x16xf32>
        tpu.vector_store %arg6[%parallel_loop3A_748, %parallel_loop3A_749, %parallel_loop3A_750], %parallel_loop3A_753 {strides = array<i32>} : memref<4x16x768xf32, #tpu.memory_space<vmem>>, vector<1x1x16xf32>,
        %parallel_loop3A_754 = arith.constant 3 : i32
        %parallel_loop3A_755 = arith.index_cast %parallel_loop3A_754 : i32 to index
        %parallel_loop3A_756 = arith.index_cast %scan3A_704 : i32 to index
        %parallel_loop3A_757 = arith.index_cast %parallel_loop3A_707 : i32 to index
        %parallel_loop3A_758 = tpu.vector_load %arg6[%parallel_loop3A_755, %parallel_loop3A_756, %parallel_loop3A_757] {strides = array<i32>} : memref<4x16x768xf32, #tpu.memory_space<vmem>>, vector<1x1x16xf32>,
        %parallel_loop3A_759 = vector.shape_cast %parallel_loop3A_758 : vector<1x1x16xf32> to vector<16xf32>
        %parallel_loop3A_760 = arith.addf %parallel_loop3A_759, %parallel_loop3A_711 : vector<16xf32>
        %parallel_loop3A_761 = arith.constant 3 : i32
        %parallel_loop3A_762 = arith.index_cast %parallel_loop3A_761 : i32 to index
        %parallel_loop3A_763 = arith.index_cast %scan3A_704 : i32 to index
        %parallel_loop3A_764 = arith.index_cast %parallel_loop3A_707 : i32 to index
        %parallel_loop3A_765 = tpu.vector_load %arg6[%parallel_loop3A_762, %parallel_loop3A_763, %parallel_loop3A_764] {strides = array<i32>} : memref<4x16x768xf32, #tpu.memory_space<vmem>>, vector<1x1x16xf32>,
        %parallel_loop3A_766 = vector.shape_cast %parallel_loop3A_765 : vector<1x1x16xf32> to vector<16xf32>
        %parallel_loop3A_767 = vector.shape_cast %parallel_loop3A_760 : vector<16xf32> to vector<1x1x16xf32>
        tpu.vector_store %arg6[%parallel_loop3A_762, %parallel_loop3A_763, %parallel_loop3A_764], %parallel_loop3A_767 {strides = array<i32>} : memref<4x16x768xf32, #tpu.memory_space<vmem>>, vector<1x1x16xf32>,
      } {sc.loop_unroll_factor = 8 : i64, sc.parallel_access}
    }
    %scan3A_527 = arith.constant 16 : i32
    %add3A_528 = arith.constant 176 : i32
    %add3A_529 = arith.addi %mul3A_2, %add3A_528 : i32
    %dma_start3A_530 = arith.constant 0 : i32
    %dma_start3A_531 = arith.constant 0 : i32
    %dma_start3A_532 = tpu.memref_slice %arg4[%dma_start3A_530, %add3A_529, %dma_start3A_531] : memref<4x8192x768xf32, #tpu.memory_space<hbm>> -> memref<4x16x768xf32, #tpu.memory_space<hbm>>
    %dma_start3A_533 = arith.constant 0 : i32
    %dma_start3A_534 = arith.constant 0 : i32
    %dma_start3A_535 = tpu.memref_slice %arg4[%dma_start3A_533, %add3A_529, %dma_start3A_534] : memref<4x8192x768xf32, #tpu.memory_space<hbm>> -> memref<4x16x768xf32, #tpu.memory_space<hbm>>
    tpu.enqueue_dma source(%arg6 : memref<4x16x768xf32, #tpu.memory_space<vmem>>) target(%dma_start3A_535 : memref<4x16x768xf32, #tpu.memory_space<hbm>>) target_semaphore(%arg14 : memref<!tpu.dma_semaphore, #tpu.memory_space<semaphore_mem>>)
    %dma_wait3A_536 = arith.constant 0 : i32
    %dma_wait3A_537 = arith.constant 0 : i32
    %dma_wait3A_538 = tpu.memref_slice %arg4[%dma_wait3A_536, %add3A_529, %dma_wait3A_537] : memref<4x8192x768xf32, #tpu.memory_space<hbm>> -> memref<4x16x768xf32, #tpu.memory_space<hbm>>
    %dma_wait3A_539 = arith.constant 0 : i32
    %dma_wait3A_540 = arith.constant 0 : i32
    %dma_wait3A_541 = tpu.memref_slice %arg4[%dma_wait3A_539, %add3A_529, %dma_wait3A_540] : memref<4x8192x768xf32, #tpu.memory_space<hbm>> -> memref<4x16x768xf32, #tpu.memory_space<hbm>>
    tpu.wait_dma2 semaphore(%arg14 : memref<!tpu.dma_semaphore, #tpu.memory_space<semaphore_mem>>) src(%arg6 : memref<4x16x768xf32, #tpu.memory_space<vmem>>) dst(%dma_wait3A_541 : memref<4x16x768xf32, #tpu.memory_space<hbm>>)
    %add3A_542 = arith.constant 208 : i32
    %add3A_543 = arith.addi %mul3A_2, %add3A_542 : i32
    %dma_start3A_544 = arith.constant 0 : i32
    %dma_start3A_545 = arith.constant 0 : i32
    %dma_start3A_546 = tpu.memref_slice %arg2[%dma_start3A_544, %add3A_543, %dma_start3A_545] : memref<4x8192x768xf32, #tpu.memory_space<hbm>> -> memref<4x16x768xf32, #tpu.memory_space<hbm>>
    %dma_start3A_547 = arith.constant 0 : i32
    %dma_start3A_548 = arith.constant 0 : i32
    %dma_start3A_549 = tpu.memref_slice %arg2[%dma_start3A_547, %add3A_543, %dma_start3A_548] : memref<4x8192x768xf32, #tpu.memory_space<hbm>> -> memref<4x16x768xf32, #tpu.memory_space<hbm>>
    tpu.enqueue_dma source(%dma_start3A_549 : memref<4x16x768xf32, #tpu.memory_space<hbm>>) target(%arg6 : memref<4x16x768xf32, #tpu.memory_space<vmem>>) target_semaphore(%arg10 : memref<!tpu.dma_semaphore, #tpu.memory_space<semaphore_mem>>)
    %add3A_550 = arith.constant 208 : i32
    %add3A_551 = arith.addi %mul3A_2, %add3A_550 : i32
    %dma_start3A_552 = arith.constant 0 : i32
    %dma_start3A_553 = tpu.memref_slice %arg3[%add3A_551, %dma_start3A_552] : memref<8192x768xf32, #tpu.memory_space<hbm>> -> memref<16x768xf32, #tpu.memory_space<hbm>>
    %dma_start3A_554 = arith.constant 0 : i32
    %dma_start3A_555 = tpu.memref_slice %arg3[%add3A_551, %dma_start3A_554] : memref<8192x768xf32, #tpu.memory_space<hbm>> -> memref<16x768xf32, #tpu.memory_space<hbm>>
    tpu.enqueue_dma source(%dma_start3A_555 : memref<16x768xf32, #tpu.memory_space<hbm>>) target(%arg8 : memref<16x768xf32, #tpu.memory_space<vmem>>) target_semaphore(%arg12 : memref<!tpu.dma_semaphore, #tpu.memory_space<semaphore_mem>>)
    %dma_wait3A_556 = arith.constant 0 : i32
    %dma_wait3A_557 = arith.constant 0 : i32
    %dma_wait3A_558 = tpu.memref_slice %arg2[%dma_wait3A_556, %add3A_499, %dma_wait3A_557] : memref<4x8192x768xf32, #tpu.memory_space<hbm>> -> memref<4x16x768xf32, #tpu.memory_space<hbm>>
    %dma_wait3A_559 = arith.constant 0 : i32
    %dma_wait3A_560 = arith.constant 0 : i32
    %dma_wait3A_561 = tpu.memref_slice %arg2[%dma_wait3A_559, %add3A_499, %dma_wait3A_560] : memref<4x8192x768xf32, #tpu.memory_space<hbm>> -> memref<4x16x768xf32, #tpu.memory_space<hbm>>
    tpu.wait_dma2 semaphore(%arg9 : memref<!tpu.dma_semaphore, #tpu.memory_space<semaphore_mem>>) src(%dma_wait3A_561 : memref<4x16x768xf32, #tpu.memory_space<hbm>>) dst(%arg5 : memref<4x16x768xf32, #tpu.memory_space<vmem>>)
    %dma_wait3A_562 = arith.constant 0 : i32
    %dma_wait3A_563 = tpu.memref_slice %arg3[%add3A_507, %dma_wait3A_562] : memref<8192x768xf32, #tpu.memory_space<hbm>> -> memref<16x768xf32, #tpu.memory_space<hbm>>
    %dma_wait3A_564 = arith.constant 0 : i32
    %dma_wait3A_565 = tpu.memref_slice %arg3[%add3A_507, %dma_wait3A_564] : memref<8192x768xf32, #tpu.memory_space<hbm>> -> memref<16x768xf32, #tpu.memory_space<hbm>>
    tpu.wait_dma2 semaphore(%arg11 : memref<!tpu.dma_semaphore, #tpu.memory_space<semaphore_mem>>) src(%dma_wait3A_565 : memref<16x768xf32, #tpu.memory_space<hbm>>) dst(%arg7 : memref<16x768xf32, #tpu.memory_space<vmem>>)
    %scan3A_566 = arith.constant 0 : i32
    %scan3A_567 = arith.constant 0 : i32
    %scan3A_568 = arith.constant 16 : i32
    %scan3A_569 = arith.addi %scan3A_567, %scan3A_568 : i32
    %scan3A_570 = arith.constant 1 : i32
    scf.for %scan3A_704 = %scan3A_567 to %scan3A_569 step %scan3A_570  : i32 {
      %parallel_loop3A = arith.constant 0 : i32
      %parallel_loop3A_705 = arith.constant 768 : i32
      %parallel_loop3A_706 = arith.constant 16 : i32
      scf.for %parallel_loop3A_707 = %parallel_loop3A to %parallel_loop3A_705 step %parallel_loop3A_706  : i32 {
        %parallel_loop3A_708 = arith.index_cast %scan3A_704 : i32 to index
        %parallel_loop3A_709 = arith.index_cast %parallel_loop3A_707 : i32 to index
        %parallel_loop3A_710 = tpu.vector_load %arg7[%parallel_loop3A_708, %parallel_loop3A_709] {strides = array<i32>} : memref<16x768xf32, #tpu.memory_space<vmem>>, vector<1x16xf32>,
        %parallel_loop3A_711 = vector.shape_cast %parallel_loop3A_710 : vector<1x16xf32> to vector<16xf32>
        %parallel_loop3A_712 = arith.constant 0 : i32
        %parallel_loop3A_713 = arith.index_cast %parallel_loop3A_712 : i32 to index
        %parallel_loop3A_714 = arith.index_cast %scan3A_704 : i32 to index
        %parallel_loop3A_715 = arith.index_cast %parallel_loop3A_707 : i32 to index
        %parallel_loop3A_716 = tpu.vector_load %arg5[%parallel_loop3A_713, %parallel_loop3A_714, %parallel_loop3A_715] {strides = array<i32>} : memref<4x16x768xf32, #tpu.memory_space<vmem>>, vector<1x1x16xf32>,
        %parallel_loop3A_717 = vector.shape_cast %parallel_loop3A_716 : vector<1x1x16xf32> to vector<16xf32>
        %parallel_loop3A_718 = arith.addf %parallel_loop3A_717, %parallel_loop3A_711 : vector<16xf32>
        %parallel_loop3A_719 = arith.constant 0 : i32
        %parallel_loop3A_720 = arith.index_cast %parallel_loop3A_719 : i32 to index
        %parallel_loop3A_721 = arith.index_cast %scan3A_704 : i32 to index
        %parallel_loop3A_722 = arith.index_cast %parallel_loop3A_707 : i32 to index
        %parallel_loop3A_723 = tpu.vector_load %arg5[%parallel_loop3A_720, %parallel_loop3A_721, %parallel_loop3A_722] {strides = array<i32>} : memref<4x16x768xf32, #tpu.memory_space<vmem>>, vector<1x1x16xf32>,
        %parallel_loop3A_724 = vector.shape_cast %parallel_loop3A_723 : vector<1x1x16xf32> to vector<16xf32>
        %parallel_loop3A_725 = vector.shape_cast %parallel_loop3A_718 : vector<16xf32> to vector<1x1x16xf32>
        tpu.vector_store %arg5[%parallel_loop3A_720, %parallel_loop3A_721, %parallel_loop3A_722], %parallel_loop3A_725 {strides = array<i32>} : memref<4x16x768xf32, #tpu.memory_space<vmem>>, vector<1x1x16xf32>,
        %parallel_loop3A_726 = arith.constant 1 : i32
        %parallel_loop3A_727 = arith.index_cast %parallel_loop3A_726 : i32 to index
        %parallel_loop3A_728 = arith.index_cast %scan3A_704 : i32 to index
        %parallel_loop3A_729 = arith.index_cast %parallel_loop3A_707 : i32 to index
        %parallel_loop3A_730 = tpu.vector_load %arg5[%parallel_loop3A_727, %parallel_loop3A_728, %parallel_loop3A_729] {strides = array<i32>} : memref<4x16x768xf32, #tpu.memory_space<vmem>>, vector<1x1x16xf32>,
        %parallel_loop3A_731 = vector.shape_cast %parallel_loop3A_730 : vector<1x1x16xf32> to vector<16xf32>
        %parallel_loop3A_732 = arith.addf %parallel_loop3A_731, %parallel_loop3A_711 : vector<16xf32>
        %parallel_loop3A_733 = arith.constant 1 : i32
        %parallel_loop3A_734 = arith.index_cast %parallel_loop3A_733 : i32 to index
        %parallel_loop3A_735 = arith.index_cast %scan3A_704 : i32 to index
        %parallel_loop3A_736 = arith.index_cast %parallel_loop3A_707 : i32 to index
        %parallel_loop3A_737 = tpu.vector_load %arg5[%parallel_loop3A_734, %parallel_loop3A_735, %parallel_loop3A_736] {strides = array<i32>} : memref<4x16x768xf32, #tpu.memory_space<vmem>>, vector<1x1x16xf32>,
        %parallel_loop3A_738 = vector.shape_cast %parallel_loop3A_737 : vector<1x1x16xf32> to vector<16xf32>
        %parallel_loop3A_739 = vector.shape_cast %parallel_loop3A_732 : vector<16xf32> to vector<1x1x16xf32>
        tpu.vector_store %arg5[%parallel_loop3A_734, %parallel_loop3A_735, %parallel_loop3A_736], %parallel_loop3A_739 {strides = array<i32>} : memref<4x16x768xf32, #tpu.memory_space<vmem>>, vector<1x1x16xf32>,
        %parallel_loop3A_740 = arith.constant 2 : i32
        %parallel_loop3A_741 = arith.index_cast %parallel_loop3A_740 : i32 to index
        %parallel_loop3A_742 = arith.index_cast %scan3A_704 : i32 to index
        %parallel_loop3A_743 = arith.index_cast %parallel_loop3A_707 : i32 to index
        %parallel_loop3A_744 = tpu.vector_load %arg5[%parallel_loop3A_741, %parallel_loop3A_742, %parallel_loop3A_743] {strides = array<i32>} : memref<4x16x768xf32, #tpu.memory_space<vmem>>, vector<1x1x16xf32>,
        %parallel_loop3A_745 = vector.shape_cast %parallel_loop3A_744 : vector<1x1x16xf32> to vector<16xf32>
        %parallel_loop3A_746 = arith.addf %parallel_loop3A_745, %parallel_loop3A_711 : vector<16xf32>
        %parallel_loop3A_747 = arith.constant 2 : i32
        %parallel_loop3A_748 = arith.index_cast %parallel_loop3A_747 : i32 to index
        %parallel_loop3A_749 = arith.index_cast %scan3A_704 : i32 to index
        %parallel_loop3A_750 = arith.index_cast %parallel_loop3A_707 : i32 to index
        %parallel_loop3A_751 = tpu.vector_load %arg5[%parallel_loop3A_748, %parallel_loop3A_749, %parallel_loop3A_750] {strides = array<i32>} : memref<4x16x768xf32, #tpu.memory_space<vmem>>, vector<1x1x16xf32>,
        %parallel_loop3A_752 = vector.shape_cast %parallel_loop3A_751 : vector<1x1x16xf32> to vector<16xf32>
        %parallel_loop3A_753 = vector.shape_cast %parallel_loop3A_746 : vector<16xf32> to vector<1x1x16xf32>
        tpu.vector_store %arg5[%parallel_loop3A_748, %parallel_loop3A_749, %parallel_loop3A_750], %parallel_loop3A_753 {strides = array<i32>} : memref<4x16x768xf32, #tpu.memory_space<vmem>>, vector<1x1x16xf32>,
        %parallel_loop3A_754 = arith.constant 3 : i32
        %parallel_loop3A_755 = arith.index_cast %parallel_loop3A_754 : i32 to index
        %parallel_loop3A_756 = arith.index_cast %scan3A_704 : i32 to index
        %parallel_loop3A_757 = arith.index_cast %parallel_loop3A_707 : i32 to index
        %parallel_loop3A_758 = tpu.vector_load %arg5[%parallel_loop3A_755, %parallel_loop3A_756, %parallel_loop3A_757] {strides = array<i32>} : memref<4x16x768xf32, #tpu.memory_space<vmem>>, vector<1x1x16xf32>,
        %parallel_loop3A_759 = vector.shape_cast %parallel_loop3A_758 : vector<1x1x16xf32> to vector<16xf32>
        %parallel_loop3A_760 = arith.addf %parallel_loop3A_759, %parallel_loop3A_711 : vector<16xf32>
        %parallel_loop3A_761 = arith.constant 3 : i32
        %parallel_loop3A_762 = arith.index_cast %parallel_loop3A_761 : i32 to index
        %parallel_loop3A_763 = arith.index_cast %scan3A_704 : i32 to index
        %parallel_loop3A_764 = arith.index_cast %parallel_loop3A_707 : i32 to index
        %parallel_loop3A_765 = tpu.vector_load %arg5[%parallel_loop3A_762, %parallel_loop3A_763, %parallel_loop3A_764] {strides = array<i32>} : memref<4x16x768xf32, #tpu.memory_space<vmem>>, vector<1x1x16xf32>,
        %parallel_loop3A_766 = vector.shape_cast %parallel_loop3A_765 : vector<1x1x16xf32> to vector<16xf32>
        %parallel_loop3A_767 = vector.shape_cast %parallel_loop3A_760 : vector<16xf32> to vector<1x1x16xf32>
        tpu.vector_store %arg5[%parallel_loop3A_762, %parallel_loop3A_763, %parallel_loop3A_764], %parallel_loop3A_767 {strides = array<i32>} : memref<4x16x768xf32, #tpu.memory_space<vmem>>, vector<1x1x16xf32>,
      } {sc.loop_unroll_factor = 8 : i64, sc.parallel_access}
    }
    %scan3A_571 = arith.constant 16 : i32
    %add3A_572 = arith.constant 192 : i32
    %add3A_573 = arith.addi %mul3A_2, %add3A_572 : i32
    %dma_start3A_574 = arith.constant 0 : i32
    %dma_start3A_575 = arith.constant 0 : i32
    %dma_start3A_576 = tpu.memref_slice %arg4[%dma_start3A_574, %add3A_573, %dma_start3A_575] : memref<4x8192x768xf32, #tpu.memory_space<hbm>> -> memref<4x16x768xf32, #tpu.memory_space<hbm>>
    %dma_start3A_577 = arith.constant 0 : i32
    %dma_start3A_578 = arith.constant 0 : i32
    %dma_start3A_579 = tpu.memref_slice %arg4[%dma_start3A_577, %add3A_573, %dma_start3A_578] : memref<4x8192x768xf32, #tpu.memory_space<hbm>> -> memref<4x16x768xf32, #tpu.memory_space<hbm>>
    tpu.enqueue_dma source(%arg5 : memref<4x16x768xf32, #tpu.memory_space<vmem>>) target(%dma_start3A_579 : memref<4x16x768xf32, #tpu.memory_space<hbm>>) target_semaphore(%arg13 : memref<!tpu.dma_semaphore, #tpu.memory_space<semaphore_mem>>)
    %dma_wait3A_580 = arith.constant 0 : i32
    %dma_wait3A_581 = arith.constant 0 : i32
    %dma_wait3A_582 = tpu.memref_slice %arg4[%dma_wait3A_580, %add3A_573, %dma_wait3A_581] : memref<4x8192x768xf32, #tpu.memory_space<hbm>> -> memref<4x16x768xf32, #tpu.memory_space<hbm>>
    %dma_wait3A_583 = arith.constant 0 : i32
    %dma_wait3A_584 = arith.constant 0 : i32
    %dma_wait3A_585 = tpu.memref_slice %arg4[%dma_wait3A_583, %add3A_573, %dma_wait3A_584] : memref<4x8192x768xf32, #tpu.memory_space<hbm>> -> memref<4x16x768xf32, #tpu.memory_space<hbm>>
    tpu.wait_dma2 semaphore(%arg13 : memref<!tpu.dma_semaphore, #tpu.memory_space<semaphore_mem>>) src(%arg5 : memref<4x16x768xf32, #tpu.memory_space<vmem>>) dst(%dma_wait3A_585 : memref<4x16x768xf32, #tpu.memory_space<hbm>>)
    %add3A_586 = arith.constant 224 : i32
    %add3A_587 = arith.addi %mul3A_2, %add3A_586 : i32
    %dma_start3A_588 = arith.constant 0 : i32
    %dma_start3A_589 = arith.constant 0 : i32
    %dma_start3A_590 = tpu.memref_slice %arg2[%dma_start3A_588, %add3A_587, %dma_start3A_589] : memref<4x8192x768xf32, #tpu.memory_space<hbm>> -> memref<4x16x768xf32, #tpu.memory_space<hbm>>
    %dma_start3A_591 = arith.constant 0 : i32
    %dma_start3A_592 = arith.constant 0 : i32
    %dma_start3A_593 = tpu.memref_slice %arg2[%dma_start3A_591, %add3A_587, %dma_start3A_592] : memref<4x8192x768xf32, #tpu.memory_space<hbm>> -> memref<4x16x768xf32, #tpu.memory_space<hbm>>
    tpu.enqueue_dma source(%dma_start3A_593 : memref<4x16x768xf32, #tpu.memory_space<hbm>>) target(%arg5 : memref<4x16x768xf32, #tpu.memory_space<vmem>>) target_semaphore(%arg9 : memref<!tpu.dma_semaphore, #tpu.memory_space<semaphore_mem>>)
    %add3A_594 = arith.constant 224 : i32
    %add3A_595 = arith.addi %mul3A_2, %add3A_594 : i32
    %dma_start3A_596 = arith.constant 0 : i32
    %dma_start3A_597 = tpu.memref_slice %arg3[%add3A_595, %dma_start3A_596] : memref<8192x768xf32, #tpu.memory_space<hbm>> -> memref<16x768xf32, #tpu.memory_space<hbm>>
    %dma_start3A_598 = arith.constant 0 : i32
    %dma_start3A_599 = tpu.memref_slice %arg3[%add3A_595, %dma_start3A_598] : memref<8192x768xf32, #tpu.memory_space<hbm>> -> memref<16x768xf32, #tpu.memory_space<hbm>>
    tpu.enqueue_dma source(%dma_start3A_599 : memref<16x768xf32, #tpu.memory_space<hbm>>) target(%arg7 : memref<16x768xf32, #tpu.memory_space<vmem>>) target_semaphore(%arg11 : memref<!tpu.dma_semaphore, #tpu.memory_space<semaphore_mem>>)
    %dma_wait3A_600 = arith.constant 0 : i32
    %dma_wait3A_601 = arith.constant 0 : i32
    %dma_wait3A_602 = tpu.memref_slice %arg2[%dma_wait3A_600, %add3A_543, %dma_wait3A_601] : memref<4x8192x768xf32, #tpu.memory_space<hbm>> -> memref<4x16x768xf32, #tpu.memory_space<hbm>>
    %dma_wait3A_603 = arith.constant 0 : i32
    %dma_wait3A_604 = arith.constant 0 : i32
    %dma_wait3A_605 = tpu.memref_slice %arg2[%dma_wait3A_603, %add3A_543, %dma_wait3A_604] : memref<4x8192x768xf32, #tpu.memory_space<hbm>> -> memref<4x16x768xf32, #tpu.memory_space<hbm>>
    tpu.wait_dma2 semaphore(%arg10 : memref<!tpu.dma_semaphore, #tpu.memory_space<semaphore_mem>>) src(%dma_wait3A_605 : memref<4x16x768xf32, #tpu.memory_space<hbm>>) dst(%arg6 : memref<4x16x768xf32, #tpu.memory_space<vmem>>)
    %dma_wait3A_606 = arith.constant 0 : i32
    %dma_wait3A_607 = tpu.memref_slice %arg3[%add3A_551, %dma_wait3A_606] : memref<8192x768xf32, #tpu.memory_space<hbm>> -> memref<16x768xf32, #tpu.memory_space<hbm>>
    %dma_wait3A_608 = arith.constant 0 : i32
    %dma_wait3A_609 = tpu.memref_slice %arg3[%add3A_551, %dma_wait3A_608] : memref<8192x768xf32, #tpu.memory_space<hbm>> -> memref<16x768xf32, #tpu.memory_space<hbm>>
    tpu.wait_dma2 semaphore(%arg12 : memref<!tpu.dma_semaphore, #tpu.memory_space<semaphore_mem>>) src(%dma_wait3A_609 : memref<16x768xf32, #tpu.memory_space<hbm>>) dst(%arg8 : memref<16x768xf32, #tpu.memory_space<vmem>>)
    %scan3A_610 = arith.constant 0 : i32
    %scan3A_611 = arith.constant 0 : i32
    %scan3A_612 = arith.constant 16 : i32
    %scan3A_613 = arith.addi %scan3A_611, %scan3A_612 : i32
    %scan3A_614 = arith.constant 1 : i32
    scf.for %scan3A_704 = %scan3A_611 to %scan3A_613 step %scan3A_614  : i32 {
      %parallel_loop3A = arith.constant 0 : i32
      %parallel_loop3A_705 = arith.constant 768 : i32
      %parallel_loop3A_706 = arith.constant 16 : i32
      scf.for %parallel_loop3A_707 = %parallel_loop3A to %parallel_loop3A_705 step %parallel_loop3A_706  : i32 {
        %parallel_loop3A_708 = arith.index_cast %scan3A_704 : i32 to index
        %parallel_loop3A_709 = arith.index_cast %parallel_loop3A_707 : i32 to index
        %parallel_loop3A_710 = tpu.vector_load %arg8[%parallel_loop3A_708, %parallel_loop3A_709] {strides = array<i32>} : memref<16x768xf32, #tpu.memory_space<vmem>>, vector<1x16xf32>,
        %parallel_loop3A_711 = vector.shape_cast %parallel_loop3A_710 : vector<1x16xf32> to vector<16xf32>
        %parallel_loop3A_712 = arith.constant 0 : i32
        %parallel_loop3A_713 = arith.index_cast %parallel_loop3A_712 : i32 to index
        %parallel_loop3A_714 = arith.index_cast %scan3A_704 : i32 to index
        %parallel_loop3A_715 = arith.index_cast %parallel_loop3A_707 : i32 to index
        %parallel_loop3A_716 = tpu.vector_load %arg6[%parallel_loop3A_713, %parallel_loop3A_714, %parallel_loop3A_715] {strides = array<i32>} : memref<4x16x768xf32, #tpu.memory_space<vmem>>, vector<1x1x16xf32>,
        %parallel_loop3A_717 = vector.shape_cast %parallel_loop3A_716 : vector<1x1x16xf32> to vector<16xf32>
        %parallel_loop3A_718 = arith.addf %parallel_loop3A_717, %parallel_loop3A_711 : vector<16xf32>
        %parallel_loop3A_719 = arith.constant 0 : i32
        %parallel_loop3A_720 = arith.index_cast %parallel_loop3A_719 : i32 to index
        %parallel_loop3A_721 = arith.index_cast %scan3A_704 : i32 to index
        %parallel_loop3A_722 = arith.index_cast %parallel_loop3A_707 : i32 to index
        %parallel_loop3A_723 = tpu.vector_load %arg6[%parallel_loop3A_720, %parallel_loop3A_721, %parallel_loop3A_722] {strides = array<i32>} : memref<4x16x768xf32, #tpu.memory_space<vmem>>, vector<1x1x16xf32>,
        %parallel_loop3A_724 = vector.shape_cast %parallel_loop3A_723 : vector<1x1x16xf32> to vector<16xf32>
        %parallel_loop3A_725 = vector.shape_cast %parallel_loop3A_718 : vector<16xf32> to vector<1x1x16xf32>
        tpu.vector_store %arg6[%parallel_loop3A_720, %parallel_loop3A_721, %parallel_loop3A_722], %parallel_loop3A_725 {strides = array<i32>} : memref<4x16x768xf32, #tpu.memory_space<vmem>>, vector<1x1x16xf32>,
        %parallel_loop3A_726 = arith.constant 1 : i32
        %parallel_loop3A_727 = arith.index_cast %parallel_loop3A_726 : i32 to index
        %parallel_loop3A_728 = arith.index_cast %scan3A_704 : i32 to index
        %parallel_loop3A_729 = arith.index_cast %parallel_loop3A_707 : i32 to index
        %parallel_loop3A_730 = tpu.vector_load %arg6[%parallel_loop3A_727, %parallel_loop3A_728, %parallel_loop3A_729] {strides = array<i32>} : memref<4x16x768xf32, #tpu.memory_space<vmem>>, vector<1x1x16xf32>,
        %parallel_loop3A_731 = vector.shape_cast %parallel_loop3A_730 : vector<1x1x16xf32> to vector<16xf32>
        %parallel_loop3A_732 = arith.addf %parallel_loop3A_731, %parallel_loop3A_711 : vector<16xf32>
        %parallel_loop3A_733 = arith.constant 1 : i32
        %parallel_loop3A_734 = arith.index_cast %parallel_loop3A_733 : i32 to index
        %parallel_loop3A_735 = arith.index_cast %scan3A_704 : i32 to index
        %parallel_loop3A_736 = arith.index_cast %parallel_loop3A_707 : i32 to index
        %parallel_loop3A_737 = tpu.vector_load %arg6[%parallel_loop3A_734, %parallel_loop3A_735, %parallel_loop3A_736] {strides = array<i32>} : memref<4x16x768xf32, #tpu.memory_space<vmem>>, vector<1x1x16xf32>,
        %parallel_loop3A_738 = vector.shape_cast %parallel_loop3A_737 : vector<1x1x16xf32> to vector<16xf32>
        %parallel_loop3A_739 = vector.shape_cast %parallel_loop3A_732 : vector<16xf32> to vector<1x1x16xf32>
        tpu.vector_store %arg6[%parallel_loop3A_734, %parallel_loop3A_735, %parallel_loop3A_736], %parallel_loop3A_739 {strides = array<i32>} : memref<4x16x768xf32, #tpu.memory_space<vmem>>, vector<1x1x16xf32>,
        %parallel_loop3A_740 = arith.constant 2 : i32
        %parallel_loop3A_741 = arith.index_cast %parallel_loop3A_740 : i32 to index
        %parallel_loop3A_742 = arith.index_cast %scan3A_704 : i32 to index
        %parallel_loop3A_743 = arith.index_cast %parallel_loop3A_707 : i32 to index
        %parallel_loop3A_744 = tpu.vector_load %arg6[%parallel_loop3A_741, %parallel_loop3A_742, %parallel_loop3A_743] {strides = array<i32>} : memref<4x16x768xf32, #tpu.memory_space<vmem>>, vector<1x1x16xf32>,
        %parallel_loop3A_745 = vector.shape_cast %parallel_loop3A_744 : vector<1x1x16xf32> to vector<16xf32>
        %parallel_loop3A_746 = arith.addf %parallel_loop3A_745, %parallel_loop3A_711 : vector<16xf32>
        %parallel_loop3A_747 = arith.constant 2 : i32
        %parallel_loop3A_748 = arith.index_cast %parallel_loop3A_747 : i32 to index
        %parallel_loop3A_749 = arith.index_cast %scan3A_704 : i32 to index
        %parallel_loop3A_750 = arith.index_cast %parallel_loop3A_707 : i32 to index
        %parallel_loop3A_751 = tpu.vector_load %arg6[%parallel_loop3A_748, %parallel_loop3A_749, %parallel_loop3A_750] {strides = array<i32>} : memref<4x16x768xf32, #tpu.memory_space<vmem>>, vector<1x1x16xf32>,
        %parallel_loop3A_752 = vector.shape_cast %parallel_loop3A_751 : vector<1x1x16xf32> to vector<16xf32>
        %parallel_loop3A_753 = vector.shape_cast %parallel_loop3A_746 : vector<16xf32> to vector<1x1x16xf32>
        tpu.vector_store %arg6[%parallel_loop3A_748, %parallel_loop3A_749, %parallel_loop3A_750], %parallel_loop3A_753 {strides = array<i32>} : memref<4x16x768xf32, #tpu.memory_space<vmem>>, vector<1x1x16xf32>,
        %parallel_loop3A_754 = arith.constant 3 : i32
        %parallel_loop3A_755 = arith.index_cast %parallel_loop3A_754 : i32 to index
        %parallel_loop3A_756 = arith.index_cast %scan3A_704 : i32 to index
        %parallel_loop3A_757 = arith.index_cast %parallel_loop3A_707 : i32 to index
        %parallel_loop3A_758 = tpu.vector_load %arg6[%parallel_loop3A_755, %parallel_loop3A_756, %parallel_loop3A_757] {strides = array<i32>} : memref<4x16x768xf32, #tpu.memory_space<vmem>>, vector<1x1x16xf32>,
        %parallel_loop3A_759 = vector.shape_cast %parallel_loop3A_758 : vector<1x1x16xf32> to vector<16xf32>
        %parallel_loop3A_760 = arith.addf %parallel_loop3A_759, %parallel_loop3A_711 : vector<16xf32>
        %parallel_loop3A_761 = arith.constant 3 : i32
        %parallel_loop3A_762 = arith.index_cast %parallel_loop3A_761 : i32 to index
        %parallel_loop3A_763 = arith.index_cast %scan3A_704 : i32 to index
        %parallel_loop3A_764 = arith.index_cast %parallel_loop3A_707 : i32 to index
        %parallel_loop3A_765 = tpu.vector_load %arg6[%parallel_loop3A_762, %parallel_loop3A_763, %parallel_loop3A_764] {strides = array<i32>} : memref<4x16x768xf32, #tpu.memory_space<vmem>>, vector<1x1x16xf32>,
        %parallel_loop3A_766 = vector.shape_cast %parallel_loop3A_765 : vector<1x1x16xf32> to vector<16xf32>
        %parallel_loop3A_767 = vector.shape_cast %parallel_loop3A_760 : vector<16xf32> to vector<1x1x16xf32>
        tpu.vector_store %arg6[%parallel_loop3A_762, %parallel_loop3A_763, %parallel_loop3A_764], %parallel_loop3A_767 {strides = array<i32>} : memref<4x16x768xf32, #tpu.memory_space<vmem>>, vector<1x1x16xf32>,
      } {sc.loop_unroll_factor = 8 : i64, sc.parallel_access}
    }
    %scan3A_615 = arith.constant 16 : i32
    %add3A_616 = arith.constant 208 : i32
    %add3A_617 = arith.addi %mul3A_2, %add3A_616 : i32
    %dma_start3A_618 = arith.constant 0 : i32
    %dma_start3A_619 = arith.constant 0 : i32
    %dma_start3A_620 = tpu.memref_slice %arg4[%dma_start3A_618, %add3A_617, %dma_start3A_619] : memref<4x8192x768xf32, #tpu.memory_space<hbm>> -> memref<4x16x768xf32, #tpu.memory_space<hbm>>
    %dma_start3A_621 = arith.constant 0 : i32
    %dma_start3A_622 = arith.constant 0 : i32
    %dma_start3A_623 = tpu.memref_slice %arg4[%dma_start3A_621, %add3A_617, %dma_start3A_622] : memref<4x8192x768xf32, #tpu.memory_space<hbm>> -> memref<4x16x768xf32, #tpu.memory_space<hbm>>
    tpu.enqueue_dma source(%arg6 : memref<4x16x768xf32, #tpu.memory_space<vmem>>) target(%dma_start3A_623 : memref<4x16x768xf32, #tpu.memory_space<hbm>>) target_semaphore(%arg14 : memref<!tpu.dma_semaphore, #tpu.memory_space<semaphore_mem>>)
    %dma_wait3A_624 = arith.constant 0 : i32
    %dma_wait3A_625 = arith.constant 0 : i32
    %dma_wait3A_626 = tpu.memref_slice %arg4[%dma_wait3A_624, %add3A_617, %dma_wait3A_625] : memref<4x8192x768xf32, #tpu.memory_space<hbm>> -> memref<4x16x768xf32, #tpu.memory_space<hbm>>
    %dma_wait3A_627 = arith.constant 0 : i32
    %dma_wait3A_628 = arith.constant 0 : i32
    %dma_wait3A_629 = tpu.memref_slice %arg4[%dma_wait3A_627, %add3A_617, %dma_wait3A_628] : memref<4x8192x768xf32, #tpu.memory_space<hbm>> -> memref<4x16x768xf32, #tpu.memory_space<hbm>>
    tpu.wait_dma2 semaphore(%arg14 : memref<!tpu.dma_semaphore, #tpu.memory_space<semaphore_mem>>) src(%arg6 : memref<4x16x768xf32, #tpu.memory_space<vmem>>) dst(%dma_wait3A_629 : memref<4x16x768xf32, #tpu.memory_space<hbm>>)
    %add3A_630 = arith.constant 240 : i32
    %add3A_631 = arith.addi %mul3A_2, %add3A_630 : i32
    %dma_start3A_632 = arith.constant 0 : i32
    %dma_start3A_633 = arith.constant 0 : i32
    %dma_start3A_634 = tpu.memref_slice %arg2[%dma_start3A_632, %add3A_631, %dma_start3A_633] : memref<4x8192x768xf32, #tpu.memory_space<hbm>> -> memref<4x16x768xf32, #tpu.memory_space<hbm>>
    %dma_start3A_635 = arith.constant 0 : i32
    %dma_start3A_636 = arith.constant 0 : i32
    %dma_start3A_637 = tpu.memref_slice %arg2[%dma_start3A_635, %add3A_631, %dma_start3A_636] : memref<4x8192x768xf32, #tpu.memory_space<hbm>> -> memref<4x16x768xf32, #tpu.memory_space<hbm>>
    tpu.enqueue_dma source(%dma_start3A_637 : memref<4x16x768xf32, #tpu.memory_space<hbm>>) target(%arg6 : memref<4x16x768xf32, #tpu.memory_space<vmem>>) target_semaphore(%arg10 : memref<!tpu.dma_semaphore, #tpu.memory_space<semaphore_mem>>)
    %add3A_638 = arith.constant 240 : i32
    %add3A_639 = arith.addi %mul3A_2, %add3A_638 : i32
    %dma_start3A_640 = arith.constant 0 : i32
    %dma_start3A_641 = tpu.memref_slice %arg3[%add3A_639, %dma_start3A_640] : memref<8192x768xf32, #tpu.memory_space<hbm>> -> memref<16x768xf32, #tpu.memory_space<hbm>>
    %dma_start3A_642 = arith.constant 0 : i32
    %dma_start3A_643 = tpu.memref_slice %arg3[%add3A_639, %dma_start3A_642] : memref<8192x768xf32, #tpu.memory_space<hbm>> -> memref<16x768xf32, #tpu.memory_space<hbm>>
    tpu.enqueue_dma source(%dma_start3A_643 : memref<16x768xf32, #tpu.memory_space<hbm>>) target(%arg8 : memref<16x768xf32, #tpu.memory_space<vmem>>) target_semaphore(%arg12 : memref<!tpu.dma_semaphore, #tpu.memory_space<semaphore_mem>>)
    %dma_wait3A_644 = arith.constant 0 : i32
    %dma_wait3A_645 = arith.constant 0 : i32
    %dma_wait3A_646 = tpu.memref_slice %arg2[%dma_wait3A_644, %add3A_587, %dma_wait3A_645] : memref<4x8192x768xf32, #tpu.memory_space<hbm>> -> memref<4x16x768xf32, #tpu.memory_space<hbm>>
    %dma_wait3A_647 = arith.constant 0 : i32
    %dma_wait3A_648 = arith.constant 0 : i32
    %dma_wait3A_649 = tpu.memref_slice %arg2[%dma_wait3A_647, %add3A_587, %dma_wait3A_648] : memref<4x8192x768xf32, #tpu.memory_space<hbm>> -> memref<4x16x768xf32, #tpu.memory_space<hbm>>
    tpu.wait_dma2 semaphore(%arg9 : memref<!tpu.dma_semaphore, #tpu.memory_space<semaphore_mem>>) src(%dma_wait3A_649 : memref<4x16x768xf32, #tpu.memory_space<hbm>>) dst(%arg5 : memref<4x16x768xf32, #tpu.memory_space<vmem>>)
    %dma_wait3A_650 = arith.constant 0 : i32
    %dma_wait3A_651 = tpu.memref_slice %arg3[%add3A_595, %dma_wait3A_650] : memref<8192x768xf32, #tpu.memory_space<hbm>> -> memref<16x768xf32, #tpu.memory_space<hbm>>
    %dma_wait3A_652 = arith.constant 0 : i32
    %dma_wait3A_653 = tpu.memref_slice %arg3[%add3A_595, %dma_wait3A_652] : memref<8192x768xf32, #tpu.memory_space<hbm>> -> memref<16x768xf32, #tpu.memory_space<hbm>>
    tpu.wait_dma2 semaphore(%arg11 : memref<!tpu.dma_semaphore, #tpu.memory_space<semaphore_mem>>) src(%dma_wait3A_653 : memref<16x768xf32, #tpu.memory_space<hbm>>) dst(%arg7 : memref<16x768xf32, #tpu.memory_space<vmem>>)
    %scan3A_654 = arith.constant 0 : i32
    %scan3A_655 = arith.constant 0 : i32
    %scan3A_656 = arith.constant 16 : i32
    %scan3A_657 = arith.addi %scan3A_655, %scan3A_656 : i32
    %scan3A_658 = arith.constant 1 : i32
    scf.for %scan3A_704 = %scan3A_655 to %scan3A_657 step %scan3A_658  : i32 {
      %parallel_loop3A = arith.constant 0 : i32
      %parallel_loop3A_705 = arith.constant 768 : i32
      %parallel_loop3A_706 = arith.constant 16 : i32
      scf.for %parallel_loop3A_707 = %parallel_loop3A to %parallel_loop3A_705 step %parallel_loop3A_706  : i32 {
        %parallel_loop3A_708 = arith.index_cast %scan3A_704 : i32 to index
        %parallel_loop3A_709 = arith.index_cast %parallel_loop3A_707 : i32 to index
        %parallel_loop3A_710 = tpu.vector_load %arg7[%parallel_loop3A_708, %parallel_loop3A_709] {strides = array<i32>} : memref<16x768xf32, #tpu.memory_space<vmem>>, vector<1x16xf32>,
        %parallel_loop3A_711 = vector.shape_cast %parallel_loop3A_710 : vector<1x16xf32> to vector<16xf32>
        %parallel_loop3A_712 = arith.constant 0 : i32
        %parallel_loop3A_713 = arith.index_cast %parallel_loop3A_712 : i32 to index
        %parallel_loop3A_714 = arith.index_cast %scan3A_704 : i32 to index
        %parallel_loop3A_715 = arith.index_cast %parallel_loop3A_707 : i32 to index
        %parallel_loop3A_716 = tpu.vector_load %arg5[%parallel_loop3A_713, %parallel_loop3A_714, %parallel_loop3A_715] {strides = array<i32>} : memref<4x16x768xf32, #tpu.memory_space<vmem>>, vector<1x1x16xf32>,
        %parallel_loop3A_717 = vector.shape_cast %parallel_loop3A_716 : vector<1x1x16xf32> to vector<16xf32>
        %parallel_loop3A_718 = arith.addf %parallel_loop3A_717, %parallel_loop3A_711 : vector<16xf32>
        %parallel_loop3A_719 = arith.constant 0 : i32
        %parallel_loop3A_720 = arith.index_cast %parallel_loop3A_719 : i32 to index
        %parallel_loop3A_721 = arith.index_cast %scan3A_704 : i32 to index
        %parallel_loop3A_722 = arith.index_cast %parallel_loop3A_707 : i32 to index
        %parallel_loop3A_723 = tpu.vector_load %arg5[%parallel_loop3A_720, %parallel_loop3A_721, %parallel_loop3A_722] {strides = array<i32>} : memref<4x16x768xf32, #tpu.memory_space<vmem>>, vector<1x1x16xf32>,
        %parallel_loop3A_724 = vector.shape_cast %parallel_loop3A_723 : vector<1x1x16xf32> to vector<16xf32>
        %parallel_loop3A_725 = vector.shape_cast %parallel_loop3A_718 : vector<16xf32> to vector<1x1x16xf32>
        tpu.vector_store %arg5[%parallel_loop3A_720, %parallel_loop3A_721, %parallel_loop3A_722], %parallel_loop3A_725 {strides = array<i32>} : memref<4x16x768xf32, #tpu.memory_space<vmem>>, vector<1x1x16xf32>,
        %parallel_loop3A_726 = arith.constant 1 : i32
        %parallel_loop3A_727 = arith.index_cast %parallel_loop3A_726 : i32 to index
        %parallel_loop3A_728 = arith.index_cast %scan3A_704 : i32 to index
        %parallel_loop3A_729 = arith.index_cast %parallel_loop3A_707 : i32 to index
        %parallel_loop3A_730 = tpu.vector_load %arg5[%parallel_loop3A_727, %parallel_loop3A_728, %parallel_loop3A_729] {strides = array<i32>} : memref<4x16x768xf32, #tpu.memory_space<vmem>>, vector<1x1x16xf32>,
        %parallel_loop3A_731 = vector.shape_cast %parallel_loop3A_730 : vector<1x1x16xf32> to vector<16xf32>
        %parallel_loop3A_732 = arith.addf %parallel_loop3A_731, %parallel_loop3A_711 : vector<16xf32>
        %parallel_loop3A_733 = arith.constant 1 : i32
        %parallel_loop3A_734 = arith.index_cast %parallel_loop3A_733 : i32 to index
        %parallel_loop3A_735 = arith.index_cast %scan3A_704 : i32 to index
        %parallel_loop3A_736 = arith.index_cast %parallel_loop3A_707 : i32 to index
        %parallel_loop3A_737 = tpu.vector_load %arg5[%parallel_loop3A_734, %parallel_loop3A_735, %parallel_loop3A_736] {strides = array<i32>} : memref<4x16x768xf32, #tpu.memory_space<vmem>>, vector<1x1x16xf32>,
        %parallel_loop3A_738 = vector.shape_cast %parallel_loop3A_737 : vector<1x1x16xf32> to vector<16xf32>
        %parallel_loop3A_739 = vector.shape_cast %parallel_loop3A_732 : vector<16xf32> to vector<1x1x16xf32>
        tpu.vector_store %arg5[%parallel_loop3A_734, %parallel_loop3A_735, %parallel_loop3A_736], %parallel_loop3A_739 {strides = array<i32>} : memref<4x16x768xf32, #tpu.memory_space<vmem>>, vector<1x1x16xf32>,
        %parallel_loop3A_740 = arith.constant 2 : i32
        %parallel_loop3A_741 = arith.index_cast %parallel_loop3A_740 : i32 to index
        %parallel_loop3A_742 = arith.index_cast %scan3A_704 : i32 to index
        %parallel_loop3A_743 = arith.index_cast %parallel_loop3A_707 : i32 to index
        %parallel_loop3A_744 = tpu.vector_load %arg5[%parallel_loop3A_741, %parallel_loop3A_742, %parallel_loop3A_743] {strides = array<i32>} : memref<4x16x768xf32, #tpu.memory_space<vmem>>, vector<1x1x16xf32>,
        %parallel_loop3A_745 = vector.shape_cast %parallel_loop3A_744 : vector<1x1x16xf32> to vector<16xf32>
        %parallel_loop3A_746 = arith.addf %parallel_loop3A_745, %parallel_loop3A_711 : vector<16xf32>
        %parallel_loop3A_747 = arith.constant 2 : i32
        %parallel_loop3A_748 = arith.index_cast %parallel_loop3A_747 : i32 to index
        %parallel_loop3A_749 = arith.index_cast %scan3A_704 : i32 to index
        %parallel_loop3A_750 = arith.index_cast %parallel_loop3A_707 : i32 to index
        %parallel_loop3A_751 = tpu.vector_load %arg5[%parallel_loop3A_748, %parallel_loop3A_749, %parallel_loop3A_750] {strides = array<i32>} : memref<4x16x768xf32, #tpu.memory_space<vmem>>, vector<1x1x16xf32>,
        %parallel_loop3A_752 = vector.shape_cast %parallel_loop3A_751 : vector<1x1x16xf32> to vector<16xf32>
        %parallel_loop3A_753 = vector.shape_cast %parallel_loop3A_746 : vector<16xf32> to vector<1x1x16xf32>
        tpu.vector_store %arg5[%parallel_loop3A_748, %parallel_loop3A_749, %parallel_loop3A_750], %parallel_loop3A_753 {strides = array<i32>} : memref<4x16x768xf32, #tpu.memory_space<vmem>>, vector<1x1x16xf32>,
        %parallel_loop3A_754 = arith.constant 3 : i32
        %parallel_loop3A_755 = arith.index_cast %parallel_loop3A_754 : i32 to index
        %parallel_loop3A_756 = arith.index_cast %scan3A_704 : i32 to index
        %parallel_loop3A_757 = arith.index_cast %parallel_loop3A_707 : i32 to index
        %parallel_loop3A_758 = tpu.vector_load %arg5[%parallel_loop3A_755, %parallel_loop3A_756, %parallel_loop3A_757] {strides = array<i32>} : memref<4x16x768xf32, #tpu.memory_space<vmem>>, vector<1x1x16xf32>,
        %parallel_loop3A_759 = vector.shape_cast %parallel_loop3A_758 : vector<1x1x16xf32> to vector<16xf32>
        %parallel_loop3A_760 = arith.addf %parallel_loop3A_759, %parallel_loop3A_711 : vector<16xf32>
        %parallel_loop3A_761 = arith.constant 3 : i32
        %parallel_loop3A_762 = arith.index_cast %parallel_loop3A_761 : i32 to index
        %parallel_loop3A_763 = arith.index_cast %scan3A_704 : i32 to index
        %parallel_loop3A_764 = arith.index_cast %parallel_loop3A_707 : i32 to index
        %parallel_loop3A_765 = tpu.vector_load %arg5[%parallel_loop3A_762, %parallel_loop3A_763, %parallel_loop3A_764] {strides = array<i32>} : memref<4x16x768xf32, #tpu.memory_space<vmem>>, vector<1x1x16xf32>,
        %parallel_loop3A_766 = vector.shape_cast %parallel_loop3A_765 : vector<1x1x16xf32> to vector<16xf32>
        %parallel_loop3A_767 = vector.shape_cast %parallel_loop3A_760 : vector<16xf32> to vector<1x1x16xf32>
        tpu.vector_store %arg5[%parallel_loop3A_762, %parallel_loop3A_763, %parallel_loop3A_764], %parallel_loop3A_767 {strides = array<i32>} : memref<4x16x768xf32, #tpu.memory_space<vmem>>, vector<1x1x16xf32>,
      } {sc.loop_unroll_factor = 8 : i64, sc.parallel_access}
    }
    %scan3A_659 = arith.constant 16 : i32
    %add3A_660 = arith.constant 224 : i32
    %add3A_661 = arith.addi %mul3A_2, %add3A_660 : i32
    %dma_start3A_662 = arith.constant 0 : i32
    %dma_start3A_663 = arith.constant 0 : i32
    %dma_start3A_664 = tpu.memref_slice %arg4[%dma_start3A_662, %add3A_661, %dma_start3A_663] : memref<4x8192x768xf32, #tpu.memory_space<hbm>> -> memref<4x16x768xf32, #tpu.memory_space<hbm>>
    %dma_start3A_665 = arith.constant 0 : i32
    %dma_start3A_666 = arith.constant 0 : i32
    %dma_start3A_667 = tpu.memref_slice %arg4[%dma_start3A_665, %add3A_661, %dma_start3A_666] : memref<4x8192x768xf32, #tpu.memory_space<hbm>> -> memref<4x16x768xf32, #tpu.memory_space<hbm>>
    tpu.enqueue_dma source(%arg5 : memref<4x16x768xf32, #tpu.memory_space<vmem>>) target(%dma_start3A_667 : memref<4x16x768xf32, #tpu.memory_space<hbm>>) target_semaphore(%arg13 : memref<!tpu.dma_semaphore, #tpu.memory_space<semaphore_mem>>)
    %dma_wait3A_668 = arith.constant 0 : i32
    %dma_wait3A_669 = arith.constant 0 : i32
    %dma_wait3A_670 = tpu.memref_slice %arg2[%dma_wait3A_668, %add3A_631, %dma_wait3A_669] : memref<4x8192x768xf32, #tpu.memory_space<hbm>> -> memref<4x16x768xf32, #tpu.memory_space<hbm>>
    %dma_wait3A_671 = arith.constant 0 : i32
    %dma_wait3A_672 = arith.constant 0 : i32
    %dma_wait3A_673 = tpu.memref_slice %arg2[%dma_wait3A_671, %add3A_631, %dma_wait3A_672] : memref<4x8192x768xf32, #tpu.memory_space<hbm>> -> memref<4x16x768xf32, #tpu.memory_space<hbm>>
    tpu.wait_dma2 semaphore(%arg10 : memref<!tpu.dma_semaphore, #tpu.memory_space<semaphore_mem>>) src(%dma_wait3A_673 : memref<4x16x768xf32, #tpu.memory_space<hbm>>) dst(%arg6 : memref<4x16x768xf32, #tpu.memory_space<vmem>>)
    %dma_wait3A_674 = arith.constant 0 : i32
    %dma_wait3A_675 = tpu.memref_slice %arg3[%add3A_639, %dma_wait3A_674] : memref<8192x768xf32, #tpu.memory_space<hbm>> -> memref<16x768xf32, #tpu.memory_space<hbm>>
    %dma_wait3A_676 = arith.constant 0 : i32
    %dma_wait3A_677 = tpu.memref_slice %arg3[%add3A_639, %dma_wait3A_676] : memref<8192x768xf32, #tpu.memory_space<hbm>> -> memref<16x768xf32, #tpu.memory_space<hbm>>
    tpu.wait_dma2 semaphore(%arg12 : memref<!tpu.dma_semaphore, #tpu.memory_space<semaphore_mem>>) src(%dma_wait3A_677 : memref<16x768xf32, #tpu.memory_space<hbm>>) dst(%arg8 : memref<16x768xf32, #tpu.memory_space<vmem>>)
    %scan3A_678 = arith.constant 0 : i32
    %scan3A_679 = arith.constant 0 : i32
    %scan3A_680 = arith.constant 16 : i32
    %scan3A_681 = arith.addi %scan3A_679, %scan3A_680 : i32
    %scan3A_682 = arith.constant 1 : i32
    scf.for %scan3A_704 = %scan3A_679 to %scan3A_681 step %scan3A_682  : i32 {
      %parallel_loop3A = arith.constant 0 : i32
      %parallel_loop3A_705 = arith.constant 768 : i32
      %parallel_loop3A_706 = arith.constant 16 : i32
      scf.for %parallel_loop3A_707 = %parallel_loop3A to %parallel_loop3A_705 step %parallel_loop3A_706  : i32 {
        %parallel_loop3A_708 = arith.index_cast %scan3A_704 : i32 to index
        %parallel_loop3A_709 = arith.index_cast %parallel_loop3A_707 : i32 to index
        %parallel_loop3A_710 = tpu.vector_load %arg8[%parallel_loop3A_708, %parallel_loop3A_709] {strides = array<i32>} : memref<16x768xf32, #tpu.memory_space<vmem>>, vector<1x16xf32>,
        %parallel_loop3A_711 = vector.shape_cast %parallel_loop3A_710 : vector<1x16xf32> to vector<16xf32>
        %parallel_loop3A_712 = arith.constant 0 : i32
        %parallel_loop3A_713 = arith.index_cast %parallel_loop3A_712 : i32 to index
        %parallel_loop3A_714 = arith.index_cast %scan3A_704 : i32 to index
        %parallel_loop3A_715 = arith.index_cast %parallel_loop3A_707 : i32 to index
        %parallel_loop3A_716 = tpu.vector_load %arg6[%parallel_loop3A_713, %parallel_loop3A_714, %parallel_loop3A_715] {strides = array<i32>} : memref<4x16x768xf32, #tpu.memory_space<vmem>>, vector<1x1x16xf32>,
        %parallel_loop3A_717 = vector.shape_cast %parallel_loop3A_716 : vector<1x1x16xf32> to vector<16xf32>
        %parallel_loop3A_718 = arith.addf %parallel_loop3A_717, %parallel_loop3A_711 : vector<16xf32>
        %parallel_loop3A_719 = arith.constant 0 : i32
        %parallel_loop3A_720 = arith.index_cast %parallel_loop3A_719 : i32 to index
        %parallel_loop3A_721 = arith.index_cast %scan3A_704 : i32 to index
        %parallel_loop3A_722 = arith.index_cast %parallel_loop3A_707 : i32 to index
        %parallel_loop3A_723 = tpu.vector_load %arg6[%parallel_loop3A_720, %parallel_loop3A_721, %parallel_loop3A_722] {strides = array<i32>} : memref<4x16x768xf32, #tpu.memory_space<vmem>>, vector<1x1x16xf32>,
        %parallel_loop3A_724 = vector.shape_cast %parallel_loop3A_723 : vector<1x1x16xf32> to vector<16xf32>
        %parallel_loop3A_725 = vector.shape_cast %parallel_loop3A_718 : vector<16xf32> to vector<1x1x16xf32>
        tpu.vector_store %arg6[%parallel_loop3A_720, %parallel_loop3A_721, %parallel_loop3A_722], %parallel_loop3A_725 {strides = array<i32>} : memref<4x16x768xf32, #tpu.memory_space<vmem>>, vector<1x1x16xf32>,
        %parallel_loop3A_726 = arith.constant 1 : i32
        %parallel_loop3A_727 = arith.index_cast %parallel_loop3A_726 : i32 to index
        %parallel_loop3A_728 = arith.index_cast %scan3A_704 : i32 to index
        %parallel_loop3A_729 = arith.index_cast %parallel_loop3A_707 : i32 to index
        %parallel_loop3A_730 = tpu.vector_load %arg6[%parallel_loop3A_727, %parallel_loop3A_728, %parallel_loop3A_729] {strides = array<i32>} : memref<4x16x768xf32, #tpu.memory_space<vmem>>, vector<1x1x16xf32>,
        %parallel_loop3A_731 = vector.shape_cast %parallel_loop3A_730 : vector<1x1x16xf32> to vector<16xf32>
        %parallel_loop3A_732 = arith.addf %parallel_loop3A_731, %parallel_loop3A_711 : vector<16xf32>
        %parallel_loop3A_733 = arith.constant 1 : i32
        %parallel_loop3A_734 = arith.index_cast %parallel_loop3A_733 : i32 to index
        %parallel_loop3A_735 = arith.index_cast %scan3A_704 : i32 to index
        %parallel_loop3A_736 = arith.index_cast %parallel_loop3A_707 : i32 to index
        %parallel_loop3A_737 = tpu.vector_load %arg6[%parallel_loop3A_734, %parallel_loop3A_735, %parallel_loop3A_736] {strides = array<i32>} : memref<4x16x768xf32, #tpu.memory_space<vmem>>, vector<1x1x16xf32>,
        %parallel_loop3A_738 = vector.shape_cast %parallel_loop3A_737 : vector<1x1x16xf32> to vector<16xf32>
        %parallel_loop3A_739 = vector.shape_cast %parallel_loop3A_732 : vector<16xf32> to vector<1x1x16xf32>
        tpu.vector_store %arg6[%parallel_loop3A_734, %parallel_loop3A_735, %parallel_loop3A_736], %parallel_loop3A_739 {strides = array<i32>} : memref<4x16x768xf32, #tpu.memory_space<vmem>>, vector<1x1x16xf32>,
        %parallel_loop3A_740 = arith.constant 2 : i32
        %parallel_loop3A_741 = arith.index_cast %parallel_loop3A_740 : i32 to index
        %parallel_loop3A_742 = arith.index_cast %scan3A_704 : i32 to index
        %parallel_loop3A_743 = arith.index_cast %parallel_loop3A_707 : i32 to index
        %parallel_loop3A_744 = tpu.vector_load %arg6[%parallel_loop3A_741, %parallel_loop3A_742, %parallel_loop3A_743] {strides = array<i32>} : memref<4x16x768xf32, #tpu.memory_space<vmem>>, vector<1x1x16xf32>,
        %parallel_loop3A_745 = vector.shape_cast %parallel_loop3A_744 : vector<1x1x16xf32> to vector<16xf32>
        %parallel_loop3A_746 = arith.addf %parallel_loop3A_745, %parallel_loop3A_711 : vector<16xf32>
        %parallel_loop3A_747 = arith.constant 2 : i32
        %parallel_loop3A_748 = arith.index_cast %parallel_loop3A_747 : i32 to index
        %parallel_loop3A_749 = arith.index_cast %scan3A_704 : i32 to index
        %parallel_loop3A_750 = arith.index_cast %parallel_loop3A_707 : i32 to index
        %parallel_loop3A_751 = tpu.vector_load %arg6[%parallel_loop3A_748, %parallel_loop3A_749, %parallel_loop3A_750] {strides = array<i32>} : memref<4x16x768xf32, #tpu.memory_space<vmem>>, vector<1x1x16xf32>,
        %parallel_loop3A_752 = vector.shape_cast %parallel_loop3A_751 : vector<1x1x16xf32> to vector<16xf32>
        %parallel_loop3A_753 = vector.shape_cast %parallel_loop3A_746 : vector<16xf32> to vector<1x1x16xf32>
        tpu.vector_store %arg6[%parallel_loop3A_748, %parallel_loop3A_749, %parallel_loop3A_750], %parallel_loop3A_753 {strides = array<i32>} : memref<4x16x768xf32, #tpu.memory_space<vmem>>, vector<1x1x16xf32>,
        %parallel_loop3A_754 = arith.constant 3 : i32
        %parallel_loop3A_755 = arith.index_cast %parallel_loop3A_754 : i32 to index
        %parallel_loop3A_756 = arith.index_cast %scan3A_704 : i32 to index
        %parallel_loop3A_757 = arith.index_cast %parallel_loop3A_707 : i32 to index
        %parallel_loop3A_758 = tpu.vector_load %arg6[%parallel_loop3A_755, %parallel_loop3A_756, %parallel_loop3A_757] {strides = array<i32>} : memref<4x16x768xf32, #tpu.memory_space<vmem>>, vector<1x1x16xf32>,
        %parallel_loop3A_759 = vector.shape_cast %parallel_loop3A_758 : vector<1x1x16xf32> to vector<16xf32>
        %parallel_loop3A_760 = arith.addf %parallel_loop3A_759, %parallel_loop3A_711 : vector<16xf32>
        %parallel_loop3A_761 = arith.constant 3 : i32
        %parallel_loop3A_762 = arith.index_cast %parallel_loop3A_761 : i32 to index
        %parallel_loop3A_763 = arith.index_cast %scan3A_704 : i32 to index
        %parallel_loop3A_764 = arith.index_cast %parallel_loop3A_707 : i32 to index
        %parallel_loop3A_765 = tpu.vector_load %arg6[%parallel_loop3A_762, %parallel_loop3A_763, %parallel_loop3A_764] {strides = array<i32>} : memref<4x16x768xf32, #tpu.memory_space<vmem>>, vector<1x1x16xf32>,
        %parallel_loop3A_766 = vector.shape_cast %parallel_loop3A_765 : vector<1x1x16xf32> to vector<16xf32>
        %parallel_loop3A_767 = vector.shape_cast %parallel_loop3A_760 : vector<16xf32> to vector<1x1x16xf32>
        tpu.vector_store %arg6[%parallel_loop3A_762, %parallel_loop3A_763, %parallel_loop3A_764], %parallel_loop3A_767 {strides = array<i32>} : memref<4x16x768xf32, #tpu.memory_space<vmem>>, vector<1x1x16xf32>,
      } {sc.loop_unroll_factor = 8 : i64, sc.parallel_access}
    }
    %scan3A_683 = arith.constant 16 : i32
    %add3A_684 = arith.constant 240 : i32
    %add3A_685 = arith.addi %mul3A_2, %add3A_684 : i32
    %dma_start3A_686 = arith.constant 0 : i32
    %dma_start3A_687 = arith.constant 0 : i32
    %dma_start3A_688 = tpu.memref_slice %arg4[%dma_start3A_686, %add3A_685, %dma_start3A_687] : memref<4x8192x768xf32, #tpu.memory_space<hbm>> -> memref<4x16x768xf32, #tpu.memory_space<hbm>>
    %dma_start3A_689 = arith.constant 0 : i32
    %dma_start3A_690 = arith.constant 0 : i32
    %dma_start3A_691 = tpu.memref_slice %arg4[%dma_start3A_689, %add3A_685, %dma_start3A_690] : memref<4x8192x768xf32, #tpu.memory_space<hbm>> -> memref<4x16x768xf32, #tpu.memory_space<hbm>>
    tpu.enqueue_dma source(%arg6 : memref<4x16x768xf32, #tpu.memory_space<vmem>>) target(%dma_start3A_691 : memref<4x16x768xf32, #tpu.memory_space<hbm>>) target_semaphore(%arg14 : memref<!tpu.dma_semaphore, #tpu.memory_space<semaphore_mem>>)
    %dma_wait3A_692 = arith.constant 0 : i32
    %dma_wait3A_693 = arith.constant 0 : i32
    %dma_wait3A_694 = tpu.memref_slice %arg4[%dma_wait3A_692, %add3A_661, %dma_wait3A_693] : memref<4x8192x768xf32, #tpu.memory_space<hbm>> -> memref<4x16x768xf32, #tpu.memory_space<hbm>>
    %dma_wait3A_695 = arith.constant 0 : i32
    %dma_wait3A_696 = arith.constant 0 : i32
    %dma_wait3A_697 = tpu.memref_slice %arg4[%dma_wait3A_695, %add3A_661, %dma_wait3A_696] : memref<4x8192x768xf32, #tpu.memory_space<hbm>> -> memref<4x16x768xf32, #tpu.memory_space<hbm>>
    tpu.wait_dma2 semaphore(%arg13 : memref<!tpu.dma_semaphore, #tpu.memory_space<semaphore_mem>>) src(%arg5 : memref<4x16x768xf32, #tpu.memory_space<vmem>>) dst(%dma_wait3A_697 : memref<4x16x768xf32, #tpu.memory_space<hbm>>)
    %dma_wait3A_698 = arith.constant 0 : i32
    %dma_wait3A_699 = arith.constant 0 : i32
    %dma_wait3A_700 = tpu.memref_slice %arg4[%dma_wait3A_698, %add3A_685, %dma_wait3A_699] : memref<4x8192x768xf32, #tpu.memory_space<hbm>> -> memref<4x16x768xf32, #tpu.memory_space<hbm>>
    %dma_wait3A_701 = arith.constant 0 : i32
    %dma_wait3A_702 = arith.constant 0 : i32
    %dma_wait3A_703 = tpu.memref_slice %arg4[%dma_wait3A_701, %add3A_685, %dma_wait3A_702] : memref<4x8192x768xf32, #tpu.memory_space<hbm>> -> memref<4x16x768xf32, #tpu.memory_space<hbm>>
    tpu.wait_dma2 semaphore(%arg14 : memref<!tpu.dma_semaphore, #tpu.memory_space<semaphore_mem>>) src(%arg6 : memref<4x16x768xf32, #tpu.memory_space<vmem>>) dst(%dma_wait3A_703 : memref<4x16x768xf32, #tpu.memory_space<hbm>>)
    return
  }
}

</mosaic_0001>

<sc_bundles>
// kernel: kernel.3.cloned.1.call-start
scs
__scs_entry_jumppad:
0x0: {  	(pc) =	sbr.rel $0x88, $3  }
0x1: {  	(tag) =	ssettag $0x0;
	lr =	simm.s32 $0x1  }
0x2: {  	[smem:$0x3F9F] =	sst lr;
	_ =	strace $0xD0000000  }
0x3: {  	_ = 	snop  }
0x4: {  	_ = 	snop  }
0x5: {  	_ = 	snop  }
0x6: {  	_ = 	snop  }
0x7: {  	_ = 	snop  }
__scs_overlays_trampoline_lowered:
0x8: {  	[smem:$0x3FAE] =	sst s0  }
0x9: {  	[smem:$0x3FAF] =	sst s1  }
0xa: {  	[smem:$0x3FB0] =	sst s2  }
0xb: {  	[smem:$0x3FB1] =	sst s3  }
0xc: {  	[smem:$0x3FB2] =	sst s4  }
0xd: {  	[smem:$0x3FB3] =	sst s5  }
0xe: {  	[smem:$0x3FB4] =	sst s6  }
0xf: {  	[smem:$0x3FB5] =	sst s7  }
0x10: {  	[smem:$0x3FB6] =	sst s8  }
0x11: {  	[smem:$0x3FB7] =	sst s9;
	s0 =	simm.s32 @!p0 $0x0  }
0x12: {  	s1 =	sld [smem:$0x3F9D];
	s0 =	simm.s32 @p0 $0x1  }
0x13: {  	[smem:$0x3FB8] =	sst s0;
	s0 =	simm.s32 @!p1 $0x0  }
0x14: {  	s2 =	sld [smem:$0x3F9C];
	s0 =	simm.s32 @p1 $0x1  }
0x15: {  	[smem:$0x3FB9] =	sst s0;
	s0 =	simm.s32 @!p2 $0x0  }
0x16: {  	s3 =	sld [smem:$0x3FDB];
	s0 =	simm.s32 @p2 $0x1  }
0x17: {  	s4 =	simm.s32 $0x1BF5;
	[smem:$0x3FBB] =	sst s0  }
0x18: {  	s0 =	sld [smem:$0x3F9E];
	_ =	swait.ge [sflag:s4], $0x0  }
0x19: {  	s7 =	sld [smem:$0x3F9F]  }
0x1a: {  	s8 =	sadd.s32 $0xFFFFE003, lr  }
0x1b: {  	s9 =	sadd.s32 $0xFFFFFEF7, lr;
	s5 =	simm.s32 $0xFFFFFFFF;
	p2 =	slt.u32 s8, $0xFFFFF086  }
0x1c: {  	p1 =	slt.u32 s9, $0xF7A;
	s5 =	simm.s32 @!p2 $0x0  }
0x1d: {  	s5 =	simm.s32 @p1 $0x1;
	p0 =	seq.s32 s7, s2  }
0x1e: {  	s7 =	smul.u32 @!p0 $0xF7A, s2;
	p2 =	seq.s32 @!p0 s5, $0x0  }
0x1f: {  	s9 =	smul.u32 $0xF7A, s1;
	s8 =	simm.s32 @!p0 $0x1BF5;
	p2 =	por !p2, p0  }
0x20: {  	[sflag:s8] =	ssyncset.s32 @!p0 $0xFFFFF086;
	s6 =	sadd.s32 @!p0 s3, s7;
	s7 =	simm.s32 @!p0 $0x108  }
0x21: {  	s3 =	sadd.s32 s3, s9;
	s6 =	sadd.s32 @!p0 $0x88, s6;
	s7 =	simm.s32 @p2 $0x1082  }
0x22: {  	[simem:s7], [sflag:s8] =	dma.local @!p0 [hbm:s6], $0xF7A  }
0x23: {  	s9 =	sor.u32 $0xD0000000, s2;
	s6 =	simm.s32 $0x108;
	_ =	swait.ge @!p0 [sflag:s8], $0x0  }
0x24: {  	s3 =	sadd.s32 $0x88, s3;
	s6 =	simm.s32 @!p1 $0x1082;
	[sflag:s4] =	ssyncset.s32 $0xFFFFF086  }
0x25: {  	[simem:s6], [sflag:s4] =	dma.local [hbm:s3], $0xF7A  }
0x26: {  	[smem:$0x3F9F] =	sst s1;
	(tag) =	ssettag s2;
	_ =	strace s9  }
0x27: {  	s1 =	sld [smem:$0x3FAF]  }
0x28: {  	s2 =	sld [smem:$0x3FB0]  }
0x29: {  	s4 =	sld [smem:$0x3FB2]  }
0x2a: {  	p0 =	seq.s32 s5, $0x0;
	s5 =	sld [smem:$0x3FB3]  }
0x2b: {  	s6 =	sld [smem:$0x3FB4]  }
0x2c: {  	s7 =	sld [smem:$0x3FB5]  }
0x2d: {  	s3 =	simm.s32 $0x108;
	s8 =	sld [smem:$0x3FB6]  }
0x2e: {  	s3 =	simm.s32 @!p0 $0x1082;
	s9 =	sld [smem:$0x3FB7]  }
0x2f: {  	lr =	sadd.s32 s0, s3;
	s0 =	sld [smem:$0x3FAE]  }
0x30: {  	s3 =	sld [smem:$0x3FB1]  }
0x31: {  	[smem:$0x3FBA] =	sst s10  }
0x32: {  	s10 =	sld [smem:$0x3FB8];
	_ =	sdelay $0x3  }
0x33: {  	p0 =	seq.s32 s10, $0x1;
	s10 =	sld [smem:$0x3FBA];
	_ =	sdelay $0x3  }
0x34: {  	[smem:$0x3FBA] =	sst s10  }
0x35: {  	s10 =	sld [smem:$0x3FB9];
	_ =	sdelay $0x3  }
0x36: {  	p1 =	seq.s32 s10, $0x1;
	s10 =	sld [smem:$0x3FBA];
	_ =	sdelay $0x3  }
0x37: {  	[smem:$0x3FBA] =	sst s10  }
0x38: {  	s10 =	sld [smem:$0x3FBB]  }
0x39: {  	_ = 	snop;
	(pc) =	sbr.ind lr, $3  }
0x3a: {  	_ = 	snop  }
0x3b: {  	_ = 	snop  }
0x3c: {  	p2 =	seq.s32 s10, $0x1;
	s10 =	sld [smem:$0x3FBA]  }
0x3d: {  	_ =	shalt  }
0x3e: {  	_ =	shalt  }
0x3f: {  	_ =	shalt  }
0x40: {  	_ =	shalt  }
0x41: {  	_ =	shalt  }
0x42: {  	_ =	shalt  }
0x43: {  	_ =	shalt  }
0x44: {  	_ =	shalt  }
0x45: {  	_ =	shalt  }
0x46: {  	_ =	shalt  }
0x47: {  	_ =	shalt  }
0x48: {  	_ =	shalt  }
0x49: {  	_ =	shalt  }
0x4a: {  	_ =	shalt  }
0x4b: {  	_ =	shalt  }
0x4c: {  	_ =	shalt  }
0x4d: {  	_ =	shalt  }
0x4e: {  	_ =	shalt  }
0x4f: {  	_ =	shalt  }
0x50: {  	_ =	shalt  }
0x51: {  	_ =	shalt  }
0x52: {  	_ =	shalt  }
0x53: {  	_ =	shalt  }
0x54: {  	_ =	shalt  }
0x55: {  	_ =	shalt  }
0x56: {  	_ =	shalt  }
0x57: {  	_ =	shalt  }
0x58: {  	_ =	shalt  }
0x59: {  	_ =	shalt  }
0x5a: {  	_ =	shalt  }
0x5b: {  	_ =	shalt  }
0x5c: {  	_ =	shalt  }
0x5d: {  	_ =	shalt  }
0x5e: {  	_ =	shalt  }
0x5f: {  	_ =	shalt  }
0x60: {  	_ =	shalt  }
0x61: {  	_ =	shalt  }
0x62: {  	_ =	shalt  }
0x63: {  	_ =	shalt  }
0x64: {  	_ =	shalt  }
0x65: {  	_ =	shalt  }
0x66: {  	_ =	shalt  }
0x67: {  	_ =	shalt  }
0x68: {  	_ =	shalt  }
0x69: {  	_ =	shalt  }
0x6a: {  	_ =	shalt  }
0x6b: {  	_ =	shalt  }
0x6c: {  	_ =	shalt  }
0x6d: {  	_ =	shalt  }
0x6e: {  	_ =	shalt  }
0x6f: {  	_ =	shalt  }
0x70: {  	_ =	shalt  }
0x71: {  	_ =	shalt  }
0x72: {  	_ =	shalt  }
0x73: {  	_ =	shalt  }
0x74: {  	_ =	shalt  }
0x75: {  	_ =	shalt  }
0x76: {  	_ =	shalt  }
0x77: {  	_ =	shalt  }
0x78: {  	_ =	shalt  }
0x79: {  	_ =	shalt  }
0x7a: {  	_ =	shalt  }
0x7b: {  	_ =	shalt  }
0x7c: {  	_ =	shalt  }
0x7d: {  	_ =	shalt  }
0x7e: {  	_ =	shalt  }
0x7f: {  	_ =	shalt  }
0x80: {  	_ =	shalt  }
0x81: {  	_ =	shalt  }
0x82: {  	_ =	shalt  }
0x83: {  	_ =	shalt  }
0x84: {  	_ =	shalt  }
0x85: {  	_ =	shalt  }
0x86: {  	_ =	shalt  }
0x87: {  	_ =	shalt  }
.Lfunc_end0:
.L_simem_size_0:
called_computation_lowered:
.L_overlay_start_0:
0x88: {  	s2 =	sld [smem:$0x3FD9]  }
0x89: {  	s3 =	sld [smem:$0x3FFE];
	_ =	sdelay $0x1  }
0x8a: {  	s1 =	srdreg.scid  }
0x8b: {  	s0 =	sand.u32 $0x1, s1  }
0x8c: {  	s18 =	sshll.u32 s0, $0xA;
	s2 =	sadd.s32 s3, s2  }
0x8d: {  	s2 =	sadd.s32 s2, s18  }
0x8e: {  	[smem:$0x3FC6] =	sst s2  }
0x8f: {  	_ = 	snop  }
0x90: {  	s2 =	sld [smem:$0x3FC9]  }
0x91: {  	s19 =	sld [smem:$0x3FC8]  }
0x92: {  	s4 =	sld [smem:$0x3FD0];
	(tm) =	ssettm $0x1  }
0x93: {  	s5 =	sld [smem:$0x3FFB];
	_ =	sdelay $0x3  }
0x94: {  	_ =	strace s5  }
0x95: {  	s5 =	sld [smem:$0x3FFC];
	_ =	sdelay $0x3  }
0x96: {  	_ =	strace s5  }
0x97: {  	s5 =	sld [smem:$0x3FFD];
	_ =	sdelay $0x3  }
0x98: {  	_ =	strace s5  }
0x99: {  	_ =	strace $0x8FFFFFFF  }
0x9a: {  	s20 =	sld [smem:$0x3FDB];
	_ =	sdelay $0x1  }
0x9b: {  	s6 =	simm.s32 $_scs_section_size  }
0x9c: {  	s7 =	simm.s32 $_size__tile_overlayer_lowered;
	s8 =	simm.s32 $_tile_overlayer_lowered  }
0x9d: {  	s23 =	simm.s32 $0x1BFF;
	s22 =	sshll.u32 s8, $0x1;
	s5 =	sadd.s32 s6, s20  }
0x9e: {  	s9 =	simm.s32 $0x0;
	s21 =	sshll.u32 s7, $0x1;
	s7 =	sadd.s32 s22, s5  }
0x9f: {  	[timem:s9], [sflag:s23] =	dma.local [hbm:s7], s21  }
0xa0: {  	_ =	swait.ge [sflag:s23], s21  }
0xa1: {  	s6 =	ssub.s32 $0x0, s21;
	[sflag:s23] =	ssyncset.done $0x0  }
0xa2: {  	[sflag:s23] =	ssyncadd.s32 s6;
	_ =	sdelay $0x1  }
0xa3: {  	s24 =	simm.s32 $0x1B8B  }
0xa4: {  	_ =	swait.ge [sflag:s24], $0x1  }
0xa5: {  	[sflag:s24] =	ssyncset.done $0x0  }
0xa6: {  	s25 =	simm.s32 $0x1B8E;
	[sflag:s24] =	ssyncadd.s32 $0xFFFFFFFF  }
0xa7: {  	s26 =	simm.s32 $execute0_lowered;
	[smem:$0x3FD2] =	sst s25  }
0xa8: {  	s6 =	sshll.u32 s26, $0x1;
	_ =	strace $0x80000046;
	[dreg:$0x1] =	wrdreg $0xFFFFFFFF  }
0xa9: {  	s28 =	simm.s32 $_size_execute0_lowered;
	s5 =	sadd.s32 s5, s6;
	[dreg:$0x0] =	wrdreg $0x0  }
0xaa: {  	s6 =	sshll.u32 s28, $0x1;
	[dreg:$0x2] =	wrdreg s5  }
0xab: {  	[dreg:$0x3] =	wrdreg s6  }
0xac: {  	[dreg:$0x4] =	wrdreg $0xC0  }
0xad: {  	_ =	task [dreg:s9], $0x5FFFF  }
0xae: {  	[dreg:$0x1] =	wrdreg $0xFFFFFFFF  }
0xaf: {  	[dreg:$0x0] =	wrdreg $0x60  }
0xb0: {  	[dreg:$0x2] =	wrdreg s2  }
0xb1: {  	[dreg:$0x3] =	wrdreg s19  }
0xb2: {  	[dreg:$0x4] =	wrdreg s4  }
0xb3: {  	[dreg:$0x5] =	wrdreg $0x9  }
0xb4: {  	_ =	task.clear_ibuf [dreg:s9], $0x6FFFF;
	_ =	strace $0x90000046  }
0xb5: {  	s29 =	simm.s32 $0x9;
	_ =	strace $0x80000048  }
0xb6: {  	_ =	swait.ge [sflag:s29], $0x1  }
0xb7: {  	[sflag:s29] =	ssyncadd.s32 $0xFFFFFFFF  }
0xb8: {  	_ =	strace $0x90000048  }
0xb9: {  	_ =	sfence  }
0xba: {  	s30 =	sld [smem:$0x0];
	_ =	sdelay $0x2  }
0xbb: {  	s31 =	sshll.u32 s1, $0xD;
	s1 =	sshrl.u32 s1, $0x2  }
0xbc: {  	s3 =	sand.u32 $0x4000, s31;
	s1 =	sadd.s32 s1, s30  }
0xbd: {  	s0 =	sor.u32 s3, s0;
	s1 =	sshll.u32 s1, $0x11  }
0xbe: {  	s0 =	sor.u32 s1, s0  }
0xbf: {  	s0 =	sadd.s32 $0x8F2B, s0  }
0xc0: {  	[sflag:s0] =	ssyncadd.remote.s32 $0x1  }
0xc1: {  	_ =	sfence.sel $0xFFFF  }
0xc2: {  	[dreg:$0x0] =	wrdreg $0xFFFFFFFF;
	(pc) =	sbr.abs _section_cstart, $3  }
0xc3: {  	[dreg:$0x1] =	wrdreg $0xFFFFFFFF  }
0xc4: {  	_ =	task.clear_ibuf [dreg:s9], $0x2FFFF;
	_ =	strace $0x9FFFFFFF  }
0xc5: {  	(tm) =	ssettm $0x7FFFFFFF  }
tec
execute0_lowered:
.L_overlay_start_1:
0x0: {  	(tag) =	ssettag $0x1  }
0x1: {  	s1 =	srdreg.scid  }
0x2: {  	s3 =	stileid.u32;
	s4 =	sand.u32 $0x1, s1  }
0x3: {  	s24 =	sshll.u32 s3, $0x6;
	s5 =	sshll.u32 s4, $0x5  }
0x4: {  	s0 =	rddreg [dreg:$0x0];
	s5 =	sor.u32 s5, s24  }
0x5: {  	s2 =	rddreg [dreg:$0x1];
	s6 =	smul.u32 $0x300, s5  }
0x6: {  	s3 =	rddreg [dreg:$0x2];
	s1 =	simm.s32 $0x0  }
0x7: {  	s28 =	simm.s32 $0x3;
	[smem:$0x7FF] =	sst s1;
	s25 =	sadd.s32 s0, s6  }
0x8: {  	s4 =	ssub.s32 $0x2, s4;
	s8 =	sadd.s32 s2, s6;
	[dreg:$0x4] =	wrdreg s25  }
0x9: {  	s26 =	sor.u32 $0x600, s6;
	s11 =	sadd.s32 s3, s6;
	[dreg:$0x5] =	wrdreg s8  }
0xa: {  	s10 =	sor.u32 $0xC00, s6;
	s9 =	sadd.s32 s0, s26;
	[dreg:$0x8] =	wrdreg s11  }
0xb: {  	s7 =	sshrl.u32 s4, $0x1;
	s12 =	sadd.s32 s0, s10;
	[dreg:$0x6] =	wrdreg s9  }
0xc: {  	s4 =	ssub.s32 s4, s7;
	s13 =	sadd.s32 s2, s10;
	[dreg:$0x9] =	wrdreg s12  }
0xd: {  	s14 =	sor.u32 $0x1200, s6;
	s7 =	sadd.s32 s3, s26;
	[dreg:$0xa] =	wrdreg s13  }
0xe: {  	s29 =	simm.s32 $0x5;
	s15 =	sadd.s32 s0, s14;
	[dreg:$0xb] =	wrdreg s7  }
0xf: {  	s30 =	simm.s32 $0x2;
	s16 =	sadd.s32 s2, s14;
	[dreg:$0xc] =	wrdreg s15  }
0x10: {  	s17 =	sor.u32 $0x1800, s6;
	s8 =	sadd.s32 s3, s10;
	[dreg:$0xd] =	wrdreg s16  }
0x11: {  	s5 =	smul.u32 $0x1800, s5;
	s18 =	sadd.s32 s0, s17;
	[dreg:$0xe] =	wrdreg s8  }
0x12: {  	s6 =	sor.u32 $0x1E00, s6;
	s19 =	sadd.s32 s2, s17;
	[dreg:$0xf] =	wrdreg s18  }
0x13: {  	s31 =	simm.s32 $0x4;
	s20 =	sadd.s32 s0, s6;
	[dreg:$0x10] =	wrdreg s19  }
0x14: {  	s5 =	sshrl.u32 s5, $0x3;
	s21 =	sadd.s32 s2, s6;
	[dreg:$0x12] =	wrdreg s20  }
0x15: {  	s22 =	sadd.s32 s3, s17;
	s23 =	sadd.s32 $0x2400, s5;
	[dreg:$0x13] =	wrdreg s21  }
0x16: {  	s6 =	sadd.s32 s3, s6;
	s17 =	sadd.s32 $0x3C00, s5;
	[dreg:$0x14] =	wrdreg s22  }
0x17: {  	s9 =	sadd.s32 s2, s26;
	s7 =	sadd.s32 s3, s14;
	[dreg:$0x15] =	wrdreg s6  }
0x18: {  	s24 =	sadd.s32 s0, s23;
	s25 =	sadd.s32 s2, s23;
	[dreg:$0x7] =	wrdreg s9  }
0x19: {  	s26 =	sadd.s32 $0x2A00, s5;
	s14 =	sadd.s32 $0x3600, s5;
	[dreg:$0x11] =	wrdreg s7  }
0x1a: {  	s18 =	sadd.s32 s0, s17;
	s19 =	sadd.s32 $0x4200, s5;
	[dreg:$0x16] =	wrdreg s24  }
0x1b: {  	s20 =	sadd.s32 s2, s17;
	[dreg:$0x17] =	wrdreg s25;
	s7 =	sadd.s32 s3, s23  }
0x1c: {  	s8 =	sadd.s32 s0, s26;
	s9 =	sadd.s32 $0x3000, s5;
	[smem:$0x7F7] =	sst s18  }
0x1d: {  	s10 =	sadd.s32 s2, s26;
	s6 =	sadd.s32 s3, s26;
	[smem:$0x7F8] =	sst s20  }
0x1e: {  	s15 =	sadd.s32 s0, s14;
	s16 =	sadd.s32 s2, s14;
	[dreg:$0x18] =	wrdreg s7  }
0x1f: {  	s21 =	sadd.s32 s0, s19;
	s22 =	sadd.s32 s2, s19;
	[dreg:$0x19] =	wrdreg s8  }
0x20: {  	s23 =	sadd.s32 $0x4800, s5;
	s25 =	sadd.s32 $0x4E00, s5;
	[dreg:$0x1a] =	wrdreg s10  }
0x21: {  	s26 =	sadd.s32 $0x5400, s5;
	s5 =	sadd.s32 $0x5A00, s5;
	[dreg:$0x1b] =	wrdreg s6  }
0x22: {  	s20 =	smax.u32 s4, $0x1;
	s11 =	sadd.s32 s0, s9;
	[dreg:$0x1f] =	wrdreg s15  }
0x23: {  	s12 =	sadd.s32 s2, s9;
	s13 =	sadd.s32 s3, s9;
	[smem:$0x7F5] =	sst s16  }
0x24: {  	s6 =	sadd.s32 s3, s14;
	s7 =	sadd.s32 s3, s17;
	[smem:$0x7FA] =	sst s21  }
0x25: {  	[smem:$0x7FB] =	sst s22;
	s24 =	sadd.s32 s0, s23;
	s9 =	sadd.s32 s2, s23  }
0x26: {  	s10 =	sadd.s32 s3, s23;
	s14 =	sadd.s32 s0, s26;
	[dreg:$0x1c] =	wrdreg s11  }
0x27: {  	s15 =	sadd.s32 s0, s5;
	s16 =	sadd.s32 s2, s26;
	[dreg:$0x1d] =	wrdreg s12  }
0x28: {  	s17 =	sadd.s32 s2, s5;
	s18 =	sadd.s32 s3, s26;
	[dreg:$0x1e] =	wrdreg s13  }
0x29: {  	s21 =	simm.s32 $0x3000;
	s22 =	simm.s32 $0x600000;
	[smem:$0x7F6] =	sst s6  }
0x2a: {  	s23 =	simm.s32 $0x18000;
	s26 =	simm.s32 $0x1;
	[smem:$0x7F9] =	sst s7  }
0x2b: {  	s6 =	sadd.s32 s3, s19;
	[smem:$0x7FD] =	sst s24;
	s11 =	sadd.s32 s0, s25  }
0x2c: {  	s12 =	sadd.s32 s2, s25;
	s13 =	sadd.s32 s3, s25;
	s19 =	sadd.s32 s3, s5  }
0x2d: {  	s24 =	simm.s32 $0xC000;
	s25 =	simm.s32 $0x1B000;
	[smem:$0x7FC] =	sst s6  }
0x2e: {  	s0 =	simm.s32 $0x6;
	s2 =	simm.s32 $0x0;
	_ =	strace $0x80000047  }
.LBB2_1:
0x2f: {  	s3 =	rddreg [dreg:$0x4]  }
0x30: {  	[tilespmem:s1], [sflag:$0x1] =	stream.strided.gather [hbm4b:s3+s21], $0xC000, s22, s21, $0x38;
	[tilespmem:$0x1E000] =	vst v63  }
0x31: {  	s6 =	rddreg [dreg:$0x5]  }
0x32: {  	[tilespmem:s23], [sflag:$0x3] =	stream.linear.gather [hbm4b:s6+s1], $0x3000, $0x38;
	[tilespmem:$0x1E000] =	vst v63  }
0x33: {  	s7 =	rddreg [dreg:$0x6]  }
0x34: {  	[tilespmem:s24], [sflag:$0x2] =	stream.strided.gather [hbm4b:s7+s21], $0xC000, s22, s21, $0x38;
	[tilespmem:$0x1E000] =	vst v63  }
0x35: {  	s8 =	rddreg [dreg:$0x7]  }
0x36: {  	[tilespmem:s25], [sflag:$0x4] =	stream.linear.gather [hbm4b:s8+s1], $0x3000, $0x38;
	[tilespmem:$0x1E000] =	vst v63  }
0x37: {  	_ =	swait.ge [sflag:s26], $0xC000  }
0x38: {  	[sflag:s26] =	ssyncset.done $0x0  }
0x39: {  	[sflag:s26] =	ssyncadd.s32 $0xFFFF4000  }
0x3a: {  	_ =	swait.ge [sflag:s28], $0x3000  }
0x3b: {  	[sflag:s28] =	ssyncset.done $0x0  }
0x3c: {  	s4 =	simm.s32 $0x0;
	s3 =	simm.s32 $0x0;
	[sflag:s28] =	ssyncadd.s32 $0xFFFFD000  }
.LBB2_2:
0x3d: {  	s5 =	sand.u32 $0x7, s3  }
0x3e: {  	s5 =	sshll.u32 s5, $0x9  }
0x3f: {  	s5 =	sshrl.u32 s5, $0x2  }
0x40: {  	s6 =	sshrl.u32 s4, $0x3;
	v0 =	vmov s5  }
0x41: {  	s8 =	smul.u32 $0x6000, s6;
	_ =	sdelay $0x1  }
0x42: {  	s8 =	sshra.s32 s8, $0x2  }
0x43: {  	s5 =	sadd.s32 $0x18070, s8  }
0x44: {  	v1 =	vld.idx.msk [tilespmem:v0+s5+$0x0 ss:$0x1], $0xffff  }
0x45: {  	v6 =	vld.idx.msk [tilespmem:v0+s8+$0x9070 ss:$0x1], $0xffff  }
0x46: {  	v2 =	vld.idx.msk [tilespmem:v0+s8+$0x0 ss:$0x1], $0xffff  }
0x47: {  	v4 =	vld.idx.msk [tilespmem:v0+s8+$0x3000 ss:$0x1], $0xffff  }
0x48: {  	v3 =	vld.idx.msk [tilespmem:v0+s8+$0x6000 ss:$0x1], $0xffff  }
0x49: {  	v5 =	vld.idx.msk [tilespmem:v0+s8+$0x9000 ss:$0x1], $0xffff  }
0x4a: {  	v7 =	vld.idx.msk [tilespmem:v0+s5+$0xFFFFFFA0 ss:$0x1], $0xffff  }
0x4b: {  	v8 =	vld.idx.msk [tilespmem:v0+s8+$0x10 ss:$0x1], $0xffff  }
0x4c: {  	v9 =	vld.idx.msk [tilespmem:v0+s8+$0x3010 ss:$0x1], $0xffff  }
0x4d: {  	v10 =	vld.idx.msk [tilespmem:v0+s8+$0x6010 ss:$0x1], $0xffff  }
0x4e: {  	v11 =	vld.idx.msk [tilespmem:v0+s8+$0x9010 ss:$0x1], $0xffff  }
0x4f: {  	v12 =	vld.idx.msk [tilespmem:v0+s5+$0xFFFFFFB0 ss:$0x1], $0xffff  }
0x50: {  	v13 =	vld.idx.msk [tilespmem:v0+s8+$0x20 ss:$0x1], $0xffff  }
0x51: {  	v14 =	vld.idx.msk [tilespmem:v0+s8+$0x3020 ss:$0x1], $0xffff  }
0x52: {  	v15 =	vld.idx.msk [tilespmem:v0+s8+$0x6020 ss:$0x1], $0xffff  }
0x53: {  	v16 =	vld.idx.msk [tilespmem:v0+s8+$0x9020 ss:$0x1], $0xffff  }
0x54: {  	v17 =	vld.idx.msk [tilespmem:v0+s5+$0xFFFFFFC0 ss:$0x1], $0xffff  }
0x55: {  	v18 =	vld.idx.msk [tilespmem:v0+s8+$0x30 ss:$0x1], $0xffff;
	v6 =	vadd.f32 v6, v1  }
0x56: {  	v19 =	vld.idx.msk [tilespmem:v0+s8+$0x3030 ss:$0x1], $0xffff;
	v8 =	vadd.f32 v8, v7  }
0x57: {  	v62 =	vld.idx.msk [tilespmem:v0+s8+$0x50 ss:$0x1], $0xffff;
	[tilespmem:v0+s8+$0x9070 ss:$0x1] =	vst.idx.msk $0xffff, v6;
	v6 =	vadd.f32 v9, v7  }
0x58: {  	v9 =	vld.idx.msk [tilespmem:v0+s8+$0x6030 ss:$0x1], $0xffff;
	[tilespmem:v0+s8+$0x10 ss:$0x1] =	vst.idx.msk $0xffff, v8;
	v8 =	vadd.f32 v10, v7  }
0x59: {  	v10 =	vld.idx.msk [tilespmem:v0+s8+$0x9030 ss:$0x1], $0xffff;
	[tilespmem:v0+s8+$0x3010 ss:$0x1] =	vst.idx.msk $0xffff, v6;
	v6 =	vadd.f32 v11, v7  }
0x5a: {  	v7 =	vld.idx.msk [tilespmem:v0+s5+$0xFFFFFFD0 ss:$0x1], $0xffff;
	[tilespmem:v0+s8+$0x6010 ss:$0x1] =	vst.idx.msk $0xffff, v8;
	v8 =	vadd.f32 v13, v12  }
0x5b: {  	v11 =	vld.idx.msk [tilespmem:v0+s8+$0x40 ss:$0x1], $0xffff;
	[tilespmem:v0+s8+$0x9010 ss:$0x1] =	vst.idx.msk $0xffff, v6;
	v6 =	vadd.f32 v14, v12  }
0x5c: {  	v13 =	vld.idx.msk [tilespmem:v0+s8+$0x3040 ss:$0x1], $0xffff;
	[tilespmem:v0+s8+$0x20 ss:$0x1] =	vst.idx.msk $0xffff, v8;
	v8 =	vadd.f32 v15, v12  }
0x5d: {  	v14 =	vld.idx.msk [tilespmem:v0+s8+$0x6040 ss:$0x1], $0xffff;
	[tilespmem:v0+s8+$0x3020 ss:$0x1] =	vst.idx.msk $0xffff, v6;
	v6 =	vadd.f32 v16, v12  }
0x5e: {  	v15 =	vld.idx.msk [tilespmem:v0+s5+$0xFFFFFFE0 ss:$0x1], $0xffff;
	[tilespmem:v0+s8+$0x6020 ss:$0x1] =	vst.idx.msk $0xffff, v8;
	v8 =	vadd.f32 v18, v17  }
0x5f: {  	v12 =	vld.idx.msk [tilespmem:v0+s8+$0x9040 ss:$0x1], $0xffff;
	[tilespmem:v0+s8+$0x9020 ss:$0x1] =	vst.idx.msk $0xffff, v6;
	v6 =	vadd.f32 v19, v17  }
0x60: {  	[tilespmem:v0+s8+$0x30 ss:$0x1] =	vst.idx.msk $0xffff, v8;
	v8 =	vadd.f32 v9, v17;
	v9 =	vld.idx.msk [tilespmem:v0+s8+$0x3050 ss:$0x1], $0xffff  }
0x61: {  	[tilespmem:v0+s8+$0x3030 ss:$0x1] =	vst.idx.msk $0xffff, v6;
	v6 =	vadd.f32 v10, v17;
	v10 =	vld.idx.msk [tilespmem:v0+s8+$0x6050 ss:$0x1], $0xffff  }
0x62: {  	[tilespmem:v0+s8+$0x6030 ss:$0x1] =	vst.idx.msk $0xffff, v8;
	v8 =	vadd.f32 v11, v7;
	v11 =	vld.idx.msk [tilespmem:v0+s8+$0x9050 ss:$0x1], $0xffff  }
0x63: {  	v13 =	vadd.f32 v13, v7;
	[tilespmem:v0+s8+$0x9030 ss:$0x1] =	vst.idx.msk $0xffff, v6;
	v6 =	vld.idx.msk [tilespmem:v0+s5+$0xFFFFFFF0 ss:$0x1], $0xffff  }
0x64: {  	[tilespmem:v0+s8+$0x40 ss:$0x1] =	vst.idx.msk $0xffff, v8;
	v8 =	vadd.f32 v14, v7;
	v14 =	vld.idx.msk [tilespmem:v0+s8+$0x60 ss:$0x1], $0xffff  }
0x65: {  	v7 =	vadd.f32 v12, v7;
	v12 =	vld.idx.msk [tilespmem:v0+s8+$0x6060 ss:$0x1], $0xffff;
	[tilespmem:v0+s8+$0x3040 ss:$0x1] =	vst.idx.msk $0xffff, v13  }
0x66: {  	v16 =	vadd.f32 v62, v15;
	v13 =	vld.idx.msk [tilespmem:v0+s8+$0x3060 ss:$0x1], $0xffff;
	[tilespmem:v0+s8+$0x6040 ss:$0x1] =	vst.idx.msk $0xffff, v8  }
0x67: {  	v8 =	vld.idx.msk [tilespmem:v0+s8+$0x9060 ss:$0x1], $0xffff;
	[tilespmem:v0+s8+$0x9040 ss:$0x1] =	vst.idx.msk $0xffff, v7;
	v7 =	vadd.f32 v9, v15  }
0x68: {  	[tilespmem:v0+s8+$0x50 ss:$0x1] =	vst.idx.msk $0xffff, v16;
	v63 =	vadd.f32 v10, v15;
	v10 =	vld.idx.msk [tilespmem:v0+s8+$0x3070 ss:$0x1], $0xffff  }
0x69: {  	v9 =	vld.idx.msk [tilespmem:v0+s8+$0x70 ss:$0x1], $0xffff;
	[tilespmem:v0+s8+$0x3050 ss:$0x1] =	vst.idx.msk $0xffff, v7;
	v7 =	vadd.f32 v11, v15  }
0x6a: {  	v11 =	vld.idx.msk [tilespmem:v0+s8+$0x6070 ss:$0x1], $0xffff;
	v14 =	vadd.f32 v14, v6;
	[tilespmem:v0+s8+$0x6050 ss:$0x1] =	vst.idx.msk $0xffff, v63  }
0x6b: {  	s6 =	simm.s32 $0x0;
	s7 =	sadd.s32 $0x400, s5;
	v13 =	vadd.f32 v13, v6;
	[tilespmem:v0+s8+$0x9050 ss:$0x1] =	vst.idx.msk $0xffff, v7;
	v7 =	vld.idx.msk [tilespmem:v0+s5+$0xFFFFFF90 ss:$0x1], $0xffff;
	s5 =	smov.u32 s8  }
.LBB2_3:
0x6c: {  	v15 =	vld.idx.msk [tilespmem:v0+s7+$0x0 ss:$0x1], $0xffff;
	[tilespmem:v0+s8+$0x60 ss:$0x1] =	vst.idx.msk $0xffff, v14;
	v12 =	vadd.f32 v12, v6;
	s5 =	sadd.s32 $0x400, s5  }
0x6d: {  	s6 =	sadd.s32 $0x80, s6;
	v6 =	vadd.f32 v8, v6;
	v14 =	vld.idx.msk [tilespmem:v0+s5+$0x9070 ss:$0x1], $0xffff;
	[tilespmem:v0+s8+$0x3060 ss:$0x1] =	vst.idx.msk $0xffff, v13  }
0x6e: {  	p0 =	slt.u32 s6, $0x280;
	v9 =	vadd.f32 v9, v1;
	v8 =	vld.idx.msk [tilespmem:v0+s5+$0x0 ss:$0x1], $0xffff;
	[tilespmem:v0+s8+$0x6060 ss:$0x1] =	vst.idx.msk $0xffff, v12  }
0x6f: {  	v12 =	vld.idx.msk [tilespmem:v0+s5+$0x3000 ss:$0x1], $0xffff;
	[tilespmem:v0+s8+$0x9060 ss:$0x1] =	vst.idx.msk $0xffff, v6;
	v6 =	vadd.f32 v10, v1  }
0x70: {  	v13 =	vadd.f32 v11, v1;
	v10 =	vld.idx.msk [tilespmem:v0+s5+$0x6000 ss:$0x1], $0xffff;
	[tilespmem:v0+s8+$0x70 ss:$0x1] =	vst.idx.msk $0xffff, v9  }
0x71: {  	v16 =	vadd.f32 v2, v7;
	v4 =	vadd.f32 v4, v7;
	v9 =	vld.idx.msk [tilespmem:v0+s5+$0x9000 ss:$0x1], $0xffff;
	[tilespmem:v0+s8+$0x3070 ss:$0x1] =	vst.idx.msk $0xffff, v6  }
0x72: {  	v3 =	vadd.f32 v3, v7;
	v5 =	vadd.f32 v5, v7;
	v6 =	vld.idx.msk [tilespmem:v0+s7+$0xFFFFFFA0 ss:$0x1], $0xffff;
	[tilespmem:v0+s8+$0x6070 ss:$0x1] =	vst.idx.msk $0xffff, v13  }
0x73: {  	v1 =	vmov v15;
	v11 =	vadd.f32 v14, v15;
	v7 =	vld.idx.msk [tilespmem:v0+s5+$0x10 ss:$0x1], $0xffff;
	[tilespmem:v0+s8+$0x0 ss:$0x1] =	vst.idx.msk $0xffff, v16  }
0x74: {  	v2 =	vmov v8;
	v13 =	vld.idx.msk [tilespmem:v0+s5+$0x3010 ss:$0x1], $0xffff;
	[tilespmem:v0+s8+$0x3000 ss:$0x1] =	vst.idx.msk $0xffff, v4  }
0x75: {  	v4 =	vmov v12;
	v8 =	vld.idx.msk [tilespmem:v0+s5+$0x6010 ss:$0x1], $0xffff;
	[tilespmem:v0+s5+$0x9070 ss:$0x1] =	vst.idx.msk $0xffff, v11  }
0x76: {  	v11 =	vld.idx.msk [tilespmem:v0+s5+$0x9010 ss:$0x1], $0xffff;
	[tilespmem:v0+s8+$0x6000 ss:$0x1] =	vst.idx.msk $0xffff, v3;
	v3 =	vmov v10  }
0x77: {  	v10 =	vld.idx.msk [tilespmem:v0+s7+$0xFFFFFFB0 ss:$0x1], $0xffff;
	[tilespmem:v0+s8+$0x9000 ss:$0x1] =	vst.idx.msk $0xffff, v5;
	v5 =	vmov v9;
	s8 =	smov.u32 s5  }
0x78: {  	v9 =	vld.idx.msk [tilespmem:v0+s5+$0x20 ss:$0x1], $0xffff  }
0x79: {  	v7 =	vadd.f32 v7, v6;
	v12 =	vld.idx.msk [tilespmem:v0+s5+$0x3020 ss:$0x1], $0xffff  }
0x7a: {  	v13 =	vadd.f32 v13, v6;
	v14 =	vld.idx.msk [tilespmem:v0+s5+$0x6020 ss:$0x1], $0xffff  }
0x7b: {  	[tilespmem:v0+s5+$0x10 ss:$0x1] =	vst.idx.msk $0xffff, v7;
	v7 =	vadd.f32 v8, v6;
	v8 =	vld.idx.msk [tilespmem:v0+s5+$0x9020 ss:$0x1], $0xffff  }
0x7c: {  	v6 =	vadd.f32 v11, v6;
	[tilespmem:v0+s5+$0x3010 ss:$0x1] =	vst.idx.msk $0xffff, v13;
	v11 =	vld.idx.msk [tilespmem:v0+s7+$0xFFFFFFC0 ss:$0x1], $0xffff  }
0x7d: {  	[tilespmem:v0+s5+$0x6010 ss:$0x1] =	vst.idx.msk $0xffff, v7;
	v7 =	vld.idx.msk [tilespmem:v0+s5+$0x30 ss:$0x1], $0xffff  }
0x7e: {  	[tilespmem:v0+s5+$0x9010 ss:$0x1] =	vst.idx.msk $0xffff, v6;
	v6 =	vadd.f32 v9, v10;
	v9 =	vld.idx.msk [tilespmem:v0+s5+$0x3030 ss:$0x1], $0xffff  }
0x7f: {  	v12 =	vadd.f32 v12, v10;
	v13 =	vld.idx.msk [tilespmem:v0+s5+$0x6030 ss:$0x1], $0xffff  }
0x80: {  	[tilespmem:v0+s5+$0x20 ss:$0x1] =	vst.idx.msk $0xffff, v6;
	v6 =	vadd.f32 v14, v10;
	v14 =	vld.idx.msk [tilespmem:v0+s5+$0x9030 ss:$0x1], $0xffff  }
0x81: {  	v8 =	vadd.f32 v8, v10;
	[tilespmem:v0+s5+$0x3020 ss:$0x1] =	vst.idx.msk $0xffff, v12;
	v10 =	vld.idx.msk [tilespmem:v0+s7+$0xFFFFFFD0 ss:$0x1], $0xffff  }
0x82: {  	[tilespmem:v0+s5+$0x6020 ss:$0x1] =	vst.idx.msk $0xffff, v6;
	v6 =	vld.idx.msk [tilespmem:v0+s5+$0x40 ss:$0x1], $0xffff  }
0x83: {  	v7 =	vadd.f32 v7, v11;
	[tilespmem:v0+s5+$0x9020 ss:$0x1] =	vst.idx.msk $0xffff, v8;
	v8 =	vld.idx.msk [tilespmem:v0+s5+$0x3040 ss:$0x1], $0xffff  }
0x84: {  	v9 =	vadd.f32 v9, v11;
	v12 =	vld.idx.msk [tilespmem:v0+s5+$0x6040 ss:$0x1], $0xffff  }
0x85: {  	[tilespmem:v0+s5+$0x30 ss:$0x1] =	vst.idx.msk $0xffff, v7;
	v7 =	vadd.f32 v13, v11;
	v13 =	vld.idx.msk [tilespmem:v0+s5+$0x9040 ss:$0x1], $0xffff  }
0x86: {  	[tilespmem:v0+s5+$0x3030 ss:$0x1] =	vst.idx.msk $0xffff, v9;
	v9 =	vadd.f32 v14, v11;
	v11 =	vld.idx.msk [tilespmem:v0+s7+$0xFFFFFFE0 ss:$0x1], $0xffff  }
0x87: {  	[tilespmem:v0+s5+$0x6030 ss:$0x1] =	vst.idx.msk $0xffff, v7;
	v7 =	vld.idx.msk [tilespmem:v0+s5+$0x50 ss:$0x1], $0xffff  }
0x88: {  	v6 =	vadd.f32 v6, v10;
	[tilespmem:v0+s5+$0x9030 ss:$0x1] =	vst.idx.msk $0xffff, v9;
	v9 =	vld.idx.msk [tilespmem:v0+s5+$0x3050 ss:$0x1], $0xffff  }
0x89: {  	v8 =	vadd.f32 v8, v10;
	v14 =	vld.idx.msk [tilespmem:v0+s5+$0x6050 ss:$0x1], $0xffff  }
0x8a: {  	v12 =	vadd.f32 v12, v10;
	[tilespmem:v0+s5+$0x40 ss:$0x1] =	vst.idx.msk $0xffff, v6;
	v15 =	vld.idx.msk [tilespmem:v0+s5+$0x9050 ss:$0x1], $0xffff  }
0x8b: {  	[tilespmem:v0+s5+$0x3040 ss:$0x1] =	vst.idx.msk $0xffff, v8;
	v8 =	vadd.f32 v13, v10;
	v6 =	vld.idx.msk [tilespmem:v0+s7+$0xFFFFFFF0 ss:$0x1], $0xffff  }
0x8c: {  	[tilespmem:v0+s5+$0x6040 ss:$0x1] =	vst.idx.msk $0xffff, v12;
	v13 =	vld.idx.msk [tilespmem:v0+s5+$0x60 ss:$0x1], $0xffff  }
0x8d: {  	v7 =	vadd.f32 v7, v11;
	[tilespmem:v0+s5+$0x9040 ss:$0x1] =	vst.idx.msk $0xffff, v8;
	v16 =	vld.idx.msk [tilespmem:v0+s5+$0x3060 ss:$0x1], $0xffff  }
0x8e: {  	v9 =	vadd.f32 v9, v11;
	v12 =	vld.idx.msk [tilespmem:v0+s5+$0x6060 ss:$0x1], $0xffff  }
.Ltmp0:
0x8f: {  	[tilespmem:v0+s5+$0x50 ss:$0x1] =	vst.idx.msk $0xffff, v7;
	v7 =	vadd.f32 v14, v11;
	v8 =	vld.idx.msk [tilespmem:v0+s5+$0x9060 ss:$0x1], $0xffff;
	(pc) =	sbr.rel @p0 .LBB2_3-.Ltmp0, $4  }
0x90: {  	v11 =	vadd.f32 v15, v11;
	[tilespmem:v0+s5+$0x3050 ss:$0x1] =	vst.idx.msk $0xffff, v9;
	v9 =	vld.idx.msk [tilespmem:v0+s5+$0x70 ss:$0x1], $0xffff  }
0x91: {  	[tilespmem:v0+s5+$0x6050 ss:$0x1] =	vst.idx.msk $0xffff, v7;
	v10 =	vld.idx.msk [tilespmem:v0+s5+$0x3070 ss:$0x1], $0xffff  }
0x92: {  	v14 =	vadd.f32 v13, v6;
	[tilespmem:v0+s5+$0x9050 ss:$0x1] =	vst.idx.msk $0xffff, v11;
	v11 =	vld.idx.msk [tilespmem:v0+s5+$0x6070 ss:$0x1], $0xffff  }
0x93: {  	v13 =	vadd.f32 v16, v6;
	v7 =	vld.idx.msk [tilespmem:v0+s7+$0xFFFFFF90 ss:$0x1], $0xffff;
	s7 =	sadd.s32 $0x400, s7  }
0x94: {  	_ =	sdelay $0x3  }
0x95: {  	[tilespmem:v0+s8+$0x60 ss:$0x1] =	vst.idx.msk $0xffff, v14;
	v12 =	vadd.f32 v12, v6  }
0x96: {  	v58 =	vadd.f32 v8, v6;
	[tilespmem:v0+s8+$0x3060 ss:$0x1] =	vst.idx.msk $0xffff, v13  }
0x97: {  	v59 =	vadd.f32 v9, v1;
	[tilespmem:v0+s8+$0x6060 ss:$0x1] =	vst.idx.msk $0xffff, v12  }
0x98: {  	v60 =	vadd.f32 v10, v1;
	[tilespmem:v0+s8+$0x9060 ss:$0x1] =	vst.idx.msk $0xffff, v58  }
0x99: {  	s4 =	sadd.s32 $0x1, s4;
	[tilespmem:v0+s8+$0x70 ss:$0x1] =	vst.idx.msk $0xffff, v59;
	v61 =	vadd.f32 v11, v1  }
0x9a: {  	p0 =	sne.s32 s4, $0x10;
	v2 =	vadd.f32 v2, v7;
	[tilespmem:v0+s8+$0x3070 ss:$0x1] =	vst.idx.msk $0xffff, v60  }
.Ltmp1:
0x9b: {  	v4 =	vadd.f32 v4, v7;
	[tilespmem:v0+s8+$0x6070 ss:$0x1] =	vst.idx.msk $0xffff, v61;
	(pc) =	sbr.rel @p0 .LBB2_2-.Ltmp1, $4  }
0x9c: {  	v62 =	vadd.f32 v3, v7;
	[tilespmem:v0+s8+$0x0 ss:$0x1] =	vst.idx.msk $0xffff, v2  }
0x9d: {  	v63 =	vadd.f32 v5, v7;
	[tilespmem:v0+s8+$0x3000 ss:$0x1] =	vst.idx.msk $0xffff, v4  }
0x9e: {  	[tilespmem:v0+s8+$0x6000 ss:$0x1] =	vst.idx.msk $0xffff, v62  }
0x9f: {  	s3 =	sadd.s32 $0x1, s3;
	[tilespmem:v0+s8+$0x9000 ss:$0x1] =	vst.idx.msk $0xffff, v63  }
0xa0: {  	s3 =	simm.s32 $0x0;
	s4 =	rddreg [dreg:$0x8]  }
0xa1: {  	[hbm4b:s4+s21] =	stream.strided.scatter [tilespmem:s3], [sflag:$0x5], $0xC000, s22, s21, $0x38;
	[tilespmem:$0x1E000] =	vst v63  }
0xa2: {  	_ =	swait.ge [sflag:s29], $0xC000  }
0xa3: {  	[sflag:s29] =	ssyncset.done $0x0  }
0xa4: {  	s7 =	rddreg [dreg:$0x9];
	[sflag:s29] =	ssyncadd.s32 $0xFFFF4000  }
0xa5: {  	[tilespmem:s3], [sflag:$0x1] =	stream.strided.gather [hbm4b:s7+s21], $0xC000, s22, s21, $0x38;
	[tilespmem:$0x1E000] =	vst v63  }
0xa6: {  	s8 =	rddreg [dreg:$0xa]  }
0xa7: {  	[tilespmem:s23], [sflag:$0x3] =	stream.linear.gather [hbm4b:s8+s3], $0x3000, $0x38;
	[tilespmem:$0x1E000] =	vst v63  }
0xa8: {  	_ =	swait.ge [sflag:s30], $0xC000  }
0xa9: {  	[sflag:s30] =	ssyncset.done $0x0  }
0xaa: {  	[sflag:s30] =	ssyncadd.s32 $0xFFFF4000  }
0xab: {  	_ =	swait.ge [sflag:s31], $0x3000  }
0xac: {  	[sflag:s31] =	ssyncset.done $0x0  }
0xad: {  	s4 =	simm.s32 $0x0;
	[sflag:s31] =	ssyncadd.s32 $0xFFFFD000  }
.LBB2_6:
0xae: {  	s5 =	sand.u32 $0x7, s3  }
0xaf: {  	s5 =	sshll.u32 s5, $0x9  }
0xb0: {  	s5 =	sshrl.u32 s5, $0x2  }
0xb1: {  	s6 =	sshrl.u32 s4, $0x3;
	v0 =	vmov s5  }
0xb2: {  	s8 =	smul.u32 $0x6000, s6;
	_ =	sdelay $0x1  }
0xb3: {  	s5 =	sshra.s32 s8, $0x2  }
0xb4: {  	s7 =	sadd.s32 $0x1B070, s5  }
0xb5: {  	s5 =	sadd.s32 $0xC000, s5;
	v1 =	vld.idx.msk [tilespmem:v0+s7+$0x0 ss:$0x1], $0xffff  }
0xb6: {  	v6 =	vld.idx.msk [tilespmem:v0+s5+$0x9070 ss:$0x1], $0xffff  }
0xb7: {  	v2 =	vld.idx.msk [tilespmem:v0+s5+$0x0 ss:$0x1], $0xffff  }
0xb8: {  	v4 =	vld.idx.msk [tilespmem:v0+s5+$0x3000 ss:$0x1], $0xffff  }
0xb9: {  	v3 =	vld.idx.msk [tilespmem:v0+s5+$0x6000 ss:$0x1], $0xffff  }
0xba: {  	v5 =	vld.idx.msk [tilespmem:v0+s5+$0x9000 ss:$0x1], $0xffff  }
0xbb: {  	v7 =	vld.idx.msk [tilespmem:v0+s7+$0xFFFFFFA0 ss:$0x1], $0xffff  }
0xbc: {  	v8 =	vld.idx.msk [tilespmem:v0+s5+$0x10 ss:$0x1], $0xffff  }
0xbd: {  	v9 =	vld.idx.msk [tilespmem:v0+s5+$0x3010 ss:$0x1], $0xffff  }
0xbe: {  	v10 =	vld.idx.msk [tilespmem:v0+s5+$0x6010 ss:$0x1], $0xffff  }
0xbf: {  	v11 =	vld.idx.msk [tilespmem:v0+s5+$0x9010 ss:$0x1], $0xffff  }
0xc0: {  	v12 =	vld.idx.msk [tilespmem:v0+s7+$0xFFFFFFB0 ss:$0x1], $0xffff  }
0xc1: {  	v13 =	vld.idx.msk [tilespmem:v0+s5+$0x20 ss:$0x1], $0xffff  }
0xc2: {  	v14 =	vld.idx.msk [tilespmem:v0+s5+$0x3020 ss:$0x1], $0xffff  }
0xc3: {  	v15 =	vld.idx.msk [tilespmem:v0+s5+$0x6020 ss:$0x1], $0xffff  }
0xc4: {  	v16 =	vld.idx.msk [tilespmem:v0+s5+$0x9020 ss:$0x1], $0xffff  }
0xc5: {  	v17 =	vld.idx.msk [tilespmem:v0+s7+$0xFFFFFFC0 ss:$0x1], $0xffff  }
0xc6: {  	v18 =	vld.idx.msk [tilespmem:v0+s5+$0x30 ss:$0x1], $0xffff;
	v6 =	vadd.f32 v6, v1  }
0xc7: {  	v19 =	vld.idx.msk [tilespmem:v0+s5+$0x3030 ss:$0x1], $0xffff;
	v8 =	vadd.f32 v8, v7  }
0xc8: {  	v62 =	vld.idx.msk [tilespmem:v0+s5+$0x50 ss:$0x1], $0xffff;
	[tilespmem:v0+s5+$0x9070 ss:$0x1] =	vst.idx.msk $0xffff, v6;
	v6 =	vadd.f32 v9, v7  }
0xc9: {  	v9 =	vld.idx.msk [tilespmem:v0+s5+$0x6030 ss:$0x1], $0xffff;
	[tilespmem:v0+s5+$0x10 ss:$0x1] =	vst.idx.msk $0xffff, v8;
	v8 =	vadd.f32 v10, v7  }
0xca: {  	v10 =	vld.idx.msk [tilespmem:v0+s5+$0x9030 ss:$0x1], $0xffff;
	[tilespmem:v0+s5+$0x3010 ss:$0x1] =	vst.idx.msk $0xffff, v6;
	v6 =	vadd.f32 v11, v7  }
0xcb: {  	v7 =	vld.idx.msk [tilespmem:v0+s7+$0xFFFFFFD0 ss:$0x1], $0xffff;
	[tilespmem:v0+s5+$0x6010 ss:$0x1] =	vst.idx.msk $0xffff, v8;
	v8 =	vadd.f32 v13, v12  }
0xcc: {  	v11 =	vld.idx.msk [tilespmem:v0+s5+$0x40 ss:$0x1], $0xffff;
	[tilespmem:v0+s5+$0x9010 ss:$0x1] =	vst.idx.msk $0xffff, v6;
	v6 =	vadd.f32 v14, v12  }
0xcd: {  	v13 =	vld.idx.msk [tilespmem:v0+s5+$0x3040 ss:$0x1], $0xffff;
	[tilespmem:v0+s5+$0x20 ss:$0x1] =	vst.idx.msk $0xffff, v8;
	v8 =	vadd.f32 v15, v12  }
0xce: {  	v14 =	vld.idx.msk [tilespmem:v0+s5+$0x6040 ss:$0x1], $0xffff;
	[tilespmem:v0+s5+$0x3020 ss:$0x1] =	vst.idx.msk $0xffff, v6;
	v6 =	vadd.f32 v16, v12  }
0xcf: {  	v15 =	vld.idx.msk [tilespmem:v0+s7+$0xFFFFFFE0 ss:$0x1], $0xffff;
	[tilespmem:v0+s5+$0x6020 ss:$0x1] =	vst.idx.msk $0xffff, v8;
	v8 =	vadd.f32 v18, v17  }
0xd0: {  	v12 =	vld.idx.msk [tilespmem:v0+s5+$0x9040 ss:$0x1], $0xffff;
	[tilespmem:v0+s5+$0x9020 ss:$0x1] =	vst.idx.msk $0xffff, v6;
	v6 =	vadd.f32 v19, v17  }
0xd1: {  	[tilespmem:v0+s5+$0x30 ss:$0x1] =	vst.idx.msk $0xffff, v8;
	v8 =	vadd.f32 v9, v17;
	v9 =	vld.idx.msk [tilespmem:v0+s5+$0x3050 ss:$0x1], $0xffff  }
0xd2: {  	[tilespmem:v0+s5+$0x3030 ss:$0x1] =	vst.idx.msk $0xffff, v6;
	v6 =	vadd.f32 v10, v17;
	v10 =	vld.idx.msk [tilespmem:v0+s5+$0x6050 ss:$0x1], $0xffff  }
0xd3: {  	[tilespmem:v0+s5+$0x6030 ss:$0x1] =	vst.idx.msk $0xffff, v8;
	v8 =	vadd.f32 v11, v7;
	v11 =	vld.idx.msk [tilespmem:v0+s5+$0x9050 ss:$0x1], $0xffff  }
0xd4: {  	v13 =	vadd.f32 v13, v7;
	[tilespmem:v0+s5+$0x9030 ss:$0x1] =	vst.idx.msk $0xffff, v6;
	v6 =	vld.idx.msk [tilespmem:v0+s7+$0xFFFFFFF0 ss:$0x1], $0xffff  }
0xd5: {  	[tilespmem:v0+s5+$0x40 ss:$0x1] =	vst.idx.msk $0xffff, v8;
	v8 =	vadd.f32 v14, v7;
	v14 =	vld.idx.msk [tilespmem:v0+s5+$0x60 ss:$0x1], $0xffff  }
0xd6: {  	v7 =	vadd.f32 v12, v7;
	v12 =	vld.idx.msk [tilespmem:v0+s5+$0x6060 ss:$0x1], $0xffff;
	[tilespmem:v0+s5+$0x3040 ss:$0x1] =	vst.idx.msk $0xffff, v13  }
0xd7: {  	v16 =	vadd.f32 v62, v15;
	v13 =	vld.idx.msk [tilespmem:v0+s5+$0x3060 ss:$0x1], $0xffff;
	[tilespmem:v0+s5+$0x6040 ss:$0x1] =	vst.idx.msk $0xffff, v8  }
0xd8: {  	v8 =	vld.idx.msk [tilespmem:v0+s5+$0x9060 ss:$0x1], $0xffff;
	[tilespmem:v0+s5+$0x9040 ss:$0x1] =	vst.idx.msk $0xffff, v7;
	v7 =	vadd.f32 v9, v15  }
0xd9: {  	[tilespmem:v0+s5+$0x50 ss:$0x1] =	vst.idx.msk $0xffff, v16;
	v63 =	vadd.f32 v10, v15;
	v10 =	vld.idx.msk [tilespmem:v0+s5+$0x3070 ss:$0x1], $0xffff  }
0xda: {  	v9 =	vld.idx.msk [tilespmem:v0+s5+$0x70 ss:$0x1], $0xffff;
	[tilespmem:v0+s5+$0x3050 ss:$0x1] =	vst.idx.msk $0xffff, v7;
	v7 =	vadd.f32 v11, v15  }
0xdb: {  	v11 =	vld.idx.msk [tilespmem:v0+s5+$0x6070 ss:$0x1], $0xffff;
	v14 =	vadd.f32 v14, v6;
	[tilespmem:v0+s5+$0x6050 ss:$0x1] =	vst.idx.msk $0xffff, v63  }
0xdc: {  	s6 =	simm.s32 $0x0;
	s8 =	smov.u32 s5;
	v13 =	vadd.f32 v13, v6;
	[tilespmem:v0+s5+$0x9050 ss:$0x1] =	vst.idx.msk $0xffff, v7;
	v7 =	vld.idx.msk [tilespmem:v0+s7+$0xFFFFFF90 ss:$0x1], $0xffff;
	s7 =	sadd.s32 $0x400, s7  }
.LBB2_7:
0xdd: {  	v15 =	vld.idx.msk [tilespmem:v0+s7+$0x0 ss:$0x1], $0xffff;
	[tilespmem:v0+s5+$0x60 ss:$0x1] =	vst.idx.msk $0xffff, v14;
	v12 =	vadd.f32 v12, v6;
	s8 =	sadd.s32 $0x400, s8  }
0xde: {  	s6 =	sadd.s32 $0x80, s6;
	v6 =	vadd.f32 v8, v6;
	v14 =	vld.idx.msk [tilespmem:v0+s8+$0x9070 ss:$0x1], $0xffff;
	[tilespmem:v0+s5+$0x3060 ss:$0x1] =	vst.idx.msk $0xffff, v13  }
0xdf: {  	p0 =	slt.u32 s6, $0x280;
	v9 =	vadd.f32 v9, v1;
	v8 =	vld.idx.msk [tilespmem:v0+s8+$0x0 ss:$0x1], $0xffff;
	[tilespmem:v0+s5+$0x6060 ss:$0x1] =	vst.idx.msk $0xffff, v12  }
0xe0: {  	v12 =	vld.idx.msk [tilespmem:v0+s8+$0x3000 ss:$0x1], $0xffff;
	[tilespmem:v0+s5+$0x9060 ss:$0x1] =	vst.idx.msk $0xffff, v6;
	v6 =	vadd.f32 v10, v1  }
0xe1: {  	v13 =	vadd.f32 v11, v1;
	v10 =	vld.idx.msk [tilespmem:v0+s8+$0x6000 ss:$0x1], $0xffff;
	[tilespmem:v0+s5+$0x70 ss:$0x1] =	vst.idx.msk $0xffff, v9  }
0xe2: {  	v16 =	vadd.f32 v2, v7;
	v4 =	vadd.f32 v4, v7;
	v9 =	vld.idx.msk [tilespmem:v0+s8+$0x9000 ss:$0x1], $0xffff;
	[tilespmem:v0+s5+$0x3070 ss:$0x1] =	vst.idx.msk $0xffff, v6  }
0xe3: {  	v3 =	vadd.f32 v3, v7;
	v5 =	vadd.f32 v5, v7;
	v6 =	vld.idx.msk [tilespmem:v0+s7+$0xFFFFFFA0 ss:$0x1], $0xffff;
	[tilespmem:v0+s5+$0x6070 ss:$0x1] =	vst.idx.msk $0xffff, v13  }
0xe4: {  	v1 =	vmov v15;
	v11 =	vadd.f32 v14, v15;
	v7 =	vld.idx.msk [tilespmem:v0+s8+$0x10 ss:$0x1], $0xffff;
	[tilespmem:v0+s5+$0x0 ss:$0x1] =	vst.idx.msk $0xffff, v16  }
0xe5: {  	v2 =	vmov v8;
	v13 =	vld.idx.msk [tilespmem:v0+s8+$0x3010 ss:$0x1], $0xffff;
	[tilespmem:v0+s5+$0x3000 ss:$0x1] =	vst.idx.msk $0xffff, v4  }
0xe6: {  	v4 =	vmov v12;
	v8 =	vld.idx.msk [tilespmem:v0+s8+$0x6010 ss:$0x1], $0xffff;
	[tilespmem:v0+s8+$0x9070 ss:$0x1] =	vst.idx.msk $0xffff, v11  }
0xe7: {  	v11 =	vld.idx.msk [tilespmem:v0+s8+$0x9010 ss:$0x1], $0xffff;
	[tilespmem:v0+s5+$0x6000 ss:$0x1] =	vst.idx.msk $0xffff, v3;
	v3 =	vmov v10  }
0xe8: {  	v10 =	vld.idx.msk [tilespmem:v0+s7+$0xFFFFFFB0 ss:$0x1], $0xffff;
	[tilespmem:v0+s5+$0x9000 ss:$0x1] =	vst.idx.msk $0xffff, v5;
	v5 =	vmov v9;
	s5 =	smov.u32 s8  }
0xe9: {  	v9 =	vld.idx.msk [tilespmem:v0+s8+$0x20 ss:$0x1], $0xffff  }
0xea: {  	v7 =	vadd.f32 v7, v6;
	v12 =	vld.idx.msk [tilespmem:v0+s8+$0x3020 ss:$0x1], $0xffff  }
0xeb: {  	v13 =	vadd.f32 v13, v6;
	v14 =	vld.idx.msk [tilespmem:v0+s8+$0x6020 ss:$0x1], $0xffff  }
0xec: {  	[tilespmem:v0+s8+$0x10 ss:$0x1] =	vst.idx.msk $0xffff, v7;
	v7 =	vadd.f32 v8, v6;
	v8 =	vld.idx.msk [tilespmem:v0+s8+$0x9020 ss:$0x1], $0xffff  }
0xed: {  	v6 =	vadd.f32 v11, v6;
	[tilespmem:v0+s8+$0x3010 ss:$0x1] =	vst.idx.msk $0xffff, v13;
	v11 =	vld.idx.msk [tilespmem:v0+s7+$0xFFFFFFC0 ss:$0x1], $0xffff  }
0xee: {  	[tilespmem:v0+s8+$0x6010 ss:$0x1] =	vst.idx.msk $0xffff, v7;
	v7 =	vld.idx.msk [tilespmem:v0+s8+$0x30 ss:$0x1], $0xffff  }
0xef: {  	[tilespmem:v0+s8+$0x9010 ss:$0x1] =	vst.idx.msk $0xffff, v6;
	v6 =	vadd.f32 v9, v10;
	v9 =	vld.idx.msk [tilespmem:v0+s8+$0x3030 ss:$0x1], $0xffff  }
0xf0: {  	v12 =	vadd.f32 v12, v10;
	v13 =	vld.idx.msk [tilespmem:v0+s8+$0x6030 ss:$0x1], $0xffff  }
0xf1: {  	[tilespmem:v0+s8+$0x20 ss:$0x1] =	vst.idx.msk $0xffff, v6;
	v6 =	vadd.f32 v14, v10;
	v14 =	vld.idx.msk [tilespmem:v0+s8+$0x9030 ss:$0x1], $0xffff  }
0xf2: {  	v8 =	vadd.f32 v8, v10;
	[tilespmem:v0+s8+$0x3020 ss:$0x1] =	vst.idx.msk $0xffff, v12;
	v10 =	vld.idx.msk [tilespmem:v0+s7+$0xFFFFFFD0 ss:$0x1], $0xffff  }
0xf3: {  	[tilespmem:v0+s8+$0x6020 ss:$0x1] =	vst.idx.msk $0xffff, v6;
	v6 =	vld.idx.msk [tilespmem:v0+s8+$0x40 ss:$0x1], $0xffff  }
0xf4: {  	v7 =	vadd.f32 v7, v11;
	[tilespmem:v0+s8+$0x9020 ss:$0x1] =	vst.idx.msk $0xffff, v8;
	v8 =	vld.idx.msk [tilespmem:v0+s8+$0x3040 ss:$0x1], $0xffff  }
0xf5: {  	v9 =	vadd.f32 v9, v11;
	v12 =	vld.idx.msk [tilespmem:v0+s8+$0x6040 ss:$0x1], $0xffff  }
0xf6: {  	[tilespmem:v0+s8+$0x30 ss:$0x1] =	vst.idx.msk $0xffff, v7;
	v7 =	vadd.f32 v13, v11;
	v13 =	vld.idx.msk [tilespmem:v0+s8+$0x9040 ss:$0x1], $0xffff  }
0xf7: {  	[tilespmem:v0+s8+$0x3030 ss:$0x1] =	vst.idx.msk $0xffff, v9;
	v9 =	vadd.f32 v14, v11;
	v11 =	vld.idx.msk [tilespmem:v0+s7+$0xFFFFFFE0 ss:$0x1], $0xffff  }
0xf8: {  	[tilespmem:v0+s8+$0x6030 ss:$0x1] =	vst.idx.msk $0xffff, v7;
	v7 =	vld.idx.msk [tilespmem:v0+s8+$0x50 ss:$0x1], $0xffff  }
0xf9: {  	v6 =	vadd.f32 v6, v10;
	[tilespmem:v0+s8+$0x9030 ss:$0x1] =	vst.idx.msk $0xffff, v9;
	v9 =	vld.idx.msk [tilespmem:v0+s8+$0x3050 ss:$0x1], $0xffff  }
0xfa: {  	v8 =	vadd.f32 v8, v10;
	v14 =	vld.idx.msk [tilespmem:v0+s8+$0x6050 ss:$0x1], $0xffff  }
0xfb: {  	v12 =	vadd.f32 v12, v10;
	[tilespmem:v0+s8+$0x40 ss:$0x1] =	vst.idx.msk $0xffff, v6;
	v15 =	vld.idx.msk [tilespmem:v0+s8+$0x9050 ss:$0x1], $0xffff  }
0xfc: {  	[tilespmem:v0+s8+$0x3040 ss:$0x1] =	vst.idx.msk $0xffff, v8;
	v8 =	vadd.f32 v13, v10;
	v6 =	vld.idx.msk [tilespmem:v0+s7+$0xFFFFFFF0 ss:$0x1], $0xffff  }
0xfd: {  	[tilespmem:v0+s8+$0x6040 ss:$0x1] =	vst.idx.msk $0xffff, v12;
	v13 =	vld.idx.msk [tilespmem:v0+s8+$0x60 ss:$0x1], $0xffff  }
0xfe: {  	v7 =	vadd.f32 v7, v11;
	[tilespmem:v0+s8+$0x9040 ss:$0x1] =	vst.idx.msk $0xffff, v8;
	v16 =	vld.idx.msk [tilespmem:v0+s8+$0x3060 ss:$0x1], $0xffff  }
0xff: {  	v9 =	vadd.f32 v9, v11;
	v12 =	vld.idx.msk [tilespmem:v0+s8+$0x6060 ss:$0x1], $0xffff  }
.Ltmp2:
0x100: {  	[tilespmem:v0+s8+$0x50 ss:$0x1] =	vst.idx.msk $0xffff, v7;
	v7 =	vadd.f32 v14, v11;
	v8 =	vld.idx.msk [tilespmem:v0+s8+$0x9060 ss:$0x1], $0xffff;
	(pc) =	sbr.rel @p0 .LBB2_7-.Ltmp2, $4  }
0x101: {  	v11 =	vadd.f32 v15, v11;
	[tilespmem:v0+s8+$0x3050 ss:$0x1] =	vst.idx.msk $0xffff, v9;
	v9 =	vld.idx.msk [tilespmem:v0+s8+$0x70 ss:$0x1], $0xffff  }
0x102: {  	[tilespmem:v0+s8+$0x6050 ss:$0x1] =	vst.idx.msk $0xffff, v7;
	v10 =	vld.idx.msk [tilespmem:v0+s8+$0x3070 ss:$0x1], $0xffff  }
0x103: {  	v14 =	vadd.f32 v13, v6;
	[tilespmem:v0+s8+$0x9050 ss:$0x1] =	vst.idx.msk $0xffff, v11;
	v11 =	vld.idx.msk [tilespmem:v0+s8+$0x6070 ss:$0x1], $0xffff  }
0x104: {  	v13 =	vadd.f32 v16, v6;
	v7 =	vld.idx.msk [tilespmem:v0+s7+$0xFFFFFF90 ss:$0x1], $0xffff;
	s7 =	sadd.s32 $0x400, s7  }
0x105: {  	_ =	sdelay $0x3  }
0x106: {  	[tilespmem:v0+s5+$0x60 ss:$0x1] =	vst.idx.msk $0xffff, v14;
	v12 =	vadd.f32 v12, v6  }
0x107: {  	v58 =	vadd.f32 v8, v6;
	[tilespmem:v0+s5+$0x3060 ss:$0x1] =	vst.idx.msk $0xffff, v13  }
0x108: {  	v59 =	vadd.f32 v9, v1;
	[tilespmem:v0+s5+$0x6060 ss:$0x1] =	vst.idx.msk $0xffff, v12  }
0x109: {  	v60 =	vadd.f32 v10, v1;
	[tilespmem:v0+s5+$0x9060 ss:$0x1] =	vst.idx.msk $0xffff, v58  }
0x10a: {  	s4 =	sadd.s32 $0x1, s4;
	[tilespmem:v0+s5+$0x70 ss:$0x1] =	vst.idx.msk $0xffff, v59;
	v61 =	vadd.f32 v11, v1  }
0x10b: {  	p0 =	sne.s32 s4, $0x10;
	v2 =	vadd.f32 v2, v7;
	[tilespmem:v0+s5+$0x3070 ss:$0x1] =	vst.idx.msk $0xffff, v60  }
.Ltmp3:
0x10c: {  	v4 =	vadd.f32 v4, v7;
	[tilespmem:v0+s5+$0x6070 ss:$0x1] =	vst.idx.msk $0xffff, v61;
	(pc) =	sbr.rel @p0 .LBB2_6-.Ltmp3, $4  }
0x10d: {  	v62 =	vadd.f32 v3, v7;
	[tilespmem:v0+s5+$0x0 ss:$0x1] =	vst.idx.msk $0xffff, v2  }
0x10e: {  	v63 =	vadd.f32 v5, v7;
	[tilespmem:v0+s5+$0x3000 ss:$0x1] =	vst.idx.msk $0xffff, v4  }
0x10f: {  	[tilespmem:v0+s5+$0x6000 ss:$0x1] =	vst.idx.msk $0xffff, v62  }
0x110: {  	s3 =	sadd.s32 $0x1, s3;
	[tilespmem:v0+s5+$0x9000 ss:$0x1] =	vst.idx.msk $0xffff, v63  }
0x111: {  	s3 =	rddreg [dreg:$0xb]  }
0x112: {  	[hbm4b:s3+s21] =	stream.strided.scatter [tilespmem:s24], [sflag:$0x6], $0xC000, s22, s21, $0x38;
	[tilespmem:$0x1E000] =	vst v63  }
0x113: {  	_ =	swait.ge [sflag:s0], $0xC000  }
0x114: {  	[sflag:s0] =	ssyncset.done $0x0  }
0x115: {  	s8 =	rddreg [dreg:$0xc];
	[sflag:s0] =	ssyncadd.s32 $0xFFFF4000  }
0x116: {  	[tilespmem:s24], [sflag:$0x2] =	stream.strided.gather [hbm4b:s8+s21], $0xC000, s22, s21, $0x38;
	[tilespmem:$0x1E000] =	vst v63  }
0x117: {  	s3 =	simm.s32 $0x0;
	s4 =	rddreg [dreg:$0xd]  }
0x118: {  	[tilespmem:s25], [sflag:$0x4] =	stream.linear.gather [hbm4b:s4+s3], $0x3000, $0x38;
	[tilespmem:$0x1E000] =	vst v63  }
0x119: {  	_ =	swait.ge [sflag:s26], $0xC000  }
0x11a: {  	[sflag:s26] =	ssyncset.done $0x0  }
0x11b: {  	[sflag:s26] =	ssyncadd.s32 $0xFFFF4000  }
0x11c: {  	_ =	swait.ge [sflag:s28], $0x3000  }
0x11d: {  	[sflag:s28] =	ssyncset.done $0x0  }
0x11e: {  	s4 =	simm.s32 $0x0;
	[sflag:s28] =	ssyncadd.s32 $0xFFFFD000  }
.LBB2_10:
0x11f: {  	s5 =	sand.u32 $0x7, s3  }
0x120: {  	s5 =	sshll.u32 s5, $0x9  }
0x121: {  	s5 =	sshrl.u32 s5, $0x2  }
0x122: {  	s6 =	sshrl.u32 s4, $0x3;
	v0 =	vmov s5  }
0x123: {  	s8 =	smul.u32 $0x6000, s6;
	_ =	sdelay $0x1  }
0x124: {  	s5 =	sshra.s32 s8, $0x2  }
0x125: {  	s7 =	sadd.s32 $0x18070, s5  }
0x126: {  	v1 =	vld.idx.msk [tilespmem:v0+s7+$0x0 ss:$0x1], $0xffff  }
0x127: {  	v6 =	vld.idx.msk [tilespmem:v0+s5+$0x9070 ss:$0x1], $0xffff  }
0x128: {  	v2 =	vld.idx.msk [tilespmem:v0+s5+$0x0 ss:$0x1], $0xffff  }
0x129: {  	v4 =	vld.idx.msk [tilespmem:v0+s5+$0x3000 ss:$0x1], $0xffff  }
0x12a: {  	v3 =	vld.idx.msk [tilespmem:v0+s5+$0x6000 ss:$0x1], $0xffff  }
0x12b: {  	v5 =	vld.idx.msk [tilespmem:v0+s5+$0x9000 ss:$0x1], $0xffff  }
0x12c: {  	v7 =	vld.idx.msk [tilespmem:v0+s7+$0xFFFFFFA0 ss:$0x1], $0xffff  }
0x12d: {  	v8 =	vld.idx.msk [tilespmem:v0+s5+$0x10 ss:$0x1], $0xffff  }
0x12e: {  	v9 =	vld.idx.msk [tilespmem:v0+s5+$0x3010 ss:$0x1], $0xffff  }
0x12f: {  	v10 =	vld.idx.msk [tilespmem:v0+s5+$0x6010 ss:$0x1], $0xffff  }
0x130: {  	v11 =	vld.idx.msk [tilespmem:v0+s5+$0x9010 ss:$0x1], $0xffff  }
0x131: {  	v12 =	vld.idx.msk [tilespmem:v0+s7+$0xFFFFFFB0 ss:$0x1], $0xffff  }
0x132: {  	v13 =	vld.idx.msk [tilespmem:v0+s5+$0x20 ss:$0x1], $0xffff  }
0x133: {  	v14 =	vld.idx.msk [tilespmem:v0+s5+$0x3020 ss:$0x1], $0xffff  }
0x134: {  	v15 =	vld.idx.msk [tilespmem:v0+s5+$0x6020 ss:$0x1], $0xffff  }
0x135: {  	v16 =	vld.idx.msk [tilespmem:v0+s5+$0x9020 ss:$0x1], $0xffff  }
0x136: {  	v17 =	vld.idx.msk [tilespmem:v0+s7+$0xFFFFFFC0 ss:$0x1], $0xffff  }
0x137: {  	v18 =	vld.idx.msk [tilespmem:v0+s5+$0x30 ss:$0x1], $0xffff;
	v6 =	vadd.f32 v6, v1  }
0x138: {  	v19 =	vld.idx.msk [tilespmem:v0+s5+$0x3030 ss:$0x1], $0xffff;
	v8 =	vadd.f32 v8, v7  }
0x139: {  	v62 =	vld.idx.msk [tilespmem:v0+s5+$0x50 ss:$0x1], $0xffff;
	[tilespmem:v0+s5+$0x9070 ss:$0x1] =	vst.idx.msk $0xffff, v6;
	v6 =	vadd.f32 v9, v7  }
0x13a: {  	v9 =	vld.idx.msk [tilespmem:v0+s5+$0x6030 ss:$0x1], $0xffff;
	[tilespmem:v0+s5+$0x10 ss:$0x1] =	vst.idx.msk $0xffff, v8;
	v8 =	vadd.f32 v10, v7  }
0x13b: {  	v10 =	vld.idx.msk [tilespmem:v0+s5+$0x9030 ss:$0x1], $0xffff;
	[tilespmem:v0+s5+$0x3010 ss:$0x1] =	vst.idx.msk $0xffff, v6;
	v6 =	vadd.f32 v11, v7  }
0x13c: {  	v7 =	vld.idx.msk [tilespmem:v0+s7+$0xFFFFFFD0 ss:$0x1], $0xffff;
	[tilespmem:v0+s5+$0x6010 ss:$0x1] =	vst.idx.msk $0xffff, v8;
	v8 =	vadd.f32 v13, v12  }
0x13d: {  	v11 =	vld.idx.msk [tilespmem:v0+s5+$0x40 ss:$0x1], $0xffff;
	[tilespmem:v0+s5+$0x9010 ss:$0x1] =	vst.idx.msk $0xffff, v6;
	v6 =	vadd.f32 v14, v12  }
0x13e: {  	v13 =	vld.idx.msk [tilespmem:v0+s5+$0x3040 ss:$0x1], $0xffff;
	[tilespmem:v0+s5+$0x20 ss:$0x1] =	vst.idx.msk $0xffff, v8;
	v8 =	vadd.f32 v15, v12  }
0x13f: {  	v14 =	vld.idx.msk [tilespmem:v0+s5+$0x6040 ss:$0x1], $0xffff;
	[tilespmem:v0+s5+$0x3020 ss:$0x1] =	vst.idx.msk $0xffff, v6;
	v6 =	vadd.f32 v16, v12  }
0x140: {  	v15 =	vld.idx.msk [tilespmem:v0+s7+$0xFFFFFFE0 ss:$0x1], $0xffff;
	[tilespmem:v0+s5+$0x6020 ss:$0x1] =	vst.idx.msk $0xffff, v8;
	v8 =	vadd.f32 v18, v17  }
0x141: {  	v12 =	vld.idx.msk [tilespmem:v0+s5+$0x9040 ss:$0x1], $0xffff;
	[tilespmem:v0+s5+$0x9020 ss:$0x1] =	vst.idx.msk $0xffff, v6;
	v6 =	vadd.f32 v19, v17  }
0x142: {  	[tilespmem:v0+s5+$0x30 ss:$0x1] =	vst.idx.msk $0xffff, v8;
	v8 =	vadd.f32 v9, v17;
	v9 =	vld.idx.msk [tilespmem:v0+s5+$0x3050 ss:$0x1], $0xffff  }
0x143: {  	[tilespmem:v0+s5+$0x3030 ss:$0x1] =	vst.idx.msk $0xffff, v6;
	v6 =	vadd.f32 v10, v17;
	v10 =	vld.idx.msk [tilespmem:v0+s5+$0x6050 ss:$0x1], $0xffff  }
0x144: {  	[tilespmem:v0+s5+$0x6030 ss:$0x1] =	vst.idx.msk $0xffff, v8;
	v8 =	vadd.f32 v11, v7;
	v11 =	vld.idx.msk [tilespmem:v0+s5+$0x9050 ss:$0x1], $0xffff  }
0x145: {  	v13 =	vadd.f32 v13, v7;
	[tilespmem:v0+s5+$0x9030 ss:$0x1] =	vst.idx.msk $0xffff, v6;
	v6 =	vld.idx.msk [tilespmem:v0+s7+$0xFFFFFFF0 ss:$0x1], $0xffff  }
0x146: {  	[tilespmem:v0+s5+$0x40 ss:$0x1] =	vst.idx.msk $0xffff, v8;
	v8 =	vadd.f32 v14, v7;
	v14 =	vld.idx.msk [tilespmem:v0+s5+$0x60 ss:$0x1], $0xffff  }
0x147: {  	v7 =	vadd.f32 v12, v7;
	v12 =	vld.idx.msk [tilespmem:v0+s5+$0x6060 ss:$0x1], $0xffff;
	[tilespmem:v0+s5+$0x3040 ss:$0x1] =	vst.idx.msk $0xffff, v13  }
0x148: {  	v16 =	vadd.f32 v62, v15;
	v13 =	vld.idx.msk [tilespmem:v0+s5+$0x3060 ss:$0x1], $0xffff;
	[tilespmem:v0+s5+$0x6040 ss:$0x1] =	vst.idx.msk $0xffff, v8  }
0x149: {  	v8 =	vld.idx.msk [tilespmem:v0+s5+$0x9060 ss:$0x1], $0xffff;
	[tilespmem:v0+s5+$0x9040 ss:$0x1] =	vst.idx.msk $0xffff, v7;
	v7 =	vadd.f32 v9, v15  }
0x14a: {  	[tilespmem:v0+s5+$0x50 ss:$0x1] =	vst.idx.msk $0xffff, v16;
	v63 =	vadd.f32 v10, v15;
	v10 =	vld.idx.msk [tilespmem:v0+s5+$0x3070 ss:$0x1], $0xffff  }
0x14b: {  	v9 =	vld.idx.msk [tilespmem:v0+s5+$0x70 ss:$0x1], $0xffff;
	[tilespmem:v0+s5+$0x3050 ss:$0x1] =	vst.idx.msk $0xffff, v7;
	v7 =	vadd.f32 v11, v15  }
0x14c: {  	v11 =	vld.idx.msk [tilespmem:v0+s5+$0x6070 ss:$0x1], $0xffff;
	v14 =	vadd.f32 v14, v6;
	[tilespmem:v0+s5+$0x6050 ss:$0x1] =	vst.idx.msk $0xffff, v63  }
0x14d: {  	s6 =	simm.s32 $0x0;
	s8 =	smov.u32 s5;
	v13 =	vadd.f32 v13, v6;
	[tilespmem:v0+s5+$0x9050 ss:$0x1] =	vst.idx.msk $0xffff, v7;
	v7 =	vld.idx.msk [tilespmem:v0+s7+$0xFFFFFF90 ss:$0x1], $0xffff;
	s7 =	sadd.s32 $0x400, s7  }
.LBB2_11:
0x14e: {  	v15 =	vld.idx.msk [tilespmem:v0+s7+$0x0 ss:$0x1], $0xffff;
	[tilespmem:v0+s5+$0x60 ss:$0x1] =	vst.idx.msk $0xffff, v14;
	v12 =	vadd.f32 v12, v6;
	s8 =	sadd.s32 $0x400, s8  }
0x14f: {  	s6 =	sadd.s32 $0x80, s6;
	v6 =	vadd.f32 v8, v6;
	v14 =	vld.idx.msk [tilespmem:v0+s8+$0x9070 ss:$0x1], $0xffff;
	[tilespmem:v0+s5+$0x3060 ss:$0x1] =	vst.idx.msk $0xffff, v13  }
0x150: {  	p0 =	slt.u32 s6, $0x280;
	v9 =	vadd.f32 v9, v1;
	v8 =	vld.idx.msk [tilespmem:v0+s8+$0x0 ss:$0x1], $0xffff;
	[tilespmem:v0+s5+$0x6060 ss:$0x1] =	vst.idx.msk $0xffff, v12  }
0x151: {  	v12 =	vld.idx.msk [tilespmem:v0+s8+$0x3000 ss:$0x1], $0xffff;
	[tilespmem:v0+s5+$0x9060 ss:$0x1] =	vst.idx.msk $0xffff, v6;
	v6 =	vadd.f32 v10, v1  }
0x152: {  	v13 =	vadd.f32 v11, v1;
	v10 =	vld.idx.msk [tilespmem:v0+s8+$0x6000 ss:$0x1], $0xffff;
	[tilespmem:v0+s5+$0x70 ss:$0x1] =	vst.idx.msk $0xffff, v9  }
0x153: {  	v16 =	vadd.f32 v2, v7;
	v4 =	vadd.f32 v4, v7;
	v9 =	vld.idx.msk [tilespmem:v0+s8+$0x9000 ss:$0x1], $0xffff;
	[tilespmem:v0+s5+$0x3070 ss:$0x1] =	vst.idx.msk $0xffff, v6  }
0x154: {  	v3 =	vadd.f32 v3, v7;
	v5 =	vadd.f32 v5, v7;
	v6 =	vld.idx.msk [tilespmem:v0+s7+$0xFFFFFFA0 ss:$0x1], $0xffff;
	[tilespmem:v0+s5+$0x6070 ss:$0x1] =	vst.idx.msk $0xffff, v13  }
0x155: {  	v1 =	vmov v15;
	v11 =	vadd.f32 v14, v15;
	v7 =	vld.idx.msk [tilespmem:v0+s8+$0x10 ss:$0x1], $0xffff;
	[tilespmem:v0+s5+$0x0 ss:$0x1] =	vst.idx.msk $0xffff, v16  }
0x156: {  	v2 =	vmov v8;
	v13 =	vld.idx.msk [tilespmem:v0+s8+$0x3010 ss:$0x1], $0xffff;
	[tilespmem:v0+s5+$0x3000 ss:$0x1] =	vst.idx.msk $0xffff, v4  }
0x157: {  	v4 =	vmov v12;
	v8 =	vld.idx.msk [tilespmem:v0+s8+$0x6010 ss:$0x1], $0xffff;
	[tilespmem:v0+s8+$0x9070 ss:$0x1] =	vst.idx.msk $0xffff, v11  }
0x158: {  	v11 =	vld.idx.msk [tilespmem:v0+s8+$0x9010 ss:$0x1], $0xffff;
	[tilespmem:v0+s5+$0x6000 ss:$0x1] =	vst.idx.msk $0xffff, v3;
	v3 =	vmov v10  }
0x159: {  	v10 =	vld.idx.msk [tilespmem:v0+s7+$0xFFFFFFB0 ss:$0x1], $0xffff;
	[tilespmem:v0+s5+$0x9000 ss:$0x1] =	vst.idx.msk $0xffff, v5;
	v5 =	vmov v9;
	s5 =	smov.u32 s8  }
0x15a: {  	v9 =	vld.idx.msk [tilespmem:v0+s8+$0x20 ss:$0x1], $0xffff  }
0x15b: {  	v7 =	vadd.f32 v7, v6;
	v12 =	vld.idx.msk [tilespmem:v0+s8+$0x3020 ss:$0x1], $0xffff  }
0x15c: {  	v13 =	vadd.f32 v13, v6;
	v14 =	vld.idx.msk [tilespmem:v0+s8+$0x6020 ss:$0x1], $0xffff  }
0x15d: {  	[tilespmem:v0+s8+$0x10 ss:$0x1] =	vst.idx.msk $0xffff, v7;
	v7 =	vadd.f32 v8, v6;
	v8 =	vld.idx.msk [tilespmem:v0+s8+$0x9020 ss:$0x1], $0xffff  }
0x15e: {  	v6 =	vadd.f32 v11, v6;
	[tilespmem:v0+s8+$0x3010 ss:$0x1] =	vst.idx.msk $0xffff, v13;
	v11 =	vld.idx.msk [tilespmem:v0+s7+$0xFFFFFFC0 ss:$0x1], $0xffff  }
0x15f: {  	[tilespmem:v0+s8+$0x6010 ss:$0x1] =	vst.idx.msk $0xffff, v7;
	v7 =	vld.idx.msk [tilespmem:v0+s8+$0x30 ss:$0x1], $0xffff  }
0x160: {  	[tilespmem:v0+s8+$0x9010 ss:$0x1] =	vst.idx.msk $0xffff, v6;
	v6 =	vadd.f32 v9, v10;
	v9 =	vld.idx.msk [tilespmem:v0+s8+$0x3030 ss:$0x1], $0xffff  }
0x161: {  	v12 =	vadd.f32 v12, v10;
	v13 =	vld.idx.msk [tilespmem:v0+s8+$0x6030 ss:$0x1], $0xffff  }
0x162: {  	[tilespmem:v0+s8+$0x20 ss:$0x1] =	vst.idx.msk $0xffff, v6;
	v6 =	vadd.f32 v14, v10;
	v14 =	vld.idx.msk [tilespmem:v0+s8+$0x9030 ss:$0x1], $0xffff  }
0x163: {  	v8 =	vadd.f32 v8, v10;
	[tilespmem:v0+s8+$0x3020 ss:$0x1] =	vst.idx.msk $0xffff, v12;
	v10 =	vld.idx.msk [tilespmem:v0+s7+$0xFFFFFFD0 ss:$0x1], $0xffff  }
0x164: {  	[tilespmem:v0+s8+$0x6020 ss:$0x1] =	vst.idx.msk $0xffff, v6;
	v6 =	vld.idx.msk [tilespmem:v0+s8+$0x40 ss:$0x1], $0xffff  }
0x165: {  	v7 =	vadd.f32 v7, v11;
	[tilespmem:v0+s8+$0x9020 ss:$0x1] =	vst.idx.msk $0xffff, v8;
	v8 =	vld.idx.msk [tilespmem:v0+s8+$0x3040 ss:$0x1], $0xffff  }
0x166: {  	v9 =	vadd.f32 v9, v11;
	v12 =	vld.idx.msk [tilespmem:v0+s8+$0x6040 ss:$0x1], $0xffff  }
0x167: {  	[tilespmem:v0+s8+$0x30 ss:$0x1] =	vst.idx.msk $0xffff, v7;
	v7 =	vadd.f32 v13, v11;
	v13 =	vld.idx.msk [tilespmem:v0+s8+$0x9040 ss:$0x1], $0xffff  }
0x168: {  	[tilespmem:v0+s8+$0x3030 ss:$0x1] =	vst.idx.msk $0xffff, v9;
	v9 =	vadd.f32 v14, v11;
	v11 =	vld.idx.msk [tilespmem:v0+s7+$0xFFFFFFE0 ss:$0x1], $0xffff  }
0x169: {  	[tilespmem:v0+s8+$0x6030 ss:$0x1] =	vst.idx.msk $0xffff, v7;
	v7 =	vld.idx.msk [tilespmem:v0+s8+$0x50 ss:$0x1], $0xffff  }
0x16a: {  	v6 =	vadd.f32 v6, v10;
	[tilespmem:v0+s8+$0x9030 ss:$0x1] =	vst.idx.msk $0xffff, v9;
	v9 =	vld.idx.msk [tilespmem:v0+s8+$0x3050 ss:$0x1], $0xffff  }
0x16b: {  	v8 =	vadd.f32 v8, v10;
	v14 =	vld.idx.msk [tilespmem:v0+s8+$0x6050 ss:$0x1], $0xffff  }
0x16c: {  	v12 =	vadd.f32 v12, v10;
	[tilespmem:v0+s8+$0x40 ss:$0x1] =	vst.idx.msk $0xffff, v6;
	v15 =	vld.idx.msk [tilespmem:v0+s8+$0x9050 ss:$0x1], $0xffff  }
0x16d: {  	[tilespmem:v0+s8+$0x3040 ss:$0x1] =	vst.idx.msk $0xffff, v8;
	v8 =	vadd.f32 v13, v10;
	v6 =	vld.idx.msk [tilespmem:v0+s7+$0xFFFFFFF0 ss:$0x1], $0xffff  }
0x16e: {  	[tilespmem:v0+s8+$0x6040 ss:$0x1] =	vst.idx.msk $0xffff, v12;
	v13 =	vld.idx.msk [tilespmem:v0+s8+$0x60 ss:$0x1], $0xffff  }
0x16f: {  	v7 =	vadd.f32 v7, v11;
	[tilespmem:v0+s8+$0x9040 ss:$0x1] =	vst.idx.msk $0xffff, v8;
	v16 =	vld.idx.msk [tilespmem:v0+s8+$0x3060 ss:$0x1], $0xffff  }
0x170: {  	v9 =	vadd.f32 v9, v11;
	v12 =	vld.idx.msk [tilespmem:v0+s8+$0x6060 ss:$0x1], $0xffff  }
.Ltmp4:
0x171: {  	[tilespmem:v0+s8+$0x50 ss:$0x1] =	vst.idx.msk $0xffff, v7;
	v7 =	vadd.f32 v14, v11;
	v8 =	vld.idx.msk [tilespmem:v0+s8+$0x9060 ss:$0x1], $0xffff;
	(pc) =	sbr.rel @p0 .LBB2_11-.Ltmp4, $4  }
0x172: {  	v11 =	vadd.f32 v15, v11;
	[tilespmem:v0+s8+$0x3050 ss:$0x1] =	vst.idx.msk $0xffff, v9;
	v9 =	vld.idx.msk [tilespmem:v0+s8+$0x70 ss:$0x1], $0xffff  }
0x173: {  	[tilespmem:v0+s8+$0x6050 ss:$0x1] =	vst.idx.msk $0xffff, v7;
	v10 =	vld.idx.msk [tilespmem:v0+s8+$0x3070 ss:$0x1], $0xffff  }
0x174: {  	v14 =	vadd.f32 v13, v6;
	[tilespmem:v0+s8+$0x9050 ss:$0x1] =	vst.idx.msk $0xffff, v11;
	v11 =	vld.idx.msk [tilespmem:v0+s8+$0x6070 ss:$0x1], $0xffff  }
0x175: {  	v13 =	vadd.f32 v16, v6;
	v7 =	vld.idx.msk [tilespmem:v0+s7+$0xFFFFFF90 ss:$0x1], $0xffff;
	s7 =	sadd.s32 $0x400, s7  }
0x176: {  	_ =	sdelay $0x3  }
0x177: {  	[tilespmem:v0+s5+$0x60 ss:$0x1] =	vst.idx.msk $0xffff, v14;
	v12 =	vadd.f32 v12, v6  }
0x178: {  	v58 =	vadd.f32 v8, v6;
	[tilespmem:v0+s5+$0x3060 ss:$0x1] =	vst.idx.msk $0xffff, v13  }
0x179: {  	v59 =	vadd.f32 v9, v1;
	[tilespmem:v0+s5+$0x6060 ss:$0x1] =	vst.idx.msk $0xffff, v12  }
0x17a: {  	v60 =	vadd.f32 v10, v1;
	[tilespmem:v0+s5+$0x9060 ss:$0x1] =	vst.idx.msk $0xffff, v58  }
0x17b: {  	s4 =	sadd.s32 $0x1, s4;
	[tilespmem:v0+s5+$0x70 ss:$0x1] =	vst.idx.msk $0xffff, v59;
	v61 =	vadd.f32 v11, v1  }
0x17c: {  	p0 =	sne.s32 s4, $0x10;
	v2 =	vadd.f32 v2, v7;
	[tilespmem:v0+s5+$0x3070 ss:$0x1] =	vst.idx.msk $0xffff, v60  }
.Ltmp5:
0x17d: {  	v4 =	vadd.f32 v4, v7;
	[tilespmem:v0+s5+$0x6070 ss:$0x1] =	vst.idx.msk $0xffff, v61;
	(pc) =	sbr.rel @p0 .LBB2_10-.Ltmp5, $4  }
0x17e: {  	v62 =	vadd.f32 v3, v7;
	[tilespmem:v0+s5+$0x0 ss:$0x1] =	vst.idx.msk $0xffff, v2  }
0x17f: {  	v63 =	vadd.f32 v5, v7;
	[tilespmem:v0+s5+$0x3000 ss:$0x1] =	vst.idx.msk $0xffff, v4  }
0x180: {  	[tilespmem:v0+s5+$0x6000 ss:$0x1] =	vst.idx.msk $0xffff, v62  }
0x181: {  	s3 =	sadd.s32 $0x1, s3;
	[tilespmem:v0+s5+$0x9000 ss:$0x1] =	vst.idx.msk $0xffff, v63  }
0x182: {  	s3 =	simm.s32 $0x0;
	s4 =	rddreg [dreg:$0xe]  }
0x183: {  	[hbm4b:s4+s21] =	stream.strided.scatter [tilespmem:s3], [sflag:$0x5], $0xC000, s22, s21, $0x38;
	[tilespmem:$0x1E000] =	vst v63  }
0x184: {  	_ =	swait.ge [sflag:s29], $0xC000  }
0x185: {  	[sflag:s29] =	ssyncset.done $0x0  }
0x186: {  	s7 =	rddreg [dreg:$0xf];
	[sflag:s29] =	ssyncadd.s32 $0xFFFF4000  }
0x187: {  	[tilespmem:s3], [sflag:$0x1] =	stream.strided.gather [hbm4b:s7+s21], $0xC000, s22, s21, $0x38;
	[tilespmem:$0x1E000] =	vst v63  }
0x188: {  	s8 =	rddreg [dreg:$0x10]  }
0x189: {  	[tilespmem:s23], [sflag:$0x3] =	stream.linear.gather [hbm4b:s8+s3], $0x3000, $0x38;
	[tilespmem:$0x1E000] =	vst v63  }
0x18a: {  	_ =	swait.ge [sflag:s30], $0xC000  }
0x18b: {  	[sflag:s30] =	ssyncset.done $0x0  }
0x18c: {  	[sflag:s30] =	ssyncadd.s32 $0xFFFF4000  }
0x18d: {  	_ =	swait.ge [sflag:s31], $0x3000  }
0x18e: {  	[sflag:s31] =	ssyncset.done $0x0  }
0x18f: {  	s4 =	simm.s32 $0x0;
	[sflag:s31] =	ssyncadd.s32 $0xFFFFD000  }
.LBB2_14:
0x190: {  	s5 =	sand.u32 $0x7, s3  }
0x191: {  	s5 =	sshll.u32 s5, $0x9  }
0x192: {  	s5 =	sshrl.u32 s5, $0x2  }
0x193: {  	s6 =	sshrl.u32 s4, $0x3;
	v0 =	vmov s5  }
0x194: {  	s8 =	smul.u32 $0x6000, s6;
	_ =	sdelay $0x1  }
0x195: {  	s5 =	sshra.s32 s8, $0x2  }
0x196: {  	s7 =	sadd.s32 $0x1B070, s5  }
0x197: {  	s5 =	sadd.s32 $0xC000, s5;
	v1 =	vld.idx.msk [tilespmem:v0+s7+$0x0 ss:$0x1], $0xffff  }
0x198: {  	v6 =	vld.idx.msk [tilespmem:v0+s5+$0x9070 ss:$0x1], $0xffff  }
0x199: {  	v2 =	vld.idx.msk [tilespmem:v0+s5+$0x0 ss:$0x1], $0xffff  }
0x19a: {  	v4 =	vld.idx.msk [tilespmem:v0+s5+$0x3000 ss:$0x1], $0xffff  }
0x19b: {  	v3 =	vld.idx.msk [tilespmem:v0+s5+$0x6000 ss:$0x1], $0xffff  }
0x19c: {  	v5 =	vld.idx.msk [tilespmem:v0+s5+$0x9000 ss:$0x1], $0xffff  }
0x19d: {  	v7 =	vld.idx.msk [tilespmem:v0+s7+$0xFFFFFFA0 ss:$0x1], $0xffff  }
0x19e: {  	v8 =	vld.idx.msk [tilespmem:v0+s5+$0x10 ss:$0x1], $0xffff  }
0x19f: {  	v9 =	vld.idx.msk [tilespmem:v0+s5+$0x3010 ss:$0x1], $0xffff  }
0x1a0: {  	v10 =	vld.idx.msk [tilespmem:v0+s5+$0x6010 ss:$0x1], $0xffff  }
0x1a1: {  	v11 =	vld.idx.msk [tilespmem:v0+s5+$0x9010 ss:$0x1], $0xffff  }
0x1a2: {  	v12 =	vld.idx.msk [tilespmem:v0+s7+$0xFFFFFFB0 ss:$0x1], $0xffff  }
0x1a3: {  	v13 =	vld.idx.msk [tilespmem:v0+s5+$0x20 ss:$0x1], $0xffff  }
0x1a4: {  	v14 =	vld.idx.msk [tilespmem:v0+s5+$0x3020 ss:$0x1], $0xffff  }
0x1a5: {  	v15 =	vld.idx.msk [tilespmem:v0+s5+$0x6020 ss:$0x1], $0xffff  }
0x1a6: {  	v16 =	vld.idx.msk [tilespmem:v0+s5+$0x9020 ss:$0x1], $0xffff  }
0x1a7: {  	v17 =	vld.idx.msk [tilespmem:v0+s7+$0xFFFFFFC0 ss:$0x1], $0xffff  }
0x1a8: {  	v18 =	vld.idx.msk [tilespmem:v0+s5+$0x30 ss:$0x1], $0xffff;
	v6 =	vadd.f32 v6, v1  }
0x1a9: {  	v19 =	vld.idx.msk [tilespmem:v0+s5+$0x3030 ss:$0x1], $0xffff;
	v8 =	vadd.f32 v8, v7  }
0x1aa: {  	v62 =	vld.idx.msk [tilespmem:v0+s5+$0x50 ss:$0x1], $0xffff;
	[tilespmem:v0+s5+$0x9070 ss:$0x1] =	vst.idx.msk $0xffff, v6;
	v6 =	vadd.f32 v9, v7  }
0x1ab: {  	v9 =	vld.idx.msk [tilespmem:v0+s5+$0x6030 ss:$0x1], $0xffff;
	[tilespmem:v0+s5+$0x10 ss:$0x1] =	vst.idx.msk $0xffff, v8;
	v8 =	vadd.f32 v10, v7  }
0x1ac: {  	v10 =	vld.idx.msk [tilespmem:v0+s5+$0x9030 ss:$0x1], $0xffff;
	[tilespmem:v0+s5+$0x3010 ss:$0x1] =	vst.idx.msk $0xffff, v6;
	v6 =	vadd.f32 v11, v7  }
0x1ad: {  	v7 =	vld.idx.msk [tilespmem:v0+s7+$0xFFFFFFD0 ss:$0x1], $0xffff;
	[tilespmem:v0+s5+$0x6010 ss:$0x1] =	vst.idx.msk $0xffff, v8;
	v8 =	vadd.f32 v13, v12  }
0x1ae: {  	v11 =	vld.idx.msk [tilespmem:v0+s5+$0x40 ss:$0x1], $0xffff;
	[tilespmem:v0+s5+$0x9010 ss:$0x1] =	vst.idx.msk $0xffff, v6;
	v6 =	vadd.f32 v14, v12  }
0x1af: {  	v13 =	vld.idx.msk [tilespmem:v0+s5+$0x3040 ss:$0x1], $0xffff;
	[tilespmem:v0+s5+$0x20 ss:$0x1] =	vst.idx.msk $0xffff, v8;
	v8 =	vadd.f32 v15, v12  }
0x1b0: {  	v14 =	vld.idx.msk [tilespmem:v0+s5+$0x6040 ss:$0x1], $0xffff;
	[tilespmem:v0+s5+$0x3020 ss:$0x1] =	vst.idx.msk $0xffff, v6;
	v6 =	vadd.f32 v16, v12  }
0x1b1: {  	v15 =	vld.idx.msk [tilespmem:v0+s7+$0xFFFFFFE0 ss:$0x1], $0xffff;
	[tilespmem:v0+s5+$0x6020 ss:$0x1] =	vst.idx.msk $0xffff, v8;
	v8 =	vadd.f32 v18, v17  }
0x1b2: {  	v12 =	vld.idx.msk [tilespmem:v0+s5+$0x9040 ss:$0x1], $0xffff;
	[tilespmem:v0+s5+$0x9020 ss:$0x1] =	vst.idx.msk $0xffff, v6;
	v6 =	vadd.f32 v19, v17  }
0x1b3: {  	[tilespmem:v0+s5+$0x30 ss:$0x1] =	vst.idx.msk $0xffff, v8;
	v8 =	vadd.f32 v9, v17;
	v9 =	vld.idx.msk [tilespmem:v0+s5+$0x3050 ss:$0x1], $0xffff  }
0x1b4: {  	[tilespmem:v0+s5+$0x3030 ss:$0x1] =	vst.idx.msk $0xffff, v6;
	v6 =	vadd.f32 v10, v17;
	v10 =	vld.idx.msk [tilespmem:v0+s5+$0x6050 ss:$0x1], $0xffff  }
0x1b5: {  	[tilespmem:v0+s5+$0x6030 ss:$0x1] =	vst.idx.msk $0xffff, v8;
	v8 =	vadd.f32 v11, v7;
	v11 =	vld.idx.msk [tilespmem:v0+s5+$0x9050 ss:$0x1], $0xffff  }
0x1b6: {  	v13 =	vadd.f32 v13, v7;
	[tilespmem:v0+s5+$0x9030 ss:$0x1] =	vst.idx.msk $0xffff, v6;
	v6 =	vld.idx.msk [tilespmem:v0+s7+$0xFFFFFFF0 ss:$0x1], $0xffff  }
0x1b7: {  	[tilespmem:v0+s5+$0x40 ss:$0x1] =	vst.idx.msk $0xffff, v8;
	v8 =	vadd.f32 v14, v7;
	v14 =	vld.idx.msk [tilespmem:v0+s5+$0x60 ss:$0x1], $0xffff  }
0x1b8: {  	v7 =	vadd.f32 v12, v7;
	v12 =	vld.idx.msk [tilespmem:v0+s5+$0x6060 ss:$0x1], $0xffff;
	[tilespmem:v0+s5+$0x3040 ss:$0x1] =	vst.idx.msk $0xffff, v13  }
0x1b9: {  	v16 =	vadd.f32 v62, v15;
	v13 =	vld.idx.msk [tilespmem:v0+s5+$0x3060 ss:$0x1], $0xffff;
	[tilespmem:v0+s5+$0x6040 ss:$0x1] =	vst.idx.msk $0xffff, v8  }
0x1ba: {  	v8 =	vld.idx.msk [tilespmem:v0+s5+$0x9060 ss:$0x1], $0xffff;
	[tilespmem:v0+s5+$0x9040 ss:$0x1] =	vst.idx.msk $0xffff, v7;
	v7 =	vadd.f32 v9, v15  }
0x1bb: {  	[tilespmem:v0+s5+$0x50 ss:$0x1] =	vst.idx.msk $0xffff, v16;
	v63 =	vadd.f32 v10, v15;
	v10 =	vld.idx.msk [tilespmem:v0+s5+$0x3070 ss:$0x1], $0xffff  }
0x1bc: {  	v9 =	vld.idx.msk [tilespmem:v0+s5+$0x70 ss:$0x1], $0xffff;
	[tilespmem:v0+s5+$0x3050 ss:$0x1] =	vst.idx.msk $0xffff, v7;
	v7 =	vadd.f32 v11, v15  }
0x1bd: {  	v11 =	vld.idx.msk [tilespmem:v0+s5+$0x6070 ss:$0x1], $0xffff;
	v14 =	vadd.f32 v14, v6;
	[tilespmem:v0+s5+$0x6050 ss:$0x1] =	vst.idx.msk $0xffff, v63  }
0x1be: {  	s6 =	simm.s32 $0x0;
	s8 =	smov.u32 s5;
	v13 =	vadd.f32 v13, v6;
	[tilespmem:v0+s5+$0x9050 ss:$0x1] =	vst.idx.msk $0xffff, v7;
	v7 =	vld.idx.msk [tilespmem:v0+s7+$0xFFFFFF90 ss:$0x1], $0xffff;
	s7 =	sadd.s32 $0x400, s7  }
.LBB2_15:
0x1bf: {  	v15 =	vld.idx.msk [tilespmem:v0+s7+$0x0 ss:$0x1], $0xffff;
	[tilespmem:v0+s5+$0x60 ss:$0x1] =	vst.idx.msk $0xffff, v14;
	v12 =	vadd.f32 v12, v6;
	s8 =	sadd.s32 $0x400, s8  }
0x1c0: {  	s6 =	sadd.s32 $0x80, s6;
	v6 =	vadd.f32 v8, v6;
	v14 =	vld.idx.msk [tilespmem:v0+s8+$0x9070 ss:$0x1], $0xffff;
	[tilespmem:v0+s5+$0x3060 ss:$0x1] =	vst.idx.msk $0xffff, v13  }
0x1c1: {  	p0 =	slt.u32 s6, $0x280;
	v9 =	vadd.f32 v9, v1;
	v8 =	vld.idx.msk [tilespmem:v0+s8+$0x0 ss:$0x1], $0xffff;
	[tilespmem:v0+s5+$0x6060 ss:$0x1] =	vst.idx.msk $0xffff, v12  }
0x1c2: {  	v12 =	vld.idx.msk [tilespmem:v0+s8+$0x3000 ss:$0x1], $0xffff;
	[tilespmem:v0+s5+$0x9060 ss:$0x1] =	vst.idx.msk $0xffff, v6;
	v6 =	vadd.f32 v10, v1  }
0x1c3: {  	v13 =	vadd.f32 v11, v1;
	v10 =	vld.idx.msk [tilespmem:v0+s8+$0x6000 ss:$0x1], $0xffff;
	[tilespmem:v0+s5+$0x70 ss:$0x1] =	vst.idx.msk $0xffff, v9  }
0x1c4: {  	v16 =	vadd.f32 v2, v7;
	v4 =	vadd.f32 v4, v7;
	v9 =	vld.idx.msk [tilespmem:v0+s8+$0x9000 ss:$0x1], $0xffff;
	[tilespmem:v0+s5+$0x3070 ss:$0x1] =	vst.idx.msk $0xffff, v6  }
0x1c5: {  	v3 =	vadd.f32 v3, v7;
	v5 =	vadd.f32 v5, v7;
	v6 =	vld.idx.msk [tilespmem:v0+s7+$0xFFFFFFA0 ss:$0x1], $0xffff;
	[tilespmem:v0+s5+$0x6070 ss:$0x1] =	vst.idx.msk $0xffff, v13  }
0x1c6: {  	v1 =	vmov v15;
	v11 =	vadd.f32 v14, v15;
	v7 =	vld.idx.msk [tilespmem:v0+s8+$0x10 ss:$0x1], $0xffff;
	[tilespmem:v0+s5+$0x0 ss:$0x1] =	vst.idx.msk $0xffff, v16  }
0x1c7: {  	v2 =	vmov v8;
	v13 =	vld.idx.msk [tilespmem:v0+s8+$0x3010 ss:$0x1], $0xffff;
	[tilespmem:v0+s5+$0x3000 ss:$0x1] =	vst.idx.msk $0xffff, v4  }
0x1c8: {  	v4 =	vmov v12;
	v8 =	vld.idx.msk [tilespmem:v0+s8+$0x6010 ss:$0x1], $0xffff;
	[tilespmem:v0+s8+$0x9070 ss:$0x1] =	vst.idx.msk $0xffff, v11  }
0x1c9: {  	v11 =	vld.idx.msk [tilespmem:v0+s8+$0x9010 ss:$0x1], $0xffff;
	[tilespmem:v0+s5+$0x6000 ss:$0x1] =	vst.idx.msk $0xffff, v3;
	v3 =	vmov v10  }
0x1ca: {  	v10 =	vld.idx.msk [tilespmem:v0+s7+$0xFFFFFFB0 ss:$0x1], $0xffff;
	[tilespmem:v0+s5+$0x9000 ss:$0x1] =	vst.idx.msk $0xffff, v5;
	v5 =	vmov v9;
	s5 =	smov.u32 s8  }
0x1cb: {  	v9 =	vld.idx.msk [tilespmem:v0+s8+$0x20 ss:$0x1], $0xffff  }
0x1cc: {  	v7 =	vadd.f32 v7, v6;
	v12 =	vld.idx.msk [tilespmem:v0+s8+$0x3020 ss:$0x1], $0xffff  }
0x1cd: {  	v13 =	vadd.f32 v13, v6;
	v14 =	vld.idx.msk [tilespmem:v0+s8+$0x6020 ss:$0x1], $0xffff  }
0x1ce: {  	[tilespmem:v0+s8+$0x10 ss:$0x1] =	vst.idx.msk $0xffff, v7;
	v7 =	vadd.f32 v8, v6;
	v8 =	vld.idx.msk [tilespmem:v0+s8+$0x9020 ss:$0x1], $0xffff  }
0x1cf: {  	v6 =	vadd.f32 v11, v6;
	[tilespmem:v0+s8+$0x3010 ss:$0x1] =	vst.idx.msk $0xffff, v13;
	v11 =	vld.idx.msk [tilespmem:v0+s7+$0xFFFFFFC0 ss:$0x1], $0xffff  }
0x1d0: {  	[tilespmem:v0+s8+$0x6010 ss:$0x1] =	vst.idx.msk $0xffff, v7;
	v7 =	vld.idx.msk [tilespmem:v0+s8+$0x30 ss:$0x1], $0xffff  }
0x1d1: {  	[tilespmem:v0+s8+$0x9010 ss:$0x1] =	vst.idx.msk $0xffff, v6;
	v6 =	vadd.f32 v9, v10;
	v9 =	vld.idx.msk [tilespmem:v0+s8+$0x3030 ss:$0x1], $0xffff  }
0x1d2: {  	v12 =	vadd.f32 v12, v10;
	v13 =	vld.idx.msk [tilespmem:v0+s8+$0x6030 ss:$0x1], $0xffff  }
0x1d3: {  	[tilespmem:v0+s8+$0x20 ss:$0x1] =	vst.idx.msk $0xffff, v6;
	v6 =	vadd.f32 v14, v10;
	v14 =	vld.idx.msk [tilespmem:v0+s8+$0x9030 ss:$0x1], $0xffff  }
0x1d4: {  	v8 =	vadd.f32 v8, v10;
	[tilespmem:v0+s8+$0x3020 ss:$0x1] =	vst.idx.msk $0xffff, v12;
	v10 =	vld.idx.msk [tilespmem:v0+s7+$0xFFFFFFD0 ss:$0x1], $0xffff  }
0x1d5: {  	[tilespmem:v0+s8+$0x6020 ss:$0x1] =	vst.idx.msk $0xffff, v6;
	v6 =	vld.idx.msk [tilespmem:v0+s8+$0x40 ss:$0x1], $0xffff  }
0x1d6: {  	v7 =	vadd.f32 v7, v11;
	[tilespmem:v0+s8+$0x9020 ss:$0x1] =	vst.idx.msk $0xffff, v8;
	v8 =	vld.idx.msk [tilespmem:v0+s8+$0x3040 ss:$0x1], $0xffff  }
0x1d7: {  	v9 =	vadd.f32 v9, v11;
	v12 =	vld.idx.msk [tilespmem:v0+s8+$0x6040 ss:$0x1], $0xffff  }
0x1d8: {  	[tilespmem:v0+s8+$0x30 ss:$0x1] =	vst.idx.msk $0xffff, v7;
	v7 =	vadd.f32 v13, v11;
	v13 =	vld.idx.msk [tilespmem:v0+s8+$0x9040 ss:$0x1], $0xffff  }
0x1d9: {  	[tilespmem:v0+s8+$0x3030 ss:$0x1] =	vst.idx.msk $0xffff, v9;
	v9 =	vadd.f32 v14, v11;
	v11 =	vld.idx.msk [tilespmem:v0+s7+$0xFFFFFFE0 ss:$0x1], $0xffff  }
0x1da: {  	[tilespmem:v0+s8+$0x6030 ss:$0x1] =	vst.idx.msk $0xffff, v7;
	v7 =	vld.idx.msk [tilespmem:v0+s8+$0x50 ss:$0x1], $0xffff  }
0x1db: {  	v6 =	vadd.f32 v6, v10;
	[tilespmem:v0+s8+$0x9030 ss:$0x1] =	vst.idx.msk $0xffff, v9;
	v9 =	vld.idx.msk [tilespmem:v0+s8+$0x3050 ss:$0x1], $0xffff  }
0x1dc: {  	v8 =	vadd.f32 v8, v10;
	v14 =	vld.idx.msk [tilespmem:v0+s8+$0x6050 ss:$0x1], $0xffff  }
0x1dd: {  	v12 =	vadd.f32 v12, v10;
	[tilespmem:v0+s8+$0x40 ss:$0x1] =	vst.idx.msk $0xffff, v6;
	v15 =	vld.idx.msk [tilespmem:v0+s8+$0x9050 ss:$0x1], $0xffff  }
0x1de: {  	[tilespmem:v0+s8+$0x3040 ss:$0x1] =	vst.idx.msk $0xffff, v8;
	v8 =	vadd.f32 v13, v10;
	v6 =	vld.idx.msk [tilespmem:v0+s7+$0xFFFFFFF0 ss:$0x1], $0xffff  }
0x1df: {  	[tilespmem:v0+s8+$0x6040 ss:$0x1] =	vst.idx.msk $0xffff, v12;
	v13 =	vld.idx.msk [tilespmem:v0+s8+$0x60 ss:$0x1], $0xffff  }
0x1e0: {  	v7 =	vadd.f32 v7, v11;
	[tilespmem:v0+s8+$0x9040 ss:$0x1] =	vst.idx.msk $0xffff, v8;
	v16 =	vld.idx.msk [tilespmem:v0+s8+$0x3060 ss:$0x1], $0xffff  }
0x1e1: {  	v9 =	vadd.f32 v9, v11;
	v12 =	vld.idx.msk [tilespmem:v0+s8+$0x6060 ss:$0x1], $0xffff  }
.Ltmp6:
0x1e2: {  	[tilespmem:v0+s8+$0x50 ss:$0x1] =	vst.idx.msk $0xffff, v7;
	v7 =	vadd.f32 v14, v11;
	v8 =	vld.idx.msk [tilespmem:v0+s8+$0x9060 ss:$0x1], $0xffff;
	(pc) =	sbr.rel @p0 .LBB2_15-.Ltmp6, $4  }
0x1e3: {  	v11 =	vadd.f32 v15, v11;
	[tilespmem:v0+s8+$0x3050 ss:$0x1] =	vst.idx.msk $0xffff, v9;
	v9 =	vld.idx.msk [tilespmem:v0+s8+$0x70 ss:$0x1], $0xffff  }
0x1e4: {  	[tilespmem:v0+s8+$0x6050 ss:$0x1] =	vst.idx.msk $0xffff, v7;
	v10 =	vld.idx.msk [tilespmem:v0+s8+$0x3070 ss:$0x1], $0xffff  }
0x1e5: {  	v14 =	vadd.f32 v13, v6;
	[tilespmem:v0+s8+$0x9050 ss:$0x1] =	vst.idx.msk $0xffff, v11;
	v11 =	vld.idx.msk [tilespmem:v0+s8+$0x6070 ss:$0x1], $0xffff  }
0x1e6: {  	v13 =	vadd.f32 v16, v6;
	v7 =	vld.idx.msk [tilespmem:v0+s7+$0xFFFFFF90 ss:$0x1], $0xffff;
	s7 =	sadd.s32 $0x400, s7  }
0x1e7: {  	_ =	sdelay $0x3  }
0x1e8: {  	[tilespmem:v0+s5+$0x60 ss:$0x1] =	vst.idx.msk $0xffff, v14;
	v12 =	vadd.f32 v12, v6  }
0x1e9: {  	v58 =	vadd.f32 v8, v6;
	[tilespmem:v0+s5+$0x3060 ss:$0x1] =	vst.idx.msk $0xffff, v13  }
0x1ea: {  	v59 =	vadd.f32 v9, v1;
	[tilespmem:v0+s5+$0x6060 ss:$0x1] =	vst.idx.msk $0xffff, v12  }
0x1eb: {  	v60 =	vadd.f32 v10, v1;
	[tilespmem:v0+s5+$0x9060 ss:$0x1] =	vst.idx.msk $0xffff, v58  }
0x1ec: {  	s4 =	sadd.s32 $0x1, s4;
	[tilespmem:v0+s5+$0x70 ss:$0x1] =	vst.idx.msk $0xffff, v59;
	v61 =	vadd.f32 v11, v1  }
0x1ed: {  	p0 =	sne.s32 s4, $0x10;
	v2 =	vadd.f32 v2, v7;
	[tilespmem:v0+s5+$0x3070 ss:$0x1] =	vst.idx.msk $0xffff, v60  }
.Ltmp7:
0x1ee: {  	v4 =	vadd.f32 v4, v7;
	[tilespmem:v0+s5+$0x6070 ss:$0x1] =	vst.idx.msk $0xffff, v61;
	(pc) =	sbr.rel @p0 .LBB2_14-.Ltmp7, $4  }
0x1ef: {  	v62 =	vadd.f32 v3, v7;
	[tilespmem:v0+s5+$0x0 ss:$0x1] =	vst.idx.msk $0xffff, v2  }
0x1f0: {  	v63 =	vadd.f32 v5, v7;
	[tilespmem:v0+s5+$0x3000 ss:$0x1] =	vst.idx.msk $0xffff, v4  }
0x1f1: {  	[tilespmem:v0+s5+$0x6000 ss:$0x1] =	vst.idx.msk $0xffff, v62  }
0x1f2: {  	s3 =	sadd.s32 $0x1, s3;
	[tilespmem:v0+s5+$0x9000 ss:$0x1] =	vst.idx.msk $0xffff, v63  }
0x1f3: {  	s3 =	rddreg [dreg:$0x11]  }
0x1f4: {  	[hbm4b:s3+s21] =	stream.strided.scatter [tilespmem:s24], [sflag:$0x6], $0xC000, s22, s21, $0x38;
	[tilespmem:$0x1E000] =	vst v63  }
0x1f5: {  	_ =	swait.ge [sflag:s0], $0xC000  }
0x1f6: {  	[sflag:s0] =	ssyncset.done $0x0  }
0x1f7: {  	s8 =	rddreg [dreg:$0x12];
	[sflag:s0] =	ssyncadd.s32 $0xFFFF4000  }
0x1f8: {  	[tilespmem:s24], [sflag:$0x2] =	stream.strided.gather [hbm4b:s8+s21], $0xC000, s22, s21, $0x38;
	[tilespmem:$0x1E000] =	vst v63  }
0x1f9: {  	s3 =	simm.s32 $0x0;
	s4 =	rddreg [dreg:$0x13]  }
0x1fa: {  	[tilespmem:s25], [sflag:$0x4] =	stream.linear.gather [hbm4b:s4+s3], $0x3000, $0x38;
	[tilespmem:$0x1E000] =	vst v63  }
0x1fb: {  	_ =	swait.ge [sflag:s26], $0xC000  }
0x1fc: {  	[sflag:s26] =	ssyncset.done $0x0  }
0x1fd: {  	[sflag:s26] =	ssyncadd.s32 $0xFFFF4000  }
0x1fe: {  	_ =	swait.ge [sflag:s28], $0x3000  }
0x1ff: {  	[sflag:s28] =	ssyncset.done $0x0  }
0x200: {  	s4 =	simm.s32 $0x0;
	[sflag:s28] =	ssyncadd.s32 $0xFFFFD000  }
.LBB2_18:
0x201: {  	s5 =	sand.u32 $0x7, s3  }
0x202: {  	s5 =	sshll.u32 s5, $0x9  }
0x203: {  	s5 =	sshrl.u32 s5, $0x2  }
0x204: {  	s6 =	sshrl.u32 s4, $0x3;
	v0 =	vmov s5  }
0x205: {  	s8 =	smul.u32 $0x6000, s6;
	_ =	sdelay $0x1  }
0x206: {  	s5 =	sshra.s32 s8, $0x2  }
0x207: {  	s7 =	sadd.s32 $0x18070, s5  }
0x208: {  	v1 =	vld.idx.msk [tilespmem:v0+s7+$0x0 ss:$0x1], $0xffff  }
0x209: {  	v6 =	vld.idx.msk [tilespmem:v0+s5+$0x9070 ss:$0x1], $0xffff  }
0x20a: {  	v2 =	vld.idx.msk [tilespmem:v0+s5+$0x0 ss:$0x1], $0xffff  }
0x20b: {  	v4 =	vld.idx.msk [tilespmem:v0+s5+$0x3000 ss:$0x1], $0xffff  }
0x20c: {  	v3 =	vld.idx.msk [tilespmem:v0+s5+$0x6000 ss:$0x1], $0xffff  }
0x20d: {  	v5 =	vld.idx.msk [tilespmem:v0+s5+$0x9000 ss:$0x1], $0xffff  }
0x20e: {  	v7 =	vld.idx.msk [tilespmem:v0+s7+$0xFFFFFFA0 ss:$0x1], $0xffff  }
0x20f: {  	v8 =	vld.idx.msk [tilespmem:v0+s5+$0x10 ss:$0x1], $0xffff  }
0x210: {  	v9 =	vld.idx.msk [tilespmem:v0+s5+$0x3010 ss:$0x1], $0xffff  }
0x211: {  	v10 =	vld.idx.msk [tilespmem:v0+s5+$0x6010 ss:$0x1], $0xffff  }
0x212: {  	v11 =	vld.idx.msk [tilespmem:v0+s5+$0x9010 ss:$0x1], $0xffff  }
0x213: {  	v12 =	vld.idx.msk [tilespmem:v0+s7+$0xFFFFFFB0 ss:$0x1], $0xffff  }
0x214: {  	v13 =	vld.idx.msk [tilespmem:v0+s5+$0x20 ss:$0x1], $0xffff  }
0x215: {  	v14 =	vld.idx.msk [tilespmem:v0+s5+$0x3020 ss:$0x1], $0xffff  }
0x216: {  	v15 =	vld.idx.msk [tilespmem:v0+s5+$0x6020 ss:$0x1], $0xffff  }
0x217: {  	v16 =	vld.idx.msk [tilespmem:v0+s5+$0x9020 ss:$0x1], $0xffff  }
0x218: {  	v17 =	vld.idx.msk [tilespmem:v0+s7+$0xFFFFFFC0 ss:$0x1], $0xffff  }
0x219: {  	v18 =	vld.idx.msk [tilespmem:v0+s5+$0x30 ss:$0x1], $0xffff;
	v6 =	vadd.f32 v6, v1  }
0x21a: {  	v19 =	vld.idx.msk [tilespmem:v0+s5+$0x3030 ss:$0x1], $0xffff;
	v8 =	vadd.f32 v8, v7  }
0x21b: {  	v62 =	vld.idx.msk [tilespmem:v0+s5+$0x50 ss:$0x1], $0xffff;
	[tilespmem:v0+s5+$0x9070 ss:$0x1] =	vst.idx.msk $0xffff, v6;
	v6 =	vadd.f32 v9, v7  }
0x21c: {  	v9 =	vld.idx.msk [tilespmem:v0+s5+$0x6030 ss:$0x1], $0xffff;
	[tilespmem:v0+s5+$0x10 ss:$0x1] =	vst.idx.msk $0xffff, v8;
	v8 =	vadd.f32 v10, v7  }
0x21d: {  	v10 =	vld.idx.msk [tilespmem:v0+s5+$0x9030 ss:$0x1], $0xffff;
	[tilespmem:v0+s5+$0x3010 ss:$0x1] =	vst.idx.msk $0xffff, v6;
	v6 =	vadd.f32 v11, v7  }
0x21e: {  	v7 =	vld.idx.msk [tilespmem:v0+s7+$0xFFFFFFD0 ss:$0x1], $0xffff;
	[tilespmem:v0+s5+$0x6010 ss:$0x1] =	vst.idx.msk $0xffff, v8;
	v8 =	vadd.f32 v13, v12  }
0x21f: {  	v11 =	vld.idx.msk [tilespmem:v0+s5+$0x40 ss:$0x1], $0xffff;
	[tilespmem:v0+s5+$0x9010 ss:$0x1] =	vst.idx.msk $0xffff, v6;
	v6 =	vadd.f32 v14, v12  }
0x220: {  	v13 =	vld.idx.msk [tilespmem:v0+s5+$0x3040 ss:$0x1], $0xffff;
	[tilespmem:v0+s5+$0x20 ss:$0x1] =	vst.idx.msk $0xffff, v8;
	v8 =	vadd.f32 v15, v12  }
0x221: {  	v14 =	vld.idx.msk [tilespmem:v0+s5+$0x6040 ss:$0x1], $0xffff;
	[tilespmem:v0+s5+$0x3020 ss:$0x1] =	vst.idx.msk $0xffff, v6;
	v6 =	vadd.f32 v16, v12  }
0x222: {  	v15 =	vld.idx.msk [tilespmem:v0+s7+$0xFFFFFFE0 ss:$0x1], $0xffff;
	[tilespmem:v0+s5+$0x6020 ss:$0x1] =	vst.idx.msk $0xffff, v8;
	v8 =	vadd.f32 v18, v17  }
0x223: {  	v12 =	vld.idx.msk [tilespmem:v0+s5+$0x9040 ss:$0x1], $0xffff;
	[tilespmem:v0+s5+$0x9020 ss:$0x1] =	vst.idx.msk $0xffff, v6;
	v6 =	vadd.f32 v19, v17  }
0x224: {  	[tilespmem:v0+s5+$0x30 ss:$0x1] =	vst.idx.msk $0xffff, v8;
	v8 =	vadd.f32 v9, v17;
	v9 =	vld.idx.msk [tilespmem:v0+s5+$0x3050 ss:$0x1], $0xffff  }
0x225: {  	[tilespmem:v0+s5+$0x3030 ss:$0x1] =	vst.idx.msk $0xffff, v6;
	v6 =	vadd.f32 v10, v17;
	v10 =	vld.idx.msk [tilespmem:v0+s5+$0x6050 ss:$0x1], $0xffff  }
0x226: {  	[tilespmem:v0+s5+$0x6030 ss:$0x1] =	vst.idx.msk $0xffff, v8;
	v8 =	vadd.f32 v11, v7;
	v11 =	vld.idx.msk [tilespmem:v0+s5+$0x9050 ss:$0x1], $0xffff  }
0x227: {  	v13 =	vadd.f32 v13, v7;
	[tilespmem:v0+s5+$0x9030 ss:$0x1] =	vst.idx.msk $0xffff, v6;
	v6 =	vld.idx.msk [tilespmem:v0+s7+$0xFFFFFFF0 ss:$0x1], $0xffff  }
0x228: {  	[tilespmem:v0+s5+$0x40 ss:$0x1] =	vst.idx.msk $0xffff, v8;
	v8 =	vadd.f32 v14, v7;
	v14 =	vld.idx.msk [tilespmem:v0+s5+$0x60 ss:$0x1], $0xffff  }
0x229: {  	v7 =	vadd.f32 v12, v7;
	v12 =	vld.idx.msk [tilespmem:v0+s5+$0x6060 ss:$0x1], $0xffff;
	[tilespmem:v0+s5+$0x3040 ss:$0x1] =	vst.idx.msk $0xffff, v13  }
0x22a: {  	v16 =	vadd.f32 v62, v15;
	v13 =	vld.idx.msk [tilespmem:v0+s5+$0x3060 ss:$0x1], $0xffff;
	[tilespmem:v0+s5+$0x6040 ss:$0x1] =	vst.idx.msk $0xffff, v8  }
0x22b: {  	v8 =	vld.idx.msk [tilespmem:v0+s5+$0x9060 ss:$0x1], $0xffff;
	[tilespmem:v0+s5+$0x9040 ss:$0x1] =	vst.idx.msk $0xffff, v7;
	v7 =	vadd.f32 v9, v15  }
0x22c: {  	[tilespmem:v0+s5+$0x50 ss:$0x1] =	vst.idx.msk $0xffff, v16;
	v63 =	vadd.f32 v10, v15;
	v10 =	vld.idx.msk [tilespmem:v0+s5+$0x3070 ss:$0x1], $0xffff  }
0x22d: {  	v9 =	vld.idx.msk [tilespmem:v0+s5+$0x70 ss:$0x1], $0xffff;
	[tilespmem:v0+s5+$0x3050 ss:$0x1] =	vst.idx.msk $0xffff, v7;
	v7 =	vadd.f32 v11, v15  }
0x22e: {  	v11 =	vld.idx.msk [tilespmem:v0+s5+$0x6070 ss:$0x1], $0xffff;
	v14 =	vadd.f32 v14, v6;
	[tilespmem:v0+s5+$0x6050 ss:$0x1] =	vst.idx.msk $0xffff, v63  }
0x22f: {  	s6 =	simm.s32 $0x0;
	s8 =	smov.u32 s5;
	v13 =	vadd.f32 v13, v6;
	[tilespmem:v0+s5+$0x9050 ss:$0x1] =	vst.idx.msk $0xffff, v7;
	v7 =	vld.idx.msk [tilespmem:v0+s7+$0xFFFFFF90 ss:$0x1], $0xffff;
	s7 =	sadd.s32 $0x400, s7  }
.LBB2_19:
0x230: {  	v15 =	vld.idx.msk [tilespmem:v0+s7+$0x0 ss:$0x1], $0xffff;
	[tilespmem:v0+s5+$0x60 ss:$0x1] =	vst.idx.msk $0xffff, v14;
	v12 =	vadd.f32 v12, v6;
	s8 =	sadd.s32 $0x400, s8  }
0x231: {  	s6 =	sadd.s32 $0x80, s6;
	v6 =	vadd.f32 v8, v6;
	v14 =	vld.idx.msk [tilespmem:v0+s8+$0x9070 ss:$0x1], $0xffff;
	[tilespmem:v0+s5+$0x3060 ss:$0x1] =	vst.idx.msk $0xffff, v13  }
0x232: {  	p0 =	slt.u32 s6, $0x280;
	v9 =	vadd.f32 v9, v1;
	v8 =	vld.idx.msk [tilespmem:v0+s8+$0x0 ss:$0x1], $0xffff;
	[tilespmem:v0+s5+$0x6060 ss:$0x1] =	vst.idx.msk $0xffff, v12  }
0x233: {  	v12 =	vld.idx.msk [tilespmem:v0+s8+$0x3000 ss:$0x1], $0xffff;
	[tilespmem:v0+s5+$0x9060 ss:$0x1] =	vst.idx.msk $0xffff, v6;
	v6 =	vadd.f32 v10, v1  }
0x234: {  	v13 =	vadd.f32 v11, v1;
	v10 =	vld.idx.msk [tilespmem:v0+s8+$0x6000 ss:$0x1], $0xffff;
	[tilespmem:v0+s5+$0x70 ss:$0x1] =	vst.idx.msk $0xffff, v9  }
0x235: {  	v16 =	vadd.f32 v2, v7;
	v4 =	vadd.f32 v4, v7;
	v9 =	vld.idx.msk [tilespmem:v0+s8+$0x9000 ss:$0x1], $0xffff;
	[tilespmem:v0+s5+$0x3070 ss:$0x1] =	vst.idx.msk $0xffff, v6  }
0x236: {  	v3 =	vadd.f32 v3, v7;
	v5 =	vadd.f32 v5, v7;
	v6 =	vld.idx.msk [tilespmem:v0+s7+$0xFFFFFFA0 ss:$0x1], $0xffff;
	[tilespmem:v0+s5+$0x6070 ss:$0x1] =	vst.idx.msk $0xffff, v13  }
0x237: {  	v1 =	vmov v15;
	v11 =	vadd.f32 v14, v15;
	v7 =	vld.idx.msk [tilespmem:v0+s8+$0x10 ss:$0x1], $0xffff;
	[tilespmem:v0+s5+$0x0 ss:$0x1] =	vst.idx.msk $0xffff, v16  }
0x238: {  	v2 =	vmov v8;
	v13 =	vld.idx.msk [tilespmem:v0+s8+$0x3010 ss:$0x1], $0xffff;
	[tilespmem:v0+s5+$0x3000 ss:$0x1] =	vst.idx.msk $0xffff, v4  }
0x239: {  	v4 =	vmov v12;
	v8 =	vld.idx.msk [tilespmem:v0+s8+$0x6010 ss:$0x1], $0xffff;
	[tilespmem:v0+s8+$0x9070 ss:$0x1] =	vst.idx.msk $0xffff, v11  }
0x23a: {  	v11 =	vld.idx.msk [tilespmem:v0+s8+$0x9010 ss:$0x1], $0xffff;
	[tilespmem:v0+s5+$0x6000 ss:$0x1] =	vst.idx.msk $0xffff, v3;
	v3 =	vmov v10  }
0x23b: {  	v10 =	vld.idx.msk [tilespmem:v0+s7+$0xFFFFFFB0 ss:$0x1], $0xffff;
	[tilespmem:v0+s5+$0x9000 ss:$0x1] =	vst.idx.msk $0xffff, v5;
	v5 =	vmov v9;
	s5 =	smov.u32 s8  }
0x23c: {  	v9 =	vld.idx.msk [tilespmem:v0+s8+$0x20 ss:$0x1], $0xffff  }
0x23d: {  	v7 =	vadd.f32 v7, v6;
	v12 =	vld.idx.msk [tilespmem:v0+s8+$0x3020 ss:$0x1], $0xffff  }
0x23e: {  	v13 =	vadd.f32 v13, v6;
	v14 =	vld.idx.msk [tilespmem:v0+s8+$0x6020 ss:$0x1], $0xffff  }
0x23f: {  	[tilespmem:v0+s8+$0x10 ss:$0x1] =	vst.idx.msk $0xffff, v7;
	v7 =	vadd.f32 v8, v6;
	v8 =	vld.idx.msk [tilespmem:v0+s8+$0x9020 ss:$0x1], $0xffff  }
0x240: {  	v6 =	vadd.f32 v11, v6;
	[tilespmem:v0+s8+$0x3010 ss:$0x1] =	vst.idx.msk $0xffff, v13;
	v11 =	vld.idx.msk [tilespmem:v0+s7+$0xFFFFFFC0 ss:$0x1], $0xffff  }
0x241: {  	[tilespmem:v0+s8+$0x6010 ss:$0x1] =	vst.idx.msk $0xffff, v7;
	v7 =	vld.idx.msk [tilespmem:v0+s8+$0x30 ss:$0x1], $0xffff  }
0x242: {  	[tilespmem:v0+s8+$0x9010 ss:$0x1] =	vst.idx.msk $0xffff, v6;
	v6 =	vadd.f32 v9, v10;
	v9 =	vld.idx.msk [tilespmem:v0+s8+$0x3030 ss:$0x1], $0xffff  }
0x243: {  	v12 =	vadd.f32 v12, v10;
	v13 =	vld.idx.msk [tilespmem:v0+s8+$0x6030 ss:$0x1], $0xffff  }
0x244: {  	[tilespmem:v0+s8+$0x20 ss:$0x1] =	vst.idx.msk $0xffff, v6;
	v6 =	vadd.f32 v14, v10;
	v14 =	vld.idx.msk [tilespmem:v0+s8+$0x9030 ss:$0x1], $0xffff  }
0x245: {  	v8 =	vadd.f32 v8, v10;
	[tilespmem:v0+s8+$0x3020 ss:$0x1] =	vst.idx.msk $0xffff, v12;
	v10 =	vld.idx.msk [tilespmem:v0+s7+$0xFFFFFFD0 ss:$0x1], $0xffff  }
0x246: {  	[tilespmem:v0+s8+$0x6020 ss:$0x1] =	vst.idx.msk $0xffff, v6;
	v6 =	vld.idx.msk [tilespmem:v0+s8+$0x40 ss:$0x1], $0xffff  }
0x247: {  	v7 =	vadd.f32 v7, v11;
	[tilespmem:v0+s8+$0x9020 ss:$0x1] =	vst.idx.msk $0xffff, v8;
	v8 =	vld.idx.msk [tilespmem:v0+s8+$0x3040 ss:$0x1], $0xffff  }
0x248: {  	v9 =	vadd.f32 v9, v11;
	v12 =	vld.idx.msk [tilespmem:v0+s8+$0x6040 ss:$0x1], $0xffff  }
0x249: {  	[tilespmem:v0+s8+$0x30 ss:$0x1] =	vst.idx.msk $0xffff, v7;
	v7 =	vadd.f32 v13, v11;
	v13 =	vld.idx.msk [tilespmem:v0+s8+$0x9040 ss:$0x1], $0xffff  }
0x24a: {  	[tilespmem:v0+s8+$0x3030 ss:$0x1] =	vst.idx.msk $0xffff, v9;
	v9 =	vadd.f32 v14, v11;
	v11 =	vld.idx.msk [tilespmem:v0+s7+$0xFFFFFFE0 ss:$0x1], $0xffff  }
0x24b: {  	[tilespmem:v0+s8+$0x6030 ss:$0x1] =	vst.idx.msk $0xffff, v7;
	v7 =	vld.idx.msk [tilespmem:v0+s8+$0x50 ss:$0x1], $0xffff  }
0x24c: {  	v6 =	vadd.f32 v6, v10;
	[tilespmem:v0+s8+$0x9030 ss:$0x1] =	vst.idx.msk $0xffff, v9;
	v9 =	vld.idx.msk [tilespmem:v0+s8+$0x3050 ss:$0x1], $0xffff  }
0x24d: {  	v8 =	vadd.f32 v8, v10;
	v14 =	vld.idx.msk [tilespmem:v0+s8+$0x6050 ss:$0x1], $0xffff  }
0x24e: {  	v12 =	vadd.f32 v12, v10;
	[tilespmem:v0+s8+$0x40 ss:$0x1] =	vst.idx.msk $0xffff, v6;
	v15 =	vld.idx.msk [tilespmem:v0+s8+$0x9050 ss:$0x1], $0xffff  }
0x24f: {  	[tilespmem:v0+s8+$0x3040 ss:$0x1] =	vst.idx.msk $0xffff, v8;
	v8 =	vadd.f32 v13, v10;
	v6 =	vld.idx.msk [tilespmem:v0+s7+$0xFFFFFFF0 ss:$0x1], $0xffff  }
0x250: {  	[tilespmem:v0+s8+$0x6040 ss:$0x1] =	vst.idx.msk $0xffff, v12;
	v13 =	vld.idx.msk [tilespmem:v0+s8+$0x60 ss:$0x1], $0xffff  }
0x251: {  	v7 =	vadd.f32 v7, v11;
	[tilespmem:v0+s8+$0x9040 ss:$0x1] =	vst.idx.msk $0xffff, v8;
	v16 =	vld.idx.msk [tilespmem:v0+s8+$0x3060 ss:$0x1], $0xffff  }
0x252: {  	v9 =	vadd.f32 v9, v11;
	v12 =	vld.idx.msk [tilespmem:v0+s8+$0x6060 ss:$0x1], $0xffff  }
.Ltmp8:
0x253: {  	[tilespmem:v0+s8+$0x50 ss:$0x1] =	vst.idx.msk $0xffff, v7;
	v7 =	vadd.f32 v14, v11;
	v8 =	vld.idx.msk [tilespmem:v0+s8+$0x9060 ss:$0x1], $0xffff;
	(pc) =	sbr.rel @p0 .LBB2_19-.Ltmp8, $4  }
0x254: {  	v11 =	vadd.f32 v15, v11;
	[tilespmem:v0+s8+$0x3050 ss:$0x1] =	vst.idx.msk $0xffff, v9;
	v9 =	vld.idx.msk [tilespmem:v0+s8+$0x70 ss:$0x1], $0xffff  }
0x255: {  	[tilespmem:v0+s8+$0x6050 ss:$0x1] =	vst.idx.msk $0xffff, v7;
	v10 =	vld.idx.msk [tilespmem:v0+s8+$0x3070 ss:$0x1], $0xffff  }
0x256: {  	v14 =	vadd.f32 v13, v6;
	[tilespmem:v0+s8+$0x9050 ss:$0x1] =	vst.idx.msk $0xffff, v11;
	v11 =	vld.idx.msk [tilespmem:v0+s8+$0x6070 ss:$0x1], $0xffff  }
0x257: {  	v13 =	vadd.f32 v16, v6;
	v7 =	vld.idx.msk [tilespmem:v0+s7+$0xFFFFFF90 ss:$0x1], $0xffff;
	s7 =	sadd.s32 $0x400, s7  }
0x258: {  	_ =	sdelay $0x3  }
0x259: {  	[tilespmem:v0+s5+$0x60 ss:$0x1] =	vst.idx.msk $0xffff, v14;
	v12 =	vadd.f32 v12, v6  }
0x25a: {  	v58 =	vadd.f32 v8, v6;
	[tilespmem:v0+s5+$0x3060 ss:$0x1] =	vst.idx.msk $0xffff, v13  }
0x25b: {  	v59 =	vadd.f32 v9, v1;
	[tilespmem:v0+s5+$0x6060 ss:$0x1] =	vst.idx.msk $0xffff, v12  }
0x25c: {  	v60 =	vadd.f32 v10, v1;
	[tilespmem:v0+s5+$0x9060 ss:$0x1] =	vst.idx.msk $0xffff, v58  }
0x25d: {  	s4 =	sadd.s32 $0x1, s4;
	[tilespmem:v0+s5+$0x70 ss:$0x1] =	vst.idx.msk $0xffff, v59;
	v61 =	vadd.f32 v11, v1  }
0x25e: {  	p0 =	sne.s32 s4, $0x10;
	v2 =	vadd.f32 v2, v7;
	[tilespmem:v0+s5+$0x3070 ss:$0x1] =	vst.idx.msk $0xffff, v60  }
.Ltmp9:
0x25f: {  	v4 =	vadd.f32 v4, v7;
	[tilespmem:v0+s5+$0x6070 ss:$0x1] =	vst.idx.msk $0xffff, v61;
	(pc) =	sbr.rel @p0 .LBB2_18-.Ltmp9, $4  }
0x260: {  	v62 =	vadd.f32 v3, v7;
	[tilespmem:v0+s5+$0x0 ss:$0x1] =	vst.idx.msk $0xffff, v2  }
0x261: {  	v63 =	vadd.f32 v5, v7;
	[tilespmem:v0+s5+$0x3000 ss:$0x1] =	vst.idx.msk $0xffff, v4  }
0x262: {  	[tilespmem:v0+s5+$0x6000 ss:$0x1] =	vst.idx.msk $0xffff, v62  }
0x263: {  	s3 =	sadd.s32 $0x1, s3;
	[tilespmem:v0+s5+$0x9000 ss:$0x1] =	vst.idx.msk $0xffff, v63  }
0x264: {  	s3 =	simm.s32 $0x0;
	s4 =	rddreg [dreg:$0x14]  }
0x265: {  	[hbm4b:s4+s21] =	stream.strided.scatter [tilespmem:s3], [sflag:$0x5], $0xC000, s22, s21, $0x38;
	[tilespmem:$0x1E000] =	vst v63  }
0x266: {  	_ =	swait.ge [sflag:s29], $0xC000  }
0x267: {  	[sflag:s29] =	ssyncset.done $0x0  }
0x268: {  	s7 =	rddreg [dreg:$0x16];
	[sflag:s29] =	ssyncadd.s32 $0xFFFF4000  }
0x269: {  	[tilespmem:s3], [sflag:$0x1] =	stream.strided.gather [hbm4b:s7+s21], $0xC000, s22, s21, $0x38;
	[tilespmem:$0x1E000] =	vst v63  }
0x26a: {  	s8 =	rddreg [dreg:$0x17]  }
0x26b: {  	[tilespmem:s23], [sflag:$0x3] =	stream.linear.gather [hbm4b:s8+s3], $0x3000, $0x38;
	[tilespmem:$0x1E000] =	vst v63  }
0x26c: {  	_ =	swait.ge [sflag:s30], $0xC000  }
0x26d: {  	[sflag:s30] =	ssyncset.done $0x0  }
0x26e: {  	[sflag:s30] =	ssyncadd.s32 $0xFFFF4000  }
0x26f: {  	_ =	swait.ge [sflag:s31], $0x3000  }
0x270: {  	[sflag:s31] =	ssyncset.done $0x0  }
0x271: {  	s4 =	simm.s32 $0x0;
	[sflag:s31] =	ssyncadd.s32 $0xFFFFD000  }
.LBB2_22:
0x272: {  	s5 =	sand.u32 $0x7, s3  }
0x273: {  	s5 =	sshll.u32 s5, $0x9  }
0x274: {  	s5 =	sshrl.u32 s5, $0x2  }
0x275: {  	s6 =	sshrl.u32 s4, $0x3;
	v0 =	vmov s5  }
0x276: {  	s8 =	smul.u32 $0x6000, s6;
	_ =	sdelay $0x1  }
0x277: {  	s5 =	sshra.s32 s8, $0x2  }
0x278: {  	s7 =	sadd.s32 $0x1B070, s5  }
0x279: {  	s5 =	sadd.s32 $0xC000, s5;
	v1 =	vld.idx.msk [tilespmem:v0+s7+$0x0 ss:$0x1], $0xffff  }
0x27a: {  	v6 =	vld.idx.msk [tilespmem:v0+s5+$0x9070 ss:$0x1], $0xffff  }
0x27b: {  	v2 =	vld.idx.msk [tilespmem:v0+s5+$0x0 ss:$0x1], $0xffff  }
0x27c: {  	v4 =	vld.idx.msk [tilespmem:v0+s5+$0x3000 ss:$0x1], $0xffff  }
0x27d: {  	v3 =	vld.idx.msk [tilespmem:v0+s5+$0x6000 ss:$0x1], $0xffff  }
0x27e: {  	v5 =	vld.idx.msk [tilespmem:v0+s5+$0x9000 ss:$0x1], $0xffff  }
0x27f: {  	v7 =	vld.idx.msk [tilespmem:v0+s7+$0xFFFFFFA0 ss:$0x1], $0xffff  }
0x280: {  	v8 =	vld.idx.msk [tilespmem:v0+s5+$0x10 ss:$0x1], $0xffff  }
0x281: {  	v9 =	vld.idx.msk [tilespmem:v0+s5+$0x3010 ss:$0x1], $0xffff  }
0x282: {  	v10 =	vld.idx.msk [tilespmem:v0+s5+$0x6010 ss:$0x1], $0xffff  }
0x283: {  	v11 =	vld.idx.msk [tilespmem:v0+s5+$0x9010 ss:$0x1], $0xffff  }
0x284: {  	v12 =	vld.idx.msk [tilespmem:v0+s7+$0xFFFFFFB0 ss:$0x1], $0xffff  }
0x285: {  	v13 =	vld.idx.msk [tilespmem:v0+s5+$0x20 ss:$0x1], $0xffff  }
0x286: {  	v14 =	vld.idx.msk [tilespmem:v0+s5+$0x3020 ss:$0x1], $0xffff  }
0x287: {  	v15 =	vld.idx.msk [tilespmem:v0+s5+$0x6020 ss:$0x1], $0xffff  }
0x288: {  	v16 =	vld.idx.msk [tilespmem:v0+s5+$0x9020 ss:$0x1], $0xffff  }
0x289: {  	v17 =	vld.idx.msk [tilespmem:v0+s7+$0xFFFFFFC0 ss:$0x1], $0xffff  }
0x28a: {  	v18 =	vld.idx.msk [tilespmem:v0+s5+$0x30 ss:$0x1], $0xffff;
	v6 =	vadd.f32 v6, v1  }
0x28b: {  	v19 =	vld.idx.msk [tilespmem:v0+s5+$0x3030 ss:$0x1], $0xffff;
	v8 =	vadd.f32 v8, v7  }
0x28c: {  	v62 =	vld.idx.msk [tilespmem:v0+s5+$0x50 ss:$0x1], $0xffff;
	[tilespmem:v0+s5+$0x9070 ss:$0x1] =	vst.idx.msk $0xffff, v6;
	v6 =	vadd.f32 v9, v7  }
0x28d: {  	v9 =	vld.idx.msk [tilespmem:v0+s5+$0x6030 ss:$0x1], $0xffff;
	[tilespmem:v0+s5+$0x10 ss:$0x1] =	vst.idx.msk $0xffff, v8;
	v8 =	vadd.f32 v10, v7  }
0x28e: {  	v10 =	vld.idx.msk [tilespmem:v0+s5+$0x9030 ss:$0x1], $0xffff;
	[tilespmem:v0+s5+$0x3010 ss:$0x1] =	vst.idx.msk $0xffff, v6;
	v6 =	vadd.f32 v11, v7  }
0x28f: {  	v7 =	vld.idx.msk [tilespmem:v0+s7+$0xFFFFFFD0 ss:$0x1], $0xffff;
	[tilespmem:v0+s5+$0x6010 ss:$0x1] =	vst.idx.msk $0xffff, v8;
	v8 =	vadd.f32 v13, v12  }
0x290: {  	v11 =	vld.idx.msk [tilespmem:v0+s5+$0x40 ss:$0x1], $0xffff;
	[tilespmem:v0+s5+$0x9010 ss:$0x1] =	vst.idx.msk $0xffff, v6;
	v6 =	vadd.f32 v14, v12  }
0x291: {  	v13 =	vld.idx.msk [tilespmem:v0+s5+$0x3040 ss:$0x1], $0xffff;
	[tilespmem:v0+s5+$0x20 ss:$0x1] =	vst.idx.msk $0xffff, v8;
	v8 =	vadd.f32 v15, v12  }
0x292: {  	v14 =	vld.idx.msk [tilespmem:v0+s5+$0x6040 ss:$0x1], $0xffff;
	[tilespmem:v0+s5+$0x3020 ss:$0x1] =	vst.idx.msk $0xffff, v6;
	v6 =	vadd.f32 v16, v12  }
0x293: {  	v15 =	vld.idx.msk [tilespmem:v0+s7+$0xFFFFFFE0 ss:$0x1], $0xffff;
	[tilespmem:v0+s5+$0x6020 ss:$0x1] =	vst.idx.msk $0xffff, v8;
	v8 =	vadd.f32 v18, v17  }
0x294: {  	v12 =	vld.idx.msk [tilespmem:v0+s5+$0x9040 ss:$0x1], $0xffff;
	[tilespmem:v0+s5+$0x9020 ss:$0x1] =	vst.idx.msk $0xffff, v6;
	v6 =	vadd.f32 v19, v17  }
0x295: {  	[tilespmem:v0+s5+$0x30 ss:$0x1] =	vst.idx.msk $0xffff, v8;
	v8 =	vadd.f32 v9, v17;
	v9 =	vld.idx.msk [tilespmem:v0+s5+$0x3050 ss:$0x1], $0xffff  }
0x296: {  	[tilespmem:v0+s5+$0x3030 ss:$0x1] =	vst.idx.msk $0xffff, v6;
	v6 =	vadd.f32 v10, v17;
	v10 =	vld.idx.msk [tilespmem:v0+s5+$0x6050 ss:$0x1], $0xffff  }
0x297: {  	[tilespmem:v0+s5+$0x6030 ss:$0x1] =	vst.idx.msk $0xffff, v8;
	v8 =	vadd.f32 v11, v7;
	v11 =	vld.idx.msk [tilespmem:v0+s5+$0x9050 ss:$0x1], $0xffff  }
0x298: {  	v13 =	vadd.f32 v13, v7;
	[tilespmem:v0+s5+$0x9030 ss:$0x1] =	vst.idx.msk $0xffff, v6;
	v6 =	vld.idx.msk [tilespmem:v0+s7+$0xFFFFFFF0 ss:$0x1], $0xffff  }
0x299: {  	[tilespmem:v0+s5+$0x40 ss:$0x1] =	vst.idx.msk $0xffff, v8;
	v8 =	vadd.f32 v14, v7;
	v14 =	vld.idx.msk [tilespmem:v0+s5+$0x60 ss:$0x1], $0xffff  }
0x29a: {  	v7 =	vadd.f32 v12, v7;
	v12 =	vld.idx.msk [tilespmem:v0+s5+$0x6060 ss:$0x1], $0xffff;
	[tilespmem:v0+s5+$0x3040 ss:$0x1] =	vst.idx.msk $0xffff, v13  }
0x29b: {  	v16 =	vadd.f32 v62, v15;
	v13 =	vld.idx.msk [tilespmem:v0+s5+$0x3060 ss:$0x1], $0xffff;
	[tilespmem:v0+s5+$0x6040 ss:$0x1] =	vst.idx.msk $0xffff, v8  }
0x29c: {  	v8 =	vld.idx.msk [tilespmem:v0+s5+$0x9060 ss:$0x1], $0xffff;
	[tilespmem:v0+s5+$0x9040 ss:$0x1] =	vst.idx.msk $0xffff, v7;
	v7 =	vadd.f32 v9, v15  }
0x29d: {  	[tilespmem:v0+s5+$0x50 ss:$0x1] =	vst.idx.msk $0xffff, v16;
	v63 =	vadd.f32 v10, v15;
	v10 =	vld.idx.msk [tilespmem:v0+s5+$0x3070 ss:$0x1], $0xffff  }
0x29e: {  	v9 =	vld.idx.msk [tilespmem:v0+s5+$0x70 ss:$0x1], $0xffff;
	[tilespmem:v0+s5+$0x3050 ss:$0x1] =	vst.idx.msk $0xffff, v7;
	v7 =	vadd.f32 v11, v15  }
0x29f: {  	v11 =	vld.idx.msk [tilespmem:v0+s5+$0x6070 ss:$0x1], $0xffff;
	v14 =	vadd.f32 v14, v6;
	[tilespmem:v0+s5+$0x6050 ss:$0x1] =	vst.idx.msk $0xffff, v63  }
0x2a0: {  	s6 =	simm.s32 $0x0;
	s8 =	smov.u32 s5;
	v13 =	vadd.f32 v13, v6;
	[tilespmem:v0+s5+$0x9050 ss:$0x1] =	vst.idx.msk $0xffff, v7;
	v7 =	vld.idx.msk [tilespmem:v0+s7+$0xFFFFFF90 ss:$0x1], $0xffff;
	s7 =	sadd.s32 $0x400, s7  }
.LBB2_23:
0x2a1: {  	v15 =	vld.idx.msk [tilespmem:v0+s7+$0x0 ss:$0x1], $0xffff;
	[tilespmem:v0+s5+$0x60 ss:$0x1] =	vst.idx.msk $0xffff, v14;
	v12 =	vadd.f32 v12, v6;
	s8 =	sadd.s32 $0x400, s8  }
0x2a2: {  	s6 =	sadd.s32 $0x80, s6;
	v6 =	vadd.f32 v8, v6;
	v14 =	vld.idx.msk [tilespmem:v0+s8+$0x9070 ss:$0x1], $0xffff;
	[tilespmem:v0+s5+$0x3060 ss:$0x1] =	vst.idx.msk $0xffff, v13  }
0x2a3: {  	p0 =	slt.u32 s6, $0x280;
	v9 =	vadd.f32 v9, v1;
	v8 =	vld.idx.msk [tilespmem:v0+s8+$0x0 ss:$0x1], $0xffff;
	[tilespmem:v0+s5+$0x6060 ss:$0x1] =	vst.idx.msk $0xffff, v12  }
0x2a4: {  	v12 =	vld.idx.msk [tilespmem:v0+s8+$0x3000 ss:$0x1], $0xffff;
	[tilespmem:v0+s5+$0x9060 ss:$0x1] =	vst.idx.msk $0xffff, v6;
	v6 =	vadd.f32 v10, v1  }
0x2a5: {  	v13 =	vadd.f32 v11, v1;
	v10 =	vld.idx.msk [tilespmem:v0+s8+$0x6000 ss:$0x1], $0xffff;
	[tilespmem:v0+s5+$0x70 ss:$0x1] =	vst.idx.msk $0xffff, v9  }
0x2a6: {  	v16 =	vadd.f32 v2, v7;
	v4 =	vadd.f32 v4, v7;
	v9 =	vld.idx.msk [tilespmem:v0+s8+$0x9000 ss:$0x1], $0xffff;
	[tilespmem:v0+s5+$0x3070 ss:$0x1] =	vst.idx.msk $0xffff, v6  }
0x2a7: {  	v3 =	vadd.f32 v3, v7;
	v5 =	vadd.f32 v5, v7;
	v6 =	vld.idx.msk [tilespmem:v0+s7+$0xFFFFFFA0 ss:$0x1], $0xffff;
	[tilespmem:v0+s5+$0x6070 ss:$0x1] =	vst.idx.msk $0xffff, v13  }
0x2a8: {  	v1 =	vmov v15;
	v11 =	vadd.f32 v14, v15;
	v7 =	vld.idx.msk [tilespmem:v0+s8+$0x10 ss:$0x1], $0xffff;
	[tilespmem:v0+s5+$0x0 ss:$0x1] =	vst.idx.msk $0xffff, v16  }
0x2a9: {  	v2 =	vmov v8;
	v13 =	vld.idx.msk [tilespmem:v0+s8+$0x3010 ss:$0x1], $0xffff;
	[tilespmem:v0+s5+$0x3000 ss:$0x1] =	vst.idx.msk $0xffff, v4  }
0x2aa: {  	v4 =	vmov v12;
	v8 =	vld.idx.msk [tilespmem:v0+s8+$0x6010 ss:$0x1], $0xffff;
	[tilespmem:v0+s8+$0x9070 ss:$0x1] =	vst.idx.msk $0xffff, v11  }
0x2ab: {  	v11 =	vld.idx.msk [tilespmem:v0+s8+$0x9010 ss:$0x1], $0xffff;
	[tilespmem:v0+s5+$0x6000 ss:$0x1] =	vst.idx.msk $0xffff, v3;
	v3 =	vmov v10  }
0x2ac: {  	v10 =	vld.idx.msk [tilespmem:v0+s7+$0xFFFFFFB0 ss:$0x1], $0xffff;
	[tilespmem:v0+s5+$0x9000 ss:$0x1] =	vst.idx.msk $0xffff, v5;
	v5 =	vmov v9;
	s5 =	smov.u32 s8  }
0x2ad: {  	v9 =	vld.idx.msk [tilespmem:v0+s8+$0x20 ss:$0x1], $0xffff  }
0x2ae: {  	v7 =	vadd.f32 v7, v6;
	v12 =	vld.idx.msk [tilespmem:v0+s8+$0x3020 ss:$0x1], $0xffff  }
0x2af: {  	v13 =	vadd.f32 v13, v6;
	v14 =	vld.idx.msk [tilespmem:v0+s8+$0x6020 ss:$0x1], $0xffff  }
0x2b0: {  	[tilespmem:v0+s8+$0x10 ss:$0x1] =	vst.idx.msk $0xffff, v7;
	v7 =	vadd.f32 v8, v6;
	v8 =	vld.idx.msk [tilespmem:v0+s8+$0x9020 ss:$0x1], $0xffff  }
0x2b1: {  	v6 =	vadd.f32 v11, v6;
	[tilespmem:v0+s8+$0x3010 ss:$0x1] =	vst.idx.msk $0xffff, v13;
	v11 =	vld.idx.msk [tilespmem:v0+s7+$0xFFFFFFC0 ss:$0x1], $0xffff  }
0x2b2: {  	[tilespmem:v0+s8+$0x6010 ss:$0x1] =	vst.idx.msk $0xffff, v7;
	v7 =	vld.idx.msk [tilespmem:v0+s8+$0x30 ss:$0x1], $0xffff  }
0x2b3: {  	[tilespmem:v0+s8+$0x9010 ss:$0x1] =	vst.idx.msk $0xffff, v6;
	v6 =	vadd.f32 v9, v10;
	v9 =	vld.idx.msk [tilespmem:v0+s8+$0x3030 ss:$0x1], $0xffff  }
0x2b4: {  	v12 =	vadd.f32 v12, v10;
	v13 =	vld.idx.msk [tilespmem:v0+s8+$0x6030 ss:$0x1], $0xffff  }
0x2b5: {  	[tilespmem:v0+s8+$0x20 ss:$0x1] =	vst.idx.msk $0xffff, v6;
	v6 =	vadd.f32 v14, v10;
	v14 =	vld.idx.msk [tilespmem:v0+s8+$0x9030 ss:$0x1], $0xffff  }
0x2b6: {  	v8 =	vadd.f32 v8, v10;
	[tilespmem:v0+s8+$0x3020 ss:$0x1] =	vst.idx.msk $0xffff, v12;
	v10 =	vld.idx.msk [tilespmem:v0+s7+$0xFFFFFFD0 ss:$0x1], $0xffff  }
0x2b7: {  	[tilespmem:v0+s8+$0x6020 ss:$0x1] =	vst.idx.msk $0xffff, v6;
	v6 =	vld.idx.msk [tilespmem:v0+s8+$0x40 ss:$0x1], $0xffff  }
0x2b8: {  	v7 =	vadd.f32 v7, v11;
	[tilespmem:v0+s8+$0x9020 ss:$0x1] =	vst.idx.msk $0xffff, v8;
	v8 =	vld.idx.msk [tilespmem:v0+s8+$0x3040 ss:$0x1], $0xffff  }
0x2b9: {  	v9 =	vadd.f32 v9, v11;
	v12 =	vld.idx.msk [tilespmem:v0+s8+$0x6040 ss:$0x1], $0xffff  }
0x2ba: {  	[tilespmem:v0+s8+$0x30 ss:$0x1] =	vst.idx.msk $0xffff, v7;
	v7 =	vadd.f32 v13, v11;
	v13 =	vld.idx.msk [tilespmem:v0+s8+$0x9040 ss:$0x1], $0xffff  }
0x2bb: {  	[tilespmem:v0+s8+$0x3030 ss:$0x1] =	vst.idx.msk $0xffff, v9;
	v9 =	vadd.f32 v14, v11;
	v11 =	vld.idx.msk [tilespmem:v0+s7+$0xFFFFFFE0 ss:$0x1], $0xffff  }
0x2bc: {  	[tilespmem:v0+s8+$0x6030 ss:$0x1] =	vst.idx.msk $0xffff, v7;
	v7 =	vld.idx.msk [tilespmem:v0+s8+$0x50 ss:$0x1], $0xffff  }
0x2bd: {  	v6 =	vadd.f32 v6, v10;
	[tilespmem:v0+s8+$0x9030 ss:$0x1] =	vst.idx.msk $0xffff, v9;
	v9 =	vld.idx.msk [tilespmem:v0+s8+$0x3050 ss:$0x1], $0xffff  }
0x2be: {  	v8 =	vadd.f32 v8, v10;
	v14 =	vld.idx.msk [tilespmem:v0+s8+$0x6050 ss:$0x1], $0xffff  }
0x2bf: {  	v12 =	vadd.f32 v12, v10;
	[tilespmem:v0+s8+$0x40 ss:$0x1] =	vst.idx.msk $0xffff, v6;
	v15 =	vld.idx.msk [tilespmem:v0+s8+$0x9050 ss:$0x1], $0xffff  }
0x2c0: {  	[tilespmem:v0+s8+$0x3040 ss:$0x1] =	vst.idx.msk $0xffff, v8;
	v8 =	vadd.f32 v13, v10;
	v6 =	vld.idx.msk [tilespmem:v0+s7+$0xFFFFFFF0 ss:$0x1], $0xffff  }
0x2c1: {  	[tilespmem:v0+s8+$0x6040 ss:$0x1] =	vst.idx.msk $0xffff, v12;
	v13 =	vld.idx.msk [tilespmem:v0+s8+$0x60 ss:$0x1], $0xffff  }
0x2c2: {  	v7 =	vadd.f32 v7, v11;
	[tilespmem:v0+s8+$0x9040 ss:$0x1] =	vst.idx.msk $0xffff, v8;
	v16 =	vld.idx.msk [tilespmem:v0+s8+$0x3060 ss:$0x1], $0xffff  }
0x2c3: {  	v9 =	vadd.f32 v9, v11;
	v12 =	vld.idx.msk [tilespmem:v0+s8+$0x6060 ss:$0x1], $0xffff  }
.Ltmp10:
0x2c4: {  	[tilespmem:v0+s8+$0x50 ss:$0x1] =	vst.idx.msk $0xffff, v7;
	v7 =	vadd.f32 v14, v11;
	v8 =	vld.idx.msk [tilespmem:v0+s8+$0x9060 ss:$0x1], $0xffff;
	(pc) =	sbr.rel @p0 .LBB2_23-.Ltmp10, $4  }
0x2c5: {  	v11 =	vadd.f32 v15, v11;
	[tilespmem:v0+s8+$0x3050 ss:$0x1] =	vst.idx.msk $0xffff, v9;
	v9 =	vld.idx.msk [tilespmem:v0+s8+$0x70 ss:$0x1], $0xffff  }
0x2c6: {  	[tilespmem:v0+s8+$0x6050 ss:$0x1] =	vst.idx.msk $0xffff, v7;
	v10 =	vld.idx.msk [tilespmem:v0+s8+$0x3070 ss:$0x1], $0xffff  }
0x2c7: {  	v14 =	vadd.f32 v13, v6;
	[tilespmem:v0+s8+$0x9050 ss:$0x1] =	vst.idx.msk $0xffff, v11;
	v11 =	vld.idx.msk [tilespmem:v0+s8+$0x6070 ss:$0x1], $0xffff  }
0x2c8: {  	v13 =	vadd.f32 v16, v6;
	v7 =	vld.idx.msk [tilespmem:v0+s7+$0xFFFFFF90 ss:$0x1], $0xffff;
	s7 =	sadd.s32 $0x400, s7  }
0x2c9: {  	_ =	sdelay $0x3  }
0x2ca: {  	[tilespmem:v0+s5+$0x60 ss:$0x1] =	vst.idx.msk $0xffff, v14;
	v12 =	vadd.f32 v12, v6  }
0x2cb: {  	v58 =	vadd.f32 v8, v6;
	[tilespmem:v0+s5+$0x3060 ss:$0x1] =	vst.idx.msk $0xffff, v13  }
0x2cc: {  	v59 =	vadd.f32 v9, v1;
	[tilespmem:v0+s5+$0x6060 ss:$0x1] =	vst.idx.msk $0xffff, v12  }
0x2cd: {  	v60 =	vadd.f32 v10, v1;
	[tilespmem:v0+s5+$0x9060 ss:$0x1] =	vst.idx.msk $0xffff, v58  }
0x2ce: {  	s4 =	sadd.s32 $0x1, s4;
	[tilespmem:v0+s5+$0x70 ss:$0x1] =	vst.idx.msk $0xffff, v59;
	v61 =	vadd.f32 v11, v1  }
0x2cf: {  	p0 =	sne.s32 s4, $0x10;
	v2 =	vadd.f32 v2, v7;
	[tilespmem:v0+s5+$0x3070 ss:$0x1] =	vst.idx.msk $0xffff, v60  }
.Ltmp11:
0x2d0: {  	v4 =	vadd.f32 v4, v7;
	[tilespmem:v0+s5+$0x6070 ss:$0x1] =	vst.idx.msk $0xffff, v61;
	(pc) =	sbr.rel @p0 .LBB2_22-.Ltmp11, $4  }
0x2d1: {  	v62 =	vadd.f32 v3, v7;
	[tilespmem:v0+s5+$0x0 ss:$0x1] =	vst.idx.msk $0xffff, v2  }
0x2d2: {  	v63 =	vadd.f32 v5, v7;
	[tilespmem:v0+s5+$0x3000 ss:$0x1] =	vst.idx.msk $0xffff, v4  }
0x2d3: {  	[tilespmem:v0+s5+$0x6000 ss:$0x1] =	vst.idx.msk $0xffff, v62  }
0x2d4: {  	s3 =	sadd.s32 $0x1, s3;
	[tilespmem:v0+s5+$0x9000 ss:$0x1] =	vst.idx.msk $0xffff, v63  }
0x2d5: {  	s3 =	rddreg [dreg:$0x15]  }
0x2d6: {  	[hbm4b:s3+s21] =	stream.strided.scatter [tilespmem:s24], [sflag:$0x6], $0xC000, s22, s21, $0x38;
	[tilespmem:$0x1E000] =	vst v63  }
0x2d7: {  	_ =	swait.ge [sflag:s0], $0xC000  }
0x2d8: {  	[sflag:s0] =	ssyncset.done $0x0  }
0x2d9: {  	s8 =	rddreg [dreg:$0x19];
	[sflag:s0] =	ssyncadd.s32 $0xFFFF4000  }
0x2da: {  	[tilespmem:s24], [sflag:$0x2] =	stream.strided.gather [hbm4b:s8+s21], $0xC000, s22, s21, $0x38;
	[tilespmem:$0x1E000] =	vst v63  }
0x2db: {  	s3 =	simm.s32 $0x0;
	s4 =	rddreg [dreg:$0x1a]  }
0x2dc: {  	[tilespmem:s25], [sflag:$0x4] =	stream.linear.gather [hbm4b:s4+s3], $0x3000, $0x38;
	[tilespmem:$0x1E000] =	vst v63  }
0x2dd: {  	_ =	swait.ge [sflag:s26], $0xC000  }
0x2de: {  	[sflag:s26] =	ssyncset.done $0x0  }
0x2df: {  	[sflag:s26] =	ssyncadd.s32 $0xFFFF4000  }
0x2e0: {  	_ =	swait.ge [sflag:s28], $0x3000  }
0x2e1: {  	[sflag:s28] =	ssyncset.done $0x0  }
0x2e2: {  	s4 =	simm.s32 $0x0;
	[sflag:s28] =	ssyncadd.s32 $0xFFFFD000  }
.LBB2_26:
0x2e3: {  	s5 =	sand.u32 $0x7, s3  }
0x2e4: {  	s5 =	sshll.u32 s5, $0x9  }
0x2e5: {  	s5 =	sshrl.u32 s5, $0x2  }
0x2e6: {  	s6 =	sshrl.u32 s4, $0x3;
	v0 =	vmov s5  }
0x2e7: {  	s8 =	smul.u32 $0x6000, s6;
	_ =	sdelay $0x1  }
0x2e8: {  	s5 =	sshra.s32 s8, $0x2  }
0x2e9: {  	s7 =	sadd.s32 $0x18070, s5  }
0x2ea: {  	v1 =	vld.idx.msk [tilespmem:v0+s7+$0x0 ss:$0x1], $0xffff  }
0x2eb: {  	v6 =	vld.idx.msk [tilespmem:v0+s5+$0x9070 ss:$0x1], $0xffff  }
0x2ec: {  	v2 =	vld.idx.msk [tilespmem:v0+s5+$0x0 ss:$0x1], $0xffff  }
0x2ed: {  	v4 =	vld.idx.msk [tilespmem:v0+s5+$0x3000 ss:$0x1], $0xffff  }
0x2ee: {  	v3 =	vld.idx.msk [tilespmem:v0+s5+$0x6000 ss:$0x1], $0xffff  }
0x2ef: {  	v5 =	vld.idx.msk [tilespmem:v0+s5+$0x9000 ss:$0x1], $0xffff  }
0x2f0: {  	v7 =	vld.idx.msk [tilespmem:v0+s7+$0xFFFFFFA0 ss:$0x1], $0xffff  }
0x2f1: {  	v8 =	vld.idx.msk [tilespmem:v0+s5+$0x10 ss:$0x1], $0xffff  }
0x2f2: {  	v9 =	vld.idx.msk [tilespmem:v0+s5+$0x3010 ss:$0x1], $0xffff  }
0x2f3: {  	v10 =	vld.idx.msk [tilespmem:v0+s5+$0x6010 ss:$0x1], $0xffff  }
0x2f4: {  	v11 =	vld.idx.msk [tilespmem:v0+s5+$0x9010 ss:$0x1], $0xffff  }
0x2f5: {  	v12 =	vld.idx.msk [tilespmem:v0+s7+$0xFFFFFFB0 ss:$0x1], $0xffff  }
0x2f6: {  	v13 =	vld.idx.msk [tilespmem:v0+s5+$0x20 ss:$0x1], $0xffff  }
0x2f7: {  	v14 =	vld.idx.msk [tilespmem:v0+s5+$0x3020 ss:$0x1], $0xffff  }
0x2f8: {  	v15 =	vld.idx.msk [tilespmem:v0+s5+$0x6020 ss:$0x1], $0xffff  }
0x2f9: {  	v16 =	vld.idx.msk [tilespmem:v0+s5+$0x9020 ss:$0x1], $0xffff  }
0x2fa: {  	v17 =	vld.idx.msk [tilespmem:v0+s7+$0xFFFFFFC0 ss:$0x1], $0xffff  }
0x2fb: {  	v18 =	vld.idx.msk [tilespmem:v0+s5+$0x30 ss:$0x1], $0xffff;
	v6 =	vadd.f32 v6, v1  }
0x2fc: {  	v19 =	vld.idx.msk [tilespmem:v0+s5+$0x3030 ss:$0x1], $0xffff;
	v8 =	vadd.f32 v8, v7  }
0x2fd: {  	v62 =	vld.idx.msk [tilespmem:v0+s5+$0x50 ss:$0x1], $0xffff;
	[tilespmem:v0+s5+$0x9070 ss:$0x1] =	vst.idx.msk $0xffff, v6;
	v6 =	vadd.f32 v9, v7  }
0x2fe: {  	v9 =	vld.idx.msk [tilespmem:v0+s5+$0x6030 ss:$0x1], $0xffff;
	[tilespmem:v0+s5+$0x10 ss:$0x1] =	vst.idx.msk $0xffff, v8;
	v8 =	vadd.f32 v10, v7  }
0x2ff: {  	v10 =	vld.idx.msk [tilespmem:v0+s5+$0x9030 ss:$0x1], $0xffff;
	[tilespmem:v0+s5+$0x3010 ss:$0x1] =	vst.idx.msk $0xffff, v6;
	v6 =	vadd.f32 v11, v7  }
0x300: {  	v7 =	vld.idx.msk [tilespmem:v0+s7+$0xFFFFFFD0 ss:$0x1], $0xffff;
	[tilespmem:v0+s5+$0x6010 ss:$0x1] =	vst.idx.msk $0xffff, v8;
	v8 =	vadd.f32 v13, v12  }
0x301: {  	v11 =	vld.idx.msk [tilespmem:v0+s5+$0x40 ss:$0x1], $0xffff;
	[tilespmem:v0+s5+$0x9010 ss:$0x1] =	vst.idx.msk $0xffff, v6;
	v6 =	vadd.f32 v14, v12  }
0x302: {  	v13 =	vld.idx.msk [tilespmem:v0+s5+$0x3040 ss:$0x1], $0xffff;
	[tilespmem:v0+s5+$0x20 ss:$0x1] =	vst.idx.msk $0xffff, v8;
	v8 =	vadd.f32 v15, v12  }
0x303: {  	v14 =	vld.idx.msk [tilespmem:v0+s5+$0x6040 ss:$0x1], $0xffff;
	[tilespmem:v0+s5+$0x3020 ss:$0x1] =	vst.idx.msk $0xffff, v6;
	v6 =	vadd.f32 v16, v12  }
0x304: {  	v15 =	vld.idx.msk [tilespmem:v0+s7+$0xFFFFFFE0 ss:$0x1], $0xffff;
	[tilespmem:v0+s5+$0x6020 ss:$0x1] =	vst.idx.msk $0xffff, v8;
	v8 =	vadd.f32 v18, v17  }
0x305: {  	v12 =	vld.idx.msk [tilespmem:v0+s5+$0x9040 ss:$0x1], $0xffff;
	[tilespmem:v0+s5+$0x9020 ss:$0x1] =	vst.idx.msk $0xffff, v6;
	v6 =	vadd.f32 v19, v17  }
0x306: {  	[tilespmem:v0+s5+$0x30 ss:$0x1] =	vst.idx.msk $0xffff, v8;
	v8 =	vadd.f32 v9, v17;
	v9 =	vld.idx.msk [tilespmem:v0+s5+$0x3050 ss:$0x1], $0xffff  }
0x307: {  	[tilespmem:v0+s5+$0x3030 ss:$0x1] =	vst.idx.msk $0xffff, v6;
	v6 =	vadd.f32 v10, v17;
	v10 =	vld.idx.msk [tilespmem:v0+s5+$0x6050 ss:$0x1], $0xffff  }
0x308: {  	[tilespmem:v0+s5+$0x6030 ss:$0x1] =	vst.idx.msk $0xffff, v8;
	v8 =	vadd.f32 v11, v7;
	v11 =	vld.idx.msk [tilespmem:v0+s5+$0x9050 ss:$0x1], $0xffff  }
0x309: {  	v13 =	vadd.f32 v13, v7;
	[tilespmem:v0+s5+$0x9030 ss:$0x1] =	vst.idx.msk $0xffff, v6;
	v6 =	vld.idx.msk [tilespmem:v0+s7+$0xFFFFFFF0 ss:$0x1], $0xffff  }
0x30a: {  	[tilespmem:v0+s5+$0x40 ss:$0x1] =	vst.idx.msk $0xffff, v8;
	v8 =	vadd.f32 v14, v7;
	v14 =	vld.idx.msk [tilespmem:v0+s5+$0x60 ss:$0x1], $0xffff  }
0x30b: {  	v7 =	vadd.f32 v12, v7;
	v12 =	vld.idx.msk [tilespmem:v0+s5+$0x6060 ss:$0x1], $0xffff;
	[tilespmem:v0+s5+$0x3040 ss:$0x1] =	vst.idx.msk $0xffff, v13  }
0x30c: {  	v16 =	vadd.f32 v62, v15;
	v13 =	vld.idx.msk [tilespmem:v0+s5+$0x3060 ss:$0x1], $0xffff;
	[tilespmem:v0+s5+$0x6040 ss:$0x1] =	vst.idx.msk $0xffff, v8  }
0x30d: {  	v8 =	vld.idx.msk [tilespmem:v0+s5+$0x9060 ss:$0x1], $0xffff;
	[tilespmem:v0+s5+$0x9040 ss:$0x1] =	vst.idx.msk $0xffff, v7;
	v7 =	vadd.f32 v9, v15  }
0x30e: {  	[tilespmem:v0+s5+$0x50 ss:$0x1] =	vst.idx.msk $0xffff, v16;
	v63 =	vadd.f32 v10, v15;
	v10 =	vld.idx.msk [tilespmem:v0+s5+$0x3070 ss:$0x1], $0xffff  }
0x30f: {  	v9 =	vld.idx.msk [tilespmem:v0+s5+$0x70 ss:$0x1], $0xffff;
	[tilespmem:v0+s5+$0x3050 ss:$0x1] =	vst.idx.msk $0xffff, v7;
	v7 =	vadd.f32 v11, v15  }
0x310: {  	v11 =	vld.idx.msk [tilespmem:v0+s5+$0x6070 ss:$0x1], $0xffff;
	v14 =	vadd.f32 v14, v6;
	[tilespmem:v0+s5+$0x6050 ss:$0x1] =	vst.idx.msk $0xffff, v63  }
0x311: {  	s6 =	simm.s32 $0x0;
	s8 =	smov.u32 s5;
	v13 =	vadd.f32 v13, v6;
	[tilespmem:v0+s5+$0x9050 ss:$0x1] =	vst.idx.msk $0xffff, v7;
	v7 =	vld.idx.msk [tilespmem:v0+s7+$0xFFFFFF90 ss:$0x1], $0xffff;
	s7 =	sadd.s32 $0x400, s7  }
.LBB2_27:
0x312: {  	v15 =	vld.idx.msk [tilespmem:v0+s7+$0x0 ss:$0x1], $0xffff;
	[tilespmem:v0+s5+$0x60 ss:$0x1] =	vst.idx.msk $0xffff, v14;
	v12 =	vadd.f32 v12, v6;
	s8 =	sadd.s32 $0x400, s8  }
0x313: {  	s6 =	sadd.s32 $0x80, s6;
	v6 =	vadd.f32 v8, v6;
	v14 =	vld.idx.msk [tilespmem:v0+s8+$0x9070 ss:$0x1], $0xffff;
	[tilespmem:v0+s5+$0x3060 ss:$0x1] =	vst.idx.msk $0xffff, v13  }
0x314: {  	p0 =	slt.u32 s6, $0x280;
	v9 =	vadd.f32 v9, v1;
	v8 =	vld.idx.msk [tilespmem:v0+s8+$0x0 ss:$0x1], $0xffff;
	[tilespmem:v0+s5+$0x6060 ss:$0x1] =	vst.idx.msk $0xffff, v12  }
0x315: {  	v12 =	vld.idx.msk [tilespmem:v0+s8+$0x3000 ss:$0x1], $0xffff;
	[tilespmem:v0+s5+$0x9060 ss:$0x1] =	vst.idx.msk $0xffff, v6;
	v6 =	vadd.f32 v10, v1  }
0x316: {  	v13 =	vadd.f32 v11, v1;
	v10 =	vld.idx.msk [tilespmem:v0+s8+$0x6000 ss:$0x1], $0xffff;
	[tilespmem:v0+s5+$0x70 ss:$0x1] =	vst.idx.msk $0xffff, v9  }
0x317: {  	v16 =	vadd.f32 v2, v7;
	v4 =	vadd.f32 v4, v7;
	v9 =	vld.idx.msk [tilespmem:v0+s8+$0x9000 ss:$0x1], $0xffff;
	[tilespmem:v0+s5+$0x3070 ss:$0x1] =	vst.idx.msk $0xffff, v6  }
0x318: {  	v3 =	vadd.f32 v3, v7;
	v5 =	vadd.f32 v5, v7;
	v6 =	vld.idx.msk [tilespmem:v0+s7+$0xFFFFFFA0 ss:$0x1], $0xffff;
	[tilespmem:v0+s5+$0x6070 ss:$0x1] =	vst.idx.msk $0xffff, v13  }
0x319: {  	v1 =	vmov v15;
	v11 =	vadd.f32 v14, v15;
	v7 =	vld.idx.msk [tilespmem:v0+s8+$0x10 ss:$0x1], $0xffff;
	[tilespmem:v0+s5+$0x0 ss:$0x1] =	vst.idx.msk $0xffff, v16  }
0x31a: {  	v2 =	vmov v8;
	v13 =	vld.idx.msk [tilespmem:v0+s8+$0x3010 ss:$0x1], $0xffff;
	[tilespmem:v0+s5+$0x3000 ss:$0x1] =	vst.idx.msk $0xffff, v4  }
0x31b: {  	v4 =	vmov v12;
	v8 =	vld.idx.msk [tilespmem:v0+s8+$0x6010 ss:$0x1], $0xffff;
	[tilespmem:v0+s8+$0x9070 ss:$0x1] =	vst.idx.msk $0xffff, v11  }
0x31c: {  	v11 =	vld.idx.msk [tilespmem:v0+s8+$0x9010 ss:$0x1], $0xffff;
	[tilespmem:v0+s5+$0x6000 ss:$0x1] =	vst.idx.msk $0xffff, v3;
	v3 =	vmov v10  }
0x31d: {  	v10 =	vld.idx.msk [tilespmem:v0+s7+$0xFFFFFFB0 ss:$0x1], $0xffff;
	[tilespmem:v0+s5+$0x9000 ss:$0x1] =	vst.idx.msk $0xffff, v5;
	v5 =	vmov v9;
	s5 =	smov.u32 s8  }
0x31e: {  	v9 =	vld.idx.msk [tilespmem:v0+s8+$0x20 ss:$0x1], $0xffff  }
0x31f: {  	v7 =	vadd.f32 v7, v6;
	v12 =	vld.idx.msk [tilespmem:v0+s8+$0x3020 ss:$0x1], $0xffff  }
0x320: {  	v13 =	vadd.f32 v13, v6;
	v14 =	vld.idx.msk [tilespmem:v0+s8+$0x6020 ss:$0x1], $0xffff  }
0x321: {  	[tilespmem:v0+s8+$0x10 ss:$0x1] =	vst.idx.msk $0xffff, v7;
	v7 =	vadd.f32 v8, v6;
	v8 =	vld.idx.msk [tilespmem:v0+s8+$0x9020 ss:$0x1], $0xffff  }
0x322: {  	v6 =	vadd.f32 v11, v6;
	[tilespmem:v0+s8+$0x3010 ss:$0x1] =	vst.idx.msk $0xffff, v13;
	v11 =	vld.idx.msk [tilespmem:v0+s7+$0xFFFFFFC0 ss:$0x1], $0xffff  }
0x323: {  	[tilespmem:v0+s8+$0x6010 ss:$0x1] =	vst.idx.msk $0xffff, v7;
	v7 =	vld.idx.msk [tilespmem:v0+s8+$0x30 ss:$0x1], $0xffff  }
0x324: {  	[tilespmem:v0+s8+$0x9010 ss:$0x1] =	vst.idx.msk $0xffff, v6;
	v6 =	vadd.f32 v9, v10;
	v9 =	vld.idx.msk [tilespmem:v0+s8+$0x3030 ss:$0x1], $0xffff  }
0x325: {  	v12 =	vadd.f32 v12, v10;
	v13 =	vld.idx.msk [tilespmem:v0+s8+$0x6030 ss:$0x1], $0xffff  }
0x326: {  	[tilespmem:v0+s8+$0x20 ss:$0x1] =	vst.idx.msk $0xffff, v6;
	v6 =	vadd.f32 v14, v10;
	v14 =	vld.idx.msk [tilespmem:v0+s8+$0x9030 ss:$0x1], $0xffff  }
0x327: {  	v8 =	vadd.f32 v8, v10;
	[tilespmem:v0+s8+$0x3020 ss:$0x1] =	vst.idx.msk $0xffff, v12;
	v10 =	vld.idx.msk [tilespmem:v0+s7+$0xFFFFFFD0 ss:$0x1], $0xffff  }
0x328: {  	[tilespmem:v0+s8+$0x6020 ss:$0x1] =	vst.idx.msk $0xffff, v6;
	v6 =	vld.idx.msk [tilespmem:v0+s8+$0x40 ss:$0x1], $0xffff  }
0x329: {  	v7 =	vadd.f32 v7, v11;
	[tilespmem:v0+s8+$0x9020 ss:$0x1] =	vst.idx.msk $0xffff, v8;
	v8 =	vld.idx.msk [tilespmem:v0+s8+$0x3040 ss:$0x1], $0xffff  }
0x32a: {  	v9 =	vadd.f32 v9, v11;
	v12 =	vld.idx.msk [tilespmem:v0+s8+$0x6040 ss:$0x1], $0xffff  }
0x32b: {  	[tilespmem:v0+s8+$0x30 ss:$0x1] =	vst.idx.msk $0xffff, v7;
	v7 =	vadd.f32 v13, v11;
	v13 =	vld.idx.msk [tilespmem:v0+s8+$0x9040 ss:$0x1], $0xffff  }
0x32c: {  	[tilespmem:v0+s8+$0x3030 ss:$0x1] =	vst.idx.msk $0xffff, v9;
	v9 =	vadd.f32 v14, v11;
	v11 =	vld.idx.msk [tilespmem:v0+s7+$0xFFFFFFE0 ss:$0x1], $0xffff  }
0x32d: {  	[tilespmem:v0+s8+$0x6030 ss:$0x1] =	vst.idx.msk $0xffff, v7;
	v7 =	vld.idx.msk [tilespmem:v0+s8+$0x50 ss:$0x1], $0xffff  }
0x32e: {  	v6 =	vadd.f32 v6, v10;
	[tilespmem:v0+s8+$0x9030 ss:$0x1] =	vst.idx.msk $0xffff, v9;
	v9 =	vld.idx.msk [tilespmem:v0+s8+$0x3050 ss:$0x1], $0xffff  }
0x32f: {  	v8 =	vadd.f32 v8, v10;
	v14 =	vld.idx.msk [tilespmem:v0+s8+$0x6050 ss:$0x1], $0xffff  }
0x330: {  	v12 =	vadd.f32 v12, v10;
	[tilespmem:v0+s8+$0x40 ss:$0x1] =	vst.idx.msk $0xffff, v6;
	v15 =	vld.idx.msk [tilespmem:v0+s8+$0x9050 ss:$0x1], $0xffff  }
0x331: {  	[tilespmem:v0+s8+$0x3040 ss:$0x1] =	vst.idx.msk $0xffff, v8;
	v8 =	vadd.f32 v13, v10;
	v6 =	vld.idx.msk [tilespmem:v0+s7+$0xFFFFFFF0 ss:$0x1], $0xffff  }
0x332: {  	[tilespmem:v0+s8+$0x6040 ss:$0x1] =	vst.idx.msk $0xffff, v12;
	v13 =	vld.idx.msk [tilespmem:v0+s8+$0x60 ss:$0x1], $0xffff  }
0x333: {  	v7 =	vadd.f32 v7, v11;
	[tilespmem:v0+s8+$0x9040 ss:$0x1] =	vst.idx.msk $0xffff, v8;
	v16 =	vld.idx.msk [tilespmem:v0+s8+$0x3060 ss:$0x1], $0xffff  }
0x334: {  	v9 =	vadd.f32 v9, v11;
	v12 =	vld.idx.msk [tilespmem:v0+s8+$0x6060 ss:$0x1], $0xffff  }
.Ltmp12:
0x335: {  	[tilespmem:v0+s8+$0x50 ss:$0x1] =	vst.idx.msk $0xffff, v7;
	v7 =	vadd.f32 v14, v11;
	v8 =	vld.idx.msk [tilespmem:v0+s8+$0x9060 ss:$0x1], $0xffff;
	(pc) =	sbr.rel @p0 .LBB2_27-.Ltmp12, $4  }
0x336: {  	v11 =	vadd.f32 v15, v11;
	[tilespmem:v0+s8+$0x3050 ss:$0x1] =	vst.idx.msk $0xffff, v9;
	v9 =	vld.idx.msk [tilespmem:v0+s8+$0x70 ss:$0x1], $0xffff  }
0x337: {  	[tilespmem:v0+s8+$0x6050 ss:$0x1] =	vst.idx.msk $0xffff, v7;
	v10 =	vld.idx.msk [tilespmem:v0+s8+$0x3070 ss:$0x1], $0xffff  }
0x338: {  	v14 =	vadd.f32 v13, v6;
	[tilespmem:v0+s8+$0x9050 ss:$0x1] =	vst.idx.msk $0xffff, v11;
	v11 =	vld.idx.msk [tilespmem:v0+s8+$0x6070 ss:$0x1], $0xffff  }
0x339: {  	v13 =	vadd.f32 v16, v6;
	v7 =	vld.idx.msk [tilespmem:v0+s7+$0xFFFFFF90 ss:$0x1], $0xffff;
	s7 =	sadd.s32 $0x400, s7  }
0x33a: {  	_ =	sdelay $0x3  }
0x33b: {  	[tilespmem:v0+s5+$0x60 ss:$0x1] =	vst.idx.msk $0xffff, v14;
	v12 =	vadd.f32 v12, v6  }
0x33c: {  	v58 =	vadd.f32 v8, v6;
	[tilespmem:v0+s5+$0x3060 ss:$0x1] =	vst.idx.msk $0xffff, v13  }
0x33d: {  	v59 =	vadd.f32 v9, v1;
	[tilespmem:v0+s5+$0x6060 ss:$0x1] =	vst.idx.msk $0xffff, v12  }
0x33e: {  	v60 =	vadd.f32 v10, v1;
	[tilespmem:v0+s5+$0x9060 ss:$0x1] =	vst.idx.msk $0xffff, v58  }
0x33f: {  	s4 =	sadd.s32 $0x1, s4;
	[tilespmem:v0+s5+$0x70 ss:$0x1] =	vst.idx.msk $0xffff, v59;
	v61 =	vadd.f32 v11, v1  }
0x340: {  	p0 =	sne.s32 s4, $0x10;
	v2 =	vadd.f32 v2, v7;
	[tilespmem:v0+s5+$0x3070 ss:$0x1] =	vst.idx.msk $0xffff, v60  }
.Ltmp13:
0x341: {  	v4 =	vadd.f32 v4, v7;
	[tilespmem:v0+s5+$0x6070 ss:$0x1] =	vst.idx.msk $0xffff, v61;
	(pc) =	sbr.rel @p0 .LBB2_26-.Ltmp13, $4  }
0x342: {  	v62 =	vadd.f32 v3, v7;
	[tilespmem:v0+s5+$0x0 ss:$0x1] =	vst.idx.msk $0xffff, v2  }
0x343: {  	v63 =	vadd.f32 v5, v7;
	[tilespmem:v0+s5+$0x3000 ss:$0x1] =	vst.idx.msk $0xffff, v4  }
0x344: {  	[tilespmem:v0+s5+$0x6000 ss:$0x1] =	vst.idx.msk $0xffff, v62  }
0x345: {  	s3 =	sadd.s32 $0x1, s3;
	[tilespmem:v0+s5+$0x9000 ss:$0x1] =	vst.idx.msk $0xffff, v63  }
0x346: {  	s3 =	simm.s32 $0x0;
	s4 =	rddreg [dreg:$0x18]  }
0x347: {  	[hbm4b:s4+s21] =	stream.strided.scatter [tilespmem:s3], [sflag:$0x5], $0xC000, s22, s21, $0x38;
	[tilespmem:$0x1E000] =	vst v63  }
0x348: {  	_ =	swait.ge [sflag:s29], $0xC000  }
0x349: {  	[sflag:s29] =	ssyncset.done $0x0  }
0x34a: {  	s7 =	rddreg [dreg:$0x1c];
	[sflag:s29] =	ssyncadd.s32 $0xFFFF4000  }
0x34b: {  	[tilespmem:s3], [sflag:$0x1] =	stream.strided.gather [hbm4b:s7+s21], $0xC000, s22, s21, $0x38;
	[tilespmem:$0x1E000] =	vst v63  }
0x34c: {  	s8 =	rddreg [dreg:$0x1d]  }
0x34d: {  	[tilespmem:s23], [sflag:$0x3] =	stream.linear.gather [hbm4b:s8+s3], $0x3000, $0x38;
	[tilespmem:$0x1E000] =	vst v63  }
0x34e: {  	_ =	swait.ge [sflag:s30], $0xC000  }
0x34f: {  	[sflag:s30] =	ssyncset.done $0x0  }
0x350: {  	[sflag:s30] =	ssyncadd.s32 $0xFFFF4000  }
0x351: {  	_ =	swait.ge [sflag:s31], $0x3000  }
0x352: {  	[sflag:s31] =	ssyncset.done $0x0  }
0x353: {  	s4 =	simm.s32 $0x0;
	[sflag:s31] =	ssyncadd.s32 $0xFFFFD000  }
.LBB2_30:
0x354: {  	s5 =	sand.u32 $0x7, s3  }
0x355: {  	s5 =	sshll.u32 s5, $0x9  }
0x356: {  	s5 =	sshrl.u32 s5, $0x2  }
0x357: {  	s6 =	sshrl.u32 s4, $0x3;
	v0 =	vmov s5  }
0x358: {  	s8 =	smul.u32 $0x6000, s6;
	_ =	sdelay $0x1  }
0x359: {  	s5 =	sshra.s32 s8, $0x2  }
0x35a: {  	s7 =	sadd.s32 $0x1B070, s5  }
0x35b: {  	s5 =	sadd.s32 $0xC000, s5;
	v1 =	vld.idx.msk [tilespmem:v0+s7+$0x0 ss:$0x1], $0xffff  }
0x35c: {  	v6 =	vld.idx.msk [tilespmem:v0+s5+$0x9070 ss:$0x1], $0xffff  }
0x35d: {  	v2 =	vld.idx.msk [tilespmem:v0+s5+$0x0 ss:$0x1], $0xffff  }
0x35e: {  	v4 =	vld.idx.msk [tilespmem:v0+s5+$0x3000 ss:$0x1], $0xffff  }
0x35f: {  	v3 =	vld.idx.msk [tilespmem:v0+s5+$0x6000 ss:$0x1], $0xffff  }
0x360: {  	v5 =	vld.idx.msk [tilespmem:v0+s5+$0x9000 ss:$0x1], $0xffff  }
0x361: {  	v7 =	vld.idx.msk [tilespmem:v0+s7+$0xFFFFFFA0 ss:$0x1], $0xffff  }
0x362: {  	v8 =	vld.idx.msk [tilespmem:v0+s5+$0x10 ss:$0x1], $0xffff  }
0x363: {  	v9 =	vld.idx.msk [tilespmem:v0+s5+$0x3010 ss:$0x1], $0xffff  }
0x364: {  	v10 =	vld.idx.msk [tilespmem:v0+s5+$0x6010 ss:$0x1], $0xffff  }
0x365: {  	v11 =	vld.idx.msk [tilespmem:v0+s5+$0x9010 ss:$0x1], $0xffff  }
0x366: {  	v12 =	vld.idx.msk [tilespmem:v0+s7+$0xFFFFFFB0 ss:$0x1], $0xffff  }
0x367: {  	v13 =	vld.idx.msk [tilespmem:v0+s5+$0x20 ss:$0x1], $0xffff  }
0x368: {  	v14 =	vld.idx.msk [tilespmem:v0+s5+$0x3020 ss:$0x1], $0xffff  }
0x369: {  	v15 =	vld.idx.msk [tilespmem:v0+s5+$0x6020 ss:$0x1], $0xffff  }
0x36a: {  	v16 =	vld.idx.msk [tilespmem:v0+s5+$0x9020 ss:$0x1], $0xffff  }
0x36b: {  	v17 =	vld.idx.msk [tilespmem:v0+s7+$0xFFFFFFC0 ss:$0x1], $0xffff  }
0x36c: {  	v18 =	vld.idx.msk [tilespmem:v0+s5+$0x30 ss:$0x1], $0xffff;
	v6 =	vadd.f32 v6, v1  }
0x36d: {  	v19 =	vld.idx.msk [tilespmem:v0+s5+$0x3030 ss:$0x1], $0xffff;
	v8 =	vadd.f32 v8, v7  }
0x36e: {  	v62 =	vld.idx.msk [tilespmem:v0+s5+$0x50 ss:$0x1], $0xffff;
	[tilespmem:v0+s5+$0x9070 ss:$0x1] =	vst.idx.msk $0xffff, v6;
	v6 =	vadd.f32 v9, v7  }
0x36f: {  	v9 =	vld.idx.msk [tilespmem:v0+s5+$0x6030 ss:$0x1], $0xffff;
	[tilespmem:v0+s5+$0x10 ss:$0x1] =	vst.idx.msk $0xffff, v8;
	v8 =	vadd.f32 v10, v7  }
0x370: {  	v10 =	vld.idx.msk [tilespmem:v0+s5+$0x9030 ss:$0x1], $0xffff;
	[tilespmem:v0+s5+$0x3010 ss:$0x1] =	vst.idx.msk $0xffff, v6;
	v6 =	vadd.f32 v11, v7  }
0x371: {  	v7 =	vld.idx.msk [tilespmem:v0+s7+$0xFFFFFFD0 ss:$0x1], $0xffff;
	[tilespmem:v0+s5+$0x6010 ss:$0x1] =	vst.idx.msk $0xffff, v8;
	v8 =	vadd.f32 v13, v12  }
0x372: {  	v11 =	vld.idx.msk [tilespmem:v0+s5+$0x40 ss:$0x1], $0xffff;
	[tilespmem:v0+s5+$0x9010 ss:$0x1] =	vst.idx.msk $0xffff, v6;
	v6 =	vadd.f32 v14, v12  }
0x373: {  	v13 =	vld.idx.msk [tilespmem:v0+s5+$0x3040 ss:$0x1], $0xffff;
	[tilespmem:v0+s5+$0x20 ss:$0x1] =	vst.idx.msk $0xffff, v8;
	v8 =	vadd.f32 v15, v12  }
0x374: {  	v14 =	vld.idx.msk [tilespmem:v0+s5+$0x6040 ss:$0x1], $0xffff;
	[tilespmem:v0+s5+$0x3020 ss:$0x1] =	vst.idx.msk $0xffff, v6;
	v6 =	vadd.f32 v16, v12  }
0x375: {  	v15 =	vld.idx.msk [tilespmem:v0+s7+$0xFFFFFFE0 ss:$0x1], $0xffff;
	[tilespmem:v0+s5+$0x6020 ss:$0x1] =	vst.idx.msk $0xffff, v8;
	v8 =	vadd.f32 v18, v17  }
0x376: {  	v12 =	vld.idx.msk [tilespmem:v0+s5+$0x9040 ss:$0x1], $0xffff;
	[tilespmem:v0+s5+$0x9020 ss:$0x1] =	vst.idx.msk $0xffff, v6;
	v6 =	vadd.f32 v19, v17  }
0x377: {  	[tilespmem:v0+s5+$0x30 ss:$0x1] =	vst.idx.msk $0xffff, v8;
	v8 =	vadd.f32 v9, v17;
	v9 =	vld.idx.msk [tilespmem:v0+s5+$0x3050 ss:$0x1], $0xffff  }
0x378: {  	[tilespmem:v0+s5+$0x3030 ss:$0x1] =	vst.idx.msk $0xffff, v6;
	v6 =	vadd.f32 v10, v17;
	v10 =	vld.idx.msk [tilespmem:v0+s5+$0x6050 ss:$0x1], $0xffff  }
0x379: {  	[tilespmem:v0+s5+$0x6030 ss:$0x1] =	vst.idx.msk $0xffff, v8;
	v8 =	vadd.f32 v11, v7;
	v11 =	vld.idx.msk [tilespmem:v0+s5+$0x9050 ss:$0x1], $0xffff  }
0x37a: {  	v13 =	vadd.f32 v13, v7;
	[tilespmem:v0+s5+$0x9030 ss:$0x1] =	vst.idx.msk $0xffff, v6;
	v6 =	vld.idx.msk [tilespmem:v0+s7+$0xFFFFFFF0 ss:$0x1], $0xffff  }
0x37b: {  	[tilespmem:v0+s5+$0x40 ss:$0x1] =	vst.idx.msk $0xffff, v8;
	v8 =	vadd.f32 v14, v7;
	v14 =	vld.idx.msk [tilespmem:v0+s5+$0x60 ss:$0x1], $0xffff  }
0x37c: {  	v7 =	vadd.f32 v12, v7;
	v12 =	vld.idx.msk [tilespmem:v0+s5+$0x6060 ss:$0x1], $0xffff;
	[tilespmem:v0+s5+$0x3040 ss:$0x1] =	vst.idx.msk $0xffff, v13  }
0x37d: {  	v16 =	vadd.f32 v62, v15;
	v13 =	vld.idx.msk [tilespmem:v0+s5+$0x3060 ss:$0x1], $0xffff;
	[tilespmem:v0+s5+$0x6040 ss:$0x1] =	vst.idx.msk $0xffff, v8  }
0x37e: {  	v8 =	vld.idx.msk [tilespmem:v0+s5+$0x9060 ss:$0x1], $0xffff;
	[tilespmem:v0+s5+$0x9040 ss:$0x1] =	vst.idx.msk $0xffff, v7;
	v7 =	vadd.f32 v9, v15  }
0x37f: {  	[tilespmem:v0+s5+$0x50 ss:$0x1] =	vst.idx.msk $0xffff, v16;
	v63 =	vadd.f32 v10, v15;
	v10 =	vld.idx.msk [tilespmem:v0+s5+$0x3070 ss:$0x1], $0xffff  }
0x380: {  	v9 =	vld.idx.msk [tilespmem:v0+s5+$0x70 ss:$0x1], $0xffff;
	[tilespmem:v0+s5+$0x3050 ss:$0x1] =	vst.idx.msk $0xffff, v7;
	v7 =	vadd.f32 v11, v15  }
0x381: {  	v11 =	vld.idx.msk [tilespmem:v0+s5+$0x6070 ss:$0x1], $0xffff;
	v14 =	vadd.f32 v14, v6;
	[tilespmem:v0+s5+$0x6050 ss:$0x1] =	vst.idx.msk $0xffff, v63  }
0x382: {  	s6 =	simm.s32 $0x0;
	s8 =	smov.u32 s5;
	v13 =	vadd.f32 v13, v6;
	[tilespmem:v0+s5+$0x9050 ss:$0x1] =	vst.idx.msk $0xffff, v7;
	v7 =	vld.idx.msk [tilespmem:v0+s7+$0xFFFFFF90 ss:$0x1], $0xffff;
	s7 =	sadd.s32 $0x400, s7  }
.LBB2_31:
0x383: {  	v15 =	vld.idx.msk [tilespmem:v0+s7+$0x0 ss:$0x1], $0xffff;
	[tilespmem:v0+s5+$0x60 ss:$0x1] =	vst.idx.msk $0xffff, v14;
	v12 =	vadd.f32 v12, v6;
	s8 =	sadd.s32 $0x400, s8  }
0x384: {  	s6 =	sadd.s32 $0x80, s6;
	v6 =	vadd.f32 v8, v6;
	v14 =	vld.idx.msk [tilespmem:v0+s8+$0x9070 ss:$0x1], $0xffff;
	[tilespmem:v0+s5+$0x3060 ss:$0x1] =	vst.idx.msk $0xffff, v13  }
0x385: {  	p0 =	slt.u32 s6, $0x280;
	v9 =	vadd.f32 v9, v1;
	v8 =	vld.idx.msk [tilespmem:v0+s8+$0x0 ss:$0x1], $0xffff;
	[tilespmem:v0+s5+$0x6060 ss:$0x1] =	vst.idx.msk $0xffff, v12  }
0x386: {  	v12 =	vld.idx.msk [tilespmem:v0+s8+$0x3000 ss:$0x1], $0xffff;
	[tilespmem:v0+s5+$0x9060 ss:$0x1] =	vst.idx.msk $0xffff, v6;
	v6 =	vadd.f32 v10, v1  }
0x387: {  	v13 =	vadd.f32 v11, v1;
	v10 =	vld.idx.msk [tilespmem:v0+s8+$0x6000 ss:$0x1], $0xffff;
	[tilespmem:v0+s5+$0x70 ss:$0x1] =	vst.idx.msk $0xffff, v9  }
0x388: {  	v16 =	vadd.f32 v2, v7;
	v4 =	vadd.f32 v4, v7;
	v9 =	vld.idx.msk [tilespmem:v0+s8+$0x9000 ss:$0x1], $0xffff;
	[tilespmem:v0+s5+$0x3070 ss:$0x1] =	vst.idx.msk $0xffff, v6  }
0x389: {  	v3 =	vadd.f32 v3, v7;
	v5 =	vadd.f32 v5, v7;
	v6 =	vld.idx.msk [tilespmem:v0+s7+$0xFFFFFFA0 ss:$0x1], $0xffff;
	[tilespmem:v0+s5+$0x6070 ss:$0x1] =	vst.idx.msk $0xffff, v13  }
0x38a: {  	v1 =	vmov v15;
	v11 =	vadd.f32 v14, v15;
	v7 =	vld.idx.msk [tilespmem:v0+s8+$0x10 ss:$0x1], $0xffff;
	[tilespmem:v0+s5+$0x0 ss:$0x1] =	vst.idx.msk $0xffff, v16  }
0x38b: {  	v2 =	vmov v8;
	v13 =	vld.idx.msk [tilespmem:v0+s8+$0x3010 ss:$0x1], $0xffff;
	[tilespmem:v0+s5+$0x3000 ss:$0x1] =	vst.idx.msk $0xffff, v4  }
0x38c: {  	v4 =	vmov v12;
	v8 =	vld.idx.msk [tilespmem:v0+s8+$0x6010 ss:$0x1], $0xffff;
	[tilespmem:v0+s8+$0x9070 ss:$0x1] =	vst.idx.msk $0xffff, v11  }
0x38d: {  	v11 =	vld.idx.msk [tilespmem:v0+s8+$0x9010 ss:$0x1], $0xffff;
	[tilespmem:v0+s5+$0x6000 ss:$0x1] =	vst.idx.msk $0xffff, v3;
	v3 =	vmov v10  }
0x38e: {  	v10 =	vld.idx.msk [tilespmem:v0+s7+$0xFFFFFFB0 ss:$0x1], $0xffff;
	[tilespmem:v0+s5+$0x9000 ss:$0x1] =	vst.idx.msk $0xffff, v5;
	v5 =	vmov v9;
	s5 =	smov.u32 s8  }
0x38f: {  	v9 =	vld.idx.msk [tilespmem:v0+s8+$0x20 ss:$0x1], $0xffff  }
0x390: {  	v7 =	vadd.f32 v7, v6;
	v12 =	vld.idx.msk [tilespmem:v0+s8+$0x3020 ss:$0x1], $0xffff  }
0x391: {  	v13 =	vadd.f32 v13, v6;
	v14 =	vld.idx.msk [tilespmem:v0+s8+$0x6020 ss:$0x1], $0xffff  }
0x392: {  	[tilespmem:v0+s8+$0x10 ss:$0x1] =	vst.idx.msk $0xffff, v7;
	v7 =	vadd.f32 v8, v6;
	v8 =	vld.idx.msk [tilespmem:v0+s8+$0x9020 ss:$0x1], $0xffff  }
0x393: {  	v6 =	vadd.f32 v11, v6;
	[tilespmem:v0+s8+$0x3010 ss:$0x1] =	vst.idx.msk $0xffff, v13;
	v11 =	vld.idx.msk [tilespmem:v0+s7+$0xFFFFFFC0 ss:$0x1], $0xffff  }
0x394: {  	[tilespmem:v0+s8+$0x6010 ss:$0x1] =	vst.idx.msk $0xffff, v7;
	v7 =	vld.idx.msk [tilespmem:v0+s8+$0x30 ss:$0x1], $0xffff  }
0x395: {  	[tilespmem:v0+s8+$0x9010 ss:$0x1] =	vst.idx.msk $0xffff, v6;
	v6 =	vadd.f32 v9, v10;
	v9 =	vld.idx.msk [tilespmem:v0+s8+$0x3030 ss:$0x1], $0xffff  }
0x396: {  	v12 =	vadd.f32 v12, v10;
	v13 =	vld.idx.msk [tilespmem:v0+s8+$0x6030 ss:$0x1], $0xffff  }
0x397: {  	[tilespmem:v0+s8+$0x20 ss:$0x1] =	vst.idx.msk $0xffff, v6;
	v6 =	vadd.f32 v14, v10;
	v14 =	vld.idx.msk [tilespmem:v0+s8+$0x9030 ss:$0x1], $0xffff  }
0x398: {  	v8 =	vadd.f32 v8, v10;
	[tilespmem:v0+s8+$0x3020 ss:$0x1] =	vst.idx.msk $0xffff, v12;
	v10 =	vld.idx.msk [tilespmem:v0+s7+$0xFFFFFFD0 ss:$0x1], $0xffff  }
0x399: {  	[tilespmem:v0+s8+$0x6020 ss:$0x1] =	vst.idx.msk $0xffff, v6;
	v6 =	vld.idx.msk [tilespmem:v0+s8+$0x40 ss:$0x1], $0xffff  }
0x39a: {  	v7 =	vadd.f32 v7, v11;
	[tilespmem:v0+s8+$0x9020 ss:$0x1] =	vst.idx.msk $0xffff, v8;
	v8 =	vld.idx.msk [tilespmem:v0+s8+$0x3040 ss:$0x1], $0xffff  }
0x39b: {  	v9 =	vadd.f32 v9, v11;
	v12 =	vld.idx.msk [tilespmem:v0+s8+$0x6040 ss:$0x1], $0xffff  }
0x39c: {  	[tilespmem:v0+s8+$0x30 ss:$0x1] =	vst.idx.msk $0xffff, v7;
	v7 =	vadd.f32 v13, v11;
	v13 =	vld.idx.msk [tilespmem:v0+s8+$0x9040 ss:$0x1], $0xffff  }
0x39d: {  	[tilespmem:v0+s8+$0x3030 ss:$0x1] =	vst.idx.msk $0xffff, v9;
	v9 =	vadd.f32 v14, v11;
	v11 =	vld.idx.msk [tilespmem:v0+s7+$0xFFFFFFE0 ss:$0x1], $0xffff  }
0x39e: {  	[tilespmem:v0+s8+$0x6030 ss:$0x1] =	vst.idx.msk $0xffff, v7;
	v7 =	vld.idx.msk [tilespmem:v0+s8+$0x50 ss:$0x1], $0xffff  }
0x39f: {  	v6 =	vadd.f32 v6, v10;
	[tilespmem:v0+s8+$0x9030 ss:$0x1] =	vst.idx.msk $0xffff, v9;
	v9 =	vld.idx.msk [tilespmem:v0+s8+$0x3050 ss:$0x1], $0xffff  }
0x3a0: {  	v8 =	vadd.f32 v8, v10;
	v14 =	vld.idx.msk [tilespmem:v0+s8+$0x6050 ss:$0x1], $0xffff  }
0x3a1: {  	v12 =	vadd.f32 v12, v10;
	[tilespmem:v0+s8+$0x40 ss:$0x1] =	vst.idx.msk $0xffff, v6;
	v15 =	vld.idx.msk [tilespmem:v0+s8+$0x9050 ss:$0x1], $0xffff  }
0x3a2: {  	[tilespmem:v0+s8+$0x3040 ss:$0x1] =	vst.idx.msk $0xffff, v8;
	v8 =	vadd.f32 v13, v10;
	v6 =	vld.idx.msk [tilespmem:v0+s7+$0xFFFFFFF0 ss:$0x1], $0xffff  }
0x3a3: {  	[tilespmem:v0+s8+$0x6040 ss:$0x1] =	vst.idx.msk $0xffff, v12;
	v13 =	vld.idx.msk [tilespmem:v0+s8+$0x60 ss:$0x1], $0xffff  }
0x3a4: {  	v7 =	vadd.f32 v7, v11;
	[tilespmem:v0+s8+$0x9040 ss:$0x1] =	vst.idx.msk $0xffff, v8;
	v16 =	vld.idx.msk [tilespmem:v0+s8+$0x3060 ss:$0x1], $0xffff  }
0x3a5: {  	v9 =	vadd.f32 v9, v11;
	v12 =	vld.idx.msk [tilespmem:v0+s8+$0x6060 ss:$0x1], $0xffff  }
.Ltmp14:
0x3a6: {  	[tilespmem:v0+s8+$0x50 ss:$0x1] =	vst.idx.msk $0xffff, v7;
	v7 =	vadd.f32 v14, v11;
	v8 =	vld.idx.msk [tilespmem:v0+s8+$0x9060 ss:$0x1], $0xffff;
	(pc) =	sbr.rel @p0 .LBB2_31-.Ltmp14, $4  }
0x3a7: {  	v11 =	vadd.f32 v15, v11;
	[tilespmem:v0+s8+$0x3050 ss:$0x1] =	vst.idx.msk $0xffff, v9;
	v9 =	vld.idx.msk [tilespmem:v0+s8+$0x70 ss:$0x1], $0xffff  }
0x3a8: {  	[tilespmem:v0+s8+$0x6050 ss:$0x1] =	vst.idx.msk $0xffff, v7;
	v10 =	vld.idx.msk [tilespmem:v0+s8+$0x3070 ss:$0x1], $0xffff  }
0x3a9: {  	v14 =	vadd.f32 v13, v6;
	[tilespmem:v0+s8+$0x9050 ss:$0x1] =	vst.idx.msk $0xffff, v11;
	v11 =	vld.idx.msk [tilespmem:v0+s8+$0x6070 ss:$0x1], $0xffff  }
0x3aa: {  	v13 =	vadd.f32 v16, v6;
	v7 =	vld.idx.msk [tilespmem:v0+s7+$0xFFFFFF90 ss:$0x1], $0xffff;
	s7 =	sadd.s32 $0x400, s7  }
0x3ab: {  	_ =	sdelay $0x3  }
0x3ac: {  	[tilespmem:v0+s5+$0x60 ss:$0x1] =	vst.idx.msk $0xffff, v14;
	v12 =	vadd.f32 v12, v6  }
0x3ad: {  	v58 =	vadd.f32 v8, v6;
	[tilespmem:v0+s5+$0x3060 ss:$0x1] =	vst.idx.msk $0xffff, v13  }
0x3ae: {  	v59 =	vadd.f32 v9, v1;
	[tilespmem:v0+s5+$0x6060 ss:$0x1] =	vst.idx.msk $0xffff, v12  }
0x3af: {  	v60 =	vadd.f32 v10, v1;
	[tilespmem:v0+s5+$0x9060 ss:$0x1] =	vst.idx.msk $0xffff, v58  }
0x3b0: {  	s4 =	sadd.s32 $0x1, s4;
	[tilespmem:v0+s5+$0x70 ss:$0x1] =	vst.idx.msk $0xffff, v59;
	v61 =	vadd.f32 v11, v1  }
0x3b1: {  	p0 =	sne.s32 s4, $0x10;
	v2 =	vadd.f32 v2, v7;
	[tilespmem:v0+s5+$0x3070 ss:$0x1] =	vst.idx.msk $0xffff, v60  }
.Ltmp15:
0x3b2: {  	v4 =	vadd.f32 v4, v7;
	[tilespmem:v0+s5+$0x6070 ss:$0x1] =	vst.idx.msk $0xffff, v61;
	(pc) =	sbr.rel @p0 .LBB2_30-.Ltmp15, $4  }
0x3b3: {  	v62 =	vadd.f32 v3, v7;
	[tilespmem:v0+s5+$0x0 ss:$0x1] =	vst.idx.msk $0xffff, v2  }
0x3b4: {  	v63 =	vadd.f32 v5, v7;
	[tilespmem:v0+s5+$0x3000 ss:$0x1] =	vst.idx.msk $0xffff, v4  }
0x3b5: {  	[tilespmem:v0+s5+$0x6000 ss:$0x1] =	vst.idx.msk $0xffff, v62  }
0x3b6: {  	s3 =	sadd.s32 $0x1, s3;
	[tilespmem:v0+s5+$0x9000 ss:$0x1] =	vst.idx.msk $0xffff, v63  }
0x3b7: {  	s3 =	rddreg [dreg:$0x1b]  }
0x3b8: {  	[hbm4b:s3+s21] =	stream.strided.scatter [tilespmem:s24], [sflag:$0x6], $0xC000, s22, s21, $0x38;
	[tilespmem:$0x1E000] =	vst v63  }
0x3b9: {  	_ =	swait.ge [sflag:s0], $0xC000  }
0x3ba: {  	[sflag:s0] =	ssyncset.done $0x0;
	s8 =	rddreg [dreg:$0x1f]  }
0x3bb: {  	s4 =	sld [smem:$0x7F5];
	[sflag:s0] =	ssyncadd.s32 $0xFFFF4000  }
0x3bc: {  	[tilespmem:s24], [sflag:$0x2] =	stream.strided.gather [hbm4b:s8+s21], $0xC000, s22, s21, $0x38;
	[tilespmem:$0x1E000] =	vst v63  }
0x3bd: {  	s3 =	simm.s32 $0x0  }
0x3be: {  	[tilespmem:s25], [sflag:$0x4] =	stream.linear.gather [hbm4b:s4+s3], $0x3000, $0x38;
	[tilespmem:$0x1E000] =	vst v63  }
0x3bf: {  	_ =	swait.ge [sflag:s26], $0xC000  }
0x3c0: {  	[sflag:s26] =	ssyncset.done $0x0  }
0x3c1: {  	[sflag:s26] =	ssyncadd.s32 $0xFFFF4000  }
0x3c2: {  	_ =	swait.ge [sflag:s28], $0x3000  }
0x3c3: {  	[sflag:s28] =	ssyncset.done $0x0  }
0x3c4: {  	s4 =	simm.s32 $0x0;
	[sflag:s28] =	ssyncadd.s32 $0xFFFFD000  }
.LBB2_34:
0x3c5: {  	s5 =	sand.u32 $0x7, s3  }
0x3c6: {  	s5 =	sshll.u32 s5, $0x9  }
0x3c7: {  	s5 =	sshrl.u32 s5, $0x2  }
0x3c8: {  	s6 =	sshrl.u32 s4, $0x3;
	v0 =	vmov s5  }
0x3c9: {  	s8 =	smul.u32 $0x6000, s6;
	_ =	sdelay $0x1  }
0x3ca: {  	s5 =	sshra.s32 s8, $0x2  }
0x3cb: {  	s7 =	sadd.s32 $0x18070, s5  }
0x3cc: {  	v1 =	vld.idx.msk [tilespmem:v0+s7+$0x0 ss:$0x1], $0xffff  }
0x3cd: {  	v6 =	vld.idx.msk [tilespmem:v0+s5+$0x9070 ss:$0x1], $0xffff  }
0x3ce: {  	v2 =	vld.idx.msk [tilespmem:v0+s5+$0x0 ss:$0x1], $0xffff  }
0x3cf: {  	v4 =	vld.idx.msk [tilespmem:v0+s5+$0x3000 ss:$0x1], $0xffff  }
0x3d0: {  	v3 =	vld.idx.msk [tilespmem:v0+s5+$0x6000 ss:$0x1], $0xffff  }
0x3d1: {  	v5 =	vld.idx.msk [tilespmem:v0+s5+$0x9000 ss:$0x1], $0xffff  }
0x3d2: {  	v7 =	vld.idx.msk [tilespmem:v0+s7+$0xFFFFFFA0 ss:$0x1], $0xffff  }
0x3d3: {  	v8 =	vld.idx.msk [tilespmem:v0+s5+$0x10 ss:$0x1], $0xffff  }
0x3d4: {  	v9 =	vld.idx.msk [tilespmem:v0+s5+$0x3010 ss:$0x1], $0xffff  }
0x3d5: {  	v10 =	vld.idx.msk [tilespmem:v0+s5+$0x6010 ss:$0x1], $0xffff  }
0x3d6: {  	v11 =	vld.idx.msk [tilespmem:v0+s5+$0x9010 ss:$0x1], $0xffff  }
0x3d7: {  	v12 =	vld.idx.msk [tilespmem:v0+s7+$0xFFFFFFB0 ss:$0x1], $0xffff  }
0x3d8: {  	v13 =	vld.idx.msk [tilespmem:v0+s5+$0x20 ss:$0x1], $0xffff  }
0x3d9: {  	v14 =	vld.idx.msk [tilespmem:v0+s5+$0x3020 ss:$0x1], $0xffff  }
0x3da: {  	v15 =	vld.idx.msk [tilespmem:v0+s5+$0x6020 ss:$0x1], $0xffff  }
0x3db: {  	v16 =	vld.idx.msk [tilespmem:v0+s5+$0x9020 ss:$0x1], $0xffff  }
0x3dc: {  	v17 =	vld.idx.msk [tilespmem:v0+s7+$0xFFFFFFC0 ss:$0x1], $0xffff  }
0x3dd: {  	v18 =	vld.idx.msk [tilespmem:v0+s5+$0x30 ss:$0x1], $0xffff;
	v6 =	vadd.f32 v6, v1  }
0x3de: {  	v19 =	vld.idx.msk [tilespmem:v0+s5+$0x3030 ss:$0x1], $0xffff;
	v8 =	vadd.f32 v8, v7  }
0x3df: {  	v62 =	vld.idx.msk [tilespmem:v0+s5+$0x50 ss:$0x1], $0xffff;
	[tilespmem:v0+s5+$0x9070 ss:$0x1] =	vst.idx.msk $0xffff, v6;
	v6 =	vadd.f32 v9, v7  }
0x3e0: {  	v9 =	vld.idx.msk [tilespmem:v0+s5+$0x6030 ss:$0x1], $0xffff;
	[tilespmem:v0+s5+$0x10 ss:$0x1] =	vst.idx.msk $0xffff, v8;
	v8 =	vadd.f32 v10, v7  }
0x3e1: {  	v10 =	vld.idx.msk [tilespmem:v0+s5+$0x9030 ss:$0x1], $0xffff;
	[tilespmem:v0+s5+$0x3010 ss:$0x1] =	vst.idx.msk $0xffff, v6;
	v6 =	vadd.f32 v11, v7  }
0x3e2: {  	v7 =	vld.idx.msk [tilespmem:v0+s7+$0xFFFFFFD0 ss:$0x1], $0xffff;
	[tilespmem:v0+s5+$0x6010 ss:$0x1] =	vst.idx.msk $0xffff, v8;
	v8 =	vadd.f32 v13, v12  }
0x3e3: {  	v11 =	vld.idx.msk [tilespmem:v0+s5+$0x40 ss:$0x1], $0xffff;
	[tilespmem:v0+s5+$0x9010 ss:$0x1] =	vst.idx.msk $0xffff, v6;
	v6 =	vadd.f32 v14, v12  }
0x3e4: {  	v13 =	vld.idx.msk [tilespmem:v0+s5+$0x3040 ss:$0x1], $0xffff;
	[tilespmem:v0+s5+$0x20 ss:$0x1] =	vst.idx.msk $0xffff, v8;
	v8 =	vadd.f32 v15, v12  }
0x3e5: {  	v14 =	vld.idx.msk [tilespmem:v0+s5+$0x6040 ss:$0x1], $0xffff;
	[tilespmem:v0+s5+$0x3020 ss:$0x1] =	vst.idx.msk $0xffff, v6;
	v6 =	vadd.f32 v16, v12  }
0x3e6: {  	v15 =	vld.idx.msk [tilespmem:v0+s7+$0xFFFFFFE0 ss:$0x1], $0xffff;
	[tilespmem:v0+s5+$0x6020 ss:$0x1] =	vst.idx.msk $0xffff, v8;
	v8 =	vadd.f32 v18, v17  }
0x3e7: {  	v12 =	vld.idx.msk [tilespmem:v0+s5+$0x9040 ss:$0x1], $0xffff;
	[tilespmem:v0+s5+$0x9020 ss:$0x1] =	vst.idx.msk $0xffff, v6;
	v6 =	vadd.f32 v19, v17  }
0x3e8: {  	[tilespmem:v0+s5+$0x30 ss:$0x1] =	vst.idx.msk $0xffff, v8;
	v8 =	vadd.f32 v9, v17;
	v9 =	vld.idx.msk [tilespmem:v0+s5+$0x3050 ss:$0x1], $0xffff  }
0x3e9: {  	[tilespmem:v0+s5+$0x3030 ss:$0x1] =	vst.idx.msk $0xffff, v6;
	v6 =	vadd.f32 v10, v17;
	v10 =	vld.idx.msk [tilespmem:v0+s5+$0x6050 ss:$0x1], $0xffff  }
0x3ea: {  	[tilespmem:v0+s5+$0x6030 ss:$0x1] =	vst.idx.msk $0xffff, v8;
	v8 =	vadd.f32 v11, v7;
	v11 =	vld.idx.msk [tilespmem:v0+s5+$0x9050 ss:$0x1], $0xffff  }
0x3eb: {  	v13 =	vadd.f32 v13, v7;
	[tilespmem:v0+s5+$0x9030 ss:$0x1] =	vst.idx.msk $0xffff, v6;
	v6 =	vld.idx.msk [tilespmem:v0+s7+$0xFFFFFFF0 ss:$0x1], $0xffff  }
0x3ec: {  	[tilespmem:v0+s5+$0x40 ss:$0x1] =	vst.idx.msk $0xffff, v8;
	v8 =	vadd.f32 v14, v7;
	v14 =	vld.idx.msk [tilespmem:v0+s5+$0x60 ss:$0x1], $0xffff  }
0x3ed: {  	v7 =	vadd.f32 v12, v7;
	v12 =	vld.idx.msk [tilespmem:v0+s5+$0x6060 ss:$0x1], $0xffff;
	[tilespmem:v0+s5+$0x3040 ss:$0x1] =	vst.idx.msk $0xffff, v13  }
0x3ee: {  	v16 =	vadd.f32 v62, v15;
	v13 =	vld.idx.msk [tilespmem:v0+s5+$0x3060 ss:$0x1], $0xffff;
	[tilespmem:v0+s5+$0x6040 ss:$0x1] =	vst.idx.msk $0xffff, v8  }
0x3ef: {  	v8 =	vld.idx.msk [tilespmem:v0+s5+$0x9060 ss:$0x1], $0xffff;
	[tilespmem:v0+s5+$0x9040 ss:$0x1] =	vst.idx.msk $0xffff, v7;
	v7 =	vadd.f32 v9, v15  }
0x3f0: {  	[tilespmem:v0+s5+$0x50 ss:$0x1] =	vst.idx.msk $0xffff, v16;
	v63 =	vadd.f32 v10, v15;
	v10 =	vld.idx.msk [tilespmem:v0+s5+$0x3070 ss:$0x1], $0xffff  }
0x3f1: {  	v9 =	vld.idx.msk [tilespmem:v0+s5+$0x70 ss:$0x1], $0xffff;
	[tilespmem:v0+s5+$0x3050 ss:$0x1] =	vst.idx.msk $0xffff, v7;
	v7 =	vadd.f32 v11, v15  }
0x3f2: {  	v11 =	vld.idx.msk [tilespmem:v0+s5+$0x6070 ss:$0x1], $0xffff;
	v14 =	vadd.f32 v14, v6;
	[tilespmem:v0+s5+$0x6050 ss:$0x1] =	vst.idx.msk $0xffff, v63  }
0x3f3: {  	s6 =	simm.s32 $0x0;
	s8 =	smov.u32 s5;
	v13 =	vadd.f32 v13, v6;
	[tilespmem:v0+s5+$0x9050 ss:$0x1] =	vst.idx.msk $0xffff, v7;
	v7 =	vld.idx.msk [tilespmem:v0+s7+$0xFFFFFF90 ss:$0x1], $0xffff;
	s7 =	sadd.s32 $0x400, s7  }
.LBB2_35:
0x3f4: {  	v15 =	vld.idx.msk [tilespmem:v0+s7+$0x0 ss:$0x1], $0xffff;
	[tilespmem:v0+s5+$0x60 ss:$0x1] =	vst.idx.msk $0xffff, v14;
	v12 =	vadd.f32 v12, v6;
	s8 =	sadd.s32 $0x400, s8  }
0x3f5: {  	s6 =	sadd.s32 $0x80, s6;
	v6 =	vadd.f32 v8, v6;
	v14 =	vld.idx.msk [tilespmem:v0+s8+$0x9070 ss:$0x1], $0xffff;
	[tilespmem:v0+s5+$0x3060 ss:$0x1] =	vst.idx.msk $0xffff, v13  }
0x3f6: {  	p0 =	slt.u32 s6, $0x280;
	v9 =	vadd.f32 v9, v1;
	v8 =	vld.idx.msk [tilespmem:v0+s8+$0x0 ss:$0x1], $0xffff;
	[tilespmem:v0+s5+$0x6060 ss:$0x1] =	vst.idx.msk $0xffff, v12  }
0x3f7: {  	v12 =	vld.idx.msk [tilespmem:v0+s8+$0x3000 ss:$0x1], $0xffff;
	[tilespmem:v0+s5+$0x9060 ss:$0x1] =	vst.idx.msk $0xffff, v6;
	v6 =	vadd.f32 v10, v1  }
0x3f8: {  	v13 =	vadd.f32 v11, v1;
	v10 =	vld.idx.msk [tilespmem:v0+s8+$0x6000 ss:$0x1], $0xffff;
	[tilespmem:v0+s5+$0x70 ss:$0x1] =	vst.idx.msk $0xffff, v9  }
0x3f9: {  	v16 =	vadd.f32 v2, v7;
	v4 =	vadd.f32 v4, v7;
	v9 =	vld.idx.msk [tilespmem:v0+s8+$0x9000 ss:$0x1], $0xffff;
	[tilespmem:v0+s5+$0x3070 ss:$0x1] =	vst.idx.msk $0xffff, v6  }
0x3fa: {  	v3 =	vadd.f32 v3, v7;
	v5 =	vadd.f32 v5, v7;
	v6 =	vld.idx.msk [tilespmem:v0+s7+$0xFFFFFFA0 ss:$0x1], $0xffff;
	[tilespmem:v0+s5+$0x6070 ss:$0x1] =	vst.idx.msk $0xffff, v13  }
0x3fb: {  	v1 =	vmov v15;
	v11 =	vadd.f32 v14, v15;
	v7 =	vld.idx.msk [tilespmem:v0+s8+$0x10 ss:$0x1], $0xffff;
	[tilespmem:v0+s5+$0x0 ss:$0x1] =	vst.idx.msk $0xffff, v16  }
0x3fc: {  	v2 =	vmov v8;
	v13 =	vld.idx.msk [tilespmem:v0+s8+$0x3010 ss:$0x1], $0xffff;
	[tilespmem:v0+s5+$0x3000 ss:$0x1] =	vst.idx.msk $0xffff, v4  }
0x3fd: {  	v4 =	vmov v12;
	v8 =	vld.idx.msk [tilespmem:v0+s8+$0x6010 ss:$0x1], $0xffff;
	[tilespmem:v0+s8+$0x9070 ss:$0x1] =	vst.idx.msk $0xffff, v11  }
0x3fe: {  	v11 =	vld.idx.msk [tilespmem:v0+s8+$0x9010 ss:$0x1], $0xffff;
	[tilespmem:v0+s5+$0x6000 ss:$0x1] =	vst.idx.msk $0xffff, v3;
	v3 =	vmov v10  }
0x3ff: {  	v10 =	vld.idx.msk [tilespmem:v0+s7+$0xFFFFFFB0 ss:$0x1], $0xffff;
	[tilespmem:v0+s5+$0x9000 ss:$0x1] =	vst.idx.msk $0xffff, v5;
	v5 =	vmov v9;
	s5 =	smov.u32 s8  }
0x400: {  	v9 =	vld.idx.msk [tilespmem:v0+s8+$0x20 ss:$0x1], $0xffff  }
0x401: {  	v7 =	vadd.f32 v7, v6;
	v12 =	vld.idx.msk [tilespmem:v0+s8+$0x3020 ss:$0x1], $0xffff  }
0x402: {  	v13 =	vadd.f32 v13, v6;
	v14 =	vld.idx.msk [tilespmem:v0+s8+$0x6020 ss:$0x1], $0xffff  }
0x403: {  	[tilespmem:v0+s8+$0x10 ss:$0x1] =	vst.idx.msk $0xffff, v7;
	v7 =	vadd.f32 v8, v6;
	v8 =	vld.idx.msk [tilespmem:v0+s8+$0x9020 ss:$0x1], $0xffff  }
0x404: {  	v6 =	vadd.f32 v11, v6;
	[tilespmem:v0+s8+$0x3010 ss:$0x1] =	vst.idx.msk $0xffff, v13;
	v11 =	vld.idx.msk [tilespmem:v0+s7+$0xFFFFFFC0 ss:$0x1], $0xffff  }
0x405: {  	[tilespmem:v0+s8+$0x6010 ss:$0x1] =	vst.idx.msk $0xffff, v7;
	v7 =	vld.idx.msk [tilespmem:v0+s8+$0x30 ss:$0x1], $0xffff  }
0x406: {  	[tilespmem:v0+s8+$0x9010 ss:$0x1] =	vst.idx.msk $0xffff, v6;
	v6 =	vadd.f32 v9, v10;
	v9 =	vld.idx.msk [tilespmem:v0+s8+$0x3030 ss:$0x1], $0xffff  }
0x407: {  	v12 =	vadd.f32 v12, v10;
	v13 =	vld.idx.msk [tilespmem:v0+s8+$0x6030 ss:$0x1], $0xffff  }
0x408: {  	[tilespmem:v0+s8+$0x20 ss:$0x1] =	vst.idx.msk $0xffff, v6;
	v6 =	vadd.f32 v14, v10;
	v14 =	vld.idx.msk [tilespmem:v0+s8+$0x9030 ss:$0x1], $0xffff  }
0x409: {  	v8 =	vadd.f32 v8, v10;
	[tilespmem:v0+s8+$0x3020 ss:$0x1] =	vst.idx.msk $0xffff, v12;
	v10 =	vld.idx.msk [tilespmem:v0+s7+$0xFFFFFFD0 ss:$0x1], $0xffff  }
0x40a: {  	[tilespmem:v0+s8+$0x6020 ss:$0x1] =	vst.idx.msk $0xffff, v6;
	v6 =	vld.idx.msk [tilespmem:v0+s8+$0x40 ss:$0x1], $0xffff  }
0x40b: {  	v7 =	vadd.f32 v7, v11;
	[tilespmem:v0+s8+$0x9020 ss:$0x1] =	vst.idx.msk $0xffff, v8;
	v8 =	vld.idx.msk [tilespmem:v0+s8+$0x3040 ss:$0x1], $0xffff  }
0x40c: {  	v9 =	vadd.f32 v9, v11;
	v12 =	vld.idx.msk [tilespmem:v0+s8+$0x6040 ss:$0x1], $0xffff  }
0x40d: {  	[tilespmem:v0+s8+$0x30 ss:$0x1] =	vst.idx.msk $0xffff, v7;
	v7 =	vadd.f32 v13, v11;
	v13 =	vld.idx.msk [tilespmem:v0+s8+$0x9040 ss:$0x1], $0xffff  }
0x40e: {  	[tilespmem:v0+s8+$0x3030 ss:$0x1] =	vst.idx.msk $0xffff, v9;
	v9 =	vadd.f32 v14, v11;
	v11 =	vld.idx.msk [tilespmem:v0+s7+$0xFFFFFFE0 ss:$0x1], $0xffff  }
0x40f: {  	[tilespmem:v0+s8+$0x6030 ss:$0x1] =	vst.idx.msk $0xffff, v7;
	v7 =	vld.idx.msk [tilespmem:v0+s8+$0x50 ss:$0x1], $0xffff  }
0x410: {  	v6 =	vadd.f32 v6, v10;
	[tilespmem:v0+s8+$0x9030 ss:$0x1] =	vst.idx.msk $0xffff, v9;
	v9 =	vld.idx.msk [tilespmem:v0+s8+$0x3050 ss:$0x1], $0xffff  }
0x411: {  	v8 =	vadd.f32 v8, v10;
	v14 =	vld.idx.msk [tilespmem:v0+s8+$0x6050 ss:$0x1], $0xffff  }
0x412: {  	v12 =	vadd.f32 v12, v10;
	[tilespmem:v0+s8+$0x40 ss:$0x1] =	vst.idx.msk $0xffff, v6;
	v15 =	vld.idx.msk [tilespmem:v0+s8+$0x9050 ss:$0x1], $0xffff  }
0x413: {  	[tilespmem:v0+s8+$0x3040 ss:$0x1] =	vst.idx.msk $0xffff, v8;
	v8 =	vadd.f32 v13, v10;
	v6 =	vld.idx.msk [tilespmem:v0+s7+$0xFFFFFFF0 ss:$0x1], $0xffff  }
0x414: {  	[tilespmem:v0+s8+$0x6040 ss:$0x1] =	vst.idx.msk $0xffff, v12;
	v13 =	vld.idx.msk [tilespmem:v0+s8+$0x60 ss:$0x1], $0xffff  }
0x415: {  	v7 =	vadd.f32 v7, v11;
	[tilespmem:v0+s8+$0x9040 ss:$0x1] =	vst.idx.msk $0xffff, v8;
	v16 =	vld.idx.msk [tilespmem:v0+s8+$0x3060 ss:$0x1], $0xffff  }
0x416: {  	v9 =	vadd.f32 v9, v11;
	v12 =	vld.idx.msk [tilespmem:v0+s8+$0x6060 ss:$0x1], $0xffff  }
.Ltmp16:
0x417: {  	[tilespmem:v0+s8+$0x50 ss:$0x1] =	vst.idx.msk $0xffff, v7;
	v7 =	vadd.f32 v14, v11;
	v8 =	vld.idx.msk [tilespmem:v0+s8+$0x9060 ss:$0x1], $0xffff;
	(pc) =	sbr.rel @p0 .LBB2_35-.Ltmp16, $4  }
0x418: {  	v11 =	vadd.f32 v15, v11;
	[tilespmem:v0+s8+$0x3050 ss:$0x1] =	vst.idx.msk $0xffff, v9;
	v9 =	vld.idx.msk [tilespmem:v0+s8+$0x70 ss:$0x1], $0xffff  }
0x419: {  	[tilespmem:v0+s8+$0x6050 ss:$0x1] =	vst.idx.msk $0xffff, v7;
	v10 =	vld.idx.msk [tilespmem:v0+s8+$0x3070 ss:$0x1], $0xffff  }
0x41a: {  	v14 =	vadd.f32 v13, v6;
	[tilespmem:v0+s8+$0x9050 ss:$0x1] =	vst.idx.msk $0xffff, v11;
	v11 =	vld.idx.msk [tilespmem:v0+s8+$0x6070 ss:$0x1], $0xffff  }
0x41b: {  	v13 =	vadd.f32 v16, v6;
	v7 =	vld.idx.msk [tilespmem:v0+s7+$0xFFFFFF90 ss:$0x1], $0xffff;
	s7 =	sadd.s32 $0x400, s7  }
0x41c: {  	_ =	sdelay $0x3  }
0x41d: {  	[tilespmem:v0+s5+$0x60 ss:$0x1] =	vst.idx.msk $0xffff, v14;
	v12 =	vadd.f32 v12, v6  }
0x41e: {  	v58 =	vadd.f32 v8, v6;
	[tilespmem:v0+s5+$0x3060 ss:$0x1] =	vst.idx.msk $0xffff, v13  }
0x41f: {  	v59 =	vadd.f32 v9, v1;
	[tilespmem:v0+s5+$0x6060 ss:$0x1] =	vst.idx.msk $0xffff, v12  }
0x420: {  	v60 =	vadd.f32 v10, v1;
	[tilespmem:v0+s5+$0x9060 ss:$0x1] =	vst.idx.msk $0xffff, v58  }
0x421: {  	s4 =	sadd.s32 $0x1, s4;
	[tilespmem:v0+s5+$0x70 ss:$0x1] =	vst.idx.msk $0xffff, v59;
	v61 =	vadd.f32 v11, v1  }
0x422: {  	p0 =	sne.s32 s4, $0x10;
	v2 =	vadd.f32 v2, v7;
	[tilespmem:v0+s5+$0x3070 ss:$0x1] =	vst.idx.msk $0xffff, v60  }
.Ltmp17:
0x423: {  	v4 =	vadd.f32 v4, v7;
	[tilespmem:v0+s5+$0x6070 ss:$0x1] =	vst.idx.msk $0xffff, v61;
	(pc) =	sbr.rel @p0 .LBB2_34-.Ltmp17, $4  }
0x424: {  	v62 =	vadd.f32 v3, v7;
	[tilespmem:v0+s5+$0x0 ss:$0x1] =	vst.idx.msk $0xffff, v2  }
0x425: {  	v63 =	vadd.f32 v5, v7;
	[tilespmem:v0+s5+$0x3000 ss:$0x1] =	vst.idx.msk $0xffff, v4  }
0x426: {  	[tilespmem:v0+s5+$0x6000 ss:$0x1] =	vst.idx.msk $0xffff, v62  }
0x427: {  	s3 =	sadd.s32 $0x1, s3;
	[tilespmem:v0+s5+$0x9000 ss:$0x1] =	vst.idx.msk $0xffff, v63  }
0x428: {  	s3 =	simm.s32 $0x0;
	s4 =	rddreg [dreg:$0x1e]  }
0x429: {  	[hbm4b:s4+s21] =	stream.strided.scatter [tilespmem:s3], [sflag:$0x5], $0xC000, s22, s21, $0x38;
	[tilespmem:$0x1E000] =	vst v63  }
0x42a: {  	_ =	swait.ge [sflag:s29], $0xC000  }
0x42b: {  	s7 =	sld [smem:$0x7F7]  }
0x42c: {  	[sflag:s29] =	ssyncset.done $0x0  }
0x42d: {  	s8 =	sld [smem:$0x7F8];
	[sflag:s29] =	ssyncadd.s32 $0xFFFF4000  }
0x42e: {  	[tilespmem:s3], [sflag:$0x1] =	stream.strided.gather [hbm4b:s7+s21], $0xC000, s22, s21, $0x38;
	[tilespmem:$0x1E000] =	vst v63  }
0x42f: {  	_ = 	snop  }
0x430: {  	[tilespmem:s23], [sflag:$0x3] =	stream.linear.gather [hbm4b:s8+s3], $0x3000, $0x38;
	[tilespmem:$0x1E000] =	vst v63  }
0x431: {  	_ =	swait.ge [sflag:s30], $0xC000  }
0x432: {  	[sflag:s30] =	ssyncset.done $0x0  }
0x433: {  	[sflag:s30] =	ssyncadd.s32 $0xFFFF4000  }
0x434: {  	_ =	swait.ge [sflag:s31], $0x3000  }
0x435: {  	[sflag:s31] =	ssyncset.done $0x0  }
0x436: {  	s4 =	simm.s32 $0x0;
	[sflag:s31] =	ssyncadd.s32 $0xFFFFD000  }
.LBB2_38:
0x437: {  	s5 =	sand.u32 $0x7, s3  }
0x438: {  	s5 =	sshll.u32 s5, $0x9  }
0x439: {  	s5 =	sshrl.u32 s5, $0x2  }
0x43a: {  	s6 =	sshrl.u32 s4, $0x3;
	v0 =	vmov s5  }
0x43b: {  	s8 =	smul.u32 $0x6000, s6;
	_ =	sdelay $0x1  }
0x43c: {  	s5 =	sshra.s32 s8, $0x2  }
0x43d: {  	s7 =	sadd.s32 $0x1B070, s5  }
0x43e: {  	s5 =	sadd.s32 $0xC000, s5;
	v1 =	vld.idx.msk [tilespmem:v0+s7+$0x0 ss:$0x1], $0xffff  }
0x43f: {  	v6 =	vld.idx.msk [tilespmem:v0+s5+$0x9070 ss:$0x1], $0xffff  }
0x440: {  	v2 =	vld.idx.msk [tilespmem:v0+s5+$0x0 ss:$0x1], $0xffff  }
0x441: {  	v4 =	vld.idx.msk [tilespmem:v0+s5+$0x3000 ss:$0x1], $0xffff  }
0x442: {  	v3 =	vld.idx.msk [tilespmem:v0+s5+$0x6000 ss:$0x1], $0xffff  }
0x443: {  	v5 =	vld.idx.msk [tilespmem:v0+s5+$0x9000 ss:$0x1], $0xffff  }
0x444: {  	v7 =	vld.idx.msk [tilespmem:v0+s7+$0xFFFFFFA0 ss:$0x1], $0xffff  }
0x445: {  	v8 =	vld.idx.msk [tilespmem:v0+s5+$0x10 ss:$0x1], $0xffff  }
0x446: {  	v9 =	vld.idx.msk [tilespmem:v0+s5+$0x3010 ss:$0x1], $0xffff  }
0x447: {  	v10 =	vld.idx.msk [tilespmem:v0+s5+$0x6010 ss:$0x1], $0xffff  }
0x448: {  	v11 =	vld.idx.msk [tilespmem:v0+s5+$0x9010 ss:$0x1], $0xffff  }
0x449: {  	v12 =	vld.idx.msk [tilespmem:v0+s7+$0xFFFFFFB0 ss:$0x1], $0xffff  }
0x44a: {  	v13 =	vld.idx.msk [tilespmem:v0+s5+$0x20 ss:$0x1], $0xffff  }
0x44b: {  	v14 =	vld.idx.msk [tilespmem:v0+s5+$0x3020 ss:$0x1], $0xffff  }
0x44c: {  	v15 =	vld.idx.msk [tilespmem:v0+s5+$0x6020 ss:$0x1], $0xffff  }
0x44d: {  	v16 =	vld.idx.msk [tilespmem:v0+s5+$0x9020 ss:$0x1], $0xffff  }
0x44e: {  	v17 =	vld.idx.msk [tilespmem:v0+s7+$0xFFFFFFC0 ss:$0x1], $0xffff  }
0x44f: {  	v18 =	vld.idx.msk [tilespmem:v0+s5+$0x30 ss:$0x1], $0xffff;
	v6 =	vadd.f32 v6, v1  }
0x450: {  	v19 =	vld.idx.msk [tilespmem:v0+s5+$0x3030 ss:$0x1], $0xffff;
	v8 =	vadd.f32 v8, v7  }
0x451: {  	v62 =	vld.idx.msk [tilespmem:v0+s5+$0x50 ss:$0x1], $0xffff;
	[tilespmem:v0+s5+$0x9070 ss:$0x1] =	vst.idx.msk $0xffff, v6;
	v6 =	vadd.f32 v9, v7  }
0x452: {  	v9 =	vld.idx.msk [tilespmem:v0+s5+$0x6030 ss:$0x1], $0xffff;
	[tilespmem:v0+s5+$0x10 ss:$0x1] =	vst.idx.msk $0xffff, v8;
	v8 =	vadd.f32 v10, v7  }
0x453: {  	v10 =	vld.idx.msk [tilespmem:v0+s5+$0x9030 ss:$0x1], $0xffff;
	[tilespmem:v0+s5+$0x3010 ss:$0x1] =	vst.idx.msk $0xffff, v6;
	v6 =	vadd.f32 v11, v7  }
0x454: {  	v7 =	vld.idx.msk [tilespmem:v0+s7+$0xFFFFFFD0 ss:$0x1], $0xffff;
	[tilespmem:v0+s5+$0x6010 ss:$0x1] =	vst.idx.msk $0xffff, v8;
	v8 =	vadd.f32 v13, v12  }
0x455: {  	v11 =	vld.idx.msk [tilespmem:v0+s5+$0x40 ss:$0x1], $0xffff;
	[tilespmem:v0+s5+$0x9010 ss:$0x1] =	vst.idx.msk $0xffff, v6;
	v6 =	vadd.f32 v14, v12  }
0x456: {  	v13 =	vld.idx.msk [tilespmem:v0+s5+$0x3040 ss:$0x1], $0xffff;
	[tilespmem:v0+s5+$0x20 ss:$0x1] =	vst.idx.msk $0xffff, v8;
	v8 =	vadd.f32 v15, v12  }
0x457: {  	v14 =	vld.idx.msk [tilespmem:v0+s5+$0x6040 ss:$0x1], $0xffff;
	[tilespmem:v0+s5+$0x3020 ss:$0x1] =	vst.idx.msk $0xffff, v6;
	v6 =	vadd.f32 v16, v12  }
0x458: {  	v15 =	vld.idx.msk [tilespmem:v0+s7+$0xFFFFFFE0 ss:$0x1], $0xffff;
	[tilespmem:v0+s5+$0x6020 ss:$0x1] =	vst.idx.msk $0xffff, v8;
	v8 =	vadd.f32 v18, v17  }
0x459: {  	v12 =	vld.idx.msk [tilespmem:v0+s5+$0x9040 ss:$0x1], $0xffff;
	[tilespmem:v0+s5+$0x9020 ss:$0x1] =	vst.idx.msk $0xffff, v6;
	v6 =	vadd.f32 v19, v17  }
0x45a: {  	[tilespmem:v0+s5+$0x30 ss:$0x1] =	vst.idx.msk $0xffff, v8;
	v8 =	vadd.f32 v9, v17;
	v9 =	vld.idx.msk [tilespmem:v0+s5+$0x3050 ss:$0x1], $0xffff  }
0x45b: {  	[tilespmem:v0+s5+$0x3030 ss:$0x1] =	vst.idx.msk $0xffff, v6;
	v6 =	vadd.f32 v10, v17;
	v10 =	vld.idx.msk [tilespmem:v0+s5+$0x6050 ss:$0x1], $0xffff  }
0x45c: {  	[tilespmem:v0+s5+$0x6030 ss:$0x1] =	vst.idx.msk $0xffff, v8;
	v8 =	vadd.f32 v11, v7;
	v11 =	vld.idx.msk [tilespmem:v0+s5+$0x9050 ss:$0x1], $0xffff  }
0x45d: {  	v13 =	vadd.f32 v13, v7;
	[tilespmem:v0+s5+$0x9030 ss:$0x1] =	vst.idx.msk $0xffff, v6;
	v6 =	vld.idx.msk [tilespmem:v0+s7+$0xFFFFFFF0 ss:$0x1], $0xffff  }
0x45e: {  	[tilespmem:v0+s5+$0x40 ss:$0x1] =	vst.idx.msk $0xffff, v8;
	v8 =	vadd.f32 v14, v7;
	v14 =	vld.idx.msk [tilespmem:v0+s5+$0x60 ss:$0x1], $0xffff  }
0x45f: {  	v7 =	vadd.f32 v12, v7;
	v12 =	vld.idx.msk [tilespmem:v0+s5+$0x6060 ss:$0x1], $0xffff;
	[tilespmem:v0+s5+$0x3040 ss:$0x1] =	vst.idx.msk $0xffff, v13  }
0x460: {  	v16 =	vadd.f32 v62, v15;
	v13 =	vld.idx.msk [tilespmem:v0+s5+$0x3060 ss:$0x1], $0xffff;
	[tilespmem:v0+s5+$0x6040 ss:$0x1] =	vst.idx.msk $0xffff, v8  }
0x461: {  	v8 =	vld.idx.msk [tilespmem:v0+s5+$0x9060 ss:$0x1], $0xffff;
	[tilespmem:v0+s5+$0x9040 ss:$0x1] =	vst.idx.msk $0xffff, v7;
	v7 =	vadd.f32 v9, v15  }
0x462: {  	[tilespmem:v0+s5+$0x50 ss:$0x1] =	vst.idx.msk $0xffff, v16;
	v63 =	vadd.f32 v10, v15;
	v10 =	vld.idx.msk [tilespmem:v0+s5+$0x3070 ss:$0x1], $0xffff  }
0x463: {  	v9 =	vld.idx.msk [tilespmem:v0+s5+$0x70 ss:$0x1], $0xffff;
	[tilespmem:v0+s5+$0x3050 ss:$0x1] =	vst.idx.msk $0xffff, v7;
	v7 =	vadd.f32 v11, v15  }
0x464: {  	v11 =	vld.idx.msk [tilespmem:v0+s5+$0x6070 ss:$0x1], $0xffff;
	v14 =	vadd.f32 v14, v6;
	[tilespmem:v0+s5+$0x6050 ss:$0x1] =	vst.idx.msk $0xffff, v63  }
0x465: {  	s6 =	simm.s32 $0x0;
	s8 =	smov.u32 s5;
	v13 =	vadd.f32 v13, v6;
	[tilespmem:v0+s5+$0x9050 ss:$0x1] =	vst.idx.msk $0xffff, v7;
	v7 =	vld.idx.msk [tilespmem:v0+s7+$0xFFFFFF90 ss:$0x1], $0xffff;
	s7 =	sadd.s32 $0x400, s7  }
.LBB2_39:
0x466: {  	v15 =	vld.idx.msk [tilespmem:v0+s7+$0x0 ss:$0x1], $0xffff;
	[tilespmem:v0+s5+$0x60 ss:$0x1] =	vst.idx.msk $0xffff, v14;
	v12 =	vadd.f32 v12, v6;
	s8 =	sadd.s32 $0x400, s8  }
0x467: {  	s6 =	sadd.s32 $0x80, s6;
	v6 =	vadd.f32 v8, v6;
	v14 =	vld.idx.msk [tilespmem:v0+s8+$0x9070 ss:$0x1], $0xffff;
	[tilespmem:v0+s5+$0x3060 ss:$0x1] =	vst.idx.msk $0xffff, v13  }
0x468: {  	p0 =	slt.u32 s6, $0x280;
	v9 =	vadd.f32 v9, v1;
	v8 =	vld.idx.msk [tilespmem:v0+s8+$0x0 ss:$0x1], $0xffff;
	[tilespmem:v0+s5+$0x6060 ss:$0x1] =	vst.idx.msk $0xffff, v12  }
0x469: {  	v12 =	vld.idx.msk [tilespmem:v0+s8+$0x3000 ss:$0x1], $0xffff;
	[tilespmem:v0+s5+$0x9060 ss:$0x1] =	vst.idx.msk $0xffff, v6;
	v6 =	vadd.f32 v10, v1  }
0x46a: {  	v13 =	vadd.f32 v11, v1;
	v10 =	vld.idx.msk [tilespmem:v0+s8+$0x6000 ss:$0x1], $0xffff;
	[tilespmem:v0+s5+$0x70 ss:$0x1] =	vst.idx.msk $0xffff, v9  }
0x46b: {  	v16 =	vadd.f32 v2, v7;
	v4 =	vadd.f32 v4, v7;
	v9 =	vld.idx.msk [tilespmem:v0+s8+$0x9000 ss:$0x1], $0xffff;
	[tilespmem:v0+s5+$0x3070 ss:$0x1] =	vst.idx.msk $0xffff, v6  }
0x46c: {  	v3 =	vadd.f32 v3, v7;
	v5 =	vadd.f32 v5, v7;
	v6 =	vld.idx.msk [tilespmem:v0+s7+$0xFFFFFFA0 ss:$0x1], $0xffff;
	[tilespmem:v0+s5+$0x6070 ss:$0x1] =	vst.idx.msk $0xffff, v13  }
0x46d: {  	v1 =	vmov v15;
	v11 =	vadd.f32 v14, v15;
	v7 =	vld.idx.msk [tilespmem:v0+s8+$0x10 ss:$0x1], $0xffff;
	[tilespmem:v0+s5+$0x0 ss:$0x1] =	vst.idx.msk $0xffff, v16  }
0x46e: {  	v2 =	vmov v8;
	v13 =	vld.idx.msk [tilespmem:v0+s8+$0x3010 ss:$0x1], $0xffff;
	[tilespmem:v0+s5+$0x3000 ss:$0x1] =	vst.idx.msk $0xffff, v4  }
0x46f: {  	v4 =	vmov v12;
	v8 =	vld.idx.msk [tilespmem:v0+s8+$0x6010 ss:$0x1], $0xffff;
	[tilespmem:v0+s8+$0x9070 ss:$0x1] =	vst.idx.msk $0xffff, v11  }
0x470: {  	v11 =	vld.idx.msk [tilespmem:v0+s8+$0x9010 ss:$0x1], $0xffff;
	[tilespmem:v0+s5+$0x6000 ss:$0x1] =	vst.idx.msk $0xffff, v3;
	v3 =	vmov v10  }
0x471: {  	v10 =	vld.idx.msk [tilespmem:v0+s7+$0xFFFFFFB0 ss:$0x1], $0xffff;
	[tilespmem:v0+s5+$0x9000 ss:$0x1] =	vst.idx.msk $0xffff, v5;
	v5 =	vmov v9;
	s5 =	smov.u32 s8  }
0x472: {  	v9 =	vld.idx.msk [tilespmem:v0+s8+$0x20 ss:$0x1], $0xffff  }
0x473: {  	v7 =	vadd.f32 v7, v6;
	v12 =	vld.idx.msk [tilespmem:v0+s8+$0x3020 ss:$0x1], $0xffff  }
0x474: {  	v13 =	vadd.f32 v13, v6;
	v14 =	vld.idx.msk [tilespmem:v0+s8+$0x6020 ss:$0x1], $0xffff  }
0x475: {  	[tilespmem:v0+s8+$0x10 ss:$0x1] =	vst.idx.msk $0xffff, v7;
	v7 =	vadd.f32 v8, v6;
	v8 =	vld.idx.msk [tilespmem:v0+s8+$0x9020 ss:$0x1], $0xffff  }
0x476: {  	v6 =	vadd.f32 v11, v6;
	[tilespmem:v0+s8+$0x3010 ss:$0x1] =	vst.idx.msk $0xffff, v13;
	v11 =	vld.idx.msk [tilespmem:v0+s7+$0xFFFFFFC0 ss:$0x1], $0xffff  }
0x477: {  	[tilespmem:v0+s8+$0x6010 ss:$0x1] =	vst.idx.msk $0xffff, v7;
	v7 =	vld.idx.msk [tilespmem:v0+s8+$0x30 ss:$0x1], $0xffff  }
0x478: {  	[tilespmem:v0+s8+$0x9010 ss:$0x1] =	vst.idx.msk $0xffff, v6;
	v6 =	vadd.f32 v9, v10;
	v9 =	vld.idx.msk [tilespmem:v0+s8+$0x3030 ss:$0x1], $0xffff  }
0x479: {  	v12 =	vadd.f32 v12, v10;
	v13 =	vld.idx.msk [tilespmem:v0+s8+$0x6030 ss:$0x1], $0xffff  }
0x47a: {  	[tilespmem:v0+s8+$0x20 ss:$0x1] =	vst.idx.msk $0xffff, v6;
	v6 =	vadd.f32 v14, v10;
	v14 =	vld.idx.msk [tilespmem:v0+s8+$0x9030 ss:$0x1], $0xffff  }
0x47b: {  	v8 =	vadd.f32 v8, v10;
	[tilespmem:v0+s8+$0x3020 ss:$0x1] =	vst.idx.msk $0xffff, v12;
	v10 =	vld.idx.msk [tilespmem:v0+s7+$0xFFFFFFD0 ss:$0x1], $0xffff  }
0x47c: {  	[tilespmem:v0+s8+$0x6020 ss:$0x1] =	vst.idx.msk $0xffff, v6;
	v6 =	vld.idx.msk [tilespmem:v0+s8+$0x40 ss:$0x1], $0xffff  }
0x47d: {  	v7 =	vadd.f32 v7, v11;
	[tilespmem:v0+s8+$0x9020 ss:$0x1] =	vst.idx.msk $0xffff, v8;
	v8 =	vld.idx.msk [tilespmem:v0+s8+$0x3040 ss:$0x1], $0xffff  }
0x47e: {  	v9 =	vadd.f32 v9, v11;
	v12 =	vld.idx.msk [tilespmem:v0+s8+$0x6040 ss:$0x1], $0xffff  }
0x47f: {  	[tilespmem:v0+s8+$0x30 ss:$0x1] =	vst.idx.msk $0xffff, v7;
	v7 =	vadd.f32 v13, v11;
	v13 =	vld.idx.msk [tilespmem:v0+s8+$0x9040 ss:$0x1], $0xffff  }
0x480: {  	[tilespmem:v0+s8+$0x3030 ss:$0x1] =	vst.idx.msk $0xffff, v9;
	v9 =	vadd.f32 v14, v11;
	v11 =	vld.idx.msk [tilespmem:v0+s7+$0xFFFFFFE0 ss:$0x1], $0xffff  }
0x481: {  	[tilespmem:v0+s8+$0x6030 ss:$0x1] =	vst.idx.msk $0xffff, v7;
	v7 =	vld.idx.msk [tilespmem:v0+s8+$0x50 ss:$0x1], $0xffff  }
0x482: {  	v6 =	vadd.f32 v6, v10;
	[tilespmem:v0+s8+$0x9030 ss:$0x1] =	vst.idx.msk $0xffff, v9;
	v9 =	vld.idx.msk [tilespmem:v0+s8+$0x3050 ss:$0x1], $0xffff  }
0x483: {  	v8 =	vadd.f32 v8, v10;
	v14 =	vld.idx.msk [tilespmem:v0+s8+$0x6050 ss:$0x1], $0xffff  }
0x484: {  	v12 =	vadd.f32 v12, v10;
	[tilespmem:v0+s8+$0x40 ss:$0x1] =	vst.idx.msk $0xffff, v6;
	v15 =	vld.idx.msk [tilespmem:v0+s8+$0x9050 ss:$0x1], $0xffff  }
0x485: {  	[tilespmem:v0+s8+$0x3040 ss:$0x1] =	vst.idx.msk $0xffff, v8;
	v8 =	vadd.f32 v13, v10;
	v6 =	vld.idx.msk [tilespmem:v0+s7+$0xFFFFFFF0 ss:$0x1], $0xffff  }
0x486: {  	[tilespmem:v0+s8+$0x6040 ss:$0x1] =	vst.idx.msk $0xffff, v12;
	v13 =	vld.idx.msk [tilespmem:v0+s8+$0x60 ss:$0x1], $0xffff  }
0x487: {  	v7 =	vadd.f32 v7, v11;
	[tilespmem:v0+s8+$0x9040 ss:$0x1] =	vst.idx.msk $0xffff, v8;
	v16 =	vld.idx.msk [tilespmem:v0+s8+$0x3060 ss:$0x1], $0xffff  }
0x488: {  	v9 =	vadd.f32 v9, v11;
	v12 =	vld.idx.msk [tilespmem:v0+s8+$0x6060 ss:$0x1], $0xffff  }
.Ltmp18:
0x489: {  	[tilespmem:v0+s8+$0x50 ss:$0x1] =	vst.idx.msk $0xffff, v7;
	v7 =	vadd.f32 v14, v11;
	v8 =	vld.idx.msk [tilespmem:v0+s8+$0x9060 ss:$0x1], $0xffff;
	(pc) =	sbr.rel @p0 .LBB2_39-.Ltmp18, $4  }
0x48a: {  	v11 =	vadd.f32 v15, v11;
	[tilespmem:v0+s8+$0x3050 ss:$0x1] =	vst.idx.msk $0xffff, v9;
	v9 =	vld.idx.msk [tilespmem:v0+s8+$0x70 ss:$0x1], $0xffff  }
0x48b: {  	[tilespmem:v0+s8+$0x6050 ss:$0x1] =	vst.idx.msk $0xffff, v7;
	v10 =	vld.idx.msk [tilespmem:v0+s8+$0x3070 ss:$0x1], $0xffff  }
0x48c: {  	v14 =	vadd.f32 v13, v6;
	[tilespmem:v0+s8+$0x9050 ss:$0x1] =	vst.idx.msk $0xffff, v11;
	v11 =	vld.idx.msk [tilespmem:v0+s8+$0x6070 ss:$0x1], $0xffff  }
0x48d: {  	v13 =	vadd.f32 v16, v6;
	v7 =	vld.idx.msk [tilespmem:v0+s7+$0xFFFFFF90 ss:$0x1], $0xffff;
	s7 =	sadd.s32 $0x400, s7  }
0x48e: {  	_ =	sdelay $0x3  }
0x48f: {  	[tilespmem:v0+s5+$0x60 ss:$0x1] =	vst.idx.msk $0xffff, v14;
	v12 =	vadd.f32 v12, v6  }
0x490: {  	v58 =	vadd.f32 v8, v6;
	[tilespmem:v0+s5+$0x3060 ss:$0x1] =	vst.idx.msk $0xffff, v13  }
0x491: {  	v59 =	vadd.f32 v9, v1;
	[tilespmem:v0+s5+$0x6060 ss:$0x1] =	vst.idx.msk $0xffff, v12  }
0x492: {  	v60 =	vadd.f32 v10, v1;
	[tilespmem:v0+s5+$0x9060 ss:$0x1] =	vst.idx.msk $0xffff, v58  }
0x493: {  	s4 =	sadd.s32 $0x1, s4;
	[tilespmem:v0+s5+$0x70 ss:$0x1] =	vst.idx.msk $0xffff, v59;
	v61 =	vadd.f32 v11, v1  }
0x494: {  	p0 =	sne.s32 s4, $0x10;
	v2 =	vadd.f32 v2, v7;
	[tilespmem:v0+s5+$0x3070 ss:$0x1] =	vst.idx.msk $0xffff, v60  }
.Ltmp19:
0x495: {  	v4 =	vadd.f32 v4, v7;
	[tilespmem:v0+s5+$0x6070 ss:$0x1] =	vst.idx.msk $0xffff, v61;
	(pc) =	sbr.rel @p0 .LBB2_38-.Ltmp19, $4  }
0x496: {  	v62 =	vadd.f32 v3, v7;
	[tilespmem:v0+s5+$0x0 ss:$0x1] =	vst.idx.msk $0xffff, v2  }
0x497: {  	v63 =	vadd.f32 v5, v7;
	[tilespmem:v0+s5+$0x3000 ss:$0x1] =	vst.idx.msk $0xffff, v4  }
0x498: {  	[tilespmem:v0+s5+$0x6000 ss:$0x1] =	vst.idx.msk $0xffff, v62  }
0x499: {  	s3 =	sadd.s32 $0x1, s3;
	[tilespmem:v0+s5+$0x9000 ss:$0x1] =	vst.idx.msk $0xffff, v63  }
0x49a: {  	s3 =	sld [smem:$0x7F6];
	_ =	sdelay $0x2  }
0x49b: {  	[hbm4b:s3+s21] =	stream.strided.scatter [tilespmem:s24], [sflag:$0x6], $0xC000, s22, s21, $0x38;
	[tilespmem:$0x1E000] =	vst v63  }
0x49c: {  	_ =	swait.ge [sflag:s0], $0xC000  }
0x49d: {  	s8 =	sld [smem:$0x7FA]  }
0x49e: {  	[sflag:s0] =	ssyncset.done $0x0  }
0x49f: {  	s4 =	sld [smem:$0x7FB];
	[sflag:s0] =	ssyncadd.s32 $0xFFFF4000  }
0x4a0: {  	[tilespmem:s24], [sflag:$0x2] =	stream.strided.gather [hbm4b:s8+s21], $0xC000, s22, s21, $0x38;
	[tilespmem:$0x1E000] =	vst v63  }
0x4a1: {  	s3 =	simm.s32 $0x0  }
0x4a2: {  	[tilespmem:s25], [sflag:$0x4] =	stream.linear.gather [hbm4b:s4+s3], $0x3000, $0x38;
	[tilespmem:$0x1E000] =	vst v63  }
0x4a3: {  	_ =	swait.ge [sflag:s26], $0xC000  }
0x4a4: {  	[sflag:s26] =	ssyncset.done $0x0  }
0x4a5: {  	[sflag:s26] =	ssyncadd.s32 $0xFFFF4000  }
0x4a6: {  	_ =	swait.ge [sflag:s28], $0x3000  }
0x4a7: {  	[sflag:s28] =	ssyncset.done $0x0  }
0x4a8: {  	s4 =	simm.s32 $0x0;
	[sflag:s28] =	ssyncadd.s32 $0xFFFFD000  }
.LBB2_42:
0x4a9: {  	s5 =	sand.u32 $0x7, s3  }
0x4aa: {  	s5 =	sshll.u32 s5, $0x9  }
0x4ab: {  	s5 =	sshrl.u32 s5, $0x2  }
0x4ac: {  	s6 =	sshrl.u32 s4, $0x3;
	v0 =	vmov s5  }
0x4ad: {  	s8 =	smul.u32 $0x6000, s6;
	_ =	sdelay $0x1  }
0x4ae: {  	s5 =	sshra.s32 s8, $0x2  }
0x4af: {  	s7 =	sadd.s32 $0x18070, s5  }
0x4b0: {  	v1 =	vld.idx.msk [tilespmem:v0+s7+$0x0 ss:$0x1], $0xffff  }
0x4b1: {  	v6 =	vld.idx.msk [tilespmem:v0+s5+$0x9070 ss:$0x1], $0xffff  }
0x4b2: {  	v2 =	vld.idx.msk [tilespmem:v0+s5+$0x0 ss:$0x1], $0xffff  }
0x4b3: {  	v4 =	vld.idx.msk [tilespmem:v0+s5+$0x3000 ss:$0x1], $0xffff  }
0x4b4: {  	v3 =	vld.idx.msk [tilespmem:v0+s5+$0x6000 ss:$0x1], $0xffff  }
0x4b5: {  	v5 =	vld.idx.msk [tilespmem:v0+s5+$0x9000 ss:$0x1], $0xffff  }
0x4b6: {  	v7 =	vld.idx.msk [tilespmem:v0+s7+$0xFFFFFFA0 ss:$0x1], $0xffff  }
0x4b7: {  	v8 =	vld.idx.msk [tilespmem:v0+s5+$0x10 ss:$0x1], $0xffff  }
0x4b8: {  	v9 =	vld.idx.msk [tilespmem:v0+s5+$0x3010 ss:$0x1], $0xffff  }
0x4b9: {  	v10 =	vld.idx.msk [tilespmem:v0+s5+$0x6010 ss:$0x1], $0xffff  }
0x4ba: {  	v11 =	vld.idx.msk [tilespmem:v0+s5+$0x9010 ss:$0x1], $0xffff  }
0x4bb: {  	v12 =	vld.idx.msk [tilespmem:v0+s7+$0xFFFFFFB0 ss:$0x1], $0xffff  }
0x4bc: {  	v13 =	vld.idx.msk [tilespmem:v0+s5+$0x20 ss:$0x1], $0xffff  }
0x4bd: {  	v14 =	vld.idx.msk [tilespmem:v0+s5+$0x3020 ss:$0x1], $0xffff  }
0x4be: {  	v15 =	vld.idx.msk [tilespmem:v0+s5+$0x6020 ss:$0x1], $0xffff  }
0x4bf: {  	v16 =	vld.idx.msk [tilespmem:v0+s5+$0x9020 ss:$0x1], $0xffff  }
0x4c0: {  	v17 =	vld.idx.msk [tilespmem:v0+s7+$0xFFFFFFC0 ss:$0x1], $0xffff  }
0x4c1: {  	v18 =	vld.idx.msk [tilespmem:v0+s5+$0x30 ss:$0x1], $0xffff;
	v6 =	vadd.f32 v6, v1  }
0x4c2: {  	v19 =	vld.idx.msk [tilespmem:v0+s5+$0x3030 ss:$0x1], $0xffff;
	v8 =	vadd.f32 v8, v7  }
0x4c3: {  	v62 =	vld.idx.msk [tilespmem:v0+s5+$0x50 ss:$0x1], $0xffff;
	[tilespmem:v0+s5+$0x9070 ss:$0x1] =	vst.idx.msk $0xffff, v6;
	v6 =	vadd.f32 v9, v7  }
0x4c4: {  	v9 =	vld.idx.msk [tilespmem:v0+s5+$0x6030 ss:$0x1], $0xffff;
	[tilespmem:v0+s5+$0x10 ss:$0x1] =	vst.idx.msk $0xffff, v8;
	v8 =	vadd.f32 v10, v7  }
0x4c5: {  	v10 =	vld.idx.msk [tilespmem:v0+s5+$0x9030 ss:$0x1], $0xffff;
	[tilespmem:v0+s5+$0x3010 ss:$0x1] =	vst.idx.msk $0xffff, v6;
	v6 =	vadd.f32 v11, v7  }
0x4c6: {  	v7 =	vld.idx.msk [tilespmem:v0+s7+$0xFFFFFFD0 ss:$0x1], $0xffff;
	[tilespmem:v0+s5+$0x6010 ss:$0x1] =	vst.idx.msk $0xffff, v8;
	v8 =	vadd.f32 v13, v12  }
0x4c7: {  	v11 =	vld.idx.msk [tilespmem:v0+s5+$0x40 ss:$0x1], $0xffff;
	[tilespmem:v0+s5+$0x9010 ss:$0x1] =	vst.idx.msk $0xffff, v6;
	v6 =	vadd.f32 v14, v12  }
0x4c8: {  	v13 =	vld.idx.msk [tilespmem:v0+s5+$0x3040 ss:$0x1], $0xffff;
	[tilespmem:v0+s5+$0x20 ss:$0x1] =	vst.idx.msk $0xffff, v8;
	v8 =	vadd.f32 v15, v12  }
0x4c9: {  	v14 =	vld.idx.msk [tilespmem:v0+s5+$0x6040 ss:$0x1], $0xffff;
	[tilespmem:v0+s5+$0x3020 ss:$0x1] =	vst.idx.msk $0xffff, v6;
	v6 =	vadd.f32 v16, v12  }
0x4ca: {  	v15 =	vld.idx.msk [tilespmem:v0+s7+$0xFFFFFFE0 ss:$0x1], $0xffff;
	[tilespmem:v0+s5+$0x6020 ss:$0x1] =	vst.idx.msk $0xffff, v8;
	v8 =	vadd.f32 v18, v17  }
0x4cb: {  	v12 =	vld.idx.msk [tilespmem:v0+s5+$0x9040 ss:$0x1], $0xffff;
	[tilespmem:v0+s5+$0x9020 ss:$0x1] =	vst.idx.msk $0xffff, v6;
	v6 =	vadd.f32 v19, v17  }
0x4cc: {  	[tilespmem:v0+s5+$0x30 ss:$0x1] =	vst.idx.msk $0xffff, v8;
	v8 =	vadd.f32 v9, v17;
	v9 =	vld.idx.msk [tilespmem:v0+s5+$0x3050 ss:$0x1], $0xffff  }
0x4cd: {  	[tilespmem:v0+s5+$0x3030 ss:$0x1] =	vst.idx.msk $0xffff, v6;
	v6 =	vadd.f32 v10, v17;
	v10 =	vld.idx.msk [tilespmem:v0+s5+$0x6050 ss:$0x1], $0xffff  }
0x4ce: {  	[tilespmem:v0+s5+$0x6030 ss:$0x1] =	vst.idx.msk $0xffff, v8;
	v8 =	vadd.f32 v11, v7;
	v11 =	vld.idx.msk [tilespmem:v0+s5+$0x9050 ss:$0x1], $0xffff  }
0x4cf: {  	v13 =	vadd.f32 v13, v7;
	[tilespmem:v0+s5+$0x9030 ss:$0x1] =	vst.idx.msk $0xffff, v6;
	v6 =	vld.idx.msk [tilespmem:v0+s7+$0xFFFFFFF0 ss:$0x1], $0xffff  }
0x4d0: {  	[tilespmem:v0+s5+$0x40 ss:$0x1] =	vst.idx.msk $0xffff, v8;
	v8 =	vadd.f32 v14, v7;
	v14 =	vld.idx.msk [tilespmem:v0+s5+$0x60 ss:$0x1], $0xffff  }
0x4d1: {  	v7 =	vadd.f32 v12, v7;
	v12 =	vld.idx.msk [tilespmem:v0+s5+$0x6060 ss:$0x1], $0xffff;
	[tilespmem:v0+s5+$0x3040 ss:$0x1] =	vst.idx.msk $0xffff, v13  }
0x4d2: {  	v16 =	vadd.f32 v62, v15;
	v13 =	vld.idx.msk [tilespmem:v0+s5+$0x3060 ss:$0x1], $0xffff;
	[tilespmem:v0+s5+$0x6040 ss:$0x1] =	vst.idx.msk $0xffff, v8  }
0x4d3: {  	v8 =	vld.idx.msk [tilespmem:v0+s5+$0x9060 ss:$0x1], $0xffff;
	[tilespmem:v0+s5+$0x9040 ss:$0x1] =	vst.idx.msk $0xffff, v7;
	v7 =	vadd.f32 v9, v15  }
0x4d4: {  	[tilespmem:v0+s5+$0x50 ss:$0x1] =	vst.idx.msk $0xffff, v16;
	v63 =	vadd.f32 v10, v15;
	v10 =	vld.idx.msk [tilespmem:v0+s5+$0x3070 ss:$0x1], $0xffff  }
0x4d5: {  	v9 =	vld.idx.msk [tilespmem:v0+s5+$0x70 ss:$0x1], $0xffff;
	[tilespmem:v0+s5+$0x3050 ss:$0x1] =	vst.idx.msk $0xffff, v7;
	v7 =	vadd.f32 v11, v15  }
0x4d6: {  	v11 =	vld.idx.msk [tilespmem:v0+s5+$0x6070 ss:$0x1], $0xffff;
	v14 =	vadd.f32 v14, v6;
	[tilespmem:v0+s5+$0x6050 ss:$0x1] =	vst.idx.msk $0xffff, v63  }
0x4d7: {  	s6 =	simm.s32 $0x0;
	s8 =	smov.u32 s5;
	v13 =	vadd.f32 v13, v6;
	[tilespmem:v0+s5+$0x9050 ss:$0x1] =	vst.idx.msk $0xffff, v7;
	v7 =	vld.idx.msk [tilespmem:v0+s7+$0xFFFFFF90 ss:$0x1], $0xffff;
	s7 =	sadd.s32 $0x400, s7  }
.LBB2_43:
0x4d8: {  	v15 =	vld.idx.msk [tilespmem:v0+s7+$0x0 ss:$0x1], $0xffff;
	[tilespmem:v0+s5+$0x60 ss:$0x1] =	vst.idx.msk $0xffff, v14;
	v12 =	vadd.f32 v12, v6;
	s8 =	sadd.s32 $0x400, s8  }
0x4d9: {  	s6 =	sadd.s32 $0x80, s6;
	v6 =	vadd.f32 v8, v6;
	v14 =	vld.idx.msk [tilespmem:v0+s8+$0x9070 ss:$0x1], $0xffff;
	[tilespmem:v0+s5+$0x3060 ss:$0x1] =	vst.idx.msk $0xffff, v13  }
0x4da: {  	p0 =	slt.u32 s6, $0x280;
	v9 =	vadd.f32 v9, v1;
	v8 =	vld.idx.msk [tilespmem:v0+s8+$0x0 ss:$0x1], $0xffff;
	[tilespmem:v0+s5+$0x6060 ss:$0x1] =	vst.idx.msk $0xffff, v12  }
0x4db: {  	v12 =	vld.idx.msk [tilespmem:v0+s8+$0x3000 ss:$0x1], $0xffff;
	[tilespmem:v0+s5+$0x9060 ss:$0x1] =	vst.idx.msk $0xffff, v6;
	v6 =	vadd.f32 v10, v1  }
0x4dc: {  	v13 =	vadd.f32 v11, v1;
	v10 =	vld.idx.msk [tilespmem:v0+s8+$0x6000 ss:$0x1], $0xffff;
	[tilespmem:v0+s5+$0x70 ss:$0x1] =	vst.idx.msk $0xffff, v9  }
0x4dd: {  	v16 =	vadd.f32 v2, v7;
	v4 =	vadd.f32 v4, v7;
	v9 =	vld.idx.msk [tilespmem:v0+s8+$0x9000 ss:$0x1], $0xffff;
	[tilespmem:v0+s5+$0x3070 ss:$0x1] =	vst.idx.msk $0xffff, v6  }
0x4de: {  	v3 =	vadd.f32 v3, v7;
	v5 =	vadd.f32 v5, v7;
	v6 =	vld.idx.msk [tilespmem:v0+s7+$0xFFFFFFA0 ss:$0x1], $0xffff;
	[tilespmem:v0+s5+$0x6070 ss:$0x1] =	vst.idx.msk $0xffff, v13  }
0x4df: {  	v1 =	vmov v15;
	v11 =	vadd.f32 v14, v15;
	v7 =	vld.idx.msk [tilespmem:v0+s8+$0x10 ss:$0x1], $0xffff;
	[tilespmem:v0+s5+$0x0 ss:$0x1] =	vst.idx.msk $0xffff, v16  }
0x4e0: {  	v2 =	vmov v8;
	v13 =	vld.idx.msk [tilespmem:v0+s8+$0x3010 ss:$0x1], $0xffff;
	[tilespmem:v0+s5+$0x3000 ss:$0x1] =	vst.idx.msk $0xffff, v4  }
0x4e1: {  	v4 =	vmov v12;
	v8 =	vld.idx.msk [tilespmem:v0+s8+$0x6010 ss:$0x1], $0xffff;
	[tilespmem:v0+s8+$0x9070 ss:$0x1] =	vst.idx.msk $0xffff, v11  }
0x4e2: {  	v11 =	vld.idx.msk [tilespmem:v0+s8+$0x9010 ss:$0x1], $0xffff;
	[tilespmem:v0+s5+$0x6000 ss:$0x1] =	vst.idx.msk $0xffff, v3;
	v3 =	vmov v10  }
0x4e3: {  	v10 =	vld.idx.msk [tilespmem:v0+s7+$0xFFFFFFB0 ss:$0x1], $0xffff;
	[tilespmem:v0+s5+$0x9000 ss:$0x1] =	vst.idx.msk $0xffff, v5;
	v5 =	vmov v9;
	s5 =	smov.u32 s8  }
0x4e4: {  	v9 =	vld.idx.msk [tilespmem:v0+s8+$0x20 ss:$0x1], $0xffff  }
0x4e5: {  	v7 =	vadd.f32 v7, v6;
	v12 =	vld.idx.msk [tilespmem:v0+s8+$0x3020 ss:$0x1], $0xffff  }
0x4e6: {  	v13 =	vadd.f32 v13, v6;
	v14 =	vld.idx.msk [tilespmem:v0+s8+$0x6020 ss:$0x1], $0xffff  }
0x4e7: {  	[tilespmem:v0+s8+$0x10 ss:$0x1] =	vst.idx.msk $0xffff, v7;
	v7 =	vadd.f32 v8, v6;
	v8 =	vld.idx.msk [tilespmem:v0+s8+$0x9020 ss:$0x1], $0xffff  }
0x4e8: {  	v6 =	vadd.f32 v11, v6;
	[tilespmem:v0+s8+$0x3010 ss:$0x1] =	vst.idx.msk $0xffff, v13;
	v11 =	vld.idx.msk [tilespmem:v0+s7+$0xFFFFFFC0 ss:$0x1], $0xffff  }
0x4e9: {  	[tilespmem:v0+s8+$0x6010 ss:$0x1] =	vst.idx.msk $0xffff, v7;
	v7 =	vld.idx.msk [tilespmem:v0+s8+$0x30 ss:$0x1], $0xffff  }
0x4ea: {  	[tilespmem:v0+s8+$0x9010 ss:$0x1] =	vst.idx.msk $0xffff, v6;
	v6 =	vadd.f32 v9, v10;
	v9 =	vld.idx.msk [tilespmem:v0+s8+$0x3030 ss:$0x1], $0xffff  }
0x4eb: {  	v12 =	vadd.f32 v12, v10;
	v13 =	vld.idx.msk [tilespmem:v0+s8+$0x6030 ss:$0x1], $0xffff  }
0x4ec: {  	[tilespmem:v0+s8+$0x20 ss:$0x1] =	vst.idx.msk $0xffff, v6;
	v6 =	vadd.f32 v14, v10;
	v14 =	vld.idx.msk [tilespmem:v0+s8+$0x9030 ss:$0x1], $0xffff  }
0x4ed: {  	v8 =	vadd.f32 v8, v10;
	[tilespmem:v0+s8+$0x3020 ss:$0x1] =	vst.idx.msk $0xffff, v12;
	v10 =	vld.idx.msk [tilespmem:v0+s7+$0xFFFFFFD0 ss:$0x1], $0xffff  }
0x4ee: {  	[tilespmem:v0+s8+$0x6020 ss:$0x1] =	vst.idx.msk $0xffff, v6;
	v6 =	vld.idx.msk [tilespmem:v0+s8+$0x40 ss:$0x1], $0xffff  }
0x4ef: {  	v7 =	vadd.f32 v7, v11;
	[tilespmem:v0+s8+$0x9020 ss:$0x1] =	vst.idx.msk $0xffff, v8;
	v8 =	vld.idx.msk [tilespmem:v0+s8+$0x3040 ss:$0x1], $0xffff  }
0x4f0: {  	v9 =	vadd.f32 v9, v11;
	v12 =	vld.idx.msk [tilespmem:v0+s8+$0x6040 ss:$0x1], $0xffff  }
0x4f1: {  	[tilespmem:v0+s8+$0x30 ss:$0x1] =	vst.idx.msk $0xffff, v7;
	v7 =	vadd.f32 v13, v11;
	v13 =	vld.idx.msk [tilespmem:v0+s8+$0x9040 ss:$0x1], $0xffff  }
0x4f2: {  	[tilespmem:v0+s8+$0x3030 ss:$0x1] =	vst.idx.msk $0xffff, v9;
	v9 =	vadd.f32 v14, v11;
	v11 =	vld.idx.msk [tilespmem:v0+s7+$0xFFFFFFE0 ss:$0x1], $0xffff  }
0x4f3: {  	[tilespmem:v0+s8+$0x6030 ss:$0x1] =	vst.idx.msk $0xffff, v7;
	v7 =	vld.idx.msk [tilespmem:v0+s8+$0x50 ss:$0x1], $0xffff  }
0x4f4: {  	v6 =	vadd.f32 v6, v10;
	[tilespmem:v0+s8+$0x9030 ss:$0x1] =	vst.idx.msk $0xffff, v9;
	v9 =	vld.idx.msk [tilespmem:v0+s8+$0x3050 ss:$0x1], $0xffff  }
0x4f5: {  	v8 =	vadd.f32 v8, v10;
	v14 =	vld.idx.msk [tilespmem:v0+s8+$0x6050 ss:$0x1], $0xffff  }
0x4f6: {  	v12 =	vadd.f32 v12, v10;
	[tilespmem:v0+s8+$0x40 ss:$0x1] =	vst.idx.msk $0xffff, v6;
	v15 =	vld.idx.msk [tilespmem:v0+s8+$0x9050 ss:$0x1], $0xffff  }
0x4f7: {  	[tilespmem:v0+s8+$0x3040 ss:$0x1] =	vst.idx.msk $0xffff, v8;
	v8 =	vadd.f32 v13, v10;
	v6 =	vld.idx.msk [tilespmem:v0+s7+$0xFFFFFFF0 ss:$0x1], $0xffff  }
0x4f8: {  	[tilespmem:v0+s8+$0x6040 ss:$0x1] =	vst.idx.msk $0xffff, v12;
	v13 =	vld.idx.msk [tilespmem:v0+s8+$0x60 ss:$0x1], $0xffff  }
0x4f9: {  	v7 =	vadd.f32 v7, v11;
	[tilespmem:v0+s8+$0x9040 ss:$0x1] =	vst.idx.msk $0xffff, v8;
	v16 =	vld.idx.msk [tilespmem:v0+s8+$0x3060 ss:$0x1], $0xffff  }
0x4fa: {  	v9 =	vadd.f32 v9, v11;
	v12 =	vld.idx.msk [tilespmem:v0+s8+$0x6060 ss:$0x1], $0xffff  }
.Ltmp20:
0x4fb: {  	[tilespmem:v0+s8+$0x50 ss:$0x1] =	vst.idx.msk $0xffff, v7;
	v7 =	vadd.f32 v14, v11;
	v8 =	vld.idx.msk [tilespmem:v0+s8+$0x9060 ss:$0x1], $0xffff;
	(pc) =	sbr.rel @p0 .LBB2_43-.Ltmp20, $4  }
0x4fc: {  	v11 =	vadd.f32 v15, v11;
	[tilespmem:v0+s8+$0x3050 ss:$0x1] =	vst.idx.msk $0xffff, v9;
	v9 =	vld.idx.msk [tilespmem:v0+s8+$0x70 ss:$0x1], $0xffff  }
0x4fd: {  	[tilespmem:v0+s8+$0x6050 ss:$0x1] =	vst.idx.msk $0xffff, v7;
	v10 =	vld.idx.msk [tilespmem:v0+s8+$0x3070 ss:$0x1], $0xffff  }
0x4fe: {  	v14 =	vadd.f32 v13, v6;
	[tilespmem:v0+s8+$0x9050 ss:$0x1] =	vst.idx.msk $0xffff, v11;
	v11 =	vld.idx.msk [tilespmem:v0+s8+$0x6070 ss:$0x1], $0xffff  }
0x4ff: {  	v13 =	vadd.f32 v16, v6;
	v7 =	vld.idx.msk [tilespmem:v0+s7+$0xFFFFFF90 ss:$0x1], $0xffff;
	s7 =	sadd.s32 $0x400, s7  }
0x500: {  	_ =	sdelay $0x3  }
0x501: {  	[tilespmem:v0+s5+$0x60 ss:$0x1] =	vst.idx.msk $0xffff, v14;
	v12 =	vadd.f32 v12, v6  }
0x502: {  	v58 =	vadd.f32 v8, v6;
	[tilespmem:v0+s5+$0x3060 ss:$0x1] =	vst.idx.msk $0xffff, v13  }
0x503: {  	v59 =	vadd.f32 v9, v1;
	[tilespmem:v0+s5+$0x6060 ss:$0x1] =	vst.idx.msk $0xffff, v12  }
0x504: {  	v60 =	vadd.f32 v10, v1;
	[tilespmem:v0+s5+$0x9060 ss:$0x1] =	vst.idx.msk $0xffff, v58  }
0x505: {  	s4 =	sadd.s32 $0x1, s4;
	[tilespmem:v0+s5+$0x70 ss:$0x1] =	vst.idx.msk $0xffff, v59;
	v61 =	vadd.f32 v11, v1  }
0x506: {  	p0 =	sne.s32 s4, $0x10;
	v2 =	vadd.f32 v2, v7;
	[tilespmem:v0+s5+$0x3070 ss:$0x1] =	vst.idx.msk $0xffff, v60  }
.Ltmp21:
0x507: {  	v4 =	vadd.f32 v4, v7;
	[tilespmem:v0+s5+$0x6070 ss:$0x1] =	vst.idx.msk $0xffff, v61;
	(pc) =	sbr.rel @p0 .LBB2_42-.Ltmp21, $4  }
0x508: {  	v62 =	vadd.f32 v3, v7;
	[tilespmem:v0+s5+$0x0 ss:$0x1] =	vst.idx.msk $0xffff, v2  }
0x509: {  	v63 =	vadd.f32 v5, v7;
	[tilespmem:v0+s5+$0x3000 ss:$0x1] =	vst.idx.msk $0xffff, v4  }
0x50a: {  	[tilespmem:v0+s5+$0x6000 ss:$0x1] =	vst.idx.msk $0xffff, v62  }
0x50b: {  	s3 =	sadd.s32 $0x1, s3;
	[tilespmem:v0+s5+$0x9000 ss:$0x1] =	vst.idx.msk $0xffff, v63  }
0x50c: {  	s4 =	sld [smem:$0x7F9];
	_ =	sdelay $0x1  }
0x50d: {  	s3 =	simm.s32 $0x0  }
0x50e: {  	[hbm4b:s4+s21] =	stream.strided.scatter [tilespmem:s3], [sflag:$0x5], $0xC000, s22, s21, $0x38;
	[tilespmem:$0x1E000] =	vst v63  }
0x50f: {  	_ =	swait.ge [sflag:s29], $0xC000  }
0x510: {  	s8 =	sld [smem:$0x7FD]  }
0x511: {  	[sflag:s29] =	ssyncset.done $0x0  }
0x512: {  	[sflag:s29] =	ssyncadd.s32 $0xFFFF4000  }
0x513: {  	[tilespmem:s3], [sflag:$0x1] =	stream.strided.gather [hbm4b:s8+s21], $0xC000, s22, s21, $0x38;
	[tilespmem:$0x1E000] =	vst v63  }
0x514: {  	_ = 	snop  }
0x515: {  	[tilespmem:s23], [sflag:$0x3] =	stream.linear.gather [hbm4b:s9+s3], $0x3000, $0x38;
	[tilespmem:$0x1E000] =	vst v63  }
0x516: {  	_ =	swait.ge [sflag:s30], $0xC000  }
0x517: {  	[sflag:s30] =	ssyncset.done $0x0  }
0x518: {  	[sflag:s30] =	ssyncadd.s32 $0xFFFF4000  }
0x519: {  	_ =	swait.ge [sflag:s31], $0x3000  }
0x51a: {  	[sflag:s31] =	ssyncset.done $0x0  }
0x51b: {  	s4 =	simm.s32 $0x0;
	[sflag:s31] =	ssyncadd.s32 $0xFFFFD000  }
.LBB2_46:
0x51c: {  	s5 =	sand.u32 $0x7, s3  }
0x51d: {  	s5 =	sshll.u32 s5, $0x9  }
0x51e: {  	s5 =	sshrl.u32 s5, $0x2  }
0x51f: {  	s6 =	sshrl.u32 s4, $0x3;
	v0 =	vmov s5  }
0x520: {  	s8 =	smul.u32 $0x6000, s6;
	_ =	sdelay $0x1  }
0x521: {  	s5 =	sshra.s32 s8, $0x2  }
0x522: {  	s7 =	sadd.s32 $0x1B070, s5  }
0x523: {  	s5 =	sadd.s32 $0xC000, s5;
	v1 =	vld.idx.msk [tilespmem:v0+s7+$0x0 ss:$0x1], $0xffff  }
0x524: {  	v6 =	vld.idx.msk [tilespmem:v0+s5+$0x9070 ss:$0x1], $0xffff  }
0x525: {  	v2 =	vld.idx.msk [tilespmem:v0+s5+$0x0 ss:$0x1], $0xffff  }
0x526: {  	v4 =	vld.idx.msk [tilespmem:v0+s5+$0x3000 ss:$0x1], $0xffff  }
0x527: {  	v3 =	vld.idx.msk [tilespmem:v0+s5+$0x6000 ss:$0x1], $0xffff  }
0x528: {  	v5 =	vld.idx.msk [tilespmem:v0+s5+$0x9000 ss:$0x1], $0xffff  }
0x529: {  	v7 =	vld.idx.msk [tilespmem:v0+s7+$0xFFFFFFA0 ss:$0x1], $0xffff  }
0x52a: {  	v8 =	vld.idx.msk [tilespmem:v0+s5+$0x10 ss:$0x1], $0xffff  }
0x52b: {  	v9 =	vld.idx.msk [tilespmem:v0+s5+$0x3010 ss:$0x1], $0xffff  }
0x52c: {  	v10 =	vld.idx.msk [tilespmem:v0+s5+$0x6010 ss:$0x1], $0xffff  }
0x52d: {  	v11 =	vld.idx.msk [tilespmem:v0+s5+$0x9010 ss:$0x1], $0xffff  }
0x52e: {  	v12 =	vld.idx.msk [tilespmem:v0+s7+$0xFFFFFFB0 ss:$0x1], $0xffff  }
0x52f: {  	v13 =	vld.idx.msk [tilespmem:v0+s5+$0x20 ss:$0x1], $0xffff  }
0x530: {  	v14 =	vld.idx.msk [tilespmem:v0+s5+$0x3020 ss:$0x1], $0xffff  }
0x531: {  	v15 =	vld.idx.msk [tilespmem:v0+s5+$0x6020 ss:$0x1], $0xffff  }
0x532: {  	v16 =	vld.idx.msk [tilespmem:v0+s5+$0x9020 ss:$0x1], $0xffff  }
0x533: {  	v17 =	vld.idx.msk [tilespmem:v0+s7+$0xFFFFFFC0 ss:$0x1], $0xffff  }
0x534: {  	v18 =	vld.idx.msk [tilespmem:v0+s5+$0x30 ss:$0x1], $0xffff;
	v6 =	vadd.f32 v6, v1  }
0x535: {  	v19 =	vld.idx.msk [tilespmem:v0+s5+$0x3030 ss:$0x1], $0xffff;
	v8 =	vadd.f32 v8, v7  }
0x536: {  	v62 =	vld.idx.msk [tilespmem:v0+s5+$0x50 ss:$0x1], $0xffff;
	[tilespmem:v0+s5+$0x9070 ss:$0x1] =	vst.idx.msk $0xffff, v6;
	v6 =	vadd.f32 v9, v7  }
0x537: {  	v9 =	vld.idx.msk [tilespmem:v0+s5+$0x6030 ss:$0x1], $0xffff;
	[tilespmem:v0+s5+$0x10 ss:$0x1] =	vst.idx.msk $0xffff, v8;
	v8 =	vadd.f32 v10, v7  }
0x538: {  	v10 =	vld.idx.msk [tilespmem:v0+s5+$0x9030 ss:$0x1], $0xffff;
	[tilespmem:v0+s5+$0x3010 ss:$0x1] =	vst.idx.msk $0xffff, v6;
	v6 =	vadd.f32 v11, v7  }
0x539: {  	v7 =	vld.idx.msk [tilespmem:v0+s7+$0xFFFFFFD0 ss:$0x1], $0xffff;
	[tilespmem:v0+s5+$0x6010 ss:$0x1] =	vst.idx.msk $0xffff, v8;
	v8 =	vadd.f32 v13, v12  }
0x53a: {  	v11 =	vld.idx.msk [tilespmem:v0+s5+$0x40 ss:$0x1], $0xffff;
	[tilespmem:v0+s5+$0x9010 ss:$0x1] =	vst.idx.msk $0xffff, v6;
	v6 =	vadd.f32 v14, v12  }
0x53b: {  	v13 =	vld.idx.msk [tilespmem:v0+s5+$0x3040 ss:$0x1], $0xffff;
	[tilespmem:v0+s5+$0x20 ss:$0x1] =	vst.idx.msk $0xffff, v8;
	v8 =	vadd.f32 v15, v12  }
0x53c: {  	v14 =	vld.idx.msk [tilespmem:v0+s5+$0x6040 ss:$0x1], $0xffff;
	[tilespmem:v0+s5+$0x3020 ss:$0x1] =	vst.idx.msk $0xffff, v6;
	v6 =	vadd.f32 v16, v12  }
0x53d: {  	v15 =	vld.idx.msk [tilespmem:v0+s7+$0xFFFFFFE0 ss:$0x1], $0xffff;
	[tilespmem:v0+s5+$0x6020 ss:$0x1] =	vst.idx.msk $0xffff, v8;
	v8 =	vadd.f32 v18, v17  }
0x53e: {  	v12 =	vld.idx.msk [tilespmem:v0+s5+$0x9040 ss:$0x1], $0xffff;
	[tilespmem:v0+s5+$0x9020 ss:$0x1] =	vst.idx.msk $0xffff, v6;
	v6 =	vadd.f32 v19, v17  }
0x53f: {  	[tilespmem:v0+s5+$0x30 ss:$0x1] =	vst.idx.msk $0xffff, v8;
	v8 =	vadd.f32 v9, v17;
	v9 =	vld.idx.msk [tilespmem:v0+s5+$0x3050 ss:$0x1], $0xffff  }
0x540: {  	[tilespmem:v0+s5+$0x3030 ss:$0x1] =	vst.idx.msk $0xffff, v6;
	v6 =	vadd.f32 v10, v17;
	v10 =	vld.idx.msk [tilespmem:v0+s5+$0x6050 ss:$0x1], $0xffff  }
0x541: {  	[tilespmem:v0+s5+$0x6030 ss:$0x1] =	vst.idx.msk $0xffff, v8;
	v8 =	vadd.f32 v11, v7;
	v11 =	vld.idx.msk [tilespmem:v0+s5+$0x9050 ss:$0x1], $0xffff  }
0x542: {  	v13 =	vadd.f32 v13, v7;
	[tilespmem:v0+s5+$0x9030 ss:$0x1] =	vst.idx.msk $0xffff, v6;
	v6 =	vld.idx.msk [tilespmem:v0+s7+$0xFFFFFFF0 ss:$0x1], $0xffff  }
0x543: {  	[tilespmem:v0+s5+$0x40 ss:$0x1] =	vst.idx.msk $0xffff, v8;
	v8 =	vadd.f32 v14, v7;
	v14 =	vld.idx.msk [tilespmem:v0+s5+$0x60 ss:$0x1], $0xffff  }
0x544: {  	v7 =	vadd.f32 v12, v7;
	v12 =	vld.idx.msk [tilespmem:v0+s5+$0x6060 ss:$0x1], $0xffff;
	[tilespmem:v0+s5+$0x3040 ss:$0x1] =	vst.idx.msk $0xffff, v13  }
0x545: {  	v16 =	vadd.f32 v62, v15;
	v13 =	vld.idx.msk [tilespmem:v0+s5+$0x3060 ss:$0x1], $0xffff;
	[tilespmem:v0+s5+$0x6040 ss:$0x1] =	vst.idx.msk $0xffff, v8  }
0x546: {  	v8 =	vld.idx.msk [tilespmem:v0+s5+$0x9060 ss:$0x1], $0xffff;
	[tilespmem:v0+s5+$0x9040 ss:$0x1] =	vst.idx.msk $0xffff, v7;
	v7 =	vadd.f32 v9, v15  }
0x547: {  	[tilespmem:v0+s5+$0x50 ss:$0x1] =	vst.idx.msk $0xffff, v16;
	v63 =	vadd.f32 v10, v15;
	v10 =	vld.idx.msk [tilespmem:v0+s5+$0x3070 ss:$0x1], $0xffff  }
0x548: {  	v9 =	vld.idx.msk [tilespmem:v0+s5+$0x70 ss:$0x1], $0xffff;
	[tilespmem:v0+s5+$0x3050 ss:$0x1] =	vst.idx.msk $0xffff, v7;
	v7 =	vadd.f32 v11, v15  }
0x549: {  	v11 =	vld.idx.msk [tilespmem:v0+s5+$0x6070 ss:$0x1], $0xffff;
	v14 =	vadd.f32 v14, v6;
	[tilespmem:v0+s5+$0x6050 ss:$0x1] =	vst.idx.msk $0xffff, v63  }
0x54a: {  	s6 =	simm.s32 $0x0;
	s8 =	smov.u32 s5;
	v13 =	vadd.f32 v13, v6;
	[tilespmem:v0+s5+$0x9050 ss:$0x1] =	vst.idx.msk $0xffff, v7;
	v7 =	vld.idx.msk [tilespmem:v0+s7+$0xFFFFFF90 ss:$0x1], $0xffff;
	s7 =	sadd.s32 $0x400, s7  }
.LBB2_47:
0x54b: {  	v15 =	vld.idx.msk [tilespmem:v0+s7+$0x0 ss:$0x1], $0xffff;
	[tilespmem:v0+s5+$0x60 ss:$0x1] =	vst.idx.msk $0xffff, v14;
	v12 =	vadd.f32 v12, v6;
	s8 =	sadd.s32 $0x400, s8  }
0x54c: {  	s6 =	sadd.s32 $0x80, s6;
	v6 =	vadd.f32 v8, v6;
	v14 =	vld.idx.msk [tilespmem:v0+s8+$0x9070 ss:$0x1], $0xffff;
	[tilespmem:v0+s5+$0x3060 ss:$0x1] =	vst.idx.msk $0xffff, v13  }
0x54d: {  	p0 =	slt.u32 s6, $0x280;
	v9 =	vadd.f32 v9, v1;
	v8 =	vld.idx.msk [tilespmem:v0+s8+$0x0 ss:$0x1], $0xffff;
	[tilespmem:v0+s5+$0x6060 ss:$0x1] =	vst.idx.msk $0xffff, v12  }
0x54e: {  	v12 =	vld.idx.msk [tilespmem:v0+s8+$0x3000 ss:$0x1], $0xffff;
	[tilespmem:v0+s5+$0x9060 ss:$0x1] =	vst.idx.msk $0xffff, v6;
	v6 =	vadd.f32 v10, v1  }
0x54f: {  	v13 =	vadd.f32 v11, v1;
	v10 =	vld.idx.msk [tilespmem:v0+s8+$0x6000 ss:$0x1], $0xffff;
	[tilespmem:v0+s5+$0x70 ss:$0x1] =	vst.idx.msk $0xffff, v9  }
0x550: {  	v16 =	vadd.f32 v2, v7;
	v4 =	vadd.f32 v4, v7;
	v9 =	vld.idx.msk [tilespmem:v0+s8+$0x9000 ss:$0x1], $0xffff;
	[tilespmem:v0+s5+$0x3070 ss:$0x1] =	vst.idx.msk $0xffff, v6  }
0x551: {  	v3 =	vadd.f32 v3, v7;
	v5 =	vadd.f32 v5, v7;
	v6 =	vld.idx.msk [tilespmem:v0+s7+$0xFFFFFFA0 ss:$0x1], $0xffff;
	[tilespmem:v0+s5+$0x6070 ss:$0x1] =	vst.idx.msk $0xffff, v13  }
0x552: {  	v1 =	vmov v15;
	v11 =	vadd.f32 v14, v15;
	v7 =	vld.idx.msk [tilespmem:v0+s8+$0x10 ss:$0x1], $0xffff;
	[tilespmem:v0+s5+$0x0 ss:$0x1] =	vst.idx.msk $0xffff, v16  }
0x553: {  	v2 =	vmov v8;
	v13 =	vld.idx.msk [tilespmem:v0+s8+$0x3010 ss:$0x1], $0xffff;
	[tilespmem:v0+s5+$0x3000 ss:$0x1] =	vst.idx.msk $0xffff, v4  }
0x554: {  	v4 =	vmov v12;
	v8 =	vld.idx.msk [tilespmem:v0+s8+$0x6010 ss:$0x1], $0xffff;
	[tilespmem:v0+s8+$0x9070 ss:$0x1] =	vst.idx.msk $0xffff, v11  }
0x555: {  	v11 =	vld.idx.msk [tilespmem:v0+s8+$0x9010 ss:$0x1], $0xffff;
	[tilespmem:v0+s5+$0x6000 ss:$0x1] =	vst.idx.msk $0xffff, v3;
	v3 =	vmov v10  }
0x556: {  	v10 =	vld.idx.msk [tilespmem:v0+s7+$0xFFFFFFB0 ss:$0x1], $0xffff;
	[tilespmem:v0+s5+$0x9000 ss:$0x1] =	vst.idx.msk $0xffff, v5;
	v5 =	vmov v9;
	s5 =	smov.u32 s8  }
0x557: {  	v9 =	vld.idx.msk [tilespmem:v0+s8+$0x20 ss:$0x1], $0xffff  }
0x558: {  	v7 =	vadd.f32 v7, v6;
	v12 =	vld.idx.msk [tilespmem:v0+s8+$0x3020 ss:$0x1], $0xffff  }
0x559: {  	v13 =	vadd.f32 v13, v6;
	v14 =	vld.idx.msk [tilespmem:v0+s8+$0x6020 ss:$0x1], $0xffff  }
0x55a: {  	[tilespmem:v0+s8+$0x10 ss:$0x1] =	vst.idx.msk $0xffff, v7;
	v7 =	vadd.f32 v8, v6;
	v8 =	vld.idx.msk [tilespmem:v0+s8+$0x9020 ss:$0x1], $0xffff  }
0x55b: {  	v6 =	vadd.f32 v11, v6;
	[tilespmem:v0+s8+$0x3010 ss:$0x1] =	vst.idx.msk $0xffff, v13;
	v11 =	vld.idx.msk [tilespmem:v0+s7+$0xFFFFFFC0 ss:$0x1], $0xffff  }
0x55c: {  	[tilespmem:v0+s8+$0x6010 ss:$0x1] =	vst.idx.msk $0xffff, v7;
	v7 =	vld.idx.msk [tilespmem:v0+s8+$0x30 ss:$0x1], $0xffff  }
0x55d: {  	[tilespmem:v0+s8+$0x9010 ss:$0x1] =	vst.idx.msk $0xffff, v6;
	v6 =	vadd.f32 v9, v10;
	v9 =	vld.idx.msk [tilespmem:v0+s8+$0x3030 ss:$0x1], $0xffff  }
0x55e: {  	v12 =	vadd.f32 v12, v10;
	v13 =	vld.idx.msk [tilespmem:v0+s8+$0x6030 ss:$0x1], $0xffff  }
0x55f: {  	[tilespmem:v0+s8+$0x20 ss:$0x1] =	vst.idx.msk $0xffff, v6;
	v6 =	vadd.f32 v14, v10;
	v14 =	vld.idx.msk [tilespmem:v0+s8+$0x9030 ss:$0x1], $0xffff  }
0x560: {  	v8 =	vadd.f32 v8, v10;
	[tilespmem:v0+s8+$0x3020 ss:$0x1] =	vst.idx.msk $0xffff, v12;
	v10 =	vld.idx.msk [tilespmem:v0+s7+$0xFFFFFFD0 ss:$0x1], $0xffff  }
0x561: {  	[tilespmem:v0+s8+$0x6020 ss:$0x1] =	vst.idx.msk $0xffff, v6;
	v6 =	vld.idx.msk [tilespmem:v0+s8+$0x40 ss:$0x1], $0xffff  }
0x562: {  	v7 =	vadd.f32 v7, v11;
	[tilespmem:v0+s8+$0x9020 ss:$0x1] =	vst.idx.msk $0xffff, v8;
	v8 =	vld.idx.msk [tilespmem:v0+s8+$0x3040 ss:$0x1], $0xffff  }
0x563: {  	v9 =	vadd.f32 v9, v11;
	v12 =	vld.idx.msk [tilespmem:v0+s8+$0x6040 ss:$0x1], $0xffff  }
0x564: {  	[tilespmem:v0+s8+$0x30 ss:$0x1] =	vst.idx.msk $0xffff, v7;
	v7 =	vadd.f32 v13, v11;
	v13 =	vld.idx.msk [tilespmem:v0+s8+$0x9040 ss:$0x1], $0xffff  }
0x565: {  	[tilespmem:v0+s8+$0x3030 ss:$0x1] =	vst.idx.msk $0xffff, v9;
	v9 =	vadd.f32 v14, v11;
	v11 =	vld.idx.msk [tilespmem:v0+s7+$0xFFFFFFE0 ss:$0x1], $0xffff  }
0x566: {  	[tilespmem:v0+s8+$0x6030 ss:$0x1] =	vst.idx.msk $0xffff, v7;
	v7 =	vld.idx.msk [tilespmem:v0+s8+$0x50 ss:$0x1], $0xffff  }
0x567: {  	v6 =	vadd.f32 v6, v10;
	[tilespmem:v0+s8+$0x9030 ss:$0x1] =	vst.idx.msk $0xffff, v9;
	v9 =	vld.idx.msk [tilespmem:v0+s8+$0x3050 ss:$0x1], $0xffff  }
0x568: {  	v8 =	vadd.f32 v8, v10;
	v14 =	vld.idx.msk [tilespmem:v0+s8+$0x6050 ss:$0x1], $0xffff  }
0x569: {  	v12 =	vadd.f32 v12, v10;
	[tilespmem:v0+s8+$0x40 ss:$0x1] =	vst.idx.msk $0xffff, v6;
	v15 =	vld.idx.msk [tilespmem:v0+s8+$0x9050 ss:$0x1], $0xffff  }
0x56a: {  	[tilespmem:v0+s8+$0x3040 ss:$0x1] =	vst.idx.msk $0xffff, v8;
	v8 =	vadd.f32 v13, v10;
	v6 =	vld.idx.msk [tilespmem:v0+s7+$0xFFFFFFF0 ss:$0x1], $0xffff  }
0x56b: {  	[tilespmem:v0+s8+$0x6040 ss:$0x1] =	vst.idx.msk $0xffff, v12;
	v13 =	vld.idx.msk [tilespmem:v0+s8+$0x60 ss:$0x1], $0xffff  }
0x56c: {  	v7 =	vadd.f32 v7, v11;
	[tilespmem:v0+s8+$0x9040 ss:$0x1] =	vst.idx.msk $0xffff, v8;
	v16 =	vld.idx.msk [tilespmem:v0+s8+$0x3060 ss:$0x1], $0xffff  }
0x56d: {  	v9 =	vadd.f32 v9, v11;
	v12 =	vld.idx.msk [tilespmem:v0+s8+$0x6060 ss:$0x1], $0xffff  }
.Ltmp22:
0x56e: {  	[tilespmem:v0+s8+$0x50 ss:$0x1] =	vst.idx.msk $0xffff, v7;
	v7 =	vadd.f32 v14, v11;
	v8 =	vld.idx.msk [tilespmem:v0+s8+$0x9060 ss:$0x1], $0xffff;
	(pc) =	sbr.rel @p0 .LBB2_47-.Ltmp22, $4  }
0x56f: {  	v11 =	vadd.f32 v15, v11;
	[tilespmem:v0+s8+$0x3050 ss:$0x1] =	vst.idx.msk $0xffff, v9;
	v9 =	vld.idx.msk [tilespmem:v0+s8+$0x70 ss:$0x1], $0xffff  }
0x570: {  	[tilespmem:v0+s8+$0x6050 ss:$0x1] =	vst.idx.msk $0xffff, v7;
	v10 =	vld.idx.msk [tilespmem:v0+s8+$0x3070 ss:$0x1], $0xffff  }
0x571: {  	v14 =	vadd.f32 v13, v6;
	[tilespmem:v0+s8+$0x9050 ss:$0x1] =	vst.idx.msk $0xffff, v11;
	v11 =	vld.idx.msk [tilespmem:v0+s8+$0x6070 ss:$0x1], $0xffff  }
0x572: {  	v13 =	vadd.f32 v16, v6;
	v7 =	vld.idx.msk [tilespmem:v0+s7+$0xFFFFFF90 ss:$0x1], $0xffff;
	s7 =	sadd.s32 $0x400, s7  }
0x573: {  	_ =	sdelay $0x3  }
0x574: {  	[tilespmem:v0+s5+$0x60 ss:$0x1] =	vst.idx.msk $0xffff, v14;
	v12 =	vadd.f32 v12, v6  }
0x575: {  	v58 =	vadd.f32 v8, v6;
	[tilespmem:v0+s5+$0x3060 ss:$0x1] =	vst.idx.msk $0xffff, v13  }
0x576: {  	v59 =	vadd.f32 v9, v1;
	[tilespmem:v0+s5+$0x6060 ss:$0x1] =	vst.idx.msk $0xffff, v12  }
0x577: {  	v60 =	vadd.f32 v10, v1;
	[tilespmem:v0+s5+$0x9060 ss:$0x1] =	vst.idx.msk $0xffff, v58  }
0x578: {  	s4 =	sadd.s32 $0x1, s4;
	[tilespmem:v0+s5+$0x70 ss:$0x1] =	vst.idx.msk $0xffff, v59;
	v61 =	vadd.f32 v11, v1  }
0x579: {  	p0 =	sne.s32 s4, $0x10;
	v2 =	vadd.f32 v2, v7;
	[tilespmem:v0+s5+$0x3070 ss:$0x1] =	vst.idx.msk $0xffff, v60  }
.Ltmp23:
0x57a: {  	v4 =	vadd.f32 v4, v7;
	[tilespmem:v0+s5+$0x6070 ss:$0x1] =	vst.idx.msk $0xffff, v61;
	(pc) =	sbr.rel @p0 .LBB2_46-.Ltmp23, $4  }
0x57b: {  	v62 =	vadd.f32 v3, v7;
	[tilespmem:v0+s5+$0x0 ss:$0x1] =	vst.idx.msk $0xffff, v2  }
0x57c: {  	v63 =	vadd.f32 v5, v7;
	[tilespmem:v0+s5+$0x3000 ss:$0x1] =	vst.idx.msk $0xffff, v4  }
0x57d: {  	[tilespmem:v0+s5+$0x6000 ss:$0x1] =	vst.idx.msk $0xffff, v62  }
0x57e: {  	s3 =	sadd.s32 $0x1, s3;
	[tilespmem:v0+s5+$0x9000 ss:$0x1] =	vst.idx.msk $0xffff, v63  }
0x57f: {  	s3 =	sld [smem:$0x7FC];
	_ =	sdelay $0x2  }
0x580: {  	[hbm4b:s3+s21] =	stream.strided.scatter [tilespmem:s24], [sflag:$0x6], $0xC000, s22, s21, $0x38;
	[tilespmem:$0x1E000] =	vst v63  }
0x581: {  	_ =	swait.ge [sflag:s0], $0xC000  }
0x582: {  	[sflag:s0] =	ssyncset.done $0x0  }
0x583: {  	[sflag:s0] =	ssyncadd.s32 $0xFFFF4000  }
0x584: {  	[tilespmem:s24], [sflag:$0x2] =	stream.strided.gather [hbm4b:s11+s21], $0xC000, s22, s21, $0x38;
	[tilespmem:$0x1E000] =	vst v63  }
0x585: {  	s3 =	simm.s32 $0x0  }
0x586: {  	[tilespmem:s25], [sflag:$0x4] =	stream.linear.gather [hbm4b:s12+s3], $0x3000, $0x38;
	[tilespmem:$0x1E000] =	vst v63  }
0x587: {  	_ =	swait.ge [sflag:s26], $0xC000  }
0x588: {  	[sflag:s26] =	ssyncset.done $0x0  }
0x589: {  	[sflag:s26] =	ssyncadd.s32 $0xFFFF4000  }
0x58a: {  	_ =	swait.ge [sflag:s28], $0x3000  }
0x58b: {  	[sflag:s28] =	ssyncset.done $0x0  }
0x58c: {  	s4 =	simm.s32 $0x0;
	[sflag:s28] =	ssyncadd.s32 $0xFFFFD000  }
.LBB2_50:
0x58d: {  	s5 =	sand.u32 $0x7, s3  }
0x58e: {  	s5 =	sshll.u32 s5, $0x9  }
0x58f: {  	s5 =	sshrl.u32 s5, $0x2  }
0x590: {  	s6 =	sshrl.u32 s4, $0x3;
	v0 =	vmov s5  }
0x591: {  	s8 =	smul.u32 $0x6000, s6;
	_ =	sdelay $0x1  }
0x592: {  	s5 =	sshra.s32 s8, $0x2  }
0x593: {  	s7 =	sadd.s32 $0x18070, s5  }
0x594: {  	v1 =	vld.idx.msk [tilespmem:v0+s7+$0x0 ss:$0x1], $0xffff  }
0x595: {  	v6 =	vld.idx.msk [tilespmem:v0+s5+$0x9070 ss:$0x1], $0xffff  }
0x596: {  	v2 =	vld.idx.msk [tilespmem:v0+s5+$0x0 ss:$0x1], $0xffff  }
0x597: {  	v4 =	vld.idx.msk [tilespmem:v0+s5+$0x3000 ss:$0x1], $0xffff  }
0x598: {  	v3 =	vld.idx.msk [tilespmem:v0+s5+$0x6000 ss:$0x1], $0xffff  }
0x599: {  	v5 =	vld.idx.msk [tilespmem:v0+s5+$0x9000 ss:$0x1], $0xffff  }
0x59a: {  	v7 =	vld.idx.msk [tilespmem:v0+s7+$0xFFFFFFA0 ss:$0x1], $0xffff  }
0x59b: {  	v8 =	vld.idx.msk [tilespmem:v0+s5+$0x10 ss:$0x1], $0xffff  }
0x59c: {  	v9 =	vld.idx.msk [tilespmem:v0+s5+$0x3010 ss:$0x1], $0xffff  }
0x59d: {  	v10 =	vld.idx.msk [tilespmem:v0+s5+$0x6010 ss:$0x1], $0xffff  }
0x59e: {  	v11 =	vld.idx.msk [tilespmem:v0+s5+$0x9010 ss:$0x1], $0xffff  }
0x59f: {  	v12 =	vld.idx.msk [tilespmem:v0+s7+$0xFFFFFFB0 ss:$0x1], $0xffff  }
0x5a0: {  	v13 =	vld.idx.msk [tilespmem:v0+s5+$0x20 ss:$0x1], $0xffff  }
0x5a1: {  	v14 =	vld.idx.msk [tilespmem:v0+s5+$0x3020 ss:$0x1], $0xffff  }
0x5a2: {  	v15 =	vld.idx.msk [tilespmem:v0+s5+$0x6020 ss:$0x1], $0xffff  }
0x5a3: {  	v16 =	vld.idx.msk [tilespmem:v0+s5+$0x9020 ss:$0x1], $0xffff  }
0x5a4: {  	v17 =	vld.idx.msk [tilespmem:v0+s7+$0xFFFFFFC0 ss:$0x1], $0xffff  }
0x5a5: {  	v18 =	vld.idx.msk [tilespmem:v0+s5+$0x30 ss:$0x1], $0xffff;
	v6 =	vadd.f32 v6, v1  }
0x5a6: {  	v19 =	vld.idx.msk [tilespmem:v0+s5+$0x3030 ss:$0x1], $0xffff;
	v8 =	vadd.f32 v8, v7  }
0x5a7: {  	v62 =	vld.idx.msk [tilespmem:v0+s5+$0x50 ss:$0x1], $0xffff;
	[tilespmem:v0+s5+$0x9070 ss:$0x1] =	vst.idx.msk $0xffff, v6;
	v6 =	vadd.f32 v9, v7  }
0x5a8: {  	v9 =	vld.idx.msk [tilespmem:v0+s5+$0x6030 ss:$0x1], $0xffff;
	[tilespmem:v0+s5+$0x10 ss:$0x1] =	vst.idx.msk $0xffff, v8;
	v8 =	vadd.f32 v10, v7  }
0x5a9: {  	v10 =	vld.idx.msk [tilespmem:v0+s5+$0x9030 ss:$0x1], $0xffff;
	[tilespmem:v0+s5+$0x3010 ss:$0x1] =	vst.idx.msk $0xffff, v6;
	v6 =	vadd.f32 v11, v7  }
0x5aa: {  	v7 =	vld.idx.msk [tilespmem:v0+s7+$0xFFFFFFD0 ss:$0x1], $0xffff;
	[tilespmem:v0+s5+$0x6010 ss:$0x1] =	vst.idx.msk $0xffff, v8;
	v8 =	vadd.f32 v13, v12  }
0x5ab: {  	v11 =	vld.idx.msk [tilespmem:v0+s5+$0x40 ss:$0x1], $0xffff;
	[tilespmem:v0+s5+$0x9010 ss:$0x1] =	vst.idx.msk $0xffff, v6;
	v6 =	vadd.f32 v14, v12  }
0x5ac: {  	v13 =	vld.idx.msk [tilespmem:v0+s5+$0x3040 ss:$0x1], $0xffff;
	[tilespmem:v0+s5+$0x20 ss:$0x1] =	vst.idx.msk $0xffff, v8;
	v8 =	vadd.f32 v15, v12  }
0x5ad: {  	v14 =	vld.idx.msk [tilespmem:v0+s5+$0x6040 ss:$0x1], $0xffff;
	[tilespmem:v0+s5+$0x3020 ss:$0x1] =	vst.idx.msk $0xffff, v6;
	v6 =	vadd.f32 v16, v12  }
0x5ae: {  	v15 =	vld.idx.msk [tilespmem:v0+s7+$0xFFFFFFE0 ss:$0x1], $0xffff;
	[tilespmem:v0+s5+$0x6020 ss:$0x1] =	vst.idx.msk $0xffff, v8;
	v8 =	vadd.f32 v18, v17  }
0x5af: {  	v12 =	vld.idx.msk [tilespmem:v0+s5+$0x9040 ss:$0x1], $0xffff;
	[tilespmem:v0+s5+$0x9020 ss:$0x1] =	vst.idx.msk $0xffff, v6;
	v6 =	vadd.f32 v19, v17  }
0x5b0: {  	[tilespmem:v0+s5+$0x30 ss:$0x1] =	vst.idx.msk $0xffff, v8;
	v8 =	vadd.f32 v9, v17;
	v9 =	vld.idx.msk [tilespmem:v0+s5+$0x3050 ss:$0x1], $0xffff  }
0x5b1: {  	[tilespmem:v0+s5+$0x3030 ss:$0x1] =	vst.idx.msk $0xffff, v6;
	v6 =	vadd.f32 v10, v17;
	v10 =	vld.idx.msk [tilespmem:v0+s5+$0x6050 ss:$0x1], $0xffff  }
0x5b2: {  	[tilespmem:v0+s5+$0x6030 ss:$0x1] =	vst.idx.msk $0xffff, v8;
	v8 =	vadd.f32 v11, v7;
	v11 =	vld.idx.msk [tilespmem:v0+s5+$0x9050 ss:$0x1], $0xffff  }
0x5b3: {  	v13 =	vadd.f32 v13, v7;
	[tilespmem:v0+s5+$0x9030 ss:$0x1] =	vst.idx.msk $0xffff, v6;
	v6 =	vld.idx.msk [tilespmem:v0+s7+$0xFFFFFFF0 ss:$0x1], $0xffff  }
0x5b4: {  	[tilespmem:v0+s5+$0x40 ss:$0x1] =	vst.idx.msk $0xffff, v8;
	v8 =	vadd.f32 v14, v7;
	v14 =	vld.idx.msk [tilespmem:v0+s5+$0x60 ss:$0x1], $0xffff  }
0x5b5: {  	v7 =	vadd.f32 v12, v7;
	v12 =	vld.idx.msk [tilespmem:v0+s5+$0x6060 ss:$0x1], $0xffff;
	[tilespmem:v0+s5+$0x3040 ss:$0x1] =	vst.idx.msk $0xffff, v13  }
0x5b6: {  	v16 =	vadd.f32 v62, v15;
	v13 =	vld.idx.msk [tilespmem:v0+s5+$0x3060 ss:$0x1], $0xffff;
	[tilespmem:v0+s5+$0x6040 ss:$0x1] =	vst.idx.msk $0xffff, v8  }
0x5b7: {  	v8 =	vld.idx.msk [tilespmem:v0+s5+$0x9060 ss:$0x1], $0xffff;
	[tilespmem:v0+s5+$0x9040 ss:$0x1] =	vst.idx.msk $0xffff, v7;
	v7 =	vadd.f32 v9, v15  }
0x5b8: {  	[tilespmem:v0+s5+$0x50 ss:$0x1] =	vst.idx.msk $0xffff, v16;
	v63 =	vadd.f32 v10, v15;
	v10 =	vld.idx.msk [tilespmem:v0+s5+$0x3070 ss:$0x1], $0xffff  }
0x5b9: {  	v9 =	vld.idx.msk [tilespmem:v0+s5+$0x70 ss:$0x1], $0xffff;
	[tilespmem:v0+s5+$0x3050 ss:$0x1] =	vst.idx.msk $0xffff, v7;
	v7 =	vadd.f32 v11, v15  }
0x5ba: {  	v11 =	vld.idx.msk [tilespmem:v0+s5+$0x6070 ss:$0x1], $0xffff;
	v14 =	vadd.f32 v14, v6;
	[tilespmem:v0+s5+$0x6050 ss:$0x1] =	vst.idx.msk $0xffff, v63  }
0x5bb: {  	s6 =	simm.s32 $0x0;
	s8 =	smov.u32 s5;
	v13 =	vadd.f32 v13, v6;
	[tilespmem:v0+s5+$0x9050 ss:$0x1] =	vst.idx.msk $0xffff, v7;
	v7 =	vld.idx.msk [tilespmem:v0+s7+$0xFFFFFF90 ss:$0x1], $0xffff;
	s7 =	sadd.s32 $0x400, s7  }
.LBB2_51:
0x5bc: {  	v15 =	vld.idx.msk [tilespmem:v0+s7+$0x0 ss:$0x1], $0xffff;
	[tilespmem:v0+s5+$0x60 ss:$0x1] =	vst.idx.msk $0xffff, v14;
	v12 =	vadd.f32 v12, v6;
	s8 =	sadd.s32 $0x400, s8  }
0x5bd: {  	s6 =	sadd.s32 $0x80, s6;
	v6 =	vadd.f32 v8, v6;
	v14 =	vld.idx.msk [tilespmem:v0+s8+$0x9070 ss:$0x1], $0xffff;
	[tilespmem:v0+s5+$0x3060 ss:$0x1] =	vst.idx.msk $0xffff, v13  }
0x5be: {  	p0 =	slt.u32 s6, $0x280;
	v9 =	vadd.f32 v9, v1;
	v8 =	vld.idx.msk [tilespmem:v0+s8+$0x0 ss:$0x1], $0xffff;
	[tilespmem:v0+s5+$0x6060 ss:$0x1] =	vst.idx.msk $0xffff, v12  }
0x5bf: {  	v12 =	vld.idx.msk [tilespmem:v0+s8+$0x3000 ss:$0x1], $0xffff;
	[tilespmem:v0+s5+$0x9060 ss:$0x1] =	vst.idx.msk $0xffff, v6;
	v6 =	vadd.f32 v10, v1  }
0x5c0: {  	v13 =	vadd.f32 v11, v1;
	v10 =	vld.idx.msk [tilespmem:v0+s8+$0x6000 ss:$0x1], $0xffff;
	[tilespmem:v0+s5+$0x70 ss:$0x1] =	vst.idx.msk $0xffff, v9  }
0x5c1: {  	v16 =	vadd.f32 v2, v7;
	v4 =	vadd.f32 v4, v7;
	v9 =	vld.idx.msk [tilespmem:v0+s8+$0x9000 ss:$0x1], $0xffff;
	[tilespmem:v0+s5+$0x3070 ss:$0x1] =	vst.idx.msk $0xffff, v6  }
0x5c2: {  	v3 =	vadd.f32 v3, v7;
	v5 =	vadd.f32 v5, v7;
	v6 =	vld.idx.msk [tilespmem:v0+s7+$0xFFFFFFA0 ss:$0x1], $0xffff;
	[tilespmem:v0+s5+$0x6070 ss:$0x1] =	vst.idx.msk $0xffff, v13  }
0x5c3: {  	v1 =	vmov v15;
	v11 =	vadd.f32 v14, v15;
	v7 =	vld.idx.msk [tilespmem:v0+s8+$0x10 ss:$0x1], $0xffff;
	[tilespmem:v0+s5+$0x0 ss:$0x1] =	vst.idx.msk $0xffff, v16  }
0x5c4: {  	v2 =	vmov v8;
	v13 =	vld.idx.msk [tilespmem:v0+s8+$0x3010 ss:$0x1], $0xffff;
	[tilespmem:v0+s5+$0x3000 ss:$0x1] =	vst.idx.msk $0xffff, v4  }
0x5c5: {  	v4 =	vmov v12;
	v8 =	vld.idx.msk [tilespmem:v0+s8+$0x6010 ss:$0x1], $0xffff;
	[tilespmem:v0+s8+$0x9070 ss:$0x1] =	vst.idx.msk $0xffff, v11  }
0x5c6: {  	v11 =	vld.idx.msk [tilespmem:v0+s8+$0x9010 ss:$0x1], $0xffff;
	[tilespmem:v0+s5+$0x6000 ss:$0x1] =	vst.idx.msk $0xffff, v3;
	v3 =	vmov v10  }
0x5c7: {  	v10 =	vld.idx.msk [tilespmem:v0+s7+$0xFFFFFFB0 ss:$0x1], $0xffff;
	[tilespmem:v0+s5+$0x9000 ss:$0x1] =	vst.idx.msk $0xffff, v5;
	v5 =	vmov v9;
	s5 =	smov.u32 s8  }
0x5c8: {  	v9 =	vld.idx.msk [tilespmem:v0+s8+$0x20 ss:$0x1], $0xffff  }
0x5c9: {  	v7 =	vadd.f32 v7, v6;
	v12 =	vld.idx.msk [tilespmem:v0+s8+$0x3020 ss:$0x1], $0xffff  }
0x5ca: {  	v13 =	vadd.f32 v13, v6;
	v14 =	vld.idx.msk [tilespmem:v0+s8+$0x6020 ss:$0x1], $0xffff  }
0x5cb: {  	[tilespmem:v0+s8+$0x10 ss:$0x1] =	vst.idx.msk $0xffff, v7;
	v7 =	vadd.f32 v8, v6;
	v8 =	vld.idx.msk [tilespmem:v0+s8+$0x9020 ss:$0x1], $0xffff  }
0x5cc: {  	v6 =	vadd.f32 v11, v6;
	[tilespmem:v0+s8+$0x3010 ss:$0x1] =	vst.idx.msk $0xffff, v13;
	v11 =	vld.idx.msk [tilespmem:v0+s7+$0xFFFFFFC0 ss:$0x1], $0xffff  }
0x5cd: {  	[tilespmem:v0+s8+$0x6010 ss:$0x1] =	vst.idx.msk $0xffff, v7;
	v7 =	vld.idx.msk [tilespmem:v0+s8+$0x30 ss:$0x1], $0xffff  }
0x5ce: {  	[tilespmem:v0+s8+$0x9010 ss:$0x1] =	vst.idx.msk $0xffff, v6;
	v6 =	vadd.f32 v9, v10;
	v9 =	vld.idx.msk [tilespmem:v0+s8+$0x3030 ss:$0x1], $0xffff  }
0x5cf: {  	v12 =	vadd.f32 v12, v10;
	v13 =	vld.idx.msk [tilespmem:v0+s8+$0x6030 ss:$0x1], $0xffff  }
0x5d0: {  	[tilespmem:v0+s8+$0x20 ss:$0x1] =	vst.idx.msk $0xffff, v6;
	v6 =	vadd.f32 v14, v10;
	v14 =	vld.idx.msk [tilespmem:v0+s8+$0x9030 ss:$0x1], $0xffff  }
0x5d1: {  	v8 =	vadd.f32 v8, v10;
	[tilespmem:v0+s8+$0x3020 ss:$0x1] =	vst.idx.msk $0xffff, v12;
	v10 =	vld.idx.msk [tilespmem:v0+s7+$0xFFFFFFD0 ss:$0x1], $0xffff  }
0x5d2: {  	[tilespmem:v0+s8+$0x6020 ss:$0x1] =	vst.idx.msk $0xffff, v6;
	v6 =	vld.idx.msk [tilespmem:v0+s8+$0x40 ss:$0x1], $0xffff  }
0x5d3: {  	v7 =	vadd.f32 v7, v11;
	[tilespmem:v0+s8+$0x9020 ss:$0x1] =	vst.idx.msk $0xffff, v8;
	v8 =	vld.idx.msk [tilespmem:v0+s8+$0x3040 ss:$0x1], $0xffff  }
0x5d4: {  	v9 =	vadd.f32 v9, v11;
	v12 =	vld.idx.msk [tilespmem:v0+s8+$0x6040 ss:$0x1], $0xffff  }
0x5d5: {  	[tilespmem:v0+s8+$0x30 ss:$0x1] =	vst.idx.msk $0xffff, v7;
	v7 =	vadd.f32 v13, v11;
	v13 =	vld.idx.msk [tilespmem:v0+s8+$0x9040 ss:$0x1], $0xffff  }
0x5d6: {  	[tilespmem:v0+s8+$0x3030 ss:$0x1] =	vst.idx.msk $0xffff, v9;
	v9 =	vadd.f32 v14, v11;
	v11 =	vld.idx.msk [tilespmem:v0+s7+$0xFFFFFFE0 ss:$0x1], $0xffff  }
0x5d7: {  	[tilespmem:v0+s8+$0x6030 ss:$0x1] =	vst.idx.msk $0xffff, v7;
	v7 =	vld.idx.msk [tilespmem:v0+s8+$0x50 ss:$0x1], $0xffff  }
0x5d8: {  	v6 =	vadd.f32 v6, v10;
	[tilespmem:v0+s8+$0x9030 ss:$0x1] =	vst.idx.msk $0xffff, v9;
	v9 =	vld.idx.msk [tilespmem:v0+s8+$0x3050 ss:$0x1], $0xffff  }
0x5d9: {  	v8 =	vadd.f32 v8, v10;
	v14 =	vld.idx.msk [tilespmem:v0+s8+$0x6050 ss:$0x1], $0xffff  }
0x5da: {  	v12 =	vadd.f32 v12, v10;
	[tilespmem:v0+s8+$0x40 ss:$0x1] =	vst.idx.msk $0xffff, v6;
	v15 =	vld.idx.msk [tilespmem:v0+s8+$0x9050 ss:$0x1], $0xffff  }
0x5db: {  	[tilespmem:v0+s8+$0x3040 ss:$0x1] =	vst.idx.msk $0xffff, v8;
	v8 =	vadd.f32 v13, v10;
	v6 =	vld.idx.msk [tilespmem:v0+s7+$0xFFFFFFF0 ss:$0x1], $0xffff  }
0x5dc: {  	[tilespmem:v0+s8+$0x6040 ss:$0x1] =	vst.idx.msk $0xffff, v12;
	v13 =	vld.idx.msk [tilespmem:v0+s8+$0x60 ss:$0x1], $0xffff  }
0x5dd: {  	v7 =	vadd.f32 v7, v11;
	[tilespmem:v0+s8+$0x9040 ss:$0x1] =	vst.idx.msk $0xffff, v8;
	v16 =	vld.idx.msk [tilespmem:v0+s8+$0x3060 ss:$0x1], $0xffff  }
0x5de: {  	v9 =	vadd.f32 v9, v11;
	v12 =	vld.idx.msk [tilespmem:v0+s8+$0x6060 ss:$0x1], $0xffff  }
.Ltmp24:
0x5df: {  	[tilespmem:v0+s8+$0x50 ss:$0x1] =	vst.idx.msk $0xffff, v7;
	v7 =	vadd.f32 v14, v11;
	v8 =	vld.idx.msk [tilespmem:v0+s8+$0x9060 ss:$0x1], $0xffff;
	(pc) =	sbr.rel @p0 .LBB2_51-.Ltmp24, $4  }
0x5e0: {  	v11 =	vadd.f32 v15, v11;
	[tilespmem:v0+s8+$0x3050 ss:$0x1] =	vst.idx.msk $0xffff, v9;
	v9 =	vld.idx.msk [tilespmem:v0+s8+$0x70 ss:$0x1], $0xffff  }
0x5e1: {  	[tilespmem:v0+s8+$0x6050 ss:$0x1] =	vst.idx.msk $0xffff, v7;
	v10 =	vld.idx.msk [tilespmem:v0+s8+$0x3070 ss:$0x1], $0xffff  }
0x5e2: {  	v14 =	vadd.f32 v13, v6;
	[tilespmem:v0+s8+$0x9050 ss:$0x1] =	vst.idx.msk $0xffff, v11;
	v11 =	vld.idx.msk [tilespmem:v0+s8+$0x6070 ss:$0x1], $0xffff  }
0x5e3: {  	v13 =	vadd.f32 v16, v6;
	v7 =	vld.idx.msk [tilespmem:v0+s7+$0xFFFFFF90 ss:$0x1], $0xffff;
	s7 =	sadd.s32 $0x400, s7  }
0x5e4: {  	_ =	sdelay $0x3  }
0x5e5: {  	[tilespmem:v0+s5+$0x60 ss:$0x1] =	vst.idx.msk $0xffff, v14;
	v12 =	vadd.f32 v12, v6  }
0x5e6: {  	v58 =	vadd.f32 v8, v6;
	[tilespmem:v0+s5+$0x3060 ss:$0x1] =	vst.idx.msk $0xffff, v13  }
0x5e7: {  	v59 =	vadd.f32 v9, v1;
	[tilespmem:v0+s5+$0x6060 ss:$0x1] =	vst.idx.msk $0xffff, v12  }
0x5e8: {  	v60 =	vadd.f32 v10, v1;
	[tilespmem:v0+s5+$0x9060 ss:$0x1] =	vst.idx.msk $0xffff, v58  }
0x5e9: {  	s4 =	sadd.s32 $0x1, s4;
	[tilespmem:v0+s5+$0x70 ss:$0x1] =	vst.idx.msk $0xffff, v59;
	v61 =	vadd.f32 v11, v1  }
0x5ea: {  	p0 =	sne.s32 s4, $0x10;
	v2 =	vadd.f32 v2, v7;
	[tilespmem:v0+s5+$0x3070 ss:$0x1] =	vst.idx.msk $0xffff, v60  }
.Ltmp25:
0x5eb: {  	v4 =	vadd.f32 v4, v7;
	[tilespmem:v0+s5+$0x6070 ss:$0x1] =	vst.idx.msk $0xffff, v61;
	(pc) =	sbr.rel @p0 .LBB2_50-.Ltmp25, $4  }
0x5ec: {  	v62 =	vadd.f32 v3, v7;
	[tilespmem:v0+s5+$0x0 ss:$0x1] =	vst.idx.msk $0xffff, v2  }
0x5ed: {  	v63 =	vadd.f32 v5, v7;
	[tilespmem:v0+s5+$0x3000 ss:$0x1] =	vst.idx.msk $0xffff, v4  }
0x5ee: {  	[tilespmem:v0+s5+$0x6000 ss:$0x1] =	vst.idx.msk $0xffff, v62  }
0x5ef: {  	s3 =	sadd.s32 $0x1, s3;
	[tilespmem:v0+s5+$0x9000 ss:$0x1] =	vst.idx.msk $0xffff, v63  }
0x5f0: {  	s3 =	simm.s32 $0x0  }
0x5f1: {  	[hbm4b:s10+s21] =	stream.strided.scatter [tilespmem:s3], [sflag:$0x5], $0xC000, s22, s21, $0x38;
	[tilespmem:$0x1E000] =	vst v63  }
0x5f2: {  	_ =	swait.ge [sflag:s29], $0xC000  }
0x5f3: {  	[sflag:s29] =	ssyncset.done $0x0  }
0x5f4: {  	[sflag:s29] =	ssyncadd.s32 $0xFFFF4000  }
0x5f5: {  	[tilespmem:s3], [sflag:$0x1] =	stream.strided.gather [hbm4b:s14+s21], $0xC000, s22, s21, $0x38;
	[tilespmem:$0x1E000] =	vst v63  }
0x5f6: {  	_ = 	snop  }
0x5f7: {  	[tilespmem:s23], [sflag:$0x3] =	stream.linear.gather [hbm4b:s16+s3], $0x3000, $0x38;
	[tilespmem:$0x1E000] =	vst v63  }
0x5f8: {  	_ =	swait.ge [sflag:s30], $0xC000  }
0x5f9: {  	[sflag:s30] =	ssyncset.done $0x0  }
0x5fa: {  	[sflag:s30] =	ssyncadd.s32 $0xFFFF4000  }
0x5fb: {  	_ =	swait.ge [sflag:s31], $0x3000  }
0x5fc: {  	[sflag:s31] =	ssyncset.done $0x0  }
0x5fd: {  	s4 =	simm.s32 $0x0;
	[sflag:s31] =	ssyncadd.s32 $0xFFFFD000  }
.LBB2_54:
0x5fe: {  	s5 =	sand.u32 $0x7, s3  }
0x5ff: {  	s5 =	sshll.u32 s5, $0x9  }
0x600: {  	s5 =	sshrl.u32 s5, $0x2  }
0x601: {  	s6 =	sshrl.u32 s4, $0x3;
	v0 =	vmov s5  }
0x602: {  	s8 =	smul.u32 $0x6000, s6;
	_ =	sdelay $0x1  }
0x603: {  	s5 =	sshra.s32 s8, $0x2  }
0x604: {  	s7 =	sadd.s32 $0x1B070, s5  }
0x605: {  	s5 =	sadd.s32 $0xC000, s5;
	v1 =	vld.idx.msk [tilespmem:v0+s7+$0x0 ss:$0x1], $0xffff  }
0x606: {  	v6 =	vld.idx.msk [tilespmem:v0+s5+$0x9070 ss:$0x1], $0xffff  }
0x607: {  	v2 =	vld.idx.msk [tilespmem:v0+s5+$0x0 ss:$0x1], $0xffff  }
0x608: {  	v4 =	vld.idx.msk [tilespmem:v0+s5+$0x3000 ss:$0x1], $0xffff  }
0x609: {  	v3 =	vld.idx.msk [tilespmem:v0+s5+$0x6000 ss:$0x1], $0xffff  }
0x60a: {  	v5 =	vld.idx.msk [tilespmem:v0+s5+$0x9000 ss:$0x1], $0xffff  }
0x60b: {  	v7 =	vld.idx.msk [tilespmem:v0+s7+$0xFFFFFFA0 ss:$0x1], $0xffff  }
0x60c: {  	v8 =	vld.idx.msk [tilespmem:v0+s5+$0x10 ss:$0x1], $0xffff  }
0x60d: {  	v9 =	vld.idx.msk [tilespmem:v0+s5+$0x3010 ss:$0x1], $0xffff  }
0x60e: {  	v10 =	vld.idx.msk [tilespmem:v0+s5+$0x6010 ss:$0x1], $0xffff  }
0x60f: {  	v11 =	vld.idx.msk [tilespmem:v0+s5+$0x9010 ss:$0x1], $0xffff  }
0x610: {  	v12 =	vld.idx.msk [tilespmem:v0+s7+$0xFFFFFFB0 ss:$0x1], $0xffff  }
0x611: {  	v13 =	vld.idx.msk [tilespmem:v0+s5+$0x20 ss:$0x1], $0xffff  }
0x612: {  	v14 =	vld.idx.msk [tilespmem:v0+s5+$0x3020 ss:$0x1], $0xffff  }
0x613: {  	v15 =	vld.idx.msk [tilespmem:v0+s5+$0x6020 ss:$0x1], $0xffff  }
0x614: {  	v16 =	vld.idx.msk [tilespmem:v0+s5+$0x9020 ss:$0x1], $0xffff  }
0x615: {  	v17 =	vld.idx.msk [tilespmem:v0+s7+$0xFFFFFFC0 ss:$0x1], $0xffff  }
0x616: {  	v18 =	vld.idx.msk [tilespmem:v0+s5+$0x30 ss:$0x1], $0xffff;
	v6 =	vadd.f32 v6, v1  }
0x617: {  	v19 =	vld.idx.msk [tilespmem:v0+s5+$0x3030 ss:$0x1], $0xffff;
	v8 =	vadd.f32 v8, v7  }
0x618: {  	v62 =	vld.idx.msk [tilespmem:v0+s5+$0x50 ss:$0x1], $0xffff;
	[tilespmem:v0+s5+$0x9070 ss:$0x1] =	vst.idx.msk $0xffff, v6;
	v6 =	vadd.f32 v9, v7  }
0x619: {  	v9 =	vld.idx.msk [tilespmem:v0+s5+$0x6030 ss:$0x1], $0xffff;
	[tilespmem:v0+s5+$0x10 ss:$0x1] =	vst.idx.msk $0xffff, v8;
	v8 =	vadd.f32 v10, v7  }
0x61a: {  	v10 =	vld.idx.msk [tilespmem:v0+s5+$0x9030 ss:$0x1], $0xffff;
	[tilespmem:v0+s5+$0x3010 ss:$0x1] =	vst.idx.msk $0xffff, v6;
	v6 =	vadd.f32 v11, v7  }
0x61b: {  	v7 =	vld.idx.msk [tilespmem:v0+s7+$0xFFFFFFD0 ss:$0x1], $0xffff;
	[tilespmem:v0+s5+$0x6010 ss:$0x1] =	vst.idx.msk $0xffff, v8;
	v8 =	vadd.f32 v13, v12  }
0x61c: {  	v11 =	vld.idx.msk [tilespmem:v0+s5+$0x40 ss:$0x1], $0xffff;
	[tilespmem:v0+s5+$0x9010 ss:$0x1] =	vst.idx.msk $0xffff, v6;
	v6 =	vadd.f32 v14, v12  }
0x61d: {  	v13 =	vld.idx.msk [tilespmem:v0+s5+$0x3040 ss:$0x1], $0xffff;
	[tilespmem:v0+s5+$0x20 ss:$0x1] =	vst.idx.msk $0xffff, v8;
	v8 =	vadd.f32 v15, v12  }
0x61e: {  	v14 =	vld.idx.msk [tilespmem:v0+s5+$0x6040 ss:$0x1], $0xffff;
	[tilespmem:v0+s5+$0x3020 ss:$0x1] =	vst.idx.msk $0xffff, v6;
	v6 =	vadd.f32 v16, v12  }
0x61f: {  	v15 =	vld.idx.msk [tilespmem:v0+s7+$0xFFFFFFE0 ss:$0x1], $0xffff;
	[tilespmem:v0+s5+$0x6020 ss:$0x1] =	vst.idx.msk $0xffff, v8;
	v8 =	vadd.f32 v18, v17  }
0x620: {  	v12 =	vld.idx.msk [tilespmem:v0+s5+$0x9040 ss:$0x1], $0xffff;
	[tilespmem:v0+s5+$0x9020 ss:$0x1] =	vst.idx.msk $0xffff, v6;
	v6 =	vadd.f32 v19, v17  }
0x621: {  	[tilespmem:v0+s5+$0x30 ss:$0x1] =	vst.idx.msk $0xffff, v8;
	v8 =	vadd.f32 v9, v17;
	v9 =	vld.idx.msk [tilespmem:v0+s5+$0x3050 ss:$0x1], $0xffff  }
0x622: {  	[tilespmem:v0+s5+$0x3030 ss:$0x1] =	vst.idx.msk $0xffff, v6;
	v6 =	vadd.f32 v10, v17;
	v10 =	vld.idx.msk [tilespmem:v0+s5+$0x6050 ss:$0x1], $0xffff  }
0x623: {  	[tilespmem:v0+s5+$0x6030 ss:$0x1] =	vst.idx.msk $0xffff, v8;
	v8 =	vadd.f32 v11, v7;
	v11 =	vld.idx.msk [tilespmem:v0+s5+$0x9050 ss:$0x1], $0xffff  }
0x624: {  	v13 =	vadd.f32 v13, v7;
	[tilespmem:v0+s5+$0x9030 ss:$0x1] =	vst.idx.msk $0xffff, v6;
	v6 =	vld.idx.msk [tilespmem:v0+s7+$0xFFFFFFF0 ss:$0x1], $0xffff  }
0x625: {  	[tilespmem:v0+s5+$0x40 ss:$0x1] =	vst.idx.msk $0xffff, v8;
	v8 =	vadd.f32 v14, v7;
	v14 =	vld.idx.msk [tilespmem:v0+s5+$0x60 ss:$0x1], $0xffff  }
0x626: {  	v7 =	vadd.f32 v12, v7;
	v12 =	vld.idx.msk [tilespmem:v0+s5+$0x6060 ss:$0x1], $0xffff;
	[tilespmem:v0+s5+$0x3040 ss:$0x1] =	vst.idx.msk $0xffff, v13  }
0x627: {  	v16 =	vadd.f32 v62, v15;
	v13 =	vld.idx.msk [tilespmem:v0+s5+$0x3060 ss:$0x1], $0xffff;
	[tilespmem:v0+s5+$0x6040 ss:$0x1] =	vst.idx.msk $0xffff, v8  }
0x628: {  	v8 =	vld.idx.msk [tilespmem:v0+s5+$0x9060 ss:$0x1], $0xffff;
	[tilespmem:v0+s5+$0x9040 ss:$0x1] =	vst.idx.msk $0xffff, v7;
	v7 =	vadd.f32 v9, v15  }
0x629: {  	[tilespmem:v0+s5+$0x50 ss:$0x1] =	vst.idx.msk $0xffff, v16;
	v63 =	vadd.f32 v10, v15;
	v10 =	vld.idx.msk [tilespmem:v0+s5+$0x3070 ss:$0x1], $0xffff  }
0x62a: {  	v9 =	vld.idx.msk [tilespmem:v0+s5+$0x70 ss:$0x1], $0xffff;
	[tilespmem:v0+s5+$0x3050 ss:$0x1] =	vst.idx.msk $0xffff, v7;
	v7 =	vadd.f32 v11, v15  }
0x62b: {  	v11 =	vld.idx.msk [tilespmem:v0+s5+$0x6070 ss:$0x1], $0xffff;
	v14 =	vadd.f32 v14, v6;
	[tilespmem:v0+s5+$0x6050 ss:$0x1] =	vst.idx.msk $0xffff, v63  }
0x62c: {  	s6 =	simm.s32 $0x0;
	s8 =	smov.u32 s5;
	v13 =	vadd.f32 v13, v6;
	[tilespmem:v0+s5+$0x9050 ss:$0x1] =	vst.idx.msk $0xffff, v7;
	v7 =	vld.idx.msk [tilespmem:v0+s7+$0xFFFFFF90 ss:$0x1], $0xffff;
	s7 =	sadd.s32 $0x400, s7  }
.LBB2_55:
0x62d: {  	v15 =	vld.idx.msk [tilespmem:v0+s7+$0x0 ss:$0x1], $0xffff;
	[tilespmem:v0+s5+$0x60 ss:$0x1] =	vst.idx.msk $0xffff, v14;
	v12 =	vadd.f32 v12, v6;
	s8 =	sadd.s32 $0x400, s8  }
0x62e: {  	s6 =	sadd.s32 $0x80, s6;
	v6 =	vadd.f32 v8, v6;
	v14 =	vld.idx.msk [tilespmem:v0+s8+$0x9070 ss:$0x1], $0xffff;
	[tilespmem:v0+s5+$0x3060 ss:$0x1] =	vst.idx.msk $0xffff, v13  }
0x62f: {  	p0 =	slt.u32 s6, $0x280;
	v9 =	vadd.f32 v9, v1;
	v8 =	vld.idx.msk [tilespmem:v0+s8+$0x0 ss:$0x1], $0xffff;
	[tilespmem:v0+s5+$0x6060 ss:$0x1] =	vst.idx.msk $0xffff, v12  }
0x630: {  	v12 =	vld.idx.msk [tilespmem:v0+s8+$0x3000 ss:$0x1], $0xffff;
	[tilespmem:v0+s5+$0x9060 ss:$0x1] =	vst.idx.msk $0xffff, v6;
	v6 =	vadd.f32 v10, v1  }
0x631: {  	v13 =	vadd.f32 v11, v1;
	v10 =	vld.idx.msk [tilespmem:v0+s8+$0x6000 ss:$0x1], $0xffff;
	[tilespmem:v0+s5+$0x70 ss:$0x1] =	vst.idx.msk $0xffff, v9  }
0x632: {  	v16 =	vadd.f32 v2, v7;
	v4 =	vadd.f32 v4, v7;
	v9 =	vld.idx.msk [tilespmem:v0+s8+$0x9000 ss:$0x1], $0xffff;
	[tilespmem:v0+s5+$0x3070 ss:$0x1] =	vst.idx.msk $0xffff, v6  }
0x633: {  	v3 =	vadd.f32 v3, v7;
	v5 =	vadd.f32 v5, v7;
	v6 =	vld.idx.msk [tilespmem:v0+s7+$0xFFFFFFA0 ss:$0x1], $0xffff;
	[tilespmem:v0+s5+$0x6070 ss:$0x1] =	vst.idx.msk $0xffff, v13  }
0x634: {  	v1 =	vmov v15;
	v11 =	vadd.f32 v14, v15;
	v7 =	vld.idx.msk [tilespmem:v0+s8+$0x10 ss:$0x1], $0xffff;
	[tilespmem:v0+s5+$0x0 ss:$0x1] =	vst.idx.msk $0xffff, v16  }
0x635: {  	v2 =	vmov v8;
	v13 =	vld.idx.msk [tilespmem:v0+s8+$0x3010 ss:$0x1], $0xffff;
	[tilespmem:v0+s5+$0x3000 ss:$0x1] =	vst.idx.msk $0xffff, v4  }
0x636: {  	v4 =	vmov v12;
	v8 =	vld.idx.msk [tilespmem:v0+s8+$0x6010 ss:$0x1], $0xffff;
	[tilespmem:v0+s8+$0x9070 ss:$0x1] =	vst.idx.msk $0xffff, v11  }
0x637: {  	v11 =	vld.idx.msk [tilespmem:v0+s8+$0x9010 ss:$0x1], $0xffff;
	[tilespmem:v0+s5+$0x6000 ss:$0x1] =	vst.idx.msk $0xffff, v3;
	v3 =	vmov v10  }
0x638: {  	v10 =	vld.idx.msk [tilespmem:v0+s7+$0xFFFFFFB0 ss:$0x1], $0xffff;
	[tilespmem:v0+s5+$0x9000 ss:$0x1] =	vst.idx.msk $0xffff, v5;
	v5 =	vmov v9;
	s5 =	smov.u32 s8  }
0x639: {  	v9 =	vld.idx.msk [tilespmem:v0+s8+$0x20 ss:$0x1], $0xffff  }
0x63a: {  	v7 =	vadd.f32 v7, v6;
	v12 =	vld.idx.msk [tilespmem:v0+s8+$0x3020 ss:$0x1], $0xffff  }
0x63b: {  	v13 =	vadd.f32 v13, v6;
	v14 =	vld.idx.msk [tilespmem:v0+s8+$0x6020 ss:$0x1], $0xffff  }
0x63c: {  	[tilespmem:v0+s8+$0x10 ss:$0x1] =	vst.idx.msk $0xffff, v7;
	v7 =	vadd.f32 v8, v6;
	v8 =	vld.idx.msk [tilespmem:v0+s8+$0x9020 ss:$0x1], $0xffff  }
0x63d: {  	v6 =	vadd.f32 v11, v6;
	[tilespmem:v0+s8+$0x3010 ss:$0x1] =	vst.idx.msk $0xffff, v13;
	v11 =	vld.idx.msk [tilespmem:v0+s7+$0xFFFFFFC0 ss:$0x1], $0xffff  }
0x63e: {  	[tilespmem:v0+s8+$0x6010 ss:$0x1] =	vst.idx.msk $0xffff, v7;
	v7 =	vld.idx.msk [tilespmem:v0+s8+$0x30 ss:$0x1], $0xffff  }
0x63f: {  	[tilespmem:v0+s8+$0x9010 ss:$0x1] =	vst.idx.msk $0xffff, v6;
	v6 =	vadd.f32 v9, v10;
	v9 =	vld.idx.msk [tilespmem:v0+s8+$0x3030 ss:$0x1], $0xffff  }
0x640: {  	v12 =	vadd.f32 v12, v10;
	v13 =	vld.idx.msk [tilespmem:v0+s8+$0x6030 ss:$0x1], $0xffff  }
0x641: {  	[tilespmem:v0+s8+$0x20 ss:$0x1] =	vst.idx.msk $0xffff, v6;
	v6 =	vadd.f32 v14, v10;
	v14 =	vld.idx.msk [tilespmem:v0+s8+$0x9030 ss:$0x1], $0xffff  }
0x642: {  	v8 =	vadd.f32 v8, v10;
	[tilespmem:v0+s8+$0x3020 ss:$0x1] =	vst.idx.msk $0xffff, v12;
	v10 =	vld.idx.msk [tilespmem:v0+s7+$0xFFFFFFD0 ss:$0x1], $0xffff  }
0x643: {  	[tilespmem:v0+s8+$0x6020 ss:$0x1] =	vst.idx.msk $0xffff, v6;
	v6 =	vld.idx.msk [tilespmem:v0+s8+$0x40 ss:$0x1], $0xffff  }
0x644: {  	v7 =	vadd.f32 v7, v11;
	[tilespmem:v0+s8+$0x9020 ss:$0x1] =	vst.idx.msk $0xffff, v8;
	v8 =	vld.idx.msk [tilespmem:v0+s8+$0x3040 ss:$0x1], $0xffff  }
0x645: {  	v9 =	vadd.f32 v9, v11;
	v12 =	vld.idx.msk [tilespmem:v0+s8+$0x6040 ss:$0x1], $0xffff  }
0x646: {  	[tilespmem:v0+s8+$0x30 ss:$0x1] =	vst.idx.msk $0xffff, v7;
	v7 =	vadd.f32 v13, v11;
	v13 =	vld.idx.msk [tilespmem:v0+s8+$0x9040 ss:$0x1], $0xffff  }
0x647: {  	[tilespmem:v0+s8+$0x3030 ss:$0x1] =	vst.idx.msk $0xffff, v9;
	v9 =	vadd.f32 v14, v11;
	v11 =	vld.idx.msk [tilespmem:v0+s7+$0xFFFFFFE0 ss:$0x1], $0xffff  }
0x648: {  	[tilespmem:v0+s8+$0x6030 ss:$0x1] =	vst.idx.msk $0xffff, v7;
	v7 =	vld.idx.msk [tilespmem:v0+s8+$0x50 ss:$0x1], $0xffff  }
0x649: {  	v6 =	vadd.f32 v6, v10;
	[tilespmem:v0+s8+$0x9030 ss:$0x1] =	vst.idx.msk $0xffff, v9;
	v9 =	vld.idx.msk [tilespmem:v0+s8+$0x3050 ss:$0x1], $0xffff  }
0x64a: {  	v8 =	vadd.f32 v8, v10;
	v14 =	vld.idx.msk [tilespmem:v0+s8+$0x6050 ss:$0x1], $0xffff  }
0x64b: {  	v12 =	vadd.f32 v12, v10;
	[tilespmem:v0+s8+$0x40 ss:$0x1] =	vst.idx.msk $0xffff, v6;
	v15 =	vld.idx.msk [tilespmem:v0+s8+$0x9050 ss:$0x1], $0xffff  }
0x64c: {  	[tilespmem:v0+s8+$0x3040 ss:$0x1] =	vst.idx.msk $0xffff, v8;
	v8 =	vadd.f32 v13, v10;
	v6 =	vld.idx.msk [tilespmem:v0+s7+$0xFFFFFFF0 ss:$0x1], $0xffff  }
0x64d: {  	[tilespmem:v0+s8+$0x6040 ss:$0x1] =	vst.idx.msk $0xffff, v12;
	v13 =	vld.idx.msk [tilespmem:v0+s8+$0x60 ss:$0x1], $0xffff  }
0x64e: {  	v7 =	vadd.f32 v7, v11;
	[tilespmem:v0+s8+$0x9040 ss:$0x1] =	vst.idx.msk $0xffff, v8;
	v16 =	vld.idx.msk [tilespmem:v0+s8+$0x3060 ss:$0x1], $0xffff  }
0x64f: {  	v9 =	vadd.f32 v9, v11;
	v12 =	vld.idx.msk [tilespmem:v0+s8+$0x6060 ss:$0x1], $0xffff  }
.Ltmp26:
0x650: {  	[tilespmem:v0+s8+$0x50 ss:$0x1] =	vst.idx.msk $0xffff, v7;
	v7 =	vadd.f32 v14, v11;
	v8 =	vld.idx.msk [tilespmem:v0+s8+$0x9060 ss:$0x1], $0xffff;
	(pc) =	sbr.rel @p0 .LBB2_55-.Ltmp26, $4  }
0x651: {  	v11 =	vadd.f32 v15, v11;
	[tilespmem:v0+s8+$0x3050 ss:$0x1] =	vst.idx.msk $0xffff, v9;
	v9 =	vld.idx.msk [tilespmem:v0+s8+$0x70 ss:$0x1], $0xffff  }
0x652: {  	[tilespmem:v0+s8+$0x6050 ss:$0x1] =	vst.idx.msk $0xffff, v7;
	v10 =	vld.idx.msk [tilespmem:v0+s8+$0x3070 ss:$0x1], $0xffff  }
0x653: {  	v14 =	vadd.f32 v13, v6;
	[tilespmem:v0+s8+$0x9050 ss:$0x1] =	vst.idx.msk $0xffff, v11;
	v11 =	vld.idx.msk [tilespmem:v0+s8+$0x6070 ss:$0x1], $0xffff  }
0x654: {  	v13 =	vadd.f32 v16, v6;
	v7 =	vld.idx.msk [tilespmem:v0+s7+$0xFFFFFF90 ss:$0x1], $0xffff;
	s7 =	sadd.s32 $0x400, s7  }
0x655: {  	_ =	sdelay $0x3  }
0x656: {  	[tilespmem:v0+s5+$0x60 ss:$0x1] =	vst.idx.msk $0xffff, v14;
	v12 =	vadd.f32 v12, v6  }
0x657: {  	v58 =	vadd.f32 v8, v6;
	[tilespmem:v0+s5+$0x3060 ss:$0x1] =	vst.idx.msk $0xffff, v13  }
0x658: {  	v59 =	vadd.f32 v9, v1;
	[tilespmem:v0+s5+$0x6060 ss:$0x1] =	vst.idx.msk $0xffff, v12  }
0x659: {  	v60 =	vadd.f32 v10, v1;
	[tilespmem:v0+s5+$0x9060 ss:$0x1] =	vst.idx.msk $0xffff, v58  }
0x65a: {  	s4 =	sadd.s32 $0x1, s4;
	[tilespmem:v0+s5+$0x70 ss:$0x1] =	vst.idx.msk $0xffff, v59;
	v61 =	vadd.f32 v11, v1  }
0x65b: {  	p0 =	sne.s32 s4, $0x10;
	v2 =	vadd.f32 v2, v7;
	[tilespmem:v0+s5+$0x3070 ss:$0x1] =	vst.idx.msk $0xffff, v60  }
.Ltmp27:
0x65c: {  	v4 =	vadd.f32 v4, v7;
	[tilespmem:v0+s5+$0x6070 ss:$0x1] =	vst.idx.msk $0xffff, v61;
	(pc) =	sbr.rel @p0 .LBB2_54-.Ltmp27, $4  }
0x65d: {  	v62 =	vadd.f32 v3, v7;
	[tilespmem:v0+s5+$0x0 ss:$0x1] =	vst.idx.msk $0xffff, v2  }
0x65e: {  	v63 =	vadd.f32 v5, v7;
	[tilespmem:v0+s5+$0x3000 ss:$0x1] =	vst.idx.msk $0xffff, v4  }
0x65f: {  	[tilespmem:v0+s5+$0x6000 ss:$0x1] =	vst.idx.msk $0xffff, v62  }
0x660: {  	s3 =	sadd.s32 $0x1, s3;
	[tilespmem:v0+s5+$0x9000 ss:$0x1] =	vst.idx.msk $0xffff, v63  }
0x661: {  	[hbm4b:s13+s21] =	stream.strided.scatter [tilespmem:s24], [sflag:$0x6], $0xC000, s22, s21, $0x38;
	[tilespmem:$0x1E000] =	vst v63  }
0x662: {  	_ =	swait.ge [sflag:s0], $0xC000  }
0x663: {  	[sflag:s0] =	ssyncset.done $0x0  }
0x664: {  	[sflag:s0] =	ssyncadd.s32 $0xFFFF4000  }
0x665: {  	[tilespmem:s24], [sflag:$0x2] =	stream.strided.gather [hbm4b:s15+s21], $0xC000, s22, s21, $0x38;
	[tilespmem:$0x1E000] =	vst v63  }
0x666: {  	s3 =	simm.s32 $0x0  }
0x667: {  	[tilespmem:s25], [sflag:$0x4] =	stream.linear.gather [hbm4b:s17+s3], $0x3000, $0x38;
	[tilespmem:$0x1E000] =	vst v63  }
0x668: {  	_ =	swait.ge [sflag:s26], $0xC000  }
0x669: {  	[sflag:s26] =	ssyncset.done $0x0  }
0x66a: {  	[sflag:s26] =	ssyncadd.s32 $0xFFFF4000  }
0x66b: {  	_ =	swait.ge [sflag:s28], $0x3000  }
0x66c: {  	[sflag:s28] =	ssyncset.done $0x0  }
0x66d: {  	s4 =	simm.s32 $0x0;
	[sflag:s28] =	ssyncadd.s32 $0xFFFFD000  }
.LBB2_58:
0x66e: {  	s5 =	sand.u32 $0x7, s3  }
0x66f: {  	s5 =	sshll.u32 s5, $0x9  }
0x670: {  	s5 =	sshrl.u32 s5, $0x2  }
0x671: {  	s6 =	sshrl.u32 s4, $0x3;
	v0 =	vmov s5  }
0x672: {  	s8 =	smul.u32 $0x6000, s6;
	_ =	sdelay $0x1  }
0x673: {  	s5 =	sshra.s32 s8, $0x2  }
0x674: {  	s7 =	sadd.s32 $0x18070, s5  }
0x675: {  	v1 =	vld.idx.msk [tilespmem:v0+s7+$0x0 ss:$0x1], $0xffff  }
0x676: {  	v6 =	vld.idx.msk [tilespmem:v0+s5+$0x9070 ss:$0x1], $0xffff  }
0x677: {  	v2 =	vld.idx.msk [tilespmem:v0+s5+$0x0 ss:$0x1], $0xffff  }
0x678: {  	v4 =	vld.idx.msk [tilespmem:v0+s5+$0x3000 ss:$0x1], $0xffff  }
0x679: {  	v3 =	vld.idx.msk [tilespmem:v0+s5+$0x6000 ss:$0x1], $0xffff  }
0x67a: {  	v5 =	vld.idx.msk [tilespmem:v0+s5+$0x9000 ss:$0x1], $0xffff  }
0x67b: {  	v7 =	vld.idx.msk [tilespmem:v0+s7+$0xFFFFFFA0 ss:$0x1], $0xffff  }
0x67c: {  	v8 =	vld.idx.msk [tilespmem:v0+s5+$0x10 ss:$0x1], $0xffff  }
0x67d: {  	v9 =	vld.idx.msk [tilespmem:v0+s5+$0x3010 ss:$0x1], $0xffff  }
0x67e: {  	v10 =	vld.idx.msk [tilespmem:v0+s5+$0x6010 ss:$0x1], $0xffff  }
0x67f: {  	v11 =	vld.idx.msk [tilespmem:v0+s5+$0x9010 ss:$0x1], $0xffff  }
0x680: {  	v12 =	vld.idx.msk [tilespmem:v0+s7+$0xFFFFFFB0 ss:$0x1], $0xffff  }
0x681: {  	v13 =	vld.idx.msk [tilespmem:v0+s5+$0x20 ss:$0x1], $0xffff  }
0x682: {  	v14 =	vld.idx.msk [tilespmem:v0+s5+$0x3020 ss:$0x1], $0xffff  }
0x683: {  	v15 =	vld.idx.msk [tilespmem:v0+s5+$0x6020 ss:$0x1], $0xffff  }
0x684: {  	v16 =	vld.idx.msk [tilespmem:v0+s5+$0x9020 ss:$0x1], $0xffff  }
0x685: {  	v17 =	vld.idx.msk [tilespmem:v0+s7+$0xFFFFFFC0 ss:$0x1], $0xffff  }
0x686: {  	v18 =	vld.idx.msk [tilespmem:v0+s5+$0x30 ss:$0x1], $0xffff;
	v6 =	vadd.f32 v6, v1  }
0x687: {  	v19 =	vld.idx.msk [tilespmem:v0+s5+$0x3030 ss:$0x1], $0xffff;
	v8 =	vadd.f32 v8, v7  }
0x688: {  	v62 =	vld.idx.msk [tilespmem:v0+s5+$0x50 ss:$0x1], $0xffff;
	[tilespmem:v0+s5+$0x9070 ss:$0x1] =	vst.idx.msk $0xffff, v6;
	v6 =	vadd.f32 v9, v7  }
0x689: {  	v9 =	vld.idx.msk [tilespmem:v0+s5+$0x6030 ss:$0x1], $0xffff;
	[tilespmem:v0+s5+$0x10 ss:$0x1] =	vst.idx.msk $0xffff, v8;
	v8 =	vadd.f32 v10, v7  }
0x68a: {  	v10 =	vld.idx.msk [tilespmem:v0+s5+$0x9030 ss:$0x1], $0xffff;
	[tilespmem:v0+s5+$0x3010 ss:$0x1] =	vst.idx.msk $0xffff, v6;
	v6 =	vadd.f32 v11, v7  }
0x68b: {  	v7 =	vld.idx.msk [tilespmem:v0+s7+$0xFFFFFFD0 ss:$0x1], $0xffff;
	[tilespmem:v0+s5+$0x6010 ss:$0x1] =	vst.idx.msk $0xffff, v8;
	v8 =	vadd.f32 v13, v12  }
0x68c: {  	v11 =	vld.idx.msk [tilespmem:v0+s5+$0x40 ss:$0x1], $0xffff;
	[tilespmem:v0+s5+$0x9010 ss:$0x1] =	vst.idx.msk $0xffff, v6;
	v6 =	vadd.f32 v14, v12  }
0x68d: {  	v13 =	vld.idx.msk [tilespmem:v0+s5+$0x3040 ss:$0x1], $0xffff;
	[tilespmem:v0+s5+$0x20 ss:$0x1] =	vst.idx.msk $0xffff, v8;
	v8 =	vadd.f32 v15, v12  }
0x68e: {  	v14 =	vld.idx.msk [tilespmem:v0+s5+$0x6040 ss:$0x1], $0xffff;
	[tilespmem:v0+s5+$0x3020 ss:$0x1] =	vst.idx.msk $0xffff, v6;
	v6 =	vadd.f32 v16, v12  }
0x68f: {  	v15 =	vld.idx.msk [tilespmem:v0+s7+$0xFFFFFFE0 ss:$0x1], $0xffff;
	[tilespmem:v0+s5+$0x6020 ss:$0x1] =	vst.idx.msk $0xffff, v8;
	v8 =	vadd.f32 v18, v17  }
0x690: {  	v12 =	vld.idx.msk [tilespmem:v0+s5+$0x9040 ss:$0x1], $0xffff;
	[tilespmem:v0+s5+$0x9020 ss:$0x1] =	vst.idx.msk $0xffff, v6;
	v6 =	vadd.f32 v19, v17  }
0x691: {  	[tilespmem:v0+s5+$0x30 ss:$0x1] =	vst.idx.msk $0xffff, v8;
	v8 =	vadd.f32 v9, v17;
	v9 =	vld.idx.msk [tilespmem:v0+s5+$0x3050 ss:$0x1], $0xffff  }
0x692: {  	[tilespmem:v0+s5+$0x3030 ss:$0x1] =	vst.idx.msk $0xffff, v6;
	v6 =	vadd.f32 v10, v17;
	v10 =	vld.idx.msk [tilespmem:v0+s5+$0x6050 ss:$0x1], $0xffff  }
0x693: {  	[tilespmem:v0+s5+$0x6030 ss:$0x1] =	vst.idx.msk $0xffff, v8;
	v8 =	vadd.f32 v11, v7;
	v11 =	vld.idx.msk [tilespmem:v0+s5+$0x9050 ss:$0x1], $0xffff  }
0x694: {  	v13 =	vadd.f32 v13, v7;
	[tilespmem:v0+s5+$0x9030 ss:$0x1] =	vst.idx.msk $0xffff, v6;
	v6 =	vld.idx.msk [tilespmem:v0+s7+$0xFFFFFFF0 ss:$0x1], $0xffff  }
0x695: {  	[tilespmem:v0+s5+$0x40 ss:$0x1] =	vst.idx.msk $0xffff, v8;
	v8 =	vadd.f32 v14, v7;
	v14 =	vld.idx.msk [tilespmem:v0+s5+$0x60 ss:$0x1], $0xffff  }
0x696: {  	v7 =	vadd.f32 v12, v7;
	v12 =	vld.idx.msk [tilespmem:v0+s5+$0x6060 ss:$0x1], $0xffff;
	[tilespmem:v0+s5+$0x3040 ss:$0x1] =	vst.idx.msk $0xffff, v13  }
0x697: {  	v16 =	vadd.f32 v62, v15;
	v13 =	vld.idx.msk [tilespmem:v0+s5+$0x3060 ss:$0x1], $0xffff;
	[tilespmem:v0+s5+$0x6040 ss:$0x1] =	vst.idx.msk $0xffff, v8  }
0x698: {  	v8 =	vld.idx.msk [tilespmem:v0+s5+$0x9060 ss:$0x1], $0xffff;
	[tilespmem:v0+s5+$0x9040 ss:$0x1] =	vst.idx.msk $0xffff, v7;
	v7 =	vadd.f32 v9, v15  }
0x699: {  	[tilespmem:v0+s5+$0x50 ss:$0x1] =	vst.idx.msk $0xffff, v16;
	v63 =	vadd.f32 v10, v15;
	v10 =	vld.idx.msk [tilespmem:v0+s5+$0x3070 ss:$0x1], $0xffff  }
0x69a: {  	v9 =	vld.idx.msk [tilespmem:v0+s5+$0x70 ss:$0x1], $0xffff;
	[tilespmem:v0+s5+$0x3050 ss:$0x1] =	vst.idx.msk $0xffff, v7;
	v7 =	vadd.f32 v11, v15  }
0x69b: {  	v11 =	vld.idx.msk [tilespmem:v0+s5+$0x6070 ss:$0x1], $0xffff;
	v14 =	vadd.f32 v14, v6;
	[tilespmem:v0+s5+$0x6050 ss:$0x1] =	vst.idx.msk $0xffff, v63  }
0x69c: {  	s6 =	simm.s32 $0x0;
	s8 =	smov.u32 s5;
	v13 =	vadd.f32 v13, v6;
	[tilespmem:v0+s5+$0x9050 ss:$0x1] =	vst.idx.msk $0xffff, v7;
	v7 =	vld.idx.msk [tilespmem:v0+s7+$0xFFFFFF90 ss:$0x1], $0xffff;
	s7 =	sadd.s32 $0x400, s7  }
.LBB2_59:
0x69d: {  	v15 =	vld.idx.msk [tilespmem:v0+s7+$0x0 ss:$0x1], $0xffff;
	[tilespmem:v0+s5+$0x60 ss:$0x1] =	vst.idx.msk $0xffff, v14;
	v12 =	vadd.f32 v12, v6;
	s8 =	sadd.s32 $0x400, s8  }
0x69e: {  	s6 =	sadd.s32 $0x80, s6;
	v6 =	vadd.f32 v8, v6;
	v14 =	vld.idx.msk [tilespmem:v0+s8+$0x9070 ss:$0x1], $0xffff;
	[tilespmem:v0+s5+$0x3060 ss:$0x1] =	vst.idx.msk $0xffff, v13  }
0x69f: {  	p0 =	slt.u32 s6, $0x280;
	v9 =	vadd.f32 v9, v1;
	v8 =	vld.idx.msk [tilespmem:v0+s8+$0x0 ss:$0x1], $0xffff;
	[tilespmem:v0+s5+$0x6060 ss:$0x1] =	vst.idx.msk $0xffff, v12  }
0x6a0: {  	v12 =	vld.idx.msk [tilespmem:v0+s8+$0x3000 ss:$0x1], $0xffff;
	[tilespmem:v0+s5+$0x9060 ss:$0x1] =	vst.idx.msk $0xffff, v6;
	v6 =	vadd.f32 v10, v1  }
0x6a1: {  	v13 =	vadd.f32 v11, v1;
	v10 =	vld.idx.msk [tilespmem:v0+s8+$0x6000 ss:$0x1], $0xffff;
	[tilespmem:v0+s5+$0x70 ss:$0x1] =	vst.idx.msk $0xffff, v9  }
0x6a2: {  	v16 =	vadd.f32 v2, v7;
	v4 =	vadd.f32 v4, v7;
	v9 =	vld.idx.msk [tilespmem:v0+s8+$0x9000 ss:$0x1], $0xffff;
	[tilespmem:v0+s5+$0x3070 ss:$0x1] =	vst.idx.msk $0xffff, v6  }
0x6a3: {  	v3 =	vadd.f32 v3, v7;
	v5 =	vadd.f32 v5, v7;
	v6 =	vld.idx.msk [tilespmem:v0+s7+$0xFFFFFFA0 ss:$0x1], $0xffff;
	[tilespmem:v0+s5+$0x6070 ss:$0x1] =	vst.idx.msk $0xffff, v13  }
0x6a4: {  	v1 =	vmov v15;
	v11 =	vadd.f32 v14, v15;
	v7 =	vld.idx.msk [tilespmem:v0+s8+$0x10 ss:$0x1], $0xffff;
	[tilespmem:v0+s5+$0x0 ss:$0x1] =	vst.idx.msk $0xffff, v16  }
0x6a5: {  	v2 =	vmov v8;
	v13 =	vld.idx.msk [tilespmem:v0+s8+$0x3010 ss:$0x1], $0xffff;
	[tilespmem:v0+s5+$0x3000 ss:$0x1] =	vst.idx.msk $0xffff, v4  }
0x6a6: {  	v4 =	vmov v12;
	v8 =	vld.idx.msk [tilespmem:v0+s8+$0x6010 ss:$0x1], $0xffff;
	[tilespmem:v0+s8+$0x9070 ss:$0x1] =	vst.idx.msk $0xffff, v11  }
0x6a7: {  	v11 =	vld.idx.msk [tilespmem:v0+s8+$0x9010 ss:$0x1], $0xffff;
	[tilespmem:v0+s5+$0x6000 ss:$0x1] =	vst.idx.msk $0xffff, v3;
	v3 =	vmov v10  }
0x6a8: {  	v10 =	vld.idx.msk [tilespmem:v0+s7+$0xFFFFFFB0 ss:$0x1], $0xffff;
	[tilespmem:v0+s5+$0x9000 ss:$0x1] =	vst.idx.msk $0xffff, v5;
	v5 =	vmov v9;
	s5 =	smov.u32 s8  }
0x6a9: {  	v9 =	vld.idx.msk [tilespmem:v0+s8+$0x20 ss:$0x1], $0xffff  }
0x6aa: {  	v7 =	vadd.f32 v7, v6;
	v12 =	vld.idx.msk [tilespmem:v0+s8+$0x3020 ss:$0x1], $0xffff  }
0x6ab: {  	v13 =	vadd.f32 v13, v6;
	v14 =	vld.idx.msk [tilespmem:v0+s8+$0x6020 ss:$0x1], $0xffff  }
0x6ac: {  	[tilespmem:v0+s8+$0x10 ss:$0x1] =	vst.idx.msk $0xffff, v7;
	v7 =	vadd.f32 v8, v6;
	v8 =	vld.idx.msk [tilespmem:v0+s8+$0x9020 ss:$0x1], $0xffff  }
0x6ad: {  	v6 =	vadd.f32 v11, v6;
	[tilespmem:v0+s8+$0x3010 ss:$0x1] =	vst.idx.msk $0xffff, v13;
	v11 =	vld.idx.msk [tilespmem:v0+s7+$0xFFFFFFC0 ss:$0x1], $0xffff  }
0x6ae: {  	[tilespmem:v0+s8+$0x6010 ss:$0x1] =	vst.idx.msk $0xffff, v7;
	v7 =	vld.idx.msk [tilespmem:v0+s8+$0x30 ss:$0x1], $0xffff  }
0x6af: {  	[tilespmem:v0+s8+$0x9010 ss:$0x1] =	vst.idx.msk $0xffff, v6;
	v6 =	vadd.f32 v9, v10;
	v9 =	vld.idx.msk [tilespmem:v0+s8+$0x3030 ss:$0x1], $0xffff  }
0x6b0: {  	v12 =	vadd.f32 v12, v10;
	v13 =	vld.idx.msk [tilespmem:v0+s8+$0x6030 ss:$0x1], $0xffff  }
0x6b1: {  	[tilespmem:v0+s8+$0x20 ss:$0x1] =	vst.idx.msk $0xffff, v6;
	v6 =	vadd.f32 v14, v10;
	v14 =	vld.idx.msk [tilespmem:v0+s8+$0x9030 ss:$0x1], $0xffff  }
0x6b2: {  	v8 =	vadd.f32 v8, v10;
	[tilespmem:v0+s8+$0x3020 ss:$0x1] =	vst.idx.msk $0xffff, v12;
	v10 =	vld.idx.msk [tilespmem:v0+s7+$0xFFFFFFD0 ss:$0x1], $0xffff  }
0x6b3: {  	[tilespmem:v0+s8+$0x6020 ss:$0x1] =	vst.idx.msk $0xffff, v6;
	v6 =	vld.idx.msk [tilespmem:v0+s8+$0x40 ss:$0x1], $0xffff  }
0x6b4: {  	v7 =	vadd.f32 v7, v11;
	[tilespmem:v0+s8+$0x9020 ss:$0x1] =	vst.idx.msk $0xffff, v8;
	v8 =	vld.idx.msk [tilespmem:v0+s8+$0x3040 ss:$0x1], $0xffff  }
0x6b5: {  	v9 =	vadd.f32 v9, v11;
	v12 =	vld.idx.msk [tilespmem:v0+s8+$0x6040 ss:$0x1], $0xffff  }
0x6b6: {  	[tilespmem:v0+s8+$0x30 ss:$0x1] =	vst.idx.msk $0xffff, v7;
	v7 =	vadd.f32 v13, v11;
	v13 =	vld.idx.msk [tilespmem:v0+s8+$0x9040 ss:$0x1], $0xffff  }
0x6b7: {  	[tilespmem:v0+s8+$0x3030 ss:$0x1] =	vst.idx.msk $0xffff, v9;
	v9 =	vadd.f32 v14, v11;
	v11 =	vld.idx.msk [tilespmem:v0+s7+$0xFFFFFFE0 ss:$0x1], $0xffff  }
0x6b8: {  	[tilespmem:v0+s8+$0x6030 ss:$0x1] =	vst.idx.msk $0xffff, v7;
	v7 =	vld.idx.msk [tilespmem:v0+s8+$0x50 ss:$0x1], $0xffff  }
0x6b9: {  	v6 =	vadd.f32 v6, v10;
	[tilespmem:v0+s8+$0x9030 ss:$0x1] =	vst.idx.msk $0xffff, v9;
	v9 =	vld.idx.msk [tilespmem:v0+s8+$0x3050 ss:$0x1], $0xffff  }
0x6ba: {  	v8 =	vadd.f32 v8, v10;
	v14 =	vld.idx.msk [tilespmem:v0+s8+$0x6050 ss:$0x1], $0xffff  }
0x6bb: {  	v12 =	vadd.f32 v12, v10;
	[tilespmem:v0+s8+$0x40 ss:$0x1] =	vst.idx.msk $0xffff, v6;
	v15 =	vld.idx.msk [tilespmem:v0+s8+$0x9050 ss:$0x1], $0xffff  }
0x6bc: {  	[tilespmem:v0+s8+$0x3040 ss:$0x1] =	vst.idx.msk $0xffff, v8;
	v8 =	vadd.f32 v13, v10;
	v6 =	vld.idx.msk [tilespmem:v0+s7+$0xFFFFFFF0 ss:$0x1], $0xffff  }
0x6bd: {  	[tilespmem:v0+s8+$0x6040 ss:$0x1] =	vst.idx.msk $0xffff, v12;
	v13 =	vld.idx.msk [tilespmem:v0+s8+$0x60 ss:$0x1], $0xffff  }
0x6be: {  	v7 =	vadd.f32 v7, v11;
	[tilespmem:v0+s8+$0x9040 ss:$0x1] =	vst.idx.msk $0xffff, v8;
	v16 =	vld.idx.msk [tilespmem:v0+s8+$0x3060 ss:$0x1], $0xffff  }
0x6bf: {  	v9 =	vadd.f32 v9, v11;
	v12 =	vld.idx.msk [tilespmem:v0+s8+$0x6060 ss:$0x1], $0xffff  }
.Ltmp28:
0x6c0: {  	[tilespmem:v0+s8+$0x50 ss:$0x1] =	vst.idx.msk $0xffff, v7;
	v7 =	vadd.f32 v14, v11;
	v8 =	vld.idx.msk [tilespmem:v0+s8+$0x9060 ss:$0x1], $0xffff;
	(pc) =	sbr.rel @p0 .LBB2_59-.Ltmp28, $4  }
0x6c1: {  	v11 =	vadd.f32 v15, v11;
	[tilespmem:v0+s8+$0x3050 ss:$0x1] =	vst.idx.msk $0xffff, v9;
	v9 =	vld.idx.msk [tilespmem:v0+s8+$0x70 ss:$0x1], $0xffff  }
0x6c2: {  	[tilespmem:v0+s8+$0x6050 ss:$0x1] =	vst.idx.msk $0xffff, v7;
	v10 =	vld.idx.msk [tilespmem:v0+s8+$0x3070 ss:$0x1], $0xffff  }
0x6c3: {  	v14 =	vadd.f32 v13, v6;
	[tilespmem:v0+s8+$0x9050 ss:$0x1] =	vst.idx.msk $0xffff, v11;
	v11 =	vld.idx.msk [tilespmem:v0+s8+$0x6070 ss:$0x1], $0xffff  }
0x6c4: {  	v13 =	vadd.f32 v16, v6;
	v7 =	vld.idx.msk [tilespmem:v0+s7+$0xFFFFFF90 ss:$0x1], $0xffff;
	s7 =	sadd.s32 $0x400, s7  }
0x6c5: {  	_ =	sdelay $0x3  }
0x6c6: {  	[tilespmem:v0+s5+$0x60 ss:$0x1] =	vst.idx.msk $0xffff, v14;
	v12 =	vadd.f32 v12, v6  }
0x6c7: {  	v58 =	vadd.f32 v8, v6;
	[tilespmem:v0+s5+$0x3060 ss:$0x1] =	vst.idx.msk $0xffff, v13  }
0x6c8: {  	v59 =	vadd.f32 v9, v1;
	[tilespmem:v0+s5+$0x6060 ss:$0x1] =	vst.idx.msk $0xffff, v12  }
0x6c9: {  	v60 =	vadd.f32 v10, v1;
	[tilespmem:v0+s5+$0x9060 ss:$0x1] =	vst.idx.msk $0xffff, v58  }
0x6ca: {  	s4 =	sadd.s32 $0x1, s4;
	[tilespmem:v0+s5+$0x70 ss:$0x1] =	vst.idx.msk $0xffff, v59;
	v61 =	vadd.f32 v11, v1  }
0x6cb: {  	p0 =	sne.s32 s4, $0x10;
	v2 =	vadd.f32 v2, v7;
	[tilespmem:v0+s5+$0x3070 ss:$0x1] =	vst.idx.msk $0xffff, v60  }
.Ltmp29:
0x6cc: {  	v4 =	vadd.f32 v4, v7;
	[tilespmem:v0+s5+$0x6070 ss:$0x1] =	vst.idx.msk $0xffff, v61;
	(pc) =	sbr.rel @p0 .LBB2_58-.Ltmp29, $4  }
0x6cd: {  	v62 =	vadd.f32 v3, v7;
	[tilespmem:v0+s5+$0x0 ss:$0x1] =	vst.idx.msk $0xffff, v2  }
0x6ce: {  	v63 =	vadd.f32 v5, v7;
	[tilespmem:v0+s5+$0x3000 ss:$0x1] =	vst.idx.msk $0xffff, v4  }
0x6cf: {  	[tilespmem:v0+s5+$0x6000 ss:$0x1] =	vst.idx.msk $0xffff, v62  }
0x6d0: {  	s3 =	sadd.s32 $0x1, s3;
	[tilespmem:v0+s5+$0x9000 ss:$0x1] =	vst.idx.msk $0xffff, v63  }
0x6d1: {  	s3 =	simm.s32 $0x0  }
0x6d2: {  	[hbm4b:s18+s21] =	stream.strided.scatter [tilespmem:s3], [sflag:$0x5], $0xC000, s22, s21, $0x38;
	[tilespmem:$0x1E000] =	vst v63  }
0x6d3: {  	_ =	swait.ge [sflag:s30], $0xC000  }
0x6d4: {  	[sflag:s30] =	ssyncset.done $0x0  }
0x6d5: {  	[sflag:s30] =	ssyncadd.s32 $0xFFFF4000  }
0x6d6: {  	_ =	swait.ge [sflag:s31], $0x3000  }
0x6d7: {  	[sflag:s31] =	ssyncset.done $0x0  }
0x6d8: {  	s4 =	simm.s32 $0x0;
	[sflag:s31] =	ssyncadd.s32 $0xFFFFD000  }
.LBB2_62:
0x6d9: {  	s5 =	sand.u32 $0x7, s3  }
0x6da: {  	s5 =	sshll.u32 s5, $0x9  }
0x6db: {  	s5 =	sshrl.u32 s5, $0x2  }
0x6dc: {  	s6 =	sshrl.u32 s4, $0x3;
	v0 =	vmov s5  }
0x6dd: {  	s8 =	smul.u32 $0x6000, s6;
	_ =	sdelay $0x1  }
0x6de: {  	s5 =	sshra.s32 s8, $0x2  }
0x6df: {  	s7 =	sadd.s32 $0x1B070, s5  }
0x6e0: {  	s5 =	sadd.s32 $0xC000, s5;
	v1 =	vld.idx.msk [tilespmem:v0+s7+$0x0 ss:$0x1], $0xffff  }
0x6e1: {  	v6 =	vld.idx.msk [tilespmem:v0+s5+$0x9070 ss:$0x1], $0xffff  }
0x6e2: {  	v2 =	vld.idx.msk [tilespmem:v0+s5+$0x0 ss:$0x1], $0xffff  }
0x6e3: {  	v4 =	vld.idx.msk [tilespmem:v0+s5+$0x3000 ss:$0x1], $0xffff  }
0x6e4: {  	v3 =	vld.idx.msk [tilespmem:v0+s5+$0x6000 ss:$0x1], $0xffff  }
0x6e5: {  	v5 =	vld.idx.msk [tilespmem:v0+s5+$0x9000 ss:$0x1], $0xffff  }
0x6e6: {  	v7 =	vld.idx.msk [tilespmem:v0+s7+$0xFFFFFFA0 ss:$0x1], $0xffff  }
0x6e7: {  	v8 =	vld.idx.msk [tilespmem:v0+s5+$0x10 ss:$0x1], $0xffff  }
0x6e8: {  	v9 =	vld.idx.msk [tilespmem:v0+s5+$0x3010 ss:$0x1], $0xffff  }
0x6e9: {  	v10 =	vld.idx.msk [tilespmem:v0+s5+$0x6010 ss:$0x1], $0xffff  }
0x6ea: {  	v11 =	vld.idx.msk [tilespmem:v0+s5+$0x9010 ss:$0x1], $0xffff  }
0x6eb: {  	v12 =	vld.idx.msk [tilespmem:v0+s7+$0xFFFFFFB0 ss:$0x1], $0xffff  }
0x6ec: {  	v13 =	vld.idx.msk [tilespmem:v0+s5+$0x20 ss:$0x1], $0xffff  }
0x6ed: {  	v14 =	vld.idx.msk [tilespmem:v0+s5+$0x3020 ss:$0x1], $0xffff  }
0x6ee: {  	v15 =	vld.idx.msk [tilespmem:v0+s5+$0x6020 ss:$0x1], $0xffff  }
0x6ef: {  	v16 =	vld.idx.msk [tilespmem:v0+s5+$0x9020 ss:$0x1], $0xffff  }
0x6f0: {  	v17 =	vld.idx.msk [tilespmem:v0+s7+$0xFFFFFFC0 ss:$0x1], $0xffff  }
0x6f1: {  	v18 =	vld.idx.msk [tilespmem:v0+s5+$0x30 ss:$0x1], $0xffff;
	v6 =	vadd.f32 v6, v1  }
0x6f2: {  	v19 =	vld.idx.msk [tilespmem:v0+s5+$0x3030 ss:$0x1], $0xffff;
	v8 =	vadd.f32 v8, v7  }
0x6f3: {  	v62 =	vld.idx.msk [tilespmem:v0+s5+$0x50 ss:$0x1], $0xffff;
	[tilespmem:v0+s5+$0x9070 ss:$0x1] =	vst.idx.msk $0xffff, v6;
	v6 =	vadd.f32 v9, v7  }
0x6f4: {  	v9 =	vld.idx.msk [tilespmem:v0+s5+$0x6030 ss:$0x1], $0xffff;
	[tilespmem:v0+s5+$0x10 ss:$0x1] =	vst.idx.msk $0xffff, v8;
	v8 =	vadd.f32 v10, v7  }
0x6f5: {  	v10 =	vld.idx.msk [tilespmem:v0+s5+$0x9030 ss:$0x1], $0xffff;
	[tilespmem:v0+s5+$0x3010 ss:$0x1] =	vst.idx.msk $0xffff, v6;
	v6 =	vadd.f32 v11, v7  }
0x6f6: {  	v7 =	vld.idx.msk [tilespmem:v0+s7+$0xFFFFFFD0 ss:$0x1], $0xffff;
	[tilespmem:v0+s5+$0x6010 ss:$0x1] =	vst.idx.msk $0xffff, v8;
	v8 =	vadd.f32 v13, v12  }
0x6f7: {  	v11 =	vld.idx.msk [tilespmem:v0+s5+$0x40 ss:$0x1], $0xffff;
	[tilespmem:v0+s5+$0x9010 ss:$0x1] =	vst.idx.msk $0xffff, v6;
	v6 =	vadd.f32 v14, v12  }
0x6f8: {  	v13 =	vld.idx.msk [tilespmem:v0+s5+$0x3040 ss:$0x1], $0xffff;
	[tilespmem:v0+s5+$0x20 ss:$0x1] =	vst.idx.msk $0xffff, v8;
	v8 =	vadd.f32 v15, v12  }
0x6f9: {  	v14 =	vld.idx.msk [tilespmem:v0+s5+$0x6040 ss:$0x1], $0xffff;
	[tilespmem:v0+s5+$0x3020 ss:$0x1] =	vst.idx.msk $0xffff, v6;
	v6 =	vadd.f32 v16, v12  }
0x6fa: {  	v15 =	vld.idx.msk [tilespmem:v0+s7+$0xFFFFFFE0 ss:$0x1], $0xffff;
	[tilespmem:v0+s5+$0x6020 ss:$0x1] =	vst.idx.msk $0xffff, v8;
	v8 =	vadd.f32 v18, v17  }
0x6fb: {  	v12 =	vld.idx.msk [tilespmem:v0+s5+$0x9040 ss:$0x1], $0xffff;
	[tilespmem:v0+s5+$0x9020 ss:$0x1] =	vst.idx.msk $0xffff, v6;
	v6 =	vadd.f32 v19, v17  }
0x6fc: {  	[tilespmem:v0+s5+$0x30 ss:$0x1] =	vst.idx.msk $0xffff, v8;
	v8 =	vadd.f32 v9, v17;
	v9 =	vld.idx.msk [tilespmem:v0+s5+$0x3050 ss:$0x1], $0xffff  }
0x6fd: {  	[tilespmem:v0+s5+$0x3030 ss:$0x1] =	vst.idx.msk $0xffff, v6;
	v6 =	vadd.f32 v10, v17;
	v10 =	vld.idx.msk [tilespmem:v0+s5+$0x6050 ss:$0x1], $0xffff  }
0x6fe: {  	[tilespmem:v0+s5+$0x6030 ss:$0x1] =	vst.idx.msk $0xffff, v8;
	v8 =	vadd.f32 v11, v7;
	v11 =	vld.idx.msk [tilespmem:v0+s5+$0x9050 ss:$0x1], $0xffff  }
0x6ff: {  	v13 =	vadd.f32 v13, v7;
	[tilespmem:v0+s5+$0x9030 ss:$0x1] =	vst.idx.msk $0xffff, v6;
	v6 =	vld.idx.msk [tilespmem:v0+s7+$0xFFFFFFF0 ss:$0x1], $0xffff  }
0x700: {  	[tilespmem:v0+s5+$0x40 ss:$0x1] =	vst.idx.msk $0xffff, v8;
	v8 =	vadd.f32 v14, v7;
	v14 =	vld.idx.msk [tilespmem:v0+s5+$0x60 ss:$0x1], $0xffff  }
0x701: {  	v7 =	vadd.f32 v12, v7;
	v12 =	vld.idx.msk [tilespmem:v0+s5+$0x6060 ss:$0x1], $0xffff;
	[tilespmem:v0+s5+$0x3040 ss:$0x1] =	vst.idx.msk $0xffff, v13  }
0x702: {  	v16 =	vadd.f32 v62, v15;
	v13 =	vld.idx.msk [tilespmem:v0+s5+$0x3060 ss:$0x1], $0xffff;
	[tilespmem:v0+s5+$0x6040 ss:$0x1] =	vst.idx.msk $0xffff, v8  }
0x703: {  	v8 =	vld.idx.msk [tilespmem:v0+s5+$0x9060 ss:$0x1], $0xffff;
	[tilespmem:v0+s5+$0x9040 ss:$0x1] =	vst.idx.msk $0xffff, v7;
	v7 =	vadd.f32 v9, v15  }
0x704: {  	[tilespmem:v0+s5+$0x50 ss:$0x1] =	vst.idx.msk $0xffff, v16;
	v63 =	vadd.f32 v10, v15;
	v10 =	vld.idx.msk [tilespmem:v0+s5+$0x3070 ss:$0x1], $0xffff  }
0x705: {  	v9 =	vld.idx.msk [tilespmem:v0+s5+$0x70 ss:$0x1], $0xffff;
	[tilespmem:v0+s5+$0x3050 ss:$0x1] =	vst.idx.msk $0xffff, v7;
	v7 =	vadd.f32 v11, v15  }
0x706: {  	v11 =	vld.idx.msk [tilespmem:v0+s5+$0x6070 ss:$0x1], $0xffff;
	v14 =	vadd.f32 v14, v6;
	[tilespmem:v0+s5+$0x6050 ss:$0x1] =	vst.idx.msk $0xffff, v63  }
0x707: {  	s6 =	simm.s32 $0x0;
	s8 =	smov.u32 s5;
	v13 =	vadd.f32 v13, v6;
	[tilespmem:v0+s5+$0x9050 ss:$0x1] =	vst.idx.msk $0xffff, v7;
	v7 =	vld.idx.msk [tilespmem:v0+s7+$0xFFFFFF90 ss:$0x1], $0xffff;
	s7 =	sadd.s32 $0x400, s7  }
.LBB2_63:
0x708: {  	v15 =	vld.idx.msk [tilespmem:v0+s7+$0x0 ss:$0x1], $0xffff;
	[tilespmem:v0+s5+$0x60 ss:$0x1] =	vst.idx.msk $0xffff, v14;
	v12 =	vadd.f32 v12, v6;
	s8 =	sadd.s32 $0x400, s8  }
0x709: {  	s6 =	sadd.s32 $0x80, s6;
	v6 =	vadd.f32 v8, v6;
	v14 =	vld.idx.msk [tilespmem:v0+s8+$0x9070 ss:$0x1], $0xffff;
	[tilespmem:v0+s5+$0x3060 ss:$0x1] =	vst.idx.msk $0xffff, v13  }
0x70a: {  	p0 =	slt.u32 s6, $0x280;
	v9 =	vadd.f32 v9, v1;
	v8 =	vld.idx.msk [tilespmem:v0+s8+$0x0 ss:$0x1], $0xffff;
	[tilespmem:v0+s5+$0x6060 ss:$0x1] =	vst.idx.msk $0xffff, v12  }
0x70b: {  	v12 =	vld.idx.msk [tilespmem:v0+s8+$0x3000 ss:$0x1], $0xffff;
	[tilespmem:v0+s5+$0x9060 ss:$0x1] =	vst.idx.msk $0xffff, v6;
	v6 =	vadd.f32 v10, v1  }
0x70c: {  	v13 =	vadd.f32 v11, v1;
	v10 =	vld.idx.msk [tilespmem:v0+s8+$0x6000 ss:$0x1], $0xffff;
	[tilespmem:v0+s5+$0x70 ss:$0x1] =	vst.idx.msk $0xffff, v9  }
0x70d: {  	v16 =	vadd.f32 v2, v7;
	v4 =	vadd.f32 v4, v7;
	v9 =	vld.idx.msk [tilespmem:v0+s8+$0x9000 ss:$0x1], $0xffff;
	[tilespmem:v0+s5+$0x3070 ss:$0x1] =	vst.idx.msk $0xffff, v6  }
0x70e: {  	v3 =	vadd.f32 v3, v7;
	v5 =	vadd.f32 v5, v7;
	v6 =	vld.idx.msk [tilespmem:v0+s7+$0xFFFFFFA0 ss:$0x1], $0xffff;
	[tilespmem:v0+s5+$0x6070 ss:$0x1] =	vst.idx.msk $0xffff, v13  }
0x70f: {  	v1 =	vmov v15;
	v11 =	vadd.f32 v14, v15;
	v7 =	vld.idx.msk [tilespmem:v0+s8+$0x10 ss:$0x1], $0xffff;
	[tilespmem:v0+s5+$0x0 ss:$0x1] =	vst.idx.msk $0xffff, v16  }
0x710: {  	v2 =	vmov v8;
	v13 =	vld.idx.msk [tilespmem:v0+s8+$0x3010 ss:$0x1], $0xffff;
	[tilespmem:v0+s5+$0x3000 ss:$0x1] =	vst.idx.msk $0xffff, v4  }
0x711: {  	v4 =	vmov v12;
	v8 =	vld.idx.msk [tilespmem:v0+s8+$0x6010 ss:$0x1], $0xffff;
	[tilespmem:v0+s8+$0x9070 ss:$0x1] =	vst.idx.msk $0xffff, v11  }
0x712: {  	v11 =	vld.idx.msk [tilespmem:v0+s8+$0x9010 ss:$0x1], $0xffff;
	[tilespmem:v0+s5+$0x6000 ss:$0x1] =	vst.idx.msk $0xffff, v3;
	v3 =	vmov v10  }
0x713: {  	v10 =	vld.idx.msk [tilespmem:v0+s7+$0xFFFFFFB0 ss:$0x1], $0xffff;
	[tilespmem:v0+s5+$0x9000 ss:$0x1] =	vst.idx.msk $0xffff, v5;
	v5 =	vmov v9;
	s5 =	smov.u32 s8  }
0x714: {  	v9 =	vld.idx.msk [tilespmem:v0+s8+$0x20 ss:$0x1], $0xffff  }
0x715: {  	v7 =	vadd.f32 v7, v6;
	v12 =	vld.idx.msk [tilespmem:v0+s8+$0x3020 ss:$0x1], $0xffff  }
0x716: {  	v13 =	vadd.f32 v13, v6;
	v14 =	vld.idx.msk [tilespmem:v0+s8+$0x6020 ss:$0x1], $0xffff  }
0x717: {  	[tilespmem:v0+s8+$0x10 ss:$0x1] =	vst.idx.msk $0xffff, v7;
	v7 =	vadd.f32 v8, v6;
	v8 =	vld.idx.msk [tilespmem:v0+s8+$0x9020 ss:$0x1], $0xffff  }
0x718: {  	v6 =	vadd.f32 v11, v6;
	[tilespmem:v0+s8+$0x3010 ss:$0x1] =	vst.idx.msk $0xffff, v13;
	v11 =	vld.idx.msk [tilespmem:v0+s7+$0xFFFFFFC0 ss:$0x1], $0xffff  }
0x719: {  	[tilespmem:v0+s8+$0x6010 ss:$0x1] =	vst.idx.msk $0xffff, v7;
	v7 =	vld.idx.msk [tilespmem:v0+s8+$0x30 ss:$0x1], $0xffff  }
0x71a: {  	[tilespmem:v0+s8+$0x9010 ss:$0x1] =	vst.idx.msk $0xffff, v6;
	v6 =	vadd.f32 v9, v10;
	v9 =	vld.idx.msk [tilespmem:v0+s8+$0x3030 ss:$0x1], $0xffff  }
0x71b: {  	v12 =	vadd.f32 v12, v10;
	v13 =	vld.idx.msk [tilespmem:v0+s8+$0x6030 ss:$0x1], $0xffff  }
0x71c: {  	[tilespmem:v0+s8+$0x20 ss:$0x1] =	vst.idx.msk $0xffff, v6;
	v6 =	vadd.f32 v14, v10;
	v14 =	vld.idx.msk [tilespmem:v0+s8+$0x9030 ss:$0x1], $0xffff  }
0x71d: {  	v8 =	vadd.f32 v8, v10;
	[tilespmem:v0+s8+$0x3020 ss:$0x1] =	vst.idx.msk $0xffff, v12;
	v10 =	vld.idx.msk [tilespmem:v0+s7+$0xFFFFFFD0 ss:$0x1], $0xffff  }
0x71e: {  	[tilespmem:v0+s8+$0x6020 ss:$0x1] =	vst.idx.msk $0xffff, v6;
	v6 =	vld.idx.msk [tilespmem:v0+s8+$0x40 ss:$0x1], $0xffff  }
0x71f: {  	v7 =	vadd.f32 v7, v11;
	[tilespmem:v0+s8+$0x9020 ss:$0x1] =	vst.idx.msk $0xffff, v8;
	v8 =	vld.idx.msk [tilespmem:v0+s8+$0x3040 ss:$0x1], $0xffff  }
0x720: {  	v9 =	vadd.f32 v9, v11;
	v12 =	vld.idx.msk [tilespmem:v0+s8+$0x6040 ss:$0x1], $0xffff  }
0x721: {  	[tilespmem:v0+s8+$0x30 ss:$0x1] =	vst.idx.msk $0xffff, v7;
	v7 =	vadd.f32 v13, v11;
	v13 =	vld.idx.msk [tilespmem:v0+s8+$0x9040 ss:$0x1], $0xffff  }
0x722: {  	[tilespmem:v0+s8+$0x3030 ss:$0x1] =	vst.idx.msk $0xffff, v9;
	v9 =	vadd.f32 v14, v11;
	v11 =	vld.idx.msk [tilespmem:v0+s7+$0xFFFFFFE0 ss:$0x1], $0xffff  }
0x723: {  	[tilespmem:v0+s8+$0x6030 ss:$0x1] =	vst.idx.msk $0xffff, v7;
	v7 =	vld.idx.msk [tilespmem:v0+s8+$0x50 ss:$0x1], $0xffff  }
0x724: {  	v6 =	vadd.f32 v6, v10;
	[tilespmem:v0+s8+$0x9030 ss:$0x1] =	vst.idx.msk $0xffff, v9;
	v9 =	vld.idx.msk [tilespmem:v0+s8+$0x3050 ss:$0x1], $0xffff  }
0x725: {  	v8 =	vadd.f32 v8, v10;
	v14 =	vld.idx.msk [tilespmem:v0+s8+$0x6050 ss:$0x1], $0xffff  }
0x726: {  	v12 =	vadd.f32 v12, v10;
	[tilespmem:v0+s8+$0x40 ss:$0x1] =	vst.idx.msk $0xffff, v6;
	v15 =	vld.idx.msk [tilespmem:v0+s8+$0x9050 ss:$0x1], $0xffff  }
0x727: {  	[tilespmem:v0+s8+$0x3040 ss:$0x1] =	vst.idx.msk $0xffff, v8;
	v8 =	vadd.f32 v13, v10;
	v6 =	vld.idx.msk [tilespmem:v0+s7+$0xFFFFFFF0 ss:$0x1], $0xffff  }
0x728: {  	[tilespmem:v0+s8+$0x6040 ss:$0x1] =	vst.idx.msk $0xffff, v12;
	v13 =	vld.idx.msk [tilespmem:v0+s8+$0x60 ss:$0x1], $0xffff  }
0x729: {  	v7 =	vadd.f32 v7, v11;
	[tilespmem:v0+s8+$0x9040 ss:$0x1] =	vst.idx.msk $0xffff, v8;
	v16 =	vld.idx.msk [tilespmem:v0+s8+$0x3060 ss:$0x1], $0xffff  }
0x72a: {  	v9 =	vadd.f32 v9, v11;
	v12 =	vld.idx.msk [tilespmem:v0+s8+$0x6060 ss:$0x1], $0xffff  }
.Ltmp30:
0x72b: {  	[tilespmem:v0+s8+$0x50 ss:$0x1] =	vst.idx.msk $0xffff, v7;
	v7 =	vadd.f32 v14, v11;
	v8 =	vld.idx.msk [tilespmem:v0+s8+$0x9060 ss:$0x1], $0xffff;
	(pc) =	sbr.rel @p0 .LBB2_63-.Ltmp30, $4  }
0x72c: {  	v11 =	vadd.f32 v15, v11;
	[tilespmem:v0+s8+$0x3050 ss:$0x1] =	vst.idx.msk $0xffff, v9;
	v9 =	vld.idx.msk [tilespmem:v0+s8+$0x70 ss:$0x1], $0xffff  }
0x72d: {  	[tilespmem:v0+s8+$0x6050 ss:$0x1] =	vst.idx.msk $0xffff, v7;
	v10 =	vld.idx.msk [tilespmem:v0+s8+$0x3070 ss:$0x1], $0xffff  }
0x72e: {  	v14 =	vadd.f32 v13, v6;
	[tilespmem:v0+s8+$0x9050 ss:$0x1] =	vst.idx.msk $0xffff, v11;
	v11 =	vld.idx.msk [tilespmem:v0+s8+$0x6070 ss:$0x1], $0xffff  }
0x72f: {  	v13 =	vadd.f32 v16, v6;
	v7 =	vld.idx.msk [tilespmem:v0+s7+$0xFFFFFF90 ss:$0x1], $0xffff;
	s7 =	sadd.s32 $0x400, s7  }
0x730: {  	_ =	sdelay $0x3  }
0x731: {  	[tilespmem:v0+s5+$0x60 ss:$0x1] =	vst.idx.msk $0xffff, v14;
	v12 =	vadd.f32 v12, v6  }
0x732: {  	v58 =	vadd.f32 v8, v6;
	[tilespmem:v0+s5+$0x3060 ss:$0x1] =	vst.idx.msk $0xffff, v13  }
0x733: {  	v59 =	vadd.f32 v9, v1;
	[tilespmem:v0+s5+$0x6060 ss:$0x1] =	vst.idx.msk $0xffff, v12  }
0x734: {  	v60 =	vadd.f32 v10, v1;
	[tilespmem:v0+s5+$0x9060 ss:$0x1] =	vst.idx.msk $0xffff, v58  }
0x735: {  	s4 =	sadd.s32 $0x1, s4;
	[tilespmem:v0+s5+$0x70 ss:$0x1] =	vst.idx.msk $0xffff, v59;
	v61 =	vadd.f32 v11, v1  }
0x736: {  	p0 =	sne.s32 s4, $0x10;
	v2 =	vadd.f32 v2, v7;
	[tilespmem:v0+s5+$0x3070 ss:$0x1] =	vst.idx.msk $0xffff, v60  }
.Ltmp31:
0x737: {  	v4 =	vadd.f32 v4, v7;
	[tilespmem:v0+s5+$0x6070 ss:$0x1] =	vst.idx.msk $0xffff, v61;
	(pc) =	sbr.rel @p0 .LBB2_62-.Ltmp31, $4  }
0x738: {  	v62 =	vadd.f32 v3, v7;
	[tilespmem:v0+s5+$0x0 ss:$0x1] =	vst.idx.msk $0xffff, v2  }
0x739: {  	v63 =	vadd.f32 v5, v7;
	[tilespmem:v0+s5+$0x3000 ss:$0x1] =	vst.idx.msk $0xffff, v4  }
0x73a: {  	[tilespmem:v0+s5+$0x6000 ss:$0x1] =	vst.idx.msk $0xffff, v62  }
0x73b: {  	s3 =	sadd.s32 $0x1, s3;
	[tilespmem:v0+s5+$0x9000 ss:$0x1] =	vst.idx.msk $0xffff, v63  }
0x73c: {  	[hbm4b:s19+s21] =	stream.strided.scatter [tilespmem:s24], [sflag:$0x6], $0xC000, s22, s21, $0x38;
	[tilespmem:$0x1E000] =	vst v63  }
0x73d: {  	s2 =	sadd.s32 $0x1, s2  }
0x73e: {  	_ =	swait.ge [sflag:s29], $0xC000;
	p0 =	sne.s32 s2, s20  }
.Ltmp32:
0x73f: {  	[sflag:s29] =	ssyncset.done $0x0;
	(pc) =	sbr.rel @p0 .LBB2_1-.Ltmp32, $4  }
0x740: {  	[sflag:s29] =	ssyncadd.s32 $0xFFFF4000  }
0x741: {  	_ =	swait.ge [sflag:s0], $0xC000  }
0x742: {  	[sflag:s0] =	ssyncset.done $0x0  }
0x743: {  	[sflag:s0] =	ssyncadd.s32 $0xFFFF4000  }
0x744: {  	_ =	sfence.sel $0x180000  }
0x745: {  	[bflag:$0x0] =	sbarrier.arrive $0xFFFF  }
0x746: {  	_ =	strace $0x90000047  }
0x747: {  	s0 =	stileid.u32;
	[bflag:$0x2] =	sbarrier.arrive $0xFFFF  }
0x748: {  	p0 =	sne.s32 s0, $0x0;
	s0 =	rddreg [dreg:$0x3]  }
0x749: {  	s0 =	sadd.s32 @!p0 $0x100000, s0  }
0x74a: {  	[sflag:s0] =	ssyncadd.tile.s32 @!p0 $0x1;
	_ =	shalt  }
.Lfunc_end2:
_tile_overlayer_lowered:
.L_overlay_start_2:
0x74b: {  	(tag) =	ssettag $0x2  }
0x74c: {  	s0 =	rddreg [dreg:$0x0];
	s2 =	stileid.u32  }
0x74d: {  	s1 =	rddreg [dreg:$0x1];
	p0 =	sne.s32 s2, $0x0  }
0x74e: {  	s3 =	rddreg [dreg:$0x2];
	[bflag:$0x3] =	sbarrier.arrive $0xFFFF;
	s2 =	simm.s32 @!p0 $0x1C07  }
0x74f: {  	[timem:s3], [sflag:s2] =	dma.local @!p0 [hbm:s0], s1  }
0x750: {  	s0 =	simm.s32 @!p0 $0x7  }
0x751: {  	_ =	swait.ge @!p0 [sflag:s0], s1  }
0x752: {  	s1 =	ssub.s32 @!p0 $0x0, s1;
	[sflag:s0] =	ssyncset.done @!p0 $0x0  }
0x753: {  	[sflag:s0] =	ssyncadd.s32 @!p0 s1  }
0x754: {  	[bflag:$0x3] =	sbarrier.arrive $0xFFFF  }
0x755: {  	_ =	shalt  }

</sc_bundles>
